<compile_context>
chip_gen: v7x
topology: tpu7x:2x2x1
jax: 0.10.2.dev20260603
libtpu: 0.0.44.dev20260713+nightly
codegen_flags: <defaults>
</compile_context>

<pallas_src>
import functools
import jax
import jax.numpy as jnp
from jax import lax
from jax.experimental import pallas as pl
from jax.experimental.pallas import tpu as pltpu
from jax.experimental.pallas import tpu_sc as plsc

PAD = 4
L = 16
W = 32
DEPTH = 3


@functools.lru_cache(maxsize=None)
def _make_lookup(V, D, S, Bb):
    CH = 4096
    NB = Bb // CH
    CPP = S * NB
    PW = (D * CPP) // W
    assert Bb % CH == 0 and CH % L == 0 and D * CPP == W * PW
    for w in range(W):
        r0 = (w * PW) % CPP
        l0 = min(CPP - r0, PW)
        assert l0 >= DEPTH and (PW - l0 == 0 or PW - l0 >= DEPTH)

    mesh = plsc.VectorSubcoreMesh(core_axis_name="c", subcore_axis_name="s")

    @functools.partial(
        pl.kernel,
        out_type=jax.ShapeDtypeStruct((D, S, Bb), jnp.float32),
        mesh=mesh,
        compiler_params=pltpu.CompilerParams(
            use_tc_tiling_on_sc=True, needs_layout_passes=False
        ),
        scratch_types=(
            [pltpu.VMEM((V,), jnp.float32)]
            + [pltpu.VMEM((CH,), jnp.int32)] * DEPTH
            + [pltpu.VMEM((CH,), jnp.float32)] * DEPTH
            + [pltpu.SemaphoreType.DMA] * (2 * DEPTH)
        ),
    )
    def lookup(tT_hbm, xT_hbm, out_hbm, plane_v, *bufs):
        ibufs = bufs[0:DEPTH]
        obufs = bufs[DEPTH:2 * DEPTH]
        isems = bufs[2 * DEPTH:3 * DEPTH]
        osems = bufs[3 * DEPTH:4 * DEPTH]

        wid = lax.axis_index("s") * 2 + lax.axis_index("c")
        start = wid * PW
        d0 = start // CPP
        r0 = start % CPP
        len0 = jnp.minimum(CPP - r0, PW)
        len1 = PW - len0

        def run_segment(d, c0, steps):
            pltpu.sync_copy(tT_hbm.at[d], plane_v)
            lane = lax.iota(jnp.int32, L)
            plane_v[pl.ds(0, L)] = jnp.where(
                lane == PAD, 0.0, plane_v[pl.ds(0, L)]
            )

            def start_idx(j, b):
                c = c0 + j
                srow = c // NB
                bcol = (c % NB) * CH
                pltpu.make_async_copy(
                    xT_hbm.at[srow, pl.ds(bcol, CH)], ibufs[b], isems[b]
                ).start()

            def wait_idx(b):
                pltpu.make_async_copy(
                    xT_hbm.at[0, pl.ds(0, CH)], ibufs[b], isems[b]
                ).wait()

            def start_out(j, b):
                c = c0 + j
                srow = c // NB
                bcol = (c % NB) * CH
                pltpu.make_async_copy(
                    obufs[b], out_hbm.at[d, srow, pl.ds(bcol, CH)], osems[b]
                ).start()

            def wait_out(b):
                pltpu.make_async_copy(
                    obufs[b], out_hbm.at[d, 0, pl.ds(0, CH)], osems[b]
                ).wait()

            for b in range(DEPTH):
                start_idx(b, b)

            def body(j):
                for b in range(DEPTH):
                    jj = j + b

                    @pl.when(jj < steps)
                    def _():
                        wait_idx(b)

                        @pl.when(jj >= DEPTH)
                        def _():
                            wait_out(b)

                        def grp(g):
                            for u in range(16):
                                off = (g + u) * L
                                iv = ibufs[b][pl.ds(off, L)]
                                obufs[b][pl.ds(off, L)] = plsc.load_gather(
                                    plane_v, [iv]
                                )

                        pl.loop(0, CH // L, step=16)(grp)
                        start_out(jj, b)

                        @pl.when(jj + DEPTH < steps)
                        def _():
                            start_idx(jj + DEPTH, b)

            pl.loop(0, steps, step=DEPTH)(body)
            for b in range(DEPTH):
                wait_out(b)

        run_segment(d0, r0, len0)

        @pl.when(len1 > 0)
        def _():
            run_segment(d0 + 1, jnp.int32(0), len1)

    return lookup


def kernel(x, table):
    B_, S = x.shape
    V, D = table.shape
    out3 = _make_lookup(V, D, S, B_)(table.T, x.T)
    return jnp.transpose(out3, (2, 1, 0))

# --- scband reference (transcript-rebuilt; emitter-appended) ---
"""Pipeline reference for scband-embedding-7816840479252 (READ-ONLY COPY).

The authoritative reference and input builder live on the scoring server;
editing this copy changes nothing except your own understanding.
"""

import jax, jax.numpy as jnp
import numpy as np

VOCAB = 100000
D_MODEL = 20
PAD = 4
PADDING_SIZE = 30

def setup_inputs(seed: int = 0) -> dict:
    key = jax.random.key(seed)
    k1, k2 = jax.random.split(key)
    x = jax.random.randint(k1, (16384, PADDING_SIZE), 0, VOCAB, dtype=jnp.int64 if jax.config.jax_enable_x64 else jnp.int32)
    table = jax.random.normal(k2, (VOCAB, D_MODEL), dtype=jnp.float32)
    return {"x": x, "table": table}

def reference(x, table):
    # nn.Embedding with padding_idx=PAD: the padding row embeds to zeros.
    # The original forward pads/truncates python lists to PADDING_SIZE before lookup;
    # here x is already a dense [B, PADDING_SIZE] index tensor, so the lookup is the
    # remaining computation.
    table_p = table.at[PAD].set(0.0)
    return jnp.take(table_p, x, axis=0)

if __name__ == "__main__":
    import jax
    _d = setup_inputs()
    print(jax.jit(kernel)(*tuple(_d.values())))

</pallas_src>

<mosaic_0001>
#map = affine_map<(d0, d1) -> (0, 0)>
#map1 = affine_map<(d0, d1) -> (0, 0, 0)>
module attributes {stable_mosaic.version = 14 : i64} {
  func.func @lookup(%arg0: i32, %arg1: i32, %arg2: memref<20x100000xf32, #tpu.memory_space<hbm>>, %arg3: memref<30x16384xi32, #tpu.memory_space<hbm>>, %arg4: memref<20x30x16384xf32, #tpu.memory_space<hbm>>, %arg5: memref<100000xf32, #tpu.memory_space<vmem>>, %arg6: memref<4096xi32, #tpu.memory_space<vmem>>, %arg7: memref<4096xi32, #tpu.memory_space<vmem>>, %arg8: memref<4096xi32, #tpu.memory_space<vmem>>, %arg9: memref<4096xf32, #tpu.memory_space<vmem>>, %arg10: memref<4096xf32, #tpu.memory_space<vmem>>, %arg11: memref<4096xf32, #tpu.memory_space<vmem>>, %arg12: memref<!tpu.dma_semaphore, #tpu.memory_space<semaphore_mem>>, %arg13: memref<!tpu.dma_semaphore, #tpu.memory_space<semaphore_mem>>, %arg14: memref<!tpu.dma_semaphore, #tpu.memory_space<semaphore_mem>>, %arg15: memref<!tpu.dma_semaphore, #tpu.memory_space<semaphore_mem>>, %arg16: memref<!tpu.dma_semaphore, #tpu.memory_space<semaphore_mem>>, %arg17: memref<!tpu.dma_semaphore, #tpu.memory_space<semaphore_mem>>) attributes {dimension_semantics = [#tpu.dimension_semantics<core_parallel>, #tpu.dimension_semantics<subcore_parallel>], iteration_bounds = array<i64: 2, 16>, scalar_prefetch = 0 : i64, scratch_operands = 13 : i64, tpu.core_type = #tpu.core_type<sc_vector_subcore>, window_params = [{transform_indices = #map}, {transform_indices = #map}, {transform_indices = #map1}]} {
    %mul3A = arith.constant 2 : i32
    %mul3A_0 = arith.muli %arg1, %mul3A : i32
    %add3A = arith.addi %mul3A_0, %arg0 : i32
    %mul3A_1 = arith.constant 75 : i32
    %mul3A_2 = arith.muli %add3A, %mul3A_1 : i32
    %jit3A = arith.constant 120 : i32
    %div3A = arith.divsi %mul3A_2, %jit3A : i32
    %sign3A = arith.constant 0 : i32
    %sign3A_3 = arith.cmpi sgt, %mul3A_2, %sign3A : i32
    %sign3A_4 = arith.extui %sign3A_3 : i1 to i32
    %sign3A_5 = arith.constant 0 : i32
    %sign3A_6 = arith.cmpi slt, %mul3A_2, %sign3A_5 : i32
    %sign3A_7 = arith.extui %sign3A_6 : i1 to i32
    %sign3A_8 = arith.subi %sign3A_4, %sign3A_7 : i32
    %sign3A_9 = arith.constant 0 : i32
    %sign3A_10 = arith.cmpi sgt, %jit3A, %sign3A_9 : i32
    %sign3A_11 = arith.extui %sign3A_10 : i1 to i32
    %sign3A_12 = arith.constant 0 : i32
    %sign3A_13 = arith.cmpi slt, %jit3A, %sign3A_12 : i32
    %sign3A_14 = arith.extui %sign3A_13 : i1 to i32
    %sign3A_15 = arith.subi %sign3A_11, %sign3A_14 : i32
    %ne3A = arith.cmpi ne, %sign3A_8, %sign3A_15 : i32
    %rem3A = arith.remsi %mul3A_2, %jit3A : i32
    %ne3A_16 = arith.constant 0 : i32
    %ne3A_17 = arith.cmpi ne, %rem3A, %ne3A_16 : i32
    %and3A = arith.andi %ne3A, %ne3A_17 : i1
    %sub3A = arith.constant 1 : i32
    %sub3A_18 = arith.subi %div3A, %sub3A : i32
    %select_n3A = arith.select %and3A, %sub3A_18, %div3A : i32
    %jit3A_19 = arith.constant 120 : i32
    %eq3A = arith.constant 0 : i32
    %eq3A_20 = arith.cmpi eq, %jit3A_19, %eq3A : i32
    %jit3A_21 = arith.constant 1 : i32
    %select_n3A_22 = arith.select %eq3A_20, %jit3A_21, %jit3A_19 : i32
    %rem3A_23 = arith.remsi %mul3A_2, %select_n3A_22 : i32
    %ne3A_24 = arith.constant 0 : i32
    %ne3A_25 = arith.cmpi ne, %rem3A_23, %ne3A_24 : i32
    %lt3A = arith.constant 0 : i32
    %lt3A_26 = arith.cmpi slt, %rem3A_23, %lt3A : i32
    %lt3A_27 = arith.constant 0 : i32
    %lt3A_28 = arith.cmpi slt, %select_n3A_22, %lt3A_27 : i32
    %ne3A_29 = arith.xori %lt3A_26, %lt3A_28 : i1
    %and3A_30 = arith.andi %ne3A_29, %ne3A_25 : i1
    %add3A_31 = arith.addi %rem3A_23, %select_n3A_22 : i32
    %select_n3A_32 = arith.select %and3A_30, %add3A_31, %rem3A_23 : i32
    %sub3A_33 = arith.constant 120 : i32
    %sub3A_34 = arith.subi %sub3A_33, %select_n3A_32 : i32
    %min3A = arith.constant 75 : i32
    %min3A_35 = arith.minsi %sub3A_34, %min3A : i32
    %sub3A_36 = arith.constant 75 : i32
    %sub3A_37 = arith.subi %sub3A_36, %min3A_35 : i32
    "tpu.region"() ({
      %run_scoped3A = tpu.sem_alloc : memref<!tpu.dma_semaphore, #tpu.memory_space<semaphore_mem>>
      %dma_start3A_228 = arith.constant 0 : i32
      %dma_start3A_229 = tpu.memref_slice %arg2[%select_n3A, %dma_start3A_228] : memref<20x100000xf32, #tpu.memory_space<hbm>> -> memref<1x100000xf32, #tpu.memory_space<hbm>>
      %dma_start3A_230 = tpu.memref_squeeze %dma_start3A_229 : memref<1x100000xf32, #tpu.memory_space<hbm>> -> memref<100000xf32, #tpu.memory_space<hbm>>
      %dma_start3A_231 = arith.constant 0 : i32
      %dma_start3A_232 = tpu.memref_slice %arg2[%select_n3A, %dma_start3A_231] : memref<20x100000xf32, #tpu.memory_space<hbm>> -> memref<1x100000xf32, #tpu.memory_space<hbm>>
      %dma_start3A_233 = tpu.memref_squeeze %dma_start3A_232 : memref<1x100000xf32, #tpu.memory_space<hbm>> -> memref<100000xf32, #tpu.memory_space<hbm>>
      tpu.enqueue_dma source(%dma_start3A_233 : memref<100000xf32, #tpu.memory_space<hbm>>) target(%arg5 : memref<100000xf32, #tpu.memory_space<vmem>>) target_semaphore(%run_scoped3A : memref<!tpu.dma_semaphore, #tpu.memory_space<semaphore_mem>>)
      %dma_wait3A_234 = arith.constant 0 : i32
      %dma_wait3A_235 = tpu.memref_slice %arg2[%select_n3A, %dma_wait3A_234] : memref<20x100000xf32, #tpu.memory_space<hbm>> -> memref<1x100000xf32, #tpu.memory_space<hbm>>
      %dma_wait3A_236 = tpu.memref_squeeze %dma_wait3A_235 : memref<1x100000xf32, #tpu.memory_space<hbm>> -> memref<100000xf32, #tpu.memory_space<hbm>>
      %dma_wait3A_237 = arith.constant 0 : i32
      %dma_wait3A_238 = tpu.memref_slice %arg2[%select_n3A, %dma_wait3A_237] : memref<20x100000xf32, #tpu.memory_space<hbm>> -> memref<1x100000xf32, #tpu.memory_space<hbm>>
      %dma_wait3A_239 = tpu.memref_squeeze %dma_wait3A_238 : memref<1x100000xf32, #tpu.memory_space<hbm>> -> memref<100000xf32, #tpu.memory_space<hbm>>
      tpu.wait_dma2 semaphore(%run_scoped3A : memref<!tpu.dma_semaphore, #tpu.memory_space<semaphore_mem>>) src(%dma_wait3A_239 : memref<100000xf32, #tpu.memory_space<hbm>>) dst(%arg5 : memref<100000xf32, #tpu.memory_space<vmem>>)
      tpu.yield
    }) : () -> ()
    %iota3A = tpu.iota {dimensions = array<i32: 0>} : vector<16xi32>
    %eq3A_38 = arith.constant 4 : i32
    %eq3A_39 = vector.broadcast %eq3A_38 : i32 to vector<16xi32>
    %eq3A_40 = arith.cmpi eq, %iota3A, %eq3A_39 : vector<16xi32>
    %get3A = arith.constant 0 : index
    %get3A_41 = tpu.vector_load %arg5[%get3A] {strides = array<i32>} : memref<100000xf32, #tpu.memory_space<vmem>>, vector<16xf32>,
    %jit3A_42 = arith.constant 0.000000e+00 : f32
    %broadcast_in_dim3A = vector.broadcast %jit3A_42 : f32 to vector<16xf32>
    %select_n3A_43 = arith.select %eq3A_40, %broadcast_in_dim3A, %get3A_41 : vector<16xi1>, vector<16xf32>
    %swap3A = arith.constant 0 : index
    %swap3A_44 = tpu.vector_load %arg5[%swap3A] {strides = array<i32>} : memref<100000xf32, #tpu.memory_space<vmem>>, vector<16xf32>,
    tpu.vector_store %arg5[%swap3A], %select_n3A_43 {strides = array<i32>} : memref<100000xf32, #tpu.memory_space<vmem>>, vector<16xf32>,
    %add3A_45 = arith.constant 0 : i32
    %add3A_46 = arith.addi %select_n3A_32, %add3A_45 : i32
    %jit3A_47 = arith.constant 4 : i32
    %div3A_48 = arith.divsi %add3A_46, %jit3A_47 : i32
    %sign3A_49 = arith.constant 0 : i32
    %sign3A_50 = arith.cmpi sgt, %add3A_46, %sign3A_49 : i32
    %sign3A_51 = arith.extui %sign3A_50 : i1 to i32
    %sign3A_52 = arith.constant 0 : i32
    %sign3A_53 = arith.cmpi slt, %add3A_46, %sign3A_52 : i32
    %sign3A_54 = arith.extui %sign3A_53 : i1 to i32
    %sign3A_55 = arith.subi %sign3A_51, %sign3A_54 : i32
    %sign3A_56 = arith.constant 0 : i32
    %sign3A_57 = arith.cmpi sgt, %jit3A_47, %sign3A_56 : i32
    %sign3A_58 = arith.extui %sign3A_57 : i1 to i32
    %sign3A_59 = arith.constant 0 : i32
    %sign3A_60 = arith.cmpi slt, %jit3A_47, %sign3A_59 : i32
    %sign3A_61 = arith.extui %sign3A_60 : i1 to i32
    %sign3A_62 = arith.subi %sign3A_58, %sign3A_61 : i32
    %ne3A_63 = arith.cmpi ne, %sign3A_55, %sign3A_62 : i32
    %rem3A_64 = arith.remsi %add3A_46, %jit3A_47 : i32
    %ne3A_65 = arith.constant 0 : i32
    %ne3A_66 = arith.cmpi ne, %rem3A_64, %ne3A_65 : i32
    %and3A_67 = arith.andi %ne3A_63, %ne3A_66 : i1
    %sub3A_68 = arith.constant 1 : i32
    %sub3A_69 = arith.subi %div3A_48, %sub3A_68 : i32
    %select_n3A_70 = arith.select %and3A_67, %sub3A_69, %div3A_48 : i32
    %jit3A_71 = arith.constant 4 : i32
    %eq3A_72 = arith.constant 0 : i32
    %eq3A_73 = arith.cmpi eq, %jit3A_71, %eq3A_72 : i32
    %jit3A_74 = arith.constant 1 : i32
    %select_n3A_75 = arith.select %eq3A_73, %jit3A_74, %jit3A_71 : i32
    %rem3A_76 = arith.remsi %add3A_46, %select_n3A_75 : i32
    %ne3A_77 = arith.constant 0 : i32
    %ne3A_78 = arith.cmpi ne, %rem3A_76, %ne3A_77 : i32
    %lt3A_79 = arith.constant 0 : i32
    %lt3A_80 = arith.cmpi slt, %rem3A_76, %lt3A_79 : i32
    %lt3A_81 = arith.constant 0 : i32
    %lt3A_82 = arith.cmpi slt, %select_n3A_75, %lt3A_81 : i32
    %ne3A_83 = arith.xori %lt3A_80, %lt3A_82 : i1
    %and3A_84 = arith.andi %ne3A_83, %ne3A_78 : i1
    %add3A_85 = arith.addi %rem3A_76, %select_n3A_75 : i32
    %select_n3A_86 = arith.select %and3A_84, %add3A_85, %rem3A_76 : i32
    %mul3A_87 = arith.constant 4096 : i32
    %mul3A_88 = arith.muli %select_n3A_86, %mul3A_87 : i32
    %dma_start3A = tpu.memref_slice %arg3[%select_n3A_70, %mul3A_88] : memref<30x16384xi32, #tpu.memory_space<hbm>> -> memref<1x4096xi32, #tpu.memory_space<hbm>>
    %dma_start3A_89 = tpu.memref_squeeze %dma_start3A : memref<1x4096xi32, #tpu.memory_space<hbm>> -> memref<4096xi32, #tpu.memory_space<hbm>>
    %dma_start3A_90 = tpu.memref_slice %arg3[%select_n3A_70, %mul3A_88] : memref<30x16384xi32, #tpu.memory_space<hbm>> -> memref<1x4096xi32, #tpu.memory_space<hbm>>
    %dma_start3A_91 = tpu.memref_squeeze %dma_start3A_90 : memref<1x4096xi32, #tpu.memory_space<hbm>> -> memref<4096xi32, #tpu.memory_space<hbm>>
    tpu.enqueue_dma source(%dma_start3A_91 : memref<4096xi32, #tpu.memory_space<hbm>>) target(%arg6 : memref<4096xi32, #tpu.memory_space<vmem>>) target_semaphore(%arg12 : memref<!tpu.dma_semaphore, #tpu.memory_space<semaphore_mem>>)
    %add3A_92 = arith.constant 1 : i32
    %add3A_93 = arith.addi %select_n3A_32, %add3A_92 : i32
    %jit3A_94 = arith.constant 4 : i32
    %div3A_95 = arith.divsi %add3A_93, %jit3A_94 : i32
    %sign3A_96 = arith.constant 0 : i32
    %sign3A_97 = arith.cmpi sgt, %add3A_93, %sign3A_96 : i32
    %sign3A_98 = arith.extui %sign3A_97 : i1 to i32
    %sign3A_99 = arith.constant 0 : i32
    %sign3A_100 = arith.cmpi slt, %add3A_93, %sign3A_99 : i32
    %sign3A_101 = arith.extui %sign3A_100 : i1 to i32
    %sign3A_102 = arith.subi %sign3A_98, %sign3A_101 : i32
    %sign3A_103 = arith.constant 0 : i32
    %sign3A_104 = arith.cmpi sgt, %jit3A_94, %sign3A_103 : i32
    %sign3A_105 = arith.extui %sign3A_104 : i1 to i32
    %sign3A_106 = arith.constant 0 : i32
    %sign3A_107 = arith.cmpi slt, %jit3A_94, %sign3A_106 : i32
    %sign3A_108 = arith.extui %sign3A_107 : i1 to i32
    %sign3A_109 = arith.subi %sign3A_105, %sign3A_108 : i32
    %ne3A_110 = arith.cmpi ne, %sign3A_102, %sign3A_109 : i32
    %rem3A_111 = arith.remsi %add3A_93, %jit3A_94 : i32
    %ne3A_112 = arith.constant 0 : i32
    %ne3A_113 = arith.cmpi ne, %rem3A_111, %ne3A_112 : i32
    %and3A_114 = arith.andi %ne3A_110, %ne3A_113 : i1
    %sub3A_115 = arith.constant 1 : i32
    %sub3A_116 = arith.subi %div3A_95, %sub3A_115 : i32
    %select_n3A_117 = arith.select %and3A_114, %sub3A_116, %div3A_95 : i32
    %jit3A_118 = arith.constant 4 : i32
    %eq3A_119 = arith.constant 0 : i32
    %eq3A_120 = arith.cmpi eq, %jit3A_118, %eq3A_119 : i32
    %jit3A_121 = arith.constant 1 : i32
    %select_n3A_122 = arith.select %eq3A_120, %jit3A_121, %jit3A_118 : i32
    %rem3A_123 = arith.remsi %add3A_93, %select_n3A_122 : i32
    %ne3A_124 = arith.constant 0 : i32
    %ne3A_125 = arith.cmpi ne, %rem3A_123, %ne3A_124 : i32
    %lt3A_126 = arith.constant 0 : i32
    %lt3A_127 = arith.cmpi slt, %rem3A_123, %lt3A_126 : i32
    %lt3A_128 = arith.constant 0 : i32
    %lt3A_129 = arith.cmpi slt, %select_n3A_122, %lt3A_128 : i32
    %ne3A_130 = arith.xori %lt3A_127, %lt3A_129 : i1
    %and3A_131 = arith.andi %ne3A_130, %ne3A_125 : i1
    %add3A_132 = arith.addi %rem3A_123, %select_n3A_122 : i32
    %select_n3A_133 = arith.select %and3A_131, %add3A_132, %rem3A_123 : i32
    %mul3A_134 = arith.constant 4096 : i32
    %mul3A_135 = arith.muli %select_n3A_133, %mul3A_134 : i32
    %dma_start3A_136 = tpu.memref_slice %arg3[%select_n3A_117, %mul3A_135] : memref<30x16384xi32, #tpu.memory_space<hbm>> -> memref<1x4096xi32, #tpu.memory_space<hbm>>
    %dma_start3A_137 = tpu.memref_squeeze %dma_start3A_136 : memref<1x4096xi32, #tpu.memory_space<hbm>> -> memref<4096xi32, #tpu.memory_space<hbm>>
    %dma_start3A_138 = tpu.memref_slice %arg3[%select_n3A_117, %mul3A_135] : memref<30x16384xi32, #tpu.memory_space<hbm>> -> memref<1x4096xi32, #tpu.memory_space<hbm>>
    %dma_start3A_139 = tpu.memref_squeeze %dma_start3A_138 : memref<1x4096xi32, #tpu.memory_space<hbm>> -> memref<4096xi32, #tpu.memory_space<hbm>>
    tpu.enqueue_dma source(%dma_start3A_139 : memref<4096xi32, #tpu.memory_space<hbm>>) target(%arg7 : memref<4096xi32, #tpu.memory_space<vmem>>) target_semaphore(%arg13 : memref<!tpu.dma_semaphore, #tpu.memory_space<semaphore_mem>>)
    %add3A_140 = arith.constant 2 : i32
    %add3A_141 = arith.addi %select_n3A_32, %add3A_140 : i32
    %jit3A_142 = arith.constant 4 : i32
    %div3A_143 = arith.divsi %add3A_141, %jit3A_142 : i32
    %sign3A_144 = arith.constant 0 : i32
    %sign3A_145 = arith.cmpi sgt, %add3A_141, %sign3A_144 : i32
    %sign3A_146 = arith.extui %sign3A_145 : i1 to i32
    %sign3A_147 = arith.constant 0 : i32
    %sign3A_148 = arith.cmpi slt, %add3A_141, %sign3A_147 : i32
    %sign3A_149 = arith.extui %sign3A_148 : i1 to i32
    %sign3A_150 = arith.subi %sign3A_146, %sign3A_149 : i32
    %sign3A_151 = arith.constant 0 : i32
    %sign3A_152 = arith.cmpi sgt, %jit3A_142, %sign3A_151 : i32
    %sign3A_153 = arith.extui %sign3A_152 : i1 to i32
    %sign3A_154 = arith.constant 0 : i32
    %sign3A_155 = arith.cmpi slt, %jit3A_142, %sign3A_154 : i32
    %sign3A_156 = arith.extui %sign3A_155 : i1 to i32
    %sign3A_157 = arith.subi %sign3A_153, %sign3A_156 : i32
    %ne3A_158 = arith.cmpi ne, %sign3A_150, %sign3A_157 : i32
    %rem3A_159 = arith.remsi %add3A_141, %jit3A_142 : i32
    %ne3A_160 = arith.constant 0 : i32
    %ne3A_161 = arith.cmpi ne, %rem3A_159, %ne3A_160 : i32
    %and3A_162 = arith.andi %ne3A_158, %ne3A_161 : i1
    %sub3A_163 = arith.constant 1 : i32
    %sub3A_164 = arith.subi %div3A_143, %sub3A_163 : i32
    %select_n3A_165 = arith.select %and3A_162, %sub3A_164, %div3A_143 : i32
    %jit3A_166 = arith.constant 4 : i32
    %eq3A_167 = arith.constant 0 : i32
    %eq3A_168 = arith.cmpi eq, %jit3A_166, %eq3A_167 : i32
    %jit3A_169 = arith.constant 1 : i32
    %select_n3A_170 = arith.select %eq3A_168, %jit3A_169, %jit3A_166 : i32
    %rem3A_171 = arith.remsi %add3A_141, %select_n3A_170 : i32
    %ne3A_172 = arith.constant 0 : i32
    %ne3A_173 = arith.cmpi ne, %rem3A_171, %ne3A_172 : i32
    %lt3A_174 = arith.constant 0 : i32
    %lt3A_175 = arith.cmpi slt, %rem3A_171, %lt3A_174 : i32
    %lt3A_176 = arith.constant 0 : i32
    %lt3A_177 = arith.cmpi slt, %select_n3A_170, %lt3A_176 : i32
    %ne3A_178 = arith.xori %lt3A_175, %lt3A_177 : i1
    %and3A_179 = arith.andi %ne3A_178, %ne3A_173 : i1
    %add3A_180 = arith.addi %rem3A_171, %select_n3A_170 : i32
    %select_n3A_181 = arith.select %and3A_179, %add3A_180, %rem3A_171 : i32
    %mul3A_182 = arith.constant 4096 : i32
    %mul3A_183 = arith.muli %select_n3A_181, %mul3A_182 : i32
    %dma_start3A_184 = tpu.memref_slice %arg3[%select_n3A_165, %mul3A_183] : memref<30x16384xi32, #tpu.memory_space<hbm>> -> memref<1x4096xi32, #tpu.memory_space<hbm>>
    %dma_start3A_185 = tpu.memref_squeeze %dma_start3A_184 : memref<1x4096xi32, #tpu.memory_space<hbm>> -> memref<4096xi32, #tpu.memory_space<hbm>>
    %dma_start3A_186 = tpu.memref_slice %arg3[%select_n3A_165, %mul3A_183] : memref<30x16384xi32, #tpu.memory_space<hbm>> -> memref<1x4096xi32, #tpu.memory_space<hbm>>
    %dma_start3A_187 = tpu.memref_squeeze %dma_start3A_186 : memref<1x4096xi32, #tpu.memory_space<hbm>> -> memref<4096xi32, #tpu.memory_space<hbm>>
    tpu.enqueue_dma source(%dma_start3A_187 : memref<4096xi32, #tpu.memory_space<hbm>>) target(%arg8 : memref<4096xi32, #tpu.memory_space<vmem>>) target_semaphore(%arg14 : memref<!tpu.dma_semaphore, #tpu.memory_space<semaphore_mem>>)
    %sub3A_188 = arith.constant 0 : i32
    %sub3A_189 = arith.subi %min3A_35, %sub3A_188 : i32
    %sub3A_190 = arith.constant 3 : i32
    %sub3A_191 = arith.constant 1 : i32
    %sub3A_192 = arith.subi %sub3A_190, %sub3A_191 : i32
    %add3A_193 = arith.addi %sub3A_189, %sub3A_192 : i32
    %div3A_194 = arith.constant 3 : i32
    %div3A_195 = arith.divsi %add3A_193, %div3A_194 : i32
    %while3A = arith.constant 3 : i32
    %while3A_196 = arith.constant 0 : i32
    %while3A_197 = arith.constant 0 : i32
    %while3A_198 = arith.subi %div3A_195, %while3A_197 : i32
    %while3A_199 = arith.addi %while3A_197, %while3A_198 : i32
    %while3A_200 = arith.constant 1 : i32
    %while3A_201 = arith.divsi %while3A_198, %while3A_200 : i32
    %while3A_202 = arith.muli %while3A_201, %while3A_200 : i32
    %while3A_203 = arith.addi %while3A_197, %while3A_202 : i32
    %while3A_204 = arith.constant 1 : i32
    scf.for %while3A_228 = %while3A_197 to %while3A_203 step %while3A_204  : i32 {
      %mul3A_229 = arith.muli %while3A_228, %while3A : i32
      %add3A_230 = arith.addi %while3A_196, %mul3A_229 : i32
      %add3A_231 = arith.constant 0 : i32
      %add3A_232 = arith.addi %add3A_230, %add3A_231 : i32
      %lt3A_233 = arith.cmpi slt, %add3A_232, %min3A_35 : i32
      %convert_element_type3A_234 = arith.extui %lt3A_233 : i1 to i32
      %cond3A_235 = arith.constant 0 : i32
      %cond3A_236 = arith.cmpi ne, %convert_element_type3A_234, %cond3A_235 : i32
      scf.if %cond3A_236 {
        %dma_wait3A_249 = arith.constant 0 : i32
        %dma_wait3A_250 = arith.constant 0 : i32
        %dma_wait3A_251 = tpu.memref_slice %arg3[%dma_wait3A_249, %dma_wait3A_250] : memref<30x16384xi32, #tpu.memory_space<hbm>> -> memref<1x4096xi32, #tpu.memory_space<hbm>>
        %dma_wait3A_252 = tpu.memref_squeeze %dma_wait3A_251 : memref<1x4096xi32, #tpu.memory_space<hbm>> -> memref<4096xi32, #tpu.memory_space<hbm>>
        %dma_wait3A_253 = arith.constant 0 : i32
        %dma_wait3A_254 = tpu.memref_slice %arg3[%dma_wait3A_249, %dma_wait3A_253] : memref<30x16384xi32, #tpu.memory_space<hbm>> -> memref<1x4096xi32, #tpu.memory_space<hbm>>
        %dma_wait3A_255 = tpu.memref_squeeze %dma_wait3A_254 : memref<1x4096xi32, #tpu.memory_space<hbm>> -> memref<4096xi32, #tpu.memory_space<hbm>>
        tpu.wait_dma2 semaphore(%arg12 : memref<!tpu.dma_semaphore, #tpu.memory_space<semaphore_mem>>) src(%dma_wait3A_255 : memref<4096xi32, #tpu.memory_space<hbm>>) dst(%arg6 : memref<4096xi32, #tpu.memory_space<vmem>>)
        %ge3A = arith.constant 3 : i32
        %ge3A_256 = arith.cmpi sge, %add3A_232, %ge3A : i32
        %convert_element_type3A_257 = arith.extui %ge3A_256 : i1 to i32
        %cond3A_258 = arith.constant 0 : i32
        %cond3A_259 = arith.cmpi ne, %convert_element_type3A_257, %cond3A_258 : i32
        scf.if %cond3A_259 {
          %dma_wait3A_317 = arith.constant 0 : i32
          %dma_wait3A_318 = arith.constant 0 : i32
          %dma_wait3A_319 = tpu.memref_slice %arg4[%select_n3A, %dma_wait3A_317, %dma_wait3A_318] : memref<20x30x16384xf32, #tpu.memory_space<hbm>> -> memref<1x1x4096xf32, #tpu.memory_space<hbm>>
          %dma_wait3A_320 = tpu.memref_squeeze %dma_wait3A_319 : memref<1x1x4096xf32, #tpu.memory_space<hbm>> -> memref<4096xf32, #tpu.memory_space<hbm>>
          %dma_wait3A_321 = arith.constant 0 : i32
          %dma_wait3A_322 = tpu.memref_slice %arg4[%select_n3A, %dma_wait3A_317, %dma_wait3A_321] : memref<20x30x16384xf32, #tpu.memory_space<hbm>> -> memref<1x1x4096xf32, #tpu.memory_space<hbm>>
          %dma_wait3A_323 = tpu.memref_squeeze %dma_wait3A_322 : memref<1x1x4096xf32, #tpu.memory_space<hbm>> -> memref<4096xf32, #tpu.memory_space<hbm>>
          tpu.wait_dma2 semaphore(%arg15 : memref<!tpu.dma_semaphore, #tpu.memory_space<semaphore_mem>>) src(%arg9 : memref<4096xf32, #tpu.memory_space<vmem>>) dst(%dma_wait3A_323 : memref<4096xf32, #tpu.memory_space<hbm>>)
        } else {
        }
        %scan3A = arith.constant 0 : i32
        %scan3A_260 = arith.constant 16 : i32
        %scan3A_261 = arith.addi %scan3A, %scan3A_260 : i32
        %scan3A_262 = arith.constant 1 : i32
        scf.for %scan3A_317 = %scan3A to %scan3A_261 step %scan3A_262  : i32 {
          %mul3A_318 = arith.constant 16 : i32
          %mul3A_319 = arith.muli %scan3A_317, %mul3A_318 : i32
          %add3A_320 = arith.constant 0 : i32
          %add3A_321 = arith.addi %add3A_320, %mul3A_319 : i32
          %add3A_322 = arith.constant 0 : i32
          %add3A_323 = arith.addi %add3A_321, %add3A_322 : i32
          %mul3A_324 = arith.constant 16 : i32
          %mul3A_325 = arith.muli %add3A_323, %mul3A_324 : i32
          %get3A_326 = arith.index_cast %mul3A_325 : i32 to index
          %get3A_327 = tpu.vector_load %arg6[%get3A_326] {strides = array<i32>} : memref<4096xi32, #tpu.memory_space<vmem>>, vector<16xi32>,
          %gather3A = tpu.vector_load_idx %arg5[%get3A_327] : memref<100000xf32, #tpu.memory_space<vmem>>[vector<16xi32>], vector<16xf32>,
          %swap3A_328 = arith.index_cast %mul3A_325 : i32 to index
          %swap3A_329 = tpu.vector_load %arg9[%swap3A_328] {strides = array<i32>} : memref<4096xf32, #tpu.memory_space<vmem>>, vector<16xf32>,
          tpu.vector_store %arg9[%swap3A_328], %gather3A {strides = array<i32>} : memref<4096xf32, #tpu.memory_space<vmem>>, vector<16xf32>,
          %add3A_330 = arith.constant 1 : i32
          %add3A_331 = arith.addi %add3A_321, %add3A_330 : i32
          %mul3A_332 = arith.constant 16 : i32
          %mul3A_333 = arith.muli %add3A_331, %mul3A_332 : i32
          %get3A_334 = arith.index_cast %mul3A_333 : i32 to index
          %get3A_335 = tpu.vector_load %arg6[%get3A_334] {strides = array<i32>} : memref<4096xi32, #tpu.memory_space<vmem>>, vector<16xi32>,
          %gather3A_336 = tpu.vector_load_idx %arg5[%get3A_335] : memref<100000xf32, #tpu.memory_space<vmem>>[vector<16xi32>], vector<16xf32>,
          %swap3A_337 = arith.index_cast %mul3A_333 : i32 to index
          %swap3A_338 = tpu.vector_load %arg9[%swap3A_337] {strides = array<i32>} : memref<4096xf32, #tpu.memory_space<vmem>>, vector<16xf32>,
          tpu.vector_store %arg9[%swap3A_337], %gather3A_336 {strides = array<i32>} : memref<4096xf32, #tpu.memory_space<vmem>>, vector<16xf32>,
          %add3A_339 = arith.constant 2 : i32
          %add3A_340 = arith.addi %add3A_321, %add3A_339 : i32
          %mul3A_341 = arith.constant 16 : i32
          %mul3A_342 = arith.muli %add3A_340, %mul3A_341 : i32
          %get3A_343 = arith.index_cast %mul3A_342 : i32 to index
          %get3A_344 = tpu.vector_load %arg6[%get3A_343] {strides = array<i32>} : memref<4096xi32, #tpu.memory_space<vmem>>, vector<16xi32>,
          %gather3A_345 = tpu.vector_load_idx %arg5[%get3A_344] : memref<100000xf32, #tpu.memory_space<vmem>>[vector<16xi32>], vector<16xf32>,
          %swap3A_346 = arith.index_cast %mul3A_342 : i32 to index
          %swap3A_347 = tpu.vector_load %arg9[%swap3A_346] {strides = array<i32>} : memref<4096xf32, #tpu.memory_space<vmem>>, vector<16xf32>,
          tpu.vector_store %arg9[%swap3A_346], %gather3A_345 {strides = array<i32>} : memref<4096xf32, #tpu.memory_space<vmem>>, vector<16xf32>,
          %add3A_348 = arith.constant 3 : i32
          %add3A_349 = arith.addi %add3A_321, %add3A_348 : i32
          %mul3A_350 = arith.constant 16 : i32
          %mul3A_351 = arith.muli %add3A_349, %mul3A_350 : i32
          %get3A_352 = arith.index_cast %mul3A_351 : i32 to index
          %get3A_353 = tpu.vector_load %arg6[%get3A_352] {strides = array<i32>} : memref<4096xi32, #tpu.memory_space<vmem>>, vector<16xi32>,
          %gather3A_354 = tpu.vector_load_idx %arg5[%get3A_353] : memref<100000xf32, #tpu.memory_space<vmem>>[vector<16xi32>], vector<16xf32>,
          %swap3A_355 = arith.index_cast %mul3A_351 : i32 to index
          %swap3A_356 = tpu.vector_load %arg9[%swap3A_355] {strides = array<i32>} : memref<4096xf32, #tpu.memory_space<vmem>>, vector<16xf32>,
          tpu.vector_store %arg9[%swap3A_355], %gather3A_354 {strides = array<i32>} : memref<4096xf32, #tpu.memory_space<vmem>>, vector<16xf32>,
          %add3A_357 = arith.constant 4 : i32
          %add3A_358 = arith.addi %add3A_321, %add3A_357 : i32
          %mul3A_359 = arith.constant 16 : i32
          %mul3A_360 = arith.muli %add3A_358, %mul3A_359 : i32
          %get3A_361 = arith.index_cast %mul3A_360 : i32 to index
          %get3A_362 = tpu.vector_load %arg6[%get3A_361] {strides = array<i32>} : memref<4096xi32, #tpu.memory_space<vmem>>, vector<16xi32>,
          %gather3A_363 = tpu.vector_load_idx %arg5[%get3A_362] : memref<100000xf32, #tpu.memory_space<vmem>>[vector<16xi32>], vector<16xf32>,
          %swap3A_364 = arith.index_cast %mul3A_360 : i32 to index
          %swap3A_365 = tpu.vector_load %arg9[%swap3A_364] {strides = array<i32>} : memref<4096xf32, #tpu.memory_space<vmem>>, vector<16xf32>,
          tpu.vector_store %arg9[%swap3A_364], %gather3A_363 {strides = array<i32>} : memref<4096xf32, #tpu.memory_space<vmem>>, vector<16xf32>,
          %add3A_366 = arith.constant 5 : i32
          %add3A_367 = arith.addi %add3A_321, %add3A_366 : i32
          %mul3A_368 = arith.constant 16 : i32
          %mul3A_369 = arith.muli %add3A_367, %mul3A_368 : i32
          %get3A_370 = arith.index_cast %mul3A_369 : i32 to index
          %get3A_371 = tpu.vector_load %arg6[%get3A_370] {strides = array<i32>} : memref<4096xi32, #tpu.memory_space<vmem>>, vector<16xi32>,
          %gather3A_372 = tpu.vector_load_idx %arg5[%get3A_371] : memref<100000xf32, #tpu.memory_space<vmem>>[vector<16xi32>], vector<16xf32>,
          %swap3A_373 = arith.index_cast %mul3A_369 : i32 to index
          %swap3A_374 = tpu.vector_load %arg9[%swap3A_373] {strides = array<i32>} : memref<4096xf32, #tpu.memory_space<vmem>>, vector<16xf32>,
          tpu.vector_store %arg9[%swap3A_373], %gather3A_372 {strides = array<i32>} : memref<4096xf32, #tpu.memory_space<vmem>>, vector<16xf32>,
          %add3A_375 = arith.constant 6 : i32
          %add3A_376 = arith.addi %add3A_321, %add3A_375 : i32
          %mul3A_377 = arith.constant 16 : i32
          %mul3A_378 = arith.muli %add3A_376, %mul3A_377 : i32
          %get3A_379 = arith.index_cast %mul3A_378 : i32 to index
          %get3A_380 = tpu.vector_load %arg6[%get3A_379] {strides = array<i32>} : memref<4096xi32, #tpu.memory_space<vmem>>, vector<16xi32>,
          %gather3A_381 = tpu.vector_load_idx %arg5[%get3A_380] : memref<100000xf32, #tpu.memory_space<vmem>>[vector<16xi32>], vector<16xf32>,
          %swap3A_382 = arith.index_cast %mul3A_378 : i32 to index
          %swap3A_383 = tpu.vector_load %arg9[%swap3A_382] {strides = array<i32>} : memref<4096xf32, #tpu.memory_space<vmem>>, vector<16xf32>,
          tpu.vector_store %arg9[%swap3A_382], %gather3A_381 {strides = array<i32>} : memref<4096xf32, #tpu.memory_space<vmem>>, vector<16xf32>,
          %add3A_384 = arith.constant 7 : i32
          %add3A_385 = arith.addi %add3A_321, %add3A_384 : i32
          %mul3A_386 = arith.constant 16 : i32
          %mul3A_387 = arith.muli %add3A_385, %mul3A_386 : i32
          %get3A_388 = arith.index_cast %mul3A_387 : i32 to index
          %get3A_389 = tpu.vector_load %arg6[%get3A_388] {strides = array<i32>} : memref<4096xi32, #tpu.memory_space<vmem>>, vector<16xi32>,
          %gather3A_390 = tpu.vector_load_idx %arg5[%get3A_389] : memref<100000xf32, #tpu.memory_space<vmem>>[vector<16xi32>], vector<16xf32>,
          %swap3A_391 = arith.index_cast %mul3A_387 : i32 to index
          %swap3A_392 = tpu.vector_load %arg9[%swap3A_391] {strides = array<i32>} : memref<4096xf32, #tpu.memory_space<vmem>>, vector<16xf32>,
          tpu.vector_store %arg9[%swap3A_391], %gather3A_390 {strides = array<i32>} : memref<4096xf32, #tpu.memory_space<vmem>>, vector<16xf32>,
          %add3A_393 = arith.constant 8 : i32
          %add3A_394 = arith.addi %add3A_321, %add3A_393 : i32
          %mul3A_395 = arith.constant 16 : i32
          %mul3A_396 = arith.muli %add3A_394, %mul3A_395 : i32
          %get3A_397 = arith.index_cast %mul3A_396 : i32 to index
          %get3A_398 = tpu.vector_load %arg6[%get3A_397] {strides = array<i32>} : memref<4096xi32, #tpu.memory_space<vmem>>, vector<16xi32>,
          %gather3A_399 = tpu.vector_load_idx %arg5[%get3A_398] : memref<100000xf32, #tpu.memory_space<vmem>>[vector<16xi32>], vector<16xf32>,
          %swap3A_400 = arith.index_cast %mul3A_396 : i32 to index
          %swap3A_401 = tpu.vector_load %arg9[%swap3A_400] {strides = array<i32>} : memref<4096xf32, #tpu.memory_space<vmem>>, vector<16xf32>,
          tpu.vector_store %arg9[%swap3A_400], %gather3A_399 {strides = array<i32>} : memref<4096xf32, #tpu.memory_space<vmem>>, vector<16xf32>,
          %add3A_402 = arith.constant 9 : i32
          %add3A_403 = arith.addi %add3A_321, %add3A_402 : i32
          %mul3A_404 = arith.constant 16 : i32
          %mul3A_405 = arith.muli %add3A_403, %mul3A_404 : i32
          %get3A_406 = arith.index_cast %mul3A_405 : i32 to index
          %get3A_407 = tpu.vector_load %arg6[%get3A_406] {strides = array<i32>} : memref<4096xi32, #tpu.memory_space<vmem>>, vector<16xi32>,
          %gather3A_408 = tpu.vector_load_idx %arg5[%get3A_407] : memref<100000xf32, #tpu.memory_space<vmem>>[vector<16xi32>], vector<16xf32>,
          %swap3A_409 = arith.index_cast %mul3A_405 : i32 to index
          %swap3A_410 = tpu.vector_load %arg9[%swap3A_409] {strides = array<i32>} : memref<4096xf32, #tpu.memory_space<vmem>>, vector<16xf32>,
          tpu.vector_store %arg9[%swap3A_409], %gather3A_408 {strides = array<i32>} : memref<4096xf32, #tpu.memory_space<vmem>>, vector<16xf32>,
          %add3A_411 = arith.constant 10 : i32
          %add3A_412 = arith.addi %add3A_321, %add3A_411 : i32
          %mul3A_413 = arith.constant 16 : i32
          %mul3A_414 = arith.muli %add3A_412, %mul3A_413 : i32
          %get3A_415 = arith.index_cast %mul3A_414 : i32 to index
          %get3A_416 = tpu.vector_load %arg6[%get3A_415] {strides = array<i32>} : memref<4096xi32, #tpu.memory_space<vmem>>, vector<16xi32>,
          %gather3A_417 = tpu.vector_load_idx %arg5[%get3A_416] : memref<100000xf32, #tpu.memory_space<vmem>>[vector<16xi32>], vector<16xf32>,
          %swap3A_418 = arith.index_cast %mul3A_414 : i32 to index
          %swap3A_419 = tpu.vector_load %arg9[%swap3A_418] {strides = array<i32>} : memref<4096xf32, #tpu.memory_space<vmem>>, vector<16xf32>,
          tpu.vector_store %arg9[%swap3A_418], %gather3A_417 {strides = array<i32>} : memref<4096xf32, #tpu.memory_space<vmem>>, vector<16xf32>,
          %add3A_420 = arith.constant 11 : i32
          %add3A_421 = arith.addi %add3A_321, %add3A_420 : i32
          %mul3A_422 = arith.constant 16 : i32
          %mul3A_423 = arith.muli %add3A_421, %mul3A_422 : i32
          %get3A_424 = arith.index_cast %mul3A_423 : i32 to index
          %get3A_425 = tpu.vector_load %arg6[%get3A_424] {strides = array<i32>} : memref<4096xi32, #tpu.memory_space<vmem>>, vector<16xi32>,
          %gather3A_426 = tpu.vector_load_idx %arg5[%get3A_425] : memref<100000xf32, #tpu.memory_space<vmem>>[vector<16xi32>], vector<16xf32>,
          %swap3A_427 = arith.index_cast %mul3A_423 : i32 to index
          %swap3A_428 = tpu.vector_load %arg9[%swap3A_427] {strides = array<i32>} : memref<4096xf32, #tpu.memory_space<vmem>>, vector<16xf32>,
          tpu.vector_store %arg9[%swap3A_427], %gather3A_426 {strides = array<i32>} : memref<4096xf32, #tpu.memory_space<vmem>>, vector<16xf32>,
          %add3A_429 = arith.constant 12 : i32
          %add3A_430 = arith.addi %add3A_321, %add3A_429 : i32
          %mul3A_431 = arith.constant 16 : i32
          %mul3A_432 = arith.muli %add3A_430, %mul3A_431 : i32
          %get3A_433 = arith.index_cast %mul3A_432 : i32 to index
          %get3A_434 = tpu.vector_load %arg6[%get3A_433] {strides = array<i32>} : memref<4096xi32, #tpu.memory_space<vmem>>, vector<16xi32>,
          %gather3A_435 = tpu.vector_load_idx %arg5[%get3A_434] : memref<100000xf32, #tpu.memory_space<vmem>>[vector<16xi32>], vector<16xf32>,
          %swap3A_436 = arith.index_cast %mul3A_432 : i32 to index
          %swap3A_437 = tpu.vector_load %arg9[%swap3A_436] {strides = array<i32>} : memref<4096xf32, #tpu.memory_space<vmem>>, vector<16xf32>,
          tpu.vector_store %arg9[%swap3A_436], %gather3A_435 {strides = array<i32>} : memref<4096xf32, #tpu.memory_space<vmem>>, vector<16xf32>,
          %add3A_438 = arith.constant 13 : i32
          %add3A_439 = arith.addi %add3A_321, %add3A_438 : i32
          %mul3A_440 = arith.constant 16 : i32
          %mul3A_441 = arith.muli %add3A_439, %mul3A_440 : i32
          %get3A_442 = arith.index_cast %mul3A_441 : i32 to index
          %get3A_443 = tpu.vector_load %arg6[%get3A_442] {strides = array<i32>} : memref<4096xi32, #tpu.memory_space<vmem>>, vector<16xi32>,
          %gather3A_444 = tpu.vector_load_idx %arg5[%get3A_443] : memref<100000xf32, #tpu.memory_space<vmem>>[vector<16xi32>], vector<16xf32>,
          %swap3A_445 = arith.index_cast %mul3A_441 : i32 to index
          %swap3A_446 = tpu.vector_load %arg9[%swap3A_445] {strides = array<i32>} : memref<4096xf32, #tpu.memory_space<vmem>>, vector<16xf32>,
          tpu.vector_store %arg9[%swap3A_445], %gather3A_444 {strides = array<i32>} : memref<4096xf32, #tpu.memory_space<vmem>>, vector<16xf32>,
          %add3A_447 = arith.constant 14 : i32
          %add3A_448 = arith.addi %add3A_321, %add3A_447 : i32
          %mul3A_449 = arith.constant 16 : i32
          %mul3A_450 = arith.muli %add3A_448, %mul3A_449 : i32
          %get3A_451 = arith.index_cast %mul3A_450 : i32 to index
          %get3A_452 = tpu.vector_load %arg6[%get3A_451] {strides = array<i32>} : memref<4096xi32, #tpu.memory_space<vmem>>, vector<16xi32>,
          %gather3A_453 = tpu.vector_load_idx %arg5[%get3A_452] : memref<100000xf32, #tpu.memory_space<vmem>>[vector<16xi32>], vector<16xf32>,
          %swap3A_454 = arith.index_cast %mul3A_450 : i32 to index
          %swap3A_455 = tpu.vector_load %arg9[%swap3A_454] {strides = array<i32>} : memref<4096xf32, #tpu.memory_space<vmem>>, vector<16xf32>,
          tpu.vector_store %arg9[%swap3A_454], %gather3A_453 {strides = array<i32>} : memref<4096xf32, #tpu.memory_space<vmem>>, vector<16xf32>,
          %add3A_456 = arith.constant 15 : i32
          %add3A_457 = arith.addi %add3A_321, %add3A_456 : i32
          %mul3A_458 = arith.constant 16 : i32
          %mul3A_459 = arith.muli %add3A_457, %mul3A_458 : i32
          %get3A_460 = arith.index_cast %mul3A_459 : i32 to index
          %get3A_461 = tpu.vector_load %arg6[%get3A_460] {strides = array<i32>} : memref<4096xi32, #tpu.memory_space<vmem>>, vector<16xi32>,
          %gather3A_462 = tpu.vector_load_idx %arg5[%get3A_461] : memref<100000xf32, #tpu.memory_space<vmem>>[vector<16xi32>], vector<16xf32>,
          %swap3A_463 = arith.index_cast %mul3A_459 : i32 to index
          %swap3A_464 = tpu.vector_load %arg9[%swap3A_463] {strides = array<i32>} : memref<4096xf32, #tpu.memory_space<vmem>>, vector<16xf32>,
          tpu.vector_store %arg9[%swap3A_463], %gather3A_462 {strides = array<i32>} : memref<4096xf32, #tpu.memory_space<vmem>>, vector<16xf32>,
        }
        %scan3A_263 = arith.constant 16 : i32
        %add3A_264 = arith.addi %select_n3A_32, %add3A_232 : i32
        %jit3A_265 = arith.constant 4 : i32
        %div3A_266 = arith.divsi %add3A_264, %jit3A_265 : i32
        %sign3A_267 = arith.constant 0 : i32
        %sign3A_268 = arith.cmpi sgt, %add3A_264, %sign3A_267 : i32
        %sign3A_269 = arith.extui %sign3A_268 : i1 to i32
        %sign3A_270 = arith.constant 0 : i32
        %sign3A_271 = arith.cmpi slt, %add3A_264, %sign3A_270 : i32
        %sign3A_272 = arith.extui %sign3A_271 : i1 to i32
        %sign3A_273 = arith.subi %sign3A_269, %sign3A_272 : i32
        %sign3A_274 = arith.constant 0 : i32
        %sign3A_275 = arith.cmpi sgt, %jit3A_265, %sign3A_274 : i32
        %sign3A_276 = arith.extui %sign3A_275 : i1 to i32
        %sign3A_277 = arith.constant 0 : i32
        %sign3A_278 = arith.cmpi slt, %jit3A_265, %sign3A_277 : i32
        %sign3A_279 = arith.extui %sign3A_278 : i1 to i32
        %sign3A_280 = arith.subi %sign3A_276, %sign3A_279 : i32
        %ne3A_281 = arith.cmpi ne, %sign3A_273, %sign3A_280 : i32
        %rem3A_282 = arith.remsi %add3A_264, %jit3A_265 : i32
        %ne3A_283 = arith.constant 0 : i32
        %ne3A_284 = arith.cmpi ne, %rem3A_282, %ne3A_283 : i32
        %and3A_285 = arith.andi %ne3A_281, %ne3A_284 : i1
        %sub3A_286 = arith.constant 1 : i32
        %sub3A_287 = arith.subi %div3A_266, %sub3A_286 : i32
        %select_n3A_288 = arith.select %and3A_285, %sub3A_287, %div3A_266 : i32
        %jit3A_289 = arith.constant 4 : i32
        %eq3A_290 = arith.constant 0 : i32
        %eq3A_291 = arith.cmpi eq, %jit3A_289, %eq3A_290 : i32
        %jit3A_292 = arith.constant 1 : i32
        %select_n3A_293 = arith.select %eq3A_291, %jit3A_292, %jit3A_289 : i32
        %rem3A_294 = arith.remsi %add3A_264, %select_n3A_293 : i32
        %ne3A_295 = arith.constant 0 : i32
        %ne3A_296 = arith.cmpi ne, %rem3A_294, %ne3A_295 : i32
        %lt3A_297 = arith.constant 0 : i32
        %lt3A_298 = arith.cmpi slt, %rem3A_294, %lt3A_297 : i32
        %lt3A_299 = arith.constant 0 : i32
        %lt3A_300 = arith.cmpi slt, %select_n3A_293, %lt3A_299 : i32
        %ne3A_301 = arith.xori %lt3A_298, %lt3A_300 : i1
        %and3A_302 = arith.andi %ne3A_301, %ne3A_296 : i1
        %add3A_303 = arith.addi %rem3A_294, %select_n3A_293 : i32
        %select_n3A_304 = arith.select %and3A_302, %add3A_303, %rem3A_294 : i32
        %mul3A_305 = arith.constant 4096 : i32
        %mul3A_306 = arith.muli %select_n3A_304, %mul3A_305 : i32
        %dma_start3A_307 = tpu.memref_slice %arg4[%select_n3A, %select_n3A_288, %mul3A_306] : memref<20x30x16384xf32, #tpu.memory_space<hbm>> -> memref<1x1x4096xf32, #tpu.memory_space<hbm>>
        %dma_start3A_308 = tpu.memref_squeeze %dma_start3A_307 : memref<1x1x4096xf32, #tpu.memory_space<hbm>> -> memref<4096xf32, #tpu.memory_space<hbm>>
        %dma_start3A_309 = tpu.memref_slice %arg4[%select_n3A, %select_n3A_288, %mul3A_306] : memref<20x30x16384xf32, #tpu.memory_space<hbm>> -> memref<1x1x4096xf32, #tpu.memory_space<hbm>>
        %dma_start3A_310 = tpu.memref_squeeze %dma_start3A_309 : memref<1x1x4096xf32, #tpu.memory_space<hbm>> -> memref<4096xf32, #tpu.memory_space<hbm>>
        tpu.enqueue_dma source(%arg9 : memref<4096xf32, #tpu.memory_space<vmem>>) target(%dma_start3A_310 : memref<4096xf32, #tpu.memory_space<hbm>>) target_semaphore(%arg15 : memref<!tpu.dma_semaphore, #tpu.memory_space<semaphore_mem>>)
        %add3A_311 = arith.constant 3 : i32
        %add3A_312 = arith.addi %add3A_232, %add3A_311 : i32
        %lt3A_313 = arith.cmpi slt, %add3A_312, %min3A_35 : i32
        %convert_element_type3A_314 = arith.extui %lt3A_313 : i1 to i32
        %cond3A_315 = arith.constant 0 : i32
        %cond3A_316 = arith.cmpi ne, %convert_element_type3A_314, %cond3A_315 : i32
        scf.if %cond3A_316 {
          %add3A_317 = arith.constant 3 : i32
          %add3A_318 = arith.addi %add3A_232, %add3A_317 : i32
          %add3A_319 = arith.addi %select_n3A_32, %add3A_318 : i32
          %jit3A_320 = arith.constant 4 : i32
          %div3A_321 = arith.divsi %add3A_319, %jit3A_320 : i32
          %sign3A_322 = arith.constant 0 : i32
          %sign3A_323 = arith.cmpi sgt, %add3A_319, %sign3A_322 : i32
          %sign3A_324 = arith.extui %sign3A_323 : i1 to i32
          %sign3A_325 = arith.constant 0 : i32
          %sign3A_326 = arith.cmpi slt, %add3A_319, %sign3A_325 : i32
          %sign3A_327 = arith.extui %sign3A_326 : i1 to i32
          %sign3A_328 = arith.subi %sign3A_324, %sign3A_327 : i32
          %sign3A_329 = arith.constant 0 : i32
          %sign3A_330 = arith.cmpi sgt, %jit3A_320, %sign3A_329 : i32
          %sign3A_331 = arith.extui %sign3A_330 : i1 to i32
          %sign3A_332 = arith.constant 0 : i32
          %sign3A_333 = arith.cmpi slt, %jit3A_320, %sign3A_332 : i32
          %sign3A_334 = arith.extui %sign3A_333 : i1 to i32
          %sign3A_335 = arith.subi %sign3A_331, %sign3A_334 : i32
          %ne3A_336 = arith.cmpi ne, %sign3A_328, %sign3A_335 : i32
          %rem3A_337 = arith.remsi %add3A_319, %jit3A_320 : i32
          %ne3A_338 = arith.constant 0 : i32
          %ne3A_339 = arith.cmpi ne, %rem3A_337, %ne3A_338 : i32
          %and3A_340 = arith.andi %ne3A_336, %ne3A_339 : i1
          %sub3A_341 = arith.constant 1 : i32
          %sub3A_342 = arith.subi %div3A_321, %sub3A_341 : i32
          %select_n3A_343 = arith.select %and3A_340, %sub3A_342, %div3A_321 : i32
          %jit3A_344 = arith.constant 4 : i32
          %eq3A_345 = arith.constant 0 : i32
          %eq3A_346 = arith.cmpi eq, %jit3A_344, %eq3A_345 : i32
          %jit3A_347 = arith.constant 1 : i32
          %select_n3A_348 = arith.select %eq3A_346, %jit3A_347, %jit3A_344 : i32
          %rem3A_349 = arith.remsi %add3A_319, %select_n3A_348 : i32
          %ne3A_350 = arith.constant 0 : i32
          %ne3A_351 = arith.cmpi ne, %rem3A_349, %ne3A_350 : i32
          %lt3A_352 = arith.constant 0 : i32
          %lt3A_353 = arith.cmpi slt, %rem3A_349, %lt3A_352 : i32
          %lt3A_354 = arith.constant 0 : i32
          %lt3A_355 = arith.cmpi slt, %select_n3A_348, %lt3A_354 : i32
          %ne3A_356 = arith.xori %lt3A_353, %lt3A_355 : i1
          %and3A_357 = arith.andi %ne3A_356, %ne3A_351 : i1
          %add3A_358 = arith.addi %rem3A_349, %select_n3A_348 : i32
          %select_n3A_359 = arith.select %and3A_357, %add3A_358, %rem3A_349 : i32
          %mul3A_360 = arith.constant 4096 : i32
          %mul3A_361 = arith.muli %select_n3A_359, %mul3A_360 : i32
          %dma_start3A_362 = tpu.memref_slice %arg3[%select_n3A_343, %mul3A_361] : memref<30x16384xi32, #tpu.memory_space<hbm>> -> memref<1x4096xi32, #tpu.memory_space<hbm>>
          %dma_start3A_363 = tpu.memref_squeeze %dma_start3A_362 : memref<1x4096xi32, #tpu.memory_space<hbm>> -> memref<4096xi32, #tpu.memory_space<hbm>>
          %dma_start3A_364 = tpu.memref_slice %arg3[%select_n3A_343, %mul3A_361] : memref<30x16384xi32, #tpu.memory_space<hbm>> -> memref<1x4096xi32, #tpu.memory_space<hbm>>
          %dma_start3A_365 = tpu.memref_squeeze %dma_start3A_364 : memref<1x4096xi32, #tpu.memory_space<hbm>> -> memref<4096xi32, #tpu.memory_space<hbm>>
          tpu.enqueue_dma source(%dma_start3A_365 : memref<4096xi32, #tpu.memory_space<hbm>>) target(%arg6 : memref<4096xi32, #tpu.memory_space<vmem>>) target_semaphore(%arg12 : memref<!tpu.dma_semaphore, #tpu.memory_space<semaphore_mem>>)
        } else {
        }
      } else {
      }
      %add3A_237 = arith.constant 1 : i32
      %add3A_238 = arith.addi %add3A_230, %add3A_237 : i32
      %lt3A_239 = arith.cmpi slt, %add3A_238, %min3A_35 : i32
      %convert_element_type3A_240 = arith.extui %lt3A_239 : i1 to i32
      %cond3A_241 = arith.constant 0 : i32
      %cond3A_242 = arith.cmpi ne, %convert_element_type3A_240, %cond3A_241 : i32
      scf.if %cond3A_242 {
        %dma_wait3A_249 = arith.constant 0 : i32
        %dma_wait3A_250 = arith.constant 0 : i32
        %dma_wait3A_251 = tpu.memref_slice %arg3[%dma_wait3A_249, %dma_wait3A_250] : memref<30x16384xi32, #tpu.memory_space<hbm>> -> memref<1x4096xi32, #tpu.memory_space<hbm>>
        %dma_wait3A_252 = tpu.memref_squeeze %dma_wait3A_251 : memref<1x4096xi32, #tpu.memory_space<hbm>> -> memref<4096xi32, #tpu.memory_space<hbm>>
        %dma_wait3A_253 = arith.constant 0 : i32
        %dma_wait3A_254 = tpu.memref_slice %arg3[%dma_wait3A_249, %dma_wait3A_253] : memref<30x16384xi32, #tpu.memory_space<hbm>> -> memref<1x4096xi32, #tpu.memory_space<hbm>>
        %dma_wait3A_255 = tpu.memref_squeeze %dma_wait3A_254 : memref<1x4096xi32, #tpu.memory_space<hbm>> -> memref<4096xi32, #tpu.memory_space<hbm>>
        tpu.wait_dma2 semaphore(%arg13 : memref<!tpu.dma_semaphore, #tpu.memory_space<semaphore_mem>>) src(%dma_wait3A_255 : memref<4096xi32, #tpu.memory_space<hbm>>) dst(%arg7 : memref<4096xi32, #tpu.memory_space<vmem>>)
        %ge3A = arith.constant 3 : i32
        %ge3A_256 = arith.cmpi sge, %add3A_238, %ge3A : i32
        %convert_element_type3A_257 = arith.extui %ge3A_256 : i1 to i32
        %cond3A_258 = arith.constant 0 : i32
        %cond3A_259 = arith.cmpi ne, %convert_element_type3A_257, %cond3A_258 : i32
        scf.if %cond3A_259 {
          %dma_wait3A_317 = arith.constant 0 : i32
          %dma_wait3A_318 = arith.constant 0 : i32
          %dma_wait3A_319 = tpu.memref_slice %arg4[%select_n3A, %dma_wait3A_317, %dma_wait3A_318] : memref<20x30x16384xf32, #tpu.memory_space<hbm>> -> memref<1x1x4096xf32, #tpu.memory_space<hbm>>
          %dma_wait3A_320 = tpu.memref_squeeze %dma_wait3A_319 : memref<1x1x4096xf32, #tpu.memory_space<hbm>> -> memref<4096xf32, #tpu.memory_space<hbm>>
          %dma_wait3A_321 = arith.constant 0 : i32
          %dma_wait3A_322 = tpu.memref_slice %arg4[%select_n3A, %dma_wait3A_317, %dma_wait3A_321] : memref<20x30x16384xf32, #tpu.memory_space<hbm>> -> memref<1x1x4096xf32, #tpu.memory_space<hbm>>
          %dma_wait3A_323 = tpu.memref_squeeze %dma_wait3A_322 : memref<1x1x4096xf32, #tpu.memory_space<hbm>> -> memref<4096xf32, #tpu.memory_space<hbm>>
          tpu.wait_dma2 semaphore(%arg16 : memref<!tpu.dma_semaphore, #tpu.memory_space<semaphore_mem>>) src(%arg10 : memref<4096xf32, #tpu.memory_space<vmem>>) dst(%dma_wait3A_323 : memref<4096xf32, #tpu.memory_space<hbm>>)
        } else {
        }
        %scan3A = arith.constant 0 : i32
        %scan3A_260 = arith.constant 16 : i32
        %scan3A_261 = arith.addi %scan3A, %scan3A_260 : i32
        %scan3A_262 = arith.constant 1 : i32
        scf.for %scan3A_317 = %scan3A to %scan3A_261 step %scan3A_262  : i32 {
          %mul3A_318 = arith.constant 16 : i32
          %mul3A_319 = arith.muli %scan3A_317, %mul3A_318 : i32
          %add3A_320 = arith.constant 0 : i32
          %add3A_321 = arith.addi %add3A_320, %mul3A_319 : i32
          %add3A_322 = arith.constant 0 : i32
          %add3A_323 = arith.addi %add3A_321, %add3A_322 : i32
          %mul3A_324 = arith.constant 16 : i32
          %mul3A_325 = arith.muli %add3A_323, %mul3A_324 : i32
          %get3A_326 = arith.index_cast %mul3A_325 : i32 to index
          %get3A_327 = tpu.vector_load %arg7[%get3A_326] {strides = array<i32>} : memref<4096xi32, #tpu.memory_space<vmem>>, vector<16xi32>,
          %gather3A = tpu.vector_load_idx %arg5[%get3A_327] : memref<100000xf32, #tpu.memory_space<vmem>>[vector<16xi32>], vector<16xf32>,
          %swap3A_328 = arith.index_cast %mul3A_325 : i32 to index
          %swap3A_329 = tpu.vector_load %arg10[%swap3A_328] {strides = array<i32>} : memref<4096xf32, #tpu.memory_space<vmem>>, vector<16xf32>,
          tpu.vector_store %arg10[%swap3A_328], %gather3A {strides = array<i32>} : memref<4096xf32, #tpu.memory_space<vmem>>, vector<16xf32>,
          %add3A_330 = arith.constant 1 : i32
          %add3A_331 = arith.addi %add3A_321, %add3A_330 : i32
          %mul3A_332 = arith.constant 16 : i32
          %mul3A_333 = arith.muli %add3A_331, %mul3A_332 : i32
          %get3A_334 = arith.index_cast %mul3A_333 : i32 to index
          %get3A_335 = tpu.vector_load %arg7[%get3A_334] {strides = array<i32>} : memref<4096xi32, #tpu.memory_space<vmem>>, vector<16xi32>,
          %gather3A_336 = tpu.vector_load_idx %arg5[%get3A_335] : memref<100000xf32, #tpu.memory_space<vmem>>[vector<16xi32>], vector<16xf32>,
          %swap3A_337 = arith.index_cast %mul3A_333 : i32 to index
          %swap3A_338 = tpu.vector_load %arg10[%swap3A_337] {strides = array<i32>} : memref<4096xf32, #tpu.memory_space<vmem>>, vector<16xf32>,
          tpu.vector_store %arg10[%swap3A_337], %gather3A_336 {strides = array<i32>} : memref<4096xf32, #tpu.memory_space<vmem>>, vector<16xf32>,
          %add3A_339 = arith.constant 2 : i32
          %add3A_340 = arith.addi %add3A_321, %add3A_339 : i32
          %mul3A_341 = arith.constant 16 : i32
          %mul3A_342 = arith.muli %add3A_340, %mul3A_341 : i32
          %get3A_343 = arith.index_cast %mul3A_342 : i32 to index
          %get3A_344 = tpu.vector_load %arg7[%get3A_343] {strides = array<i32>} : memref<4096xi32, #tpu.memory_space<vmem>>, vector<16xi32>,
          %gather3A_345 = tpu.vector_load_idx %arg5[%get3A_344] : memref<100000xf32, #tpu.memory_space<vmem>>[vector<16xi32>], vector<16xf32>,
          %swap3A_346 = arith.index_cast %mul3A_342 : i32 to index
          %swap3A_347 = tpu.vector_load %arg10[%swap3A_346] {strides = array<i32>} : memref<4096xf32, #tpu.memory_space<vmem>>, vector<16xf32>,
          tpu.vector_store %arg10[%swap3A_346], %gather3A_345 {strides = array<i32>} : memref<4096xf32, #tpu.memory_space<vmem>>, vector<16xf32>,
          %add3A_348 = arith.constant 3 : i32
          %add3A_349 = arith.addi %add3A_321, %add3A_348 : i32
          %mul3A_350 = arith.constant 16 : i32
          %mul3A_351 = arith.muli %add3A_349, %mul3A_350 : i32
          %get3A_352 = arith.index_cast %mul3A_351 : i32 to index
          %get3A_353 = tpu.vector_load %arg7[%get3A_352] {strides = array<i32>} : memref<4096xi32, #tpu.memory_space<vmem>>, vector<16xi32>,
          %gather3A_354 = tpu.vector_load_idx %arg5[%get3A_353] : memref<100000xf32, #tpu.memory_space<vmem>>[vector<16xi32>], vector<16xf32>,
          %swap3A_355 = arith.index_cast %mul3A_351 : i32 to index
          %swap3A_356 = tpu.vector_load %arg10[%swap3A_355] {strides = array<i32>} : memref<4096xf32, #tpu.memory_space<vmem>>, vector<16xf32>,
          tpu.vector_store %arg10[%swap3A_355], %gather3A_354 {strides = array<i32>} : memref<4096xf32, #tpu.memory_space<vmem>>, vector<16xf32>,
          %add3A_357 = arith.constant 4 : i32
          %add3A_358 = arith.addi %add3A_321, %add3A_357 : i32
          %mul3A_359 = arith.constant 16 : i32
          %mul3A_360 = arith.muli %add3A_358, %mul3A_359 : i32
          %get3A_361 = arith.index_cast %mul3A_360 : i32 to index
          %get3A_362 = tpu.vector_load %arg7[%get3A_361] {strides = array<i32>} : memref<4096xi32, #tpu.memory_space<vmem>>, vector<16xi32>,
          %gather3A_363 = tpu.vector_load_idx %arg5[%get3A_362] : memref<100000xf32, #tpu.memory_space<vmem>>[vector<16xi32>], vector<16xf32>,
          %swap3A_364 = arith.index_cast %mul3A_360 : i32 to index
          %swap3A_365 = tpu.vector_load %arg10[%swap3A_364] {strides = array<i32>} : memref<4096xf32, #tpu.memory_space<vmem>>, vector<16xf32>,
          tpu.vector_store %arg10[%swap3A_364], %gather3A_363 {strides = array<i32>} : memref<4096xf32, #tpu.memory_space<vmem>>, vector<16xf32>,
          %add3A_366 = arith.constant 5 : i32
          %add3A_367 = arith.addi %add3A_321, %add3A_366 : i32
          %mul3A_368 = arith.constant 16 : i32
          %mul3A_369 = arith.muli %add3A_367, %mul3A_368 : i32
          %get3A_370 = arith.index_cast %mul3A_369 : i32 to index
          %get3A_371 = tpu.vector_load %arg7[%get3A_370] {strides = array<i32>} : memref<4096xi32, #tpu.memory_space<vmem>>, vector<16xi32>,
          %gather3A_372 = tpu.vector_load_idx %arg5[%get3A_371] : memref<100000xf32, #tpu.memory_space<vmem>>[vector<16xi32>], vector<16xf32>,
          %swap3A_373 = arith.index_cast %mul3A_369 : i32 to index
          %swap3A_374 = tpu.vector_load %arg10[%swap3A_373] {strides = array<i32>} : memref<4096xf32, #tpu.memory_space<vmem>>, vector<16xf32>,
          tpu.vector_store %arg10[%swap3A_373], %gather3A_372 {strides = array<i32>} : memref<4096xf32, #tpu.memory_space<vmem>>, vector<16xf32>,
          %add3A_375 = arith.constant 6 : i32
          %add3A_376 = arith.addi %add3A_321, %add3A_375 : i32
          %mul3A_377 = arith.constant 16 : i32
          %mul3A_378 = arith.muli %add3A_376, %mul3A_377 : i32
          %get3A_379 = arith.index_cast %mul3A_378 : i32 to index
          %get3A_380 = tpu.vector_load %arg7[%get3A_379] {strides = array<i32>} : memref<4096xi32, #tpu.memory_space<vmem>>, vector<16xi32>,
          %gather3A_381 = tpu.vector_load_idx %arg5[%get3A_380] : memref<100000xf32, #tpu.memory_space<vmem>>[vector<16xi32>], vector<16xf32>,
          %swap3A_382 = arith.index_cast %mul3A_378 : i32 to index
          %swap3A_383 = tpu.vector_load %arg10[%swap3A_382] {strides = array<i32>} : memref<4096xf32, #tpu.memory_space<vmem>>, vector<16xf32>,
          tpu.vector_store %arg10[%swap3A_382], %gather3A_381 {strides = array<i32>} : memref<4096xf32, #tpu.memory_space<vmem>>, vector<16xf32>,
          %add3A_384 = arith.constant 7 : i32
          %add3A_385 = arith.addi %add3A_321, %add3A_384 : i32
          %mul3A_386 = arith.constant 16 : i32
          %mul3A_387 = arith.muli %add3A_385, %mul3A_386 : i32
          %get3A_388 = arith.index_cast %mul3A_387 : i32 to index
          %get3A_389 = tpu.vector_load %arg7[%get3A_388] {strides = array<i32>} : memref<4096xi32, #tpu.memory_space<vmem>>, vector<16xi32>,
          %gather3A_390 = tpu.vector_load_idx %arg5[%get3A_389] : memref<100000xf32, #tpu.memory_space<vmem>>[vector<16xi32>], vector<16xf32>,
          %swap3A_391 = arith.index_cast %mul3A_387 : i32 to index
          %swap3A_392 = tpu.vector_load %arg10[%swap3A_391] {strides = array<i32>} : memref<4096xf32, #tpu.memory_space<vmem>>, vector<16xf32>,
          tpu.vector_store %arg10[%swap3A_391], %gather3A_390 {strides = array<i32>} : memref<4096xf32, #tpu.memory_space<vmem>>, vector<16xf32>,
          %add3A_393 = arith.constant 8 : i32
          %add3A_394 = arith.addi %add3A_321, %add3A_393 : i32
          %mul3A_395 = arith.constant 16 : i32
          %mul3A_396 = arith.muli %add3A_394, %mul3A_395 : i32
          %get3A_397 = arith.index_cast %mul3A_396 : i32 to index
          %get3A_398 = tpu.vector_load %arg7[%get3A_397] {strides = array<i32>} : memref<4096xi32, #tpu.memory_space<vmem>>, vector<16xi32>,
          %gather3A_399 = tpu.vector_load_idx %arg5[%get3A_398] : memref<100000xf32, #tpu.memory_space<vmem>>[vector<16xi32>], vector<16xf32>,
          %swap3A_400 = arith.index_cast %mul3A_396 : i32 to index
          %swap3A_401 = tpu.vector_load %arg10[%swap3A_400] {strides = array<i32>} : memref<4096xf32, #tpu.memory_space<vmem>>, vector<16xf32>,
          tpu.vector_store %arg10[%swap3A_400], %gather3A_399 {strides = array<i32>} : memref<4096xf32, #tpu.memory_space<vmem>>, vector<16xf32>,
          %add3A_402 = arith.constant 9 : i32
          %add3A_403 = arith.addi %add3A_321, %add3A_402 : i32
          %mul3A_404 = arith.constant 16 : i32
          %mul3A_405 = arith.muli %add3A_403, %mul3A_404 : i32
          %get3A_406 = arith.index_cast %mul3A_405 : i32 to index
          %get3A_407 = tpu.vector_load %arg7[%get3A_406] {strides = array<i32>} : memref<4096xi32, #tpu.memory_space<vmem>>, vector<16xi32>,
          %gather3A_408 = tpu.vector_load_idx %arg5[%get3A_407] : memref<100000xf32, #tpu.memory_space<vmem>>[vector<16xi32>], vector<16xf32>,
          %swap3A_409 = arith.index_cast %mul3A_405 : i32 to index
          %swap3A_410 = tpu.vector_load %arg10[%swap3A_409] {strides = array<i32>} : memref<4096xf32, #tpu.memory_space<vmem>>, vector<16xf32>,
          tpu.vector_store %arg10[%swap3A_409], %gather3A_408 {strides = array<i32>} : memref<4096xf32, #tpu.memory_space<vmem>>, vector<16xf32>,
          %add3A_411 = arith.constant 10 : i32
          %add3A_412 = arith.addi %add3A_321, %add3A_411 : i32
          %mul3A_413 = arith.constant 16 : i32
          %mul3A_414 = arith.muli %add3A_412, %mul3A_413 : i32
          %get3A_415 = arith.index_cast %mul3A_414 : i32 to index
          %get3A_416 = tpu.vector_load %arg7[%get3A_415] {strides = array<i32>} : memref<4096xi32, #tpu.memory_space<vmem>>, vector<16xi32>,
          %gather3A_417 = tpu.vector_load_idx %arg5[%get3A_416] : memref<100000xf32, #tpu.memory_space<vmem>>[vector<16xi32>], vector<16xf32>,
          %swap3A_418 = arith.index_cast %mul3A_414 : i32 to index
          %swap3A_419 = tpu.vector_load %arg10[%swap3A_418] {strides = array<i32>} : memref<4096xf32, #tpu.memory_space<vmem>>, vector<16xf32>,
          tpu.vector_store %arg10[%swap3A_418], %gather3A_417 {strides = array<i32>} : memref<4096xf32, #tpu.memory_space<vmem>>, vector<16xf32>,
          %add3A_420 = arith.constant 11 : i32
          %add3A_421 = arith.addi %add3A_321, %add3A_420 : i32
          %mul3A_422 = arith.constant 16 : i32
          %mul3A_423 = arith.muli %add3A_421, %mul3A_422 : i32
          %get3A_424 = arith.index_cast %mul3A_423 : i32 to index
          %get3A_425 = tpu.vector_load %arg7[%get3A_424] {strides = array<i32>} : memref<4096xi32, #tpu.memory_space<vmem>>, vector<16xi32>,
          %gather3A_426 = tpu.vector_load_idx %arg5[%get3A_425] : memref<100000xf32, #tpu.memory_space<vmem>>[vector<16xi32>], vector<16xf32>,
          %swap3A_427 = arith.index_cast %mul3A_423 : i32 to index
          %swap3A_428 = tpu.vector_load %arg10[%swap3A_427] {strides = array<i32>} : memref<4096xf32, #tpu.memory_space<vmem>>, vector<16xf32>,
          tpu.vector_store %arg10[%swap3A_427], %gather3A_426 {strides = array<i32>} : memref<4096xf32, #tpu.memory_space<vmem>>, vector<16xf32>,
          %add3A_429 = arith.constant 12 : i32
          %add3A_430 = arith.addi %add3A_321, %add3A_429 : i32
          %mul3A_431 = arith.constant 16 : i32
          %mul3A_432 = arith.muli %add3A_430, %mul3A_431 : i32
          %get3A_433 = arith.index_cast %mul3A_432 : i32 to index
          %get3A_434 = tpu.vector_load %arg7[%get3A_433] {strides = array<i32>} : memref<4096xi32, #tpu.memory_space<vmem>>, vector<16xi32>,
          %gather3A_435 = tpu.vector_load_idx %arg5[%get3A_434] : memref<100000xf32, #tpu.memory_space<vmem>>[vector<16xi32>], vector<16xf32>,
          %swap3A_436 = arith.index_cast %mul3A_432 : i32 to index
          %swap3A_437 = tpu.vector_load %arg10[%swap3A_436] {strides = array<i32>} : memref<4096xf32, #tpu.memory_space<vmem>>, vector<16xf32>,
          tpu.vector_store %arg10[%swap3A_436], %gather3A_435 {strides = array<i32>} : memref<4096xf32, #tpu.memory_space<vmem>>, vector<16xf32>,
          %add3A_438 = arith.constant 13 : i32
          %add3A_439 = arith.addi %add3A_321, %add3A_438 : i32
          %mul3A_440 = arith.constant 16 : i32
          %mul3A_441 = arith.muli %add3A_439, %mul3A_440 : i32
          %get3A_442 = arith.index_cast %mul3A_441 : i32 to index
          %get3A_443 = tpu.vector_load %arg7[%get3A_442] {strides = array<i32>} : memref<4096xi32, #tpu.memory_space<vmem>>, vector<16xi32>,
          %gather3A_444 = tpu.vector_load_idx %arg5[%get3A_443] : memref<100000xf32, #tpu.memory_space<vmem>>[vector<16xi32>], vector<16xf32>,
          %swap3A_445 = arith.index_cast %mul3A_441 : i32 to index
          %swap3A_446 = tpu.vector_load %arg10[%swap3A_445] {strides = array<i32>} : memref<4096xf32, #tpu.memory_space<vmem>>, vector<16xf32>,
          tpu.vector_store %arg10[%swap3A_445], %gather3A_444 {strides = array<i32>} : memref<4096xf32, #tpu.memory_space<vmem>>, vector<16xf32>,
          %add3A_447 = arith.constant 14 : i32
          %add3A_448 = arith.addi %add3A_321, %add3A_447 : i32
          %mul3A_449 = arith.constant 16 : i32
          %mul3A_450 = arith.muli %add3A_448, %mul3A_449 : i32
          %get3A_451 = arith.index_cast %mul3A_450 : i32 to index
          %get3A_452 = tpu.vector_load %arg7[%get3A_451] {strides = array<i32>} : memref<4096xi32, #tpu.memory_space<vmem>>, vector<16xi32>,
          %gather3A_453 = tpu.vector_load_idx %arg5[%get3A_452] : memref<100000xf32, #tpu.memory_space<vmem>>[vector<16xi32>], vector<16xf32>,
          %swap3A_454 = arith.index_cast %mul3A_450 : i32 to index
          %swap3A_455 = tpu.vector_load %arg10[%swap3A_454] {strides = array<i32>} : memref<4096xf32, #tpu.memory_space<vmem>>, vector<16xf32>,
          tpu.vector_store %arg10[%swap3A_454], %gather3A_453 {strides = array<i32>} : memref<4096xf32, #tpu.memory_space<vmem>>, vector<16xf32>,
          %add3A_456 = arith.constant 15 : i32
          %add3A_457 = arith.addi %add3A_321, %add3A_456 : i32
          %mul3A_458 = arith.constant 16 : i32
          %mul3A_459 = arith.muli %add3A_457, %mul3A_458 : i32
          %get3A_460 = arith.index_cast %mul3A_459 : i32 to index
          %get3A_461 = tpu.vector_load %arg7[%get3A_460] {strides = array<i32>} : memref<4096xi32, #tpu.memory_space<vmem>>, vector<16xi32>,
          %gather3A_462 = tpu.vector_load_idx %arg5[%get3A_461] : memref<100000xf32, #tpu.memory_space<vmem>>[vector<16xi32>], vector<16xf32>,
          %swap3A_463 = arith.index_cast %mul3A_459 : i32 to index
          %swap3A_464 = tpu.vector_load %arg10[%swap3A_463] {strides = array<i32>} : memref<4096xf32, #tpu.memory_space<vmem>>, vector<16xf32>,
          tpu.vector_store %arg10[%swap3A_463], %gather3A_462 {strides = array<i32>} : memref<4096xf32, #tpu.memory_space<vmem>>, vector<16xf32>,
        }
        %scan3A_263 = arith.constant 16 : i32
        %add3A_264 = arith.addi %select_n3A_32, %add3A_238 : i32
        %jit3A_265 = arith.constant 4 : i32
        %div3A_266 = arith.divsi %add3A_264, %jit3A_265 : i32
        %sign3A_267 = arith.constant 0 : i32
        %sign3A_268 = arith.cmpi sgt, %add3A_264, %sign3A_267 : i32
        %sign3A_269 = arith.extui %sign3A_268 : i1 to i32
        %sign3A_270 = arith.constant 0 : i32
        %sign3A_271 = arith.cmpi slt, %add3A_264, %sign3A_270 : i32
        %sign3A_272 = arith.extui %sign3A_271 : i1 to i32
        %sign3A_273 = arith.subi %sign3A_269, %sign3A_272 : i32
        %sign3A_274 = arith.constant 0 : i32
        %sign3A_275 = arith.cmpi sgt, %jit3A_265, %sign3A_274 : i32
        %sign3A_276 = arith.extui %sign3A_275 : i1 to i32
        %sign3A_277 = arith.constant 0 : i32
        %sign3A_278 = arith.cmpi slt, %jit3A_265, %sign3A_277 : i32
        %sign3A_279 = arith.extui %sign3A_278 : i1 to i32
        %sign3A_280 = arith.subi %sign3A_276, %sign3A_279 : i32
        %ne3A_281 = arith.cmpi ne, %sign3A_273, %sign3A_280 : i32
        %rem3A_282 = arith.remsi %add3A_264, %jit3A_265 : i32
        %ne3A_283 = arith.constant 0 : i32
        %ne3A_284 = arith.cmpi ne, %rem3A_282, %ne3A_283 : i32
        %and3A_285 = arith.andi %ne3A_281, %ne3A_284 : i1
        %sub3A_286 = arith.constant 1 : i32
        %sub3A_287 = arith.subi %div3A_266, %sub3A_286 : i32
        %select_n3A_288 = arith.select %and3A_285, %sub3A_287, %div3A_266 : i32
        %jit3A_289 = arith.constant 4 : i32
        %eq3A_290 = arith.constant 0 : i32
        %eq3A_291 = arith.cmpi eq, %jit3A_289, %eq3A_290 : i32
        %jit3A_292 = arith.constant 1 : i32
        %select_n3A_293 = arith.select %eq3A_291, %jit3A_292, %jit3A_289 : i32
        %rem3A_294 = arith.remsi %add3A_264, %select_n3A_293 : i32
        %ne3A_295 = arith.constant 0 : i32
        %ne3A_296 = arith.cmpi ne, %rem3A_294, %ne3A_295 : i32
        %lt3A_297 = arith.constant 0 : i32
        %lt3A_298 = arith.cmpi slt, %rem3A_294, %lt3A_297 : i32
        %lt3A_299 = arith.constant 0 : i32
        %lt3A_300 = arith.cmpi slt, %select_n3A_293, %lt3A_299 : i32
        %ne3A_301 = arith.xori %lt3A_298, %lt3A_300 : i1
        %and3A_302 = arith.andi %ne3A_301, %ne3A_296 : i1
        %add3A_303 = arith.addi %rem3A_294, %select_n3A_293 : i32
        %select_n3A_304 = arith.select %and3A_302, %add3A_303, %rem3A_294 : i32
        %mul3A_305 = arith.constant 4096 : i32
        %mul3A_306 = arith.muli %select_n3A_304, %mul3A_305 : i32
        %dma_start3A_307 = tpu.memref_slice %arg4[%select_n3A, %select_n3A_288, %mul3A_306] : memref<20x30x16384xf32, #tpu.memory_space<hbm>> -> memref<1x1x4096xf32, #tpu.memory_space<hbm>>
        %dma_start3A_308 = tpu.memref_squeeze %dma_start3A_307 : memref<1x1x4096xf32, #tpu.memory_space<hbm>> -> memref<4096xf32, #tpu.memory_space<hbm>>
        %dma_start3A_309 = tpu.memref_slice %arg4[%select_n3A, %select_n3A_288, %mul3A_306] : memref<20x30x16384xf32, #tpu.memory_space<hbm>> -> memref<1x1x4096xf32, #tpu.memory_space<hbm>>
        %dma_start3A_310 = tpu.memref_squeeze %dma_start3A_309 : memref<1x1x4096xf32, #tpu.memory_space<hbm>> -> memref<4096xf32, #tpu.memory_space<hbm>>
        tpu.enqueue_dma source(%arg10 : memref<4096xf32, #tpu.memory_space<vmem>>) target(%dma_start3A_310 : memref<4096xf32, #tpu.memory_space<hbm>>) target_semaphore(%arg16 : memref<!tpu.dma_semaphore, #tpu.memory_space<semaphore_mem>>)
        %add3A_311 = arith.constant 3 : i32
        %add3A_312 = arith.addi %add3A_238, %add3A_311 : i32
        %lt3A_313 = arith.cmpi slt, %add3A_312, %min3A_35 : i32
        %convert_element_type3A_314 = arith.extui %lt3A_313 : i1 to i32
        %cond3A_315 = arith.constant 0 : i32
        %cond3A_316 = arith.cmpi ne, %convert_element_type3A_314, %cond3A_315 : i32
        scf.if %cond3A_316 {
          %add3A_317 = arith.constant 3 : i32
          %add3A_318 = arith.addi %add3A_238, %add3A_317 : i32
          %add3A_319 = arith.addi %select_n3A_32, %add3A_318 : i32
          %jit3A_320 = arith.constant 4 : i32
          %div3A_321 = arith.divsi %add3A_319, %jit3A_320 : i32
          %sign3A_322 = arith.constant 0 : i32
          %sign3A_323 = arith.cmpi sgt, %add3A_319, %sign3A_322 : i32
          %sign3A_324 = arith.extui %sign3A_323 : i1 to i32
          %sign3A_325 = arith.constant 0 : i32
          %sign3A_326 = arith.cmpi slt, %add3A_319, %sign3A_325 : i32
          %sign3A_327 = arith.extui %sign3A_326 : i1 to i32
          %sign3A_328 = arith.subi %sign3A_324, %sign3A_327 : i32
          %sign3A_329 = arith.constant 0 : i32
          %sign3A_330 = arith.cmpi sgt, %jit3A_320, %sign3A_329 : i32
          %sign3A_331 = arith.extui %sign3A_330 : i1 to i32
          %sign3A_332 = arith.constant 0 : i32
          %sign3A_333 = arith.cmpi slt, %jit3A_320, %sign3A_332 : i32
          %sign3A_334 = arith.extui %sign3A_333 : i1 to i32
          %sign3A_335 = arith.subi %sign3A_331, %sign3A_334 : i32
          %ne3A_336 = arith.cmpi ne, %sign3A_328, %sign3A_335 : i32
          %rem3A_337 = arith.remsi %add3A_319, %jit3A_320 : i32
          %ne3A_338 = arith.constant 0 : i32
          %ne3A_339 = arith.cmpi ne, %rem3A_337, %ne3A_338 : i32
          %and3A_340 = arith.andi %ne3A_336, %ne3A_339 : i1
          %sub3A_341 = arith.constant 1 : i32
          %sub3A_342 = arith.subi %div3A_321, %sub3A_341 : i32
          %select_n3A_343 = arith.select %and3A_340, %sub3A_342, %div3A_321 : i32
          %jit3A_344 = arith.constant 4 : i32
          %eq3A_345 = arith.constant 0 : i32
          %eq3A_346 = arith.cmpi eq, %jit3A_344, %eq3A_345 : i32
          %jit3A_347 = arith.constant 1 : i32
          %select_n3A_348 = arith.select %eq3A_346, %jit3A_347, %jit3A_344 : i32
          %rem3A_349 = arith.remsi %add3A_319, %select_n3A_348 : i32
          %ne3A_350 = arith.constant 0 : i32
          %ne3A_351 = arith.cmpi ne, %rem3A_349, %ne3A_350 : i32
          %lt3A_352 = arith.constant 0 : i32
          %lt3A_353 = arith.cmpi slt, %rem3A_349, %lt3A_352 : i32
          %lt3A_354 = arith.constant 0 : i32
          %lt3A_355 = arith.cmpi slt, %select_n3A_348, %lt3A_354 : i32
          %ne3A_356 = arith.xori %lt3A_353, %lt3A_355 : i1
          %and3A_357 = arith.andi %ne3A_356, %ne3A_351 : i1
          %add3A_358 = arith.addi %rem3A_349, %select_n3A_348 : i32
          %select_n3A_359 = arith.select %and3A_357, %add3A_358, %rem3A_349 : i32
          %mul3A_360 = arith.constant 4096 : i32
          %mul3A_361 = arith.muli %select_n3A_359, %mul3A_360 : i32
          %dma_start3A_362 = tpu.memref_slice %arg3[%select_n3A_343, %mul3A_361] : memref<30x16384xi32, #tpu.memory_space<hbm>> -> memref<1x4096xi32, #tpu.memory_space<hbm>>
          %dma_start3A_363 = tpu.memref_squeeze %dma_start3A_362 : memref<1x4096xi32, #tpu.memory_space<hbm>> -> memref<4096xi32, #tpu.memory_space<hbm>>
          %dma_start3A_364 = tpu.memref_slice %arg3[%select_n3A_343, %mul3A_361] : memref<30x16384xi32, #tpu.memory_space<hbm>> -> memref<1x4096xi32, #tpu.memory_space<hbm>>
          %dma_start3A_365 = tpu.memref_squeeze %dma_start3A_364 : memref<1x4096xi32, #tpu.memory_space<hbm>> -> memref<4096xi32, #tpu.memory_space<hbm>>
          tpu.enqueue_dma source(%dma_start3A_365 : memref<4096xi32, #tpu.memory_space<hbm>>) target(%arg7 : memref<4096xi32, #tpu.memory_space<vmem>>) target_semaphore(%arg13 : memref<!tpu.dma_semaphore, #tpu.memory_space<semaphore_mem>>)
        } else {
        }
      } else {
      }
      %add3A_243 = arith.constant 2 : i32
      %add3A_244 = arith.addi %add3A_230, %add3A_243 : i32
      %lt3A_245 = arith.cmpi slt, %add3A_244, %min3A_35 : i32
      %convert_element_type3A_246 = arith.extui %lt3A_245 : i1 to i32
      %cond3A_247 = arith.constant 0 : i32
      %cond3A_248 = arith.cmpi ne, %convert_element_type3A_246, %cond3A_247 : i32
      scf.if %cond3A_248 {
        %dma_wait3A_249 = arith.constant 0 : i32
        %dma_wait3A_250 = arith.constant 0 : i32
        %dma_wait3A_251 = tpu.memref_slice %arg3[%dma_wait3A_249, %dma_wait3A_250] : memref<30x16384xi32, #tpu.memory_space<hbm>> -> memref<1x4096xi32, #tpu.memory_space<hbm>>
        %dma_wait3A_252 = tpu.memref_squeeze %dma_wait3A_251 : memref<1x4096xi32, #tpu.memory_space<hbm>> -> memref<4096xi32, #tpu.memory_space<hbm>>
        %dma_wait3A_253 = arith.constant 0 : i32
        %dma_wait3A_254 = tpu.memref_slice %arg3[%dma_wait3A_249, %dma_wait3A_253] : memref<30x16384xi32, #tpu.memory_space<hbm>> -> memref<1x4096xi32, #tpu.memory_space<hbm>>
        %dma_wait3A_255 = tpu.memref_squeeze %dma_wait3A_254 : memref<1x4096xi32, #tpu.memory_space<hbm>> -> memref<4096xi32, #tpu.memory_space<hbm>>
        tpu.wait_dma2 semaphore(%arg14 : memref<!tpu.dma_semaphore, #tpu.memory_space<semaphore_mem>>) src(%dma_wait3A_255 : memref<4096xi32, #tpu.memory_space<hbm>>) dst(%arg8 : memref<4096xi32, #tpu.memory_space<vmem>>)
        %ge3A = arith.constant 3 : i32
        %ge3A_256 = arith.cmpi sge, %add3A_244, %ge3A : i32
        %convert_element_type3A_257 = arith.extui %ge3A_256 : i1 to i32
        %cond3A_258 = arith.constant 0 : i32
        %cond3A_259 = arith.cmpi ne, %convert_element_type3A_257, %cond3A_258 : i32
        scf.if %cond3A_259 {
          %dma_wait3A_317 = arith.constant 0 : i32
          %dma_wait3A_318 = arith.constant 0 : i32
          %dma_wait3A_319 = tpu.memref_slice %arg4[%select_n3A, %dma_wait3A_317, %dma_wait3A_318] : memref<20x30x16384xf32, #tpu.memory_space<hbm>> -> memref<1x1x4096xf32, #tpu.memory_space<hbm>>
          %dma_wait3A_320 = tpu.memref_squeeze %dma_wait3A_319 : memref<1x1x4096xf32, #tpu.memory_space<hbm>> -> memref<4096xf32, #tpu.memory_space<hbm>>
          %dma_wait3A_321 = arith.constant 0 : i32
          %dma_wait3A_322 = tpu.memref_slice %arg4[%select_n3A, %dma_wait3A_317, %dma_wait3A_321] : memref<20x30x16384xf32, #tpu.memory_space<hbm>> -> memref<1x1x4096xf32, #tpu.memory_space<hbm>>
          %dma_wait3A_323 = tpu.memref_squeeze %dma_wait3A_322 : memref<1x1x4096xf32, #tpu.memory_space<hbm>> -> memref<4096xf32, #tpu.memory_space<hbm>>
          tpu.wait_dma2 semaphore(%arg17 : memref<!tpu.dma_semaphore, #tpu.memory_space<semaphore_mem>>) src(%arg11 : memref<4096xf32, #tpu.memory_space<vmem>>) dst(%dma_wait3A_323 : memref<4096xf32, #tpu.memory_space<hbm>>)
        } else {
        }
        %scan3A = arith.constant 0 : i32
        %scan3A_260 = arith.constant 16 : i32
        %scan3A_261 = arith.addi %scan3A, %scan3A_260 : i32
        %scan3A_262 = arith.constant 1 : i32
        scf.for %scan3A_317 = %scan3A to %scan3A_261 step %scan3A_262  : i32 {
          %mul3A_318 = arith.constant 16 : i32
          %mul3A_319 = arith.muli %scan3A_317, %mul3A_318 : i32
          %add3A_320 = arith.constant 0 : i32
          %add3A_321 = arith.addi %add3A_320, %mul3A_319 : i32
          %add3A_322 = arith.constant 0 : i32
          %add3A_323 = arith.addi %add3A_321, %add3A_322 : i32
          %mul3A_324 = arith.constant 16 : i32
          %mul3A_325 = arith.muli %add3A_323, %mul3A_324 : i32
          %get3A_326 = arith.index_cast %mul3A_325 : i32 to index
          %get3A_327 = tpu.vector_load %arg8[%get3A_326] {strides = array<i32>} : memref<4096xi32, #tpu.memory_space<vmem>>, vector<16xi32>,
          %gather3A = tpu.vector_load_idx %arg5[%get3A_327] : memref<100000xf32, #tpu.memory_space<vmem>>[vector<16xi32>], vector<16xf32>,
          %swap3A_328 = arith.index_cast %mul3A_325 : i32 to index
          %swap3A_329 = tpu.vector_load %arg11[%swap3A_328] {strides = array<i32>} : memref<4096xf32, #tpu.memory_space<vmem>>, vector<16xf32>,
          tpu.vector_store %arg11[%swap3A_328], %gather3A {strides = array<i32>} : memref<4096xf32, #tpu.memory_space<vmem>>, vector<16xf32>,
          %add3A_330 = arith.constant 1 : i32
          %add3A_331 = arith.addi %add3A_321, %add3A_330 : i32
          %mul3A_332 = arith.constant 16 : i32
          %mul3A_333 = arith.muli %add3A_331, %mul3A_332 : i32
          %get3A_334 = arith.index_cast %mul3A_333 : i32 to index
          %get3A_335 = tpu.vector_load %arg8[%get3A_334] {strides = array<i32>} : memref<4096xi32, #tpu.memory_space<vmem>>, vector<16xi32>,
          %gather3A_336 = tpu.vector_load_idx %arg5[%get3A_335] : memref<100000xf32, #tpu.memory_space<vmem>>[vector<16xi32>], vector<16xf32>,
          %swap3A_337 = arith.index_cast %mul3A_333 : i32 to index
          %swap3A_338 = tpu.vector_load %arg11[%swap3A_337] {strides = array<i32>} : memref<4096xf32, #tpu.memory_space<vmem>>, vector<16xf32>,
          tpu.vector_store %arg11[%swap3A_337], %gather3A_336 {strides = array<i32>} : memref<4096xf32, #tpu.memory_space<vmem>>, vector<16xf32>,
          %add3A_339 = arith.constant 2 : i32
          %add3A_340 = arith.addi %add3A_321, %add3A_339 : i32
          %mul3A_341 = arith.constant 16 : i32
          %mul3A_342 = arith.muli %add3A_340, %mul3A_341 : i32
          %get3A_343 = arith.index_cast %mul3A_342 : i32 to index
          %get3A_344 = tpu.vector_load %arg8[%get3A_343] {strides = array<i32>} : memref<4096xi32, #tpu.memory_space<vmem>>, vector<16xi32>,
          %gather3A_345 = tpu.vector_load_idx %arg5[%get3A_344] : memref<100000xf32, #tpu.memory_space<vmem>>[vector<16xi32>], vector<16xf32>,
          %swap3A_346 = arith.index_cast %mul3A_342 : i32 to index
          %swap3A_347 = tpu.vector_load %arg11[%swap3A_346] {strides = array<i32>} : memref<4096xf32, #tpu.memory_space<vmem>>, vector<16xf32>,
          tpu.vector_store %arg11[%swap3A_346], %gather3A_345 {strides = array<i32>} : memref<4096xf32, #tpu.memory_space<vmem>>, vector<16xf32>,
          %add3A_348 = arith.constant 3 : i32
          %add3A_349 = arith.addi %add3A_321, %add3A_348 : i32
          %mul3A_350 = arith.constant 16 : i32
          %mul3A_351 = arith.muli %add3A_349, %mul3A_350 : i32
          %get3A_352 = arith.index_cast %mul3A_351 : i32 to index
          %get3A_353 = tpu.vector_load %arg8[%get3A_352] {strides = array<i32>} : memref<4096xi32, #tpu.memory_space<vmem>>, vector<16xi32>,
          %gather3A_354 = tpu.vector_load_idx %arg5[%get3A_353] : memref<100000xf32, #tpu.memory_space<vmem>>[vector<16xi32>], vector<16xf32>,
          %swap3A_355 = arith.index_cast %mul3A_351 : i32 to index
          %swap3A_356 = tpu.vector_load %arg11[%swap3A_355] {strides = array<i32>} : memref<4096xf32, #tpu.memory_space<vmem>>, vector<16xf32>,
          tpu.vector_store %arg11[%swap3A_355], %gather3A_354 {strides = array<i32>} : memref<4096xf32, #tpu.memory_space<vmem>>, vector<16xf32>,
          %add3A_357 = arith.constant 4 : i32
          %add3A_358 = arith.addi %add3A_321, %add3A_357 : i32
          %mul3A_359 = arith.constant 16 : i32
          %mul3A_360 = arith.muli %add3A_358, %mul3A_359 : i32
          %get3A_361 = arith.index_cast %mul3A_360 : i32 to index
          %get3A_362 = tpu.vector_load %arg8[%get3A_361] {strides = array<i32>} : memref<4096xi32, #tpu.memory_space<vmem>>, vector<16xi32>,
          %gather3A_363 = tpu.vector_load_idx %arg5[%get3A_362] : memref<100000xf32, #tpu.memory_space<vmem>>[vector<16xi32>], vector<16xf32>,
          %swap3A_364 = arith.index_cast %mul3A_360 : i32 to index
          %swap3A_365 = tpu.vector_load %arg11[%swap3A_364] {strides = array<i32>} : memref<4096xf32, #tpu.memory_space<vmem>>, vector<16xf32>,
          tpu.vector_store %arg11[%swap3A_364], %gather3A_363 {strides = array<i32>} : memref<4096xf32, #tpu.memory_space<vmem>>, vector<16xf32>,
          %add3A_366 = arith.constant 5 : i32
          %add3A_367 = arith.addi %add3A_321, %add3A_366 : i32
          %mul3A_368 = arith.constant 16 : i32
          %mul3A_369 = arith.muli %add3A_367, %mul3A_368 : i32
          %get3A_370 = arith.index_cast %mul3A_369 : i32 to index
          %get3A_371 = tpu.vector_load %arg8[%get3A_370] {strides = array<i32>} : memref<4096xi32, #tpu.memory_space<vmem>>, vector<16xi32>,
          %gather3A_372 = tpu.vector_load_idx %arg5[%get3A_371] : memref<100000xf32, #tpu.memory_space<vmem>>[vector<16xi32>], vector<16xf32>,
          %swap3A_373 = arith.index_cast %mul3A_369 : i32 to index
          %swap3A_374 = tpu.vector_load %arg11[%swap3A_373] {strides = array<i32>} : memref<4096xf32, #tpu.memory_space<vmem>>, vector<16xf32>,
          tpu.vector_store %arg11[%swap3A_373], %gather3A_372 {strides = array<i32>} : memref<4096xf32, #tpu.memory_space<vmem>>, vector<16xf32>,
          %add3A_375 = arith.constant 6 : i32
          %add3A_376 = arith.addi %add3A_321, %add3A_375 : i32
          %mul3A_377 = arith.constant 16 : i32
          %mul3A_378 = arith.muli %add3A_376, %mul3A_377 : i32
          %get3A_379 = arith.index_cast %mul3A_378 : i32 to index
          %get3A_380 = tpu.vector_load %arg8[%get3A_379] {strides = array<i32>} : memref<4096xi32, #tpu.memory_space<vmem>>, vector<16xi32>,
          %gather3A_381 = tpu.vector_load_idx %arg5[%get3A_380] : memref<100000xf32, #tpu.memory_space<vmem>>[vector<16xi32>], vector<16xf32>,
          %swap3A_382 = arith.index_cast %mul3A_378 : i32 to index
          %swap3A_383 = tpu.vector_load %arg11[%swap3A_382] {strides = array<i32>} : memref<4096xf32, #tpu.memory_space<vmem>>, vector<16xf32>,
          tpu.vector_store %arg11[%swap3A_382], %gather3A_381 {strides = array<i32>} : memref<4096xf32, #tpu.memory_space<vmem>>, vector<16xf32>,
          %add3A_384 = arith.constant 7 : i32
          %add3A_385 = arith.addi %add3A_321, %add3A_384 : i32
          %mul3A_386 = arith.constant 16 : i32
          %mul3A_387 = arith.muli %add3A_385, %mul3A_386 : i32
          %get3A_388 = arith.index_cast %mul3A_387 : i32 to index
          %get3A_389 = tpu.vector_load %arg8[%get3A_388] {strides = array<i32>} : memref<4096xi32, #tpu.memory_space<vmem>>, vector<16xi32>,
          %gather3A_390 = tpu.vector_load_idx %arg5[%get3A_389] : memref<100000xf32, #tpu.memory_space<vmem>>[vector<16xi32>], vector<16xf32>,
          %swap3A_391 = arith.index_cast %mul3A_387 : i32 to index
          %swap3A_392 = tpu.vector_load %arg11[%swap3A_391] {strides = array<i32>} : memref<4096xf32, #tpu.memory_space<vmem>>, vector<16xf32>,
          tpu.vector_store %arg11[%swap3A_391], %gather3A_390 {strides = array<i32>} : memref<4096xf32, #tpu.memory_space<vmem>>, vector<16xf32>,
          %add3A_393 = arith.constant 8 : i32
          %add3A_394 = arith.addi %add3A_321, %add3A_393 : i32
          %mul3A_395 = arith.constant 16 : i32
          %mul3A_396 = arith.muli %add3A_394, %mul3A_395 : i32
          %get3A_397 = arith.index_cast %mul3A_396 : i32 to index
          %get3A_398 = tpu.vector_load %arg8[%get3A_397] {strides = array<i32>} : memref<4096xi32, #tpu.memory_space<vmem>>, vector<16xi32>,
          %gather3A_399 = tpu.vector_load_idx %arg5[%get3A_398] : memref<100000xf32, #tpu.memory_space<vmem>>[vector<16xi32>], vector<16xf32>,
          %swap3A_400 = arith.index_cast %mul3A_396 : i32 to index
          %swap3A_401 = tpu.vector_load %arg11[%swap3A_400] {strides = array<i32>} : memref<4096xf32, #tpu.memory_space<vmem>>, vector<16xf32>,
          tpu.vector_store %arg11[%swap3A_400], %gather3A_399 {strides = array<i32>} : memref<4096xf32, #tpu.memory_space<vmem>>, vector<16xf32>,
          %add3A_402 = arith.constant 9 : i32
          %add3A_403 = arith.addi %add3A_321, %add3A_402 : i32
          %mul3A_404 = arith.constant 16 : i32
          %mul3A_405 = arith.muli %add3A_403, %mul3A_404 : i32
          %get3A_406 = arith.index_cast %mul3A_405 : i32 to index
          %get3A_407 = tpu.vector_load %arg8[%get3A_406] {strides = array<i32>} : memref<4096xi32, #tpu.memory_space<vmem>>, vector<16xi32>,
          %gather3A_408 = tpu.vector_load_idx %arg5[%get3A_407] : memref<100000xf32, #tpu.memory_space<vmem>>[vector<16xi32>], vector<16xf32>,
          %swap3A_409 = arith.index_cast %mul3A_405 : i32 to index
          %swap3A_410 = tpu.vector_load %arg11[%swap3A_409] {strides = array<i32>} : memref<4096xf32, #tpu.memory_space<vmem>>, vector<16xf32>,
          tpu.vector_store %arg11[%swap3A_409], %gather3A_408 {strides = array<i32>} : memref<4096xf32, #tpu.memory_space<vmem>>, vector<16xf32>,
          %add3A_411 = arith.constant 10 : i32
          %add3A_412 = arith.addi %add3A_321, %add3A_411 : i32
          %mul3A_413 = arith.constant 16 : i32
          %mul3A_414 = arith.muli %add3A_412, %mul3A_413 : i32
          %get3A_415 = arith.index_cast %mul3A_414 : i32 to index
          %get3A_416 = tpu.vector_load %arg8[%get3A_415] {strides = array<i32>} : memref<4096xi32, #tpu.memory_space<vmem>>, vector<16xi32>,
          %gather3A_417 = tpu.vector_load_idx %arg5[%get3A_416] : memref<100000xf32, #tpu.memory_space<vmem>>[vector<16xi32>], vector<16xf32>,
          %swap3A_418 = arith.index_cast %mul3A_414 : i32 to index
          %swap3A_419 = tpu.vector_load %arg11[%swap3A_418] {strides = array<i32>} : memref<4096xf32, #tpu.memory_space<vmem>>, vector<16xf32>,
          tpu.vector_store %arg11[%swap3A_418], %gather3A_417 {strides = array<i32>} : memref<4096xf32, #tpu.memory_space<vmem>>, vector<16xf32>,
          %add3A_420 = arith.constant 11 : i32
          %add3A_421 = arith.addi %add3A_321, %add3A_420 : i32
          %mul3A_422 = arith.constant 16 : i32
          %mul3A_423 = arith.muli %add3A_421, %mul3A_422 : i32
          %get3A_424 = arith.index_cast %mul3A_423 : i32 to index
          %get3A_425 = tpu.vector_load %arg8[%get3A_424] {strides = array<i32>} : memref<4096xi32, #tpu.memory_space<vmem>>, vector<16xi32>,
          %gather3A_426 = tpu.vector_load_idx %arg5[%get3A_425] : memref<100000xf32, #tpu.memory_space<vmem>>[vector<16xi32>], vector<16xf32>,
          %swap3A_427 = arith.index_cast %mul3A_423 : i32 to index
          %swap3A_428 = tpu.vector_load %arg11[%swap3A_427] {strides = array<i32>} : memref<4096xf32, #tpu.memory_space<vmem>>, vector<16xf32>,
          tpu.vector_store %arg11[%swap3A_427], %gather3A_426 {strides = array<i32>} : memref<4096xf32, #tpu.memory_space<vmem>>, vector<16xf32>,
          %add3A_429 = arith.constant 12 : i32
          %add3A_430 = arith.addi %add3A_321, %add3A_429 : i32
          %mul3A_431 = arith.constant 16 : i32
          %mul3A_432 = arith.muli %add3A_430, %mul3A_431 : i32
          %get3A_433 = arith.index_cast %mul3A_432 : i32 to index
          %get3A_434 = tpu.vector_load %arg8[%get3A_433] {strides = array<i32>} : memref<4096xi32, #tpu.memory_space<vmem>>, vector<16xi32>,
          %gather3A_435 = tpu.vector_load_idx %arg5[%get3A_434] : memref<100000xf32, #tpu.memory_space<vmem>>[vector<16xi32>], vector<16xf32>,
          %swap3A_436 = arith.index_cast %mul3A_432 : i32 to index
          %swap3A_437 = tpu.vector_load %arg11[%swap3A_436] {strides = array<i32>} : memref<4096xf32, #tpu.memory_space<vmem>>, vector<16xf32>,
          tpu.vector_store %arg11[%swap3A_436], %gather3A_435 {strides = array<i32>} : memref<4096xf32, #tpu.memory_space<vmem>>, vector<16xf32>,
          %add3A_438 = arith.constant 13 : i32
          %add3A_439 = arith.addi %add3A_321, %add3A_438 : i32
          %mul3A_440 = arith.constant 16 : i32
          %mul3A_441 = arith.muli %add3A_439, %mul3A_440 : i32
          %get3A_442 = arith.index_cast %mul3A_441 : i32 to index
          %get3A_443 = tpu.vector_load %arg8[%get3A_442] {strides = array<i32>} : memref<4096xi32, #tpu.memory_space<vmem>>, vector<16xi32>,
          %gather3A_444 = tpu.vector_load_idx %arg5[%get3A_443] : memref<100000xf32, #tpu.memory_space<vmem>>[vector<16xi32>], vector<16xf32>,
          %swap3A_445 = arith.index_cast %mul3A_441 : i32 to index
          %swap3A_446 = tpu.vector_load %arg11[%swap3A_445] {strides = array<i32>} : memref<4096xf32, #tpu.memory_space<vmem>>, vector<16xf32>,
          tpu.vector_store %arg11[%swap3A_445], %gather3A_444 {strides = array<i32>} : memref<4096xf32, #tpu.memory_space<vmem>>, vector<16xf32>,
          %add3A_447 = arith.constant 14 : i32
          %add3A_448 = arith.addi %add3A_321, %add3A_447 : i32
          %mul3A_449 = arith.constant 16 : i32
          %mul3A_450 = arith.muli %add3A_448, %mul3A_449 : i32
          %get3A_451 = arith.index_cast %mul3A_450 : i32 to index
          %get3A_452 = tpu.vector_load %arg8[%get3A_451] {strides = array<i32>} : memref<4096xi32, #tpu.memory_space<vmem>>, vector<16xi32>,
          %gather3A_453 = tpu.vector_load_idx %arg5[%get3A_452] : memref<100000xf32, #tpu.memory_space<vmem>>[vector<16xi32>], vector<16xf32>,
          %swap3A_454 = arith.index_cast %mul3A_450 : i32 to index
          %swap3A_455 = tpu.vector_load %arg11[%swap3A_454] {strides = array<i32>} : memref<4096xf32, #tpu.memory_space<vmem>>, vector<16xf32>,
          tpu.vector_store %arg11[%swap3A_454], %gather3A_453 {strides = array<i32>} : memref<4096xf32, #tpu.memory_space<vmem>>, vector<16xf32>,
          %add3A_456 = arith.constant 15 : i32
          %add3A_457 = arith.addi %add3A_321, %add3A_456 : i32
          %mul3A_458 = arith.constant 16 : i32
          %mul3A_459 = arith.muli %add3A_457, %mul3A_458 : i32
          %get3A_460 = arith.index_cast %mul3A_459 : i32 to index
          %get3A_461 = tpu.vector_load %arg8[%get3A_460] {strides = array<i32>} : memref<4096xi32, #tpu.memory_space<vmem>>, vector<16xi32>,
          %gather3A_462 = tpu.vector_load_idx %arg5[%get3A_461] : memref<100000xf32, #tpu.memory_space<vmem>>[vector<16xi32>], vector<16xf32>,
          %swap3A_463 = arith.index_cast %mul3A_459 : i32 to index
          %swap3A_464 = tpu.vector_load %arg11[%swap3A_463] {strides = array<i32>} : memref<4096xf32, #tpu.memory_space<vmem>>, vector<16xf32>,
          tpu.vector_store %arg11[%swap3A_463], %gather3A_462 {strides = array<i32>} : memref<4096xf32, #tpu.memory_space<vmem>>, vector<16xf32>,
        }
        %scan3A_263 = arith.constant 16 : i32
        %add3A_264 = arith.addi %select_n3A_32, %add3A_244 : i32
        %jit3A_265 = arith.constant 4 : i32
        %div3A_266 = arith.divsi %add3A_264, %jit3A_265 : i32
        %sign3A_267 = arith.constant 0 : i32
        %sign3A_268 = arith.cmpi sgt, %add3A_264, %sign3A_267 : i32
        %sign3A_269 = arith.extui %sign3A_268 : i1 to i32
        %sign3A_270 = arith.constant 0 : i32
        %sign3A_271 = arith.cmpi slt, %add3A_264, %sign3A_270 : i32
        %sign3A_272 = arith.extui %sign3A_271 : i1 to i32
        %sign3A_273 = arith.subi %sign3A_269, %sign3A_272 : i32
        %sign3A_274 = arith.constant 0 : i32
        %sign3A_275 = arith.cmpi sgt, %jit3A_265, %sign3A_274 : i32
        %sign3A_276 = arith.extui %sign3A_275 : i1 to i32
        %sign3A_277 = arith.constant 0 : i32
        %sign3A_278 = arith.cmpi slt, %jit3A_265, %sign3A_277 : i32
        %sign3A_279 = arith.extui %sign3A_278 : i1 to i32
        %sign3A_280 = arith.subi %sign3A_276, %sign3A_279 : i32
        %ne3A_281 = arith.cmpi ne, %sign3A_273, %sign3A_280 : i32
        %rem3A_282 = arith.remsi %add3A_264, %jit3A_265 : i32
        %ne3A_283 = arith.constant 0 : i32
        %ne3A_284 = arith.cmpi ne, %rem3A_282, %ne3A_283 : i32
        %and3A_285 = arith.andi %ne3A_281, %ne3A_284 : i1
        %sub3A_286 = arith.constant 1 : i32
        %sub3A_287 = arith.subi %div3A_266, %sub3A_286 : i32
        %select_n3A_288 = arith.select %and3A_285, %sub3A_287, %div3A_266 : i32
        %jit3A_289 = arith.constant 4 : i32
        %eq3A_290 = arith.constant 0 : i32
        %eq3A_291 = arith.cmpi eq, %jit3A_289, %eq3A_290 : i32
        %jit3A_292 = arith.constant 1 : i32
        %select_n3A_293 = arith.select %eq3A_291, %jit3A_292, %jit3A_289 : i32
        %rem3A_294 = arith.remsi %add3A_264, %select_n3A_293 : i32
        %ne3A_295 = arith.constant 0 : i32
        %ne3A_296 = arith.cmpi ne, %rem3A_294, %ne3A_295 : i32
        %lt3A_297 = arith.constant 0 : i32
        %lt3A_298 = arith.cmpi slt, %rem3A_294, %lt3A_297 : i32
        %lt3A_299 = arith.constant 0 : i32
        %lt3A_300 = arith.cmpi slt, %select_n3A_293, %lt3A_299 : i32
        %ne3A_301 = arith.xori %lt3A_298, %lt3A_300 : i1
        %and3A_302 = arith.andi %ne3A_301, %ne3A_296 : i1
        %add3A_303 = arith.addi %rem3A_294, %select_n3A_293 : i32
        %select_n3A_304 = arith.select %and3A_302, %add3A_303, %rem3A_294 : i32
        %mul3A_305 = arith.constant 4096 : i32
        %mul3A_306 = arith.muli %select_n3A_304, %mul3A_305 : i32
        %dma_start3A_307 = tpu.memref_slice %arg4[%select_n3A, %select_n3A_288, %mul3A_306] : memref<20x30x16384xf32, #tpu.memory_space<hbm>> -> memref<1x1x4096xf32, #tpu.memory_space<hbm>>
        %dma_start3A_308 = tpu.memref_squeeze %dma_start3A_307 : memref<1x1x4096xf32, #tpu.memory_space<hbm>> -> memref<4096xf32, #tpu.memory_space<hbm>>
        %dma_start3A_309 = tpu.memref_slice %arg4[%select_n3A, %select_n3A_288, %mul3A_306] : memref<20x30x16384xf32, #tpu.memory_space<hbm>> -> memref<1x1x4096xf32, #tpu.memory_space<hbm>>
        %dma_start3A_310 = tpu.memref_squeeze %dma_start3A_309 : memref<1x1x4096xf32, #tpu.memory_space<hbm>> -> memref<4096xf32, #tpu.memory_space<hbm>>
        tpu.enqueue_dma source(%arg11 : memref<4096xf32, #tpu.memory_space<vmem>>) target(%dma_start3A_310 : memref<4096xf32, #tpu.memory_space<hbm>>) target_semaphore(%arg17 : memref<!tpu.dma_semaphore, #tpu.memory_space<semaphore_mem>>)
        %add3A_311 = arith.constant 3 : i32
        %add3A_312 = arith.addi %add3A_244, %add3A_311 : i32
        %lt3A_313 = arith.cmpi slt, %add3A_312, %min3A_35 : i32
        %convert_element_type3A_314 = arith.extui %lt3A_313 : i1 to i32
        %cond3A_315 = arith.constant 0 : i32
        %cond3A_316 = arith.cmpi ne, %convert_element_type3A_314, %cond3A_315 : i32
        scf.if %cond3A_316 {
          %add3A_317 = arith.constant 3 : i32
          %add3A_318 = arith.addi %add3A_244, %add3A_317 : i32
          %add3A_319 = arith.addi %select_n3A_32, %add3A_318 : i32
          %jit3A_320 = arith.constant 4 : i32
          %div3A_321 = arith.divsi %add3A_319, %jit3A_320 : i32
          %sign3A_322 = arith.constant 0 : i32
          %sign3A_323 = arith.cmpi sgt, %add3A_319, %sign3A_322 : i32
          %sign3A_324 = arith.extui %sign3A_323 : i1 to i32
          %sign3A_325 = arith.constant 0 : i32
          %sign3A_326 = arith.cmpi slt, %add3A_319, %sign3A_325 : i32
          %sign3A_327 = arith.extui %sign3A_326 : i1 to i32
          %sign3A_328 = arith.subi %sign3A_324, %sign3A_327 : i32
          %sign3A_329 = arith.constant 0 : i32
          %sign3A_330 = arith.cmpi sgt, %jit3A_320, %sign3A_329 : i32
          %sign3A_331 = arith.extui %sign3A_330 : i1 to i32
          %sign3A_332 = arith.constant 0 : i32
          %sign3A_333 = arith.cmpi slt, %jit3A_320, %sign3A_332 : i32
          %sign3A_334 = arith.extui %sign3A_333 : i1 to i32
          %sign3A_335 = arith.subi %sign3A_331, %sign3A_334 : i32
          %ne3A_336 = arith.cmpi ne, %sign3A_328, %sign3A_335 : i32
          %rem3A_337 = arith.remsi %add3A_319, %jit3A_320 : i32
          %ne3A_338 = arith.constant 0 : i32
          %ne3A_339 = arith.cmpi ne, %rem3A_337, %ne3A_338 : i32
          %and3A_340 = arith.andi %ne3A_336, %ne3A_339 : i1
          %sub3A_341 = arith.constant 1 : i32
          %sub3A_342 = arith.subi %div3A_321, %sub3A_341 : i32
          %select_n3A_343 = arith.select %and3A_340, %sub3A_342, %div3A_321 : i32
          %jit3A_344 = arith.constant 4 : i32
          %eq3A_345 = arith.constant 0 : i32
          %eq3A_346 = arith.cmpi eq, %jit3A_344, %eq3A_345 : i32
          %jit3A_347 = arith.constant 1 : i32
          %select_n3A_348 = arith.select %eq3A_346, %jit3A_347, %jit3A_344 : i32
          %rem3A_349 = arith.remsi %add3A_319, %select_n3A_348 : i32
          %ne3A_350 = arith.constant 0 : i32
          %ne3A_351 = arith.cmpi ne, %rem3A_349, %ne3A_350 : i32
          %lt3A_352 = arith.constant 0 : i32
          %lt3A_353 = arith.cmpi slt, %rem3A_349, %lt3A_352 : i32
          %lt3A_354 = arith.constant 0 : i32
          %lt3A_355 = arith.cmpi slt, %select_n3A_348, %lt3A_354 : i32
          %ne3A_356 = arith.xori %lt3A_353, %lt3A_355 : i1
          %and3A_357 = arith.andi %ne3A_356, %ne3A_351 : i1
          %add3A_358 = arith.addi %rem3A_349, %select_n3A_348 : i32
          %select_n3A_359 = arith.select %and3A_357, %add3A_358, %rem3A_349 : i32
          %mul3A_360 = arith.constant 4096 : i32
          %mul3A_361 = arith.muli %select_n3A_359, %mul3A_360 : i32
          %dma_start3A_362 = tpu.memref_slice %arg3[%select_n3A_343, %mul3A_361] : memref<30x16384xi32, #tpu.memory_space<hbm>> -> memref<1x4096xi32, #tpu.memory_space<hbm>>
          %dma_start3A_363 = tpu.memref_squeeze %dma_start3A_362 : memref<1x4096xi32, #tpu.memory_space<hbm>> -> memref<4096xi32, #tpu.memory_space<hbm>>
          %dma_start3A_364 = tpu.memref_slice %arg3[%select_n3A_343, %mul3A_361] : memref<30x16384xi32, #tpu.memory_space<hbm>> -> memref<1x4096xi32, #tpu.memory_space<hbm>>
          %dma_start3A_365 = tpu.memref_squeeze %dma_start3A_364 : memref<1x4096xi32, #tpu.memory_space<hbm>> -> memref<4096xi32, #tpu.memory_space<hbm>>
          tpu.enqueue_dma source(%dma_start3A_365 : memref<4096xi32, #tpu.memory_space<hbm>>) target(%arg8 : memref<4096xi32, #tpu.memory_space<vmem>>) target_semaphore(%arg14 : memref<!tpu.dma_semaphore, #tpu.memory_space<semaphore_mem>>)
        } else {
        }
      } else {
      }
    }
    %while3A_205 = arith.constant 1 : i32
    scf.for %while3A_228 = %while3A_203 to %while3A_199 step %while3A_205  : i32 {
      %mul3A_229 = arith.muli %while3A_228, %while3A : i32
      %add3A_230 = arith.addi %while3A_196, %mul3A_229 : i32
      %add3A_231 = arith.constant 0 : i32
      %add3A_232 = arith.addi %add3A_230, %add3A_231 : i32
      %lt3A_233 = arith.cmpi slt, %add3A_232, %min3A_35 : i32
      %convert_element_type3A_234 = arith.extui %lt3A_233 : i1 to i32
      %cond3A_235 = arith.constant 0 : i32
      %cond3A_236 = arith.cmpi ne, %convert_element_type3A_234, %cond3A_235 : i32
      scf.if %cond3A_236 {
        %dma_wait3A_249 = arith.constant 0 : i32
        %dma_wait3A_250 = arith.constant 0 : i32
        %dma_wait3A_251 = tpu.memref_slice %arg3[%dma_wait3A_249, %dma_wait3A_250] : memref<30x16384xi32, #tpu.memory_space<hbm>> -> memref<1x4096xi32, #tpu.memory_space<hbm>>
        %dma_wait3A_252 = tpu.memref_squeeze %dma_wait3A_251 : memref<1x4096xi32, #tpu.memory_space<hbm>> -> memref<4096xi32, #tpu.memory_space<hbm>>
        %dma_wait3A_253 = arith.constant 0 : i32
        %dma_wait3A_254 = tpu.memref_slice %arg3[%dma_wait3A_249, %dma_wait3A_253] : memref<30x16384xi32, #tpu.memory_space<hbm>> -> memref<1x4096xi32, #tpu.memory_space<hbm>>
        %dma_wait3A_255 = tpu.memref_squeeze %dma_wait3A_254 : memref<1x4096xi32, #tpu.memory_space<hbm>> -> memref<4096xi32, #tpu.memory_space<hbm>>
        tpu.wait_dma2 semaphore(%arg12 : memref<!tpu.dma_semaphore, #tpu.memory_space<semaphore_mem>>) src(%dma_wait3A_255 : memref<4096xi32, #tpu.memory_space<hbm>>) dst(%arg6 : memref<4096xi32, #tpu.memory_space<vmem>>)
        %ge3A = arith.constant 3 : i32
        %ge3A_256 = arith.cmpi sge, %add3A_232, %ge3A : i32
        %convert_element_type3A_257 = arith.extui %ge3A_256 : i1 to i32
        %cond3A_258 = arith.constant 0 : i32
        %cond3A_259 = arith.cmpi ne, %convert_element_type3A_257, %cond3A_258 : i32
        scf.if %cond3A_259 {
          %dma_wait3A_317 = arith.constant 0 : i32
          %dma_wait3A_318 = arith.constant 0 : i32
          %dma_wait3A_319 = tpu.memref_slice %arg4[%select_n3A, %dma_wait3A_317, %dma_wait3A_318] : memref<20x30x16384xf32, #tpu.memory_space<hbm>> -> memref<1x1x4096xf32, #tpu.memory_space<hbm>>
          %dma_wait3A_320 = tpu.memref_squeeze %dma_wait3A_319 : memref<1x1x4096xf32, #tpu.memory_space<hbm>> -> memref<4096xf32, #tpu.memory_space<hbm>>
          %dma_wait3A_321 = arith.constant 0 : i32
          %dma_wait3A_322 = tpu.memref_slice %arg4[%select_n3A, %dma_wait3A_317, %dma_wait3A_321] : memref<20x30x16384xf32, #tpu.memory_space<hbm>> -> memref<1x1x4096xf32, #tpu.memory_space<hbm>>
          %dma_wait3A_323 = tpu.memref_squeeze %dma_wait3A_322 : memref<1x1x4096xf32, #tpu.memory_space<hbm>> -> memref<4096xf32, #tpu.memory_space<hbm>>
          tpu.wait_dma2 semaphore(%arg15 : memref<!tpu.dma_semaphore, #tpu.memory_space<semaphore_mem>>) src(%arg9 : memref<4096xf32, #tpu.memory_space<vmem>>) dst(%dma_wait3A_323 : memref<4096xf32, #tpu.memory_space<hbm>>)
        } else {
        }
        %scan3A = arith.constant 0 : i32
        %scan3A_260 = arith.constant 16 : i32
        %scan3A_261 = arith.addi %scan3A, %scan3A_260 : i32
        %scan3A_262 = arith.constant 1 : i32
        scf.for %scan3A_317 = %scan3A to %scan3A_261 step %scan3A_262  : i32 {
          %mul3A_318 = arith.constant 16 : i32
          %mul3A_319 = arith.muli %scan3A_317, %mul3A_318 : i32
          %add3A_320 = arith.constant 0 : i32
          %add3A_321 = arith.addi %add3A_320, %mul3A_319 : i32
          %add3A_322 = arith.constant 0 : i32
          %add3A_323 = arith.addi %add3A_321, %add3A_322 : i32
          %mul3A_324 = arith.constant 16 : i32
          %mul3A_325 = arith.muli %add3A_323, %mul3A_324 : i32
          %get3A_326 = arith.index_cast %mul3A_325 : i32 to index
          %get3A_327 = tpu.vector_load %arg6[%get3A_326] {strides = array<i32>} : memref<4096xi32, #tpu.memory_space<vmem>>, vector<16xi32>,
          %gather3A = tpu.vector_load_idx %arg5[%get3A_327] : memref<100000xf32, #tpu.memory_space<vmem>>[vector<16xi32>], vector<16xf32>,
          %swap3A_328 = arith.index_cast %mul3A_325 : i32 to index
          %swap3A_329 = tpu.vector_load %arg9[%swap3A_328] {strides = array<i32>} : memref<4096xf32, #tpu.memory_space<vmem>>, vector<16xf32>,
          tpu.vector_store %arg9[%swap3A_328], %gather3A {strides = array<i32>} : memref<4096xf32, #tpu.memory_space<vmem>>, vector<16xf32>,
          %add3A_330 = arith.constant 1 : i32
          %add3A_331 = arith.addi %add3A_321, %add3A_330 : i32
          %mul3A_332 = arith.constant 16 : i32
          %mul3A_333 = arith.muli %add3A_331, %mul3A_332 : i32
          %get3A_334 = arith.index_cast %mul3A_333 : i32 to index
          %get3A_335 = tpu.vector_load %arg6[%get3A_334] {strides = array<i32>} : memref<4096xi32, #tpu.memory_space<vmem>>, vector<16xi32>,
          %gather3A_336 = tpu.vector_load_idx %arg5[%get3A_335] : memref<100000xf32, #tpu.memory_space<vmem>>[vector<16xi32>], vector<16xf32>,
          %swap3A_337 = arith.index_cast %mul3A_333 : i32 to index
          %swap3A_338 = tpu.vector_load %arg9[%swap3A_337] {strides = array<i32>} : memref<4096xf32, #tpu.memory_space<vmem>>, vector<16xf32>,
          tpu.vector_store %arg9[%swap3A_337], %gather3A_336 {strides = array<i32>} : memref<4096xf32, #tpu.memory_space<vmem>>, vector<16xf32>,
          %add3A_339 = arith.constant 2 : i32
          %add3A_340 = arith.addi %add3A_321, %add3A_339 : i32
          %mul3A_341 = arith.constant 16 : i32
          %mul3A_342 = arith.muli %add3A_340, %mul3A_341 : i32
          %get3A_343 = arith.index_cast %mul3A_342 : i32 to index
          %get3A_344 = tpu.vector_load %arg6[%get3A_343] {strides = array<i32>} : memref<4096xi32, #tpu.memory_space<vmem>>, vector<16xi32>,
          %gather3A_345 = tpu.vector_load_idx %arg5[%get3A_344] : memref<100000xf32, #tpu.memory_space<vmem>>[vector<16xi32>], vector<16xf32>,
          %swap3A_346 = arith.index_cast %mul3A_342 : i32 to index
          %swap3A_347 = tpu.vector_load %arg9[%swap3A_346] {strides = array<i32>} : memref<4096xf32, #tpu.memory_space<vmem>>, vector<16xf32>,
          tpu.vector_store %arg9[%swap3A_346], %gather3A_345 {strides = array<i32>} : memref<4096xf32, #tpu.memory_space<vmem>>, vector<16xf32>,
          %add3A_348 = arith.constant 3 : i32
          %add3A_349 = arith.addi %add3A_321, %add3A_348 : i32
          %mul3A_350 = arith.constant 16 : i32
          %mul3A_351 = arith.muli %add3A_349, %mul3A_350 : i32
          %get3A_352 = arith.index_cast %mul3A_351 : i32 to index
          %get3A_353 = tpu.vector_load %arg6[%get3A_352] {strides = array<i32>} : memref<4096xi32, #tpu.memory_space<vmem>>, vector<16xi32>,
          %gather3A_354 = tpu.vector_load_idx %arg5[%get3A_353] : memref<100000xf32, #tpu.memory_space<vmem>>[vector<16xi32>], vector<16xf32>,
          %swap3A_355 = arith.index_cast %mul3A_351 : i32 to index
          %swap3A_356 = tpu.vector_load %arg9[%swap3A_355] {strides = array<i32>} : memref<4096xf32, #tpu.memory_space<vmem>>, vector<16xf32>,
          tpu.vector_store %arg9[%swap3A_355], %gather3A_354 {strides = array<i32>} : memref<4096xf32, #tpu.memory_space<vmem>>, vector<16xf32>,
          %add3A_357 = arith.constant 4 : i32
          %add3A_358 = arith.addi %add3A_321, %add3A_357 : i32
          %mul3A_359 = arith.constant 16 : i32
          %mul3A_360 = arith.muli %add3A_358, %mul3A_359 : i32
          %get3A_361 = arith.index_cast %mul3A_360 : i32 to index
          %get3A_362 = tpu.vector_load %arg6[%get3A_361] {strides = array<i32>} : memref<4096xi32, #tpu.memory_space<vmem>>, vector<16xi32>,
          %gather3A_363 = tpu.vector_load_idx %arg5[%get3A_362] : memref<100000xf32, #tpu.memory_space<vmem>>[vector<16xi32>], vector<16xf32>,
          %swap3A_364 = arith.index_cast %mul3A_360 : i32 to index
          %swap3A_365 = tpu.vector_load %arg9[%swap3A_364] {strides = array<i32>} : memref<4096xf32, #tpu.memory_space<vmem>>, vector<16xf32>,
          tpu.vector_store %arg9[%swap3A_364], %gather3A_363 {strides = array<i32>} : memref<4096xf32, #tpu.memory_space<vmem>>, vector<16xf32>,
          %add3A_366 = arith.constant 5 : i32
          %add3A_367 = arith.addi %add3A_321, %add3A_366 : i32
          %mul3A_368 = arith.constant 16 : i32
          %mul3A_369 = arith.muli %add3A_367, %mul3A_368 : i32
          %get3A_370 = arith.index_cast %mul3A_369 : i32 to index
          %get3A_371 = tpu.vector_load %arg6[%get3A_370] {strides = array<i32>} : memref<4096xi32, #tpu.memory_space<vmem>>, vector<16xi32>,
          %gather3A_372 = tpu.vector_load_idx %arg5[%get3A_371] : memref<100000xf32, #tpu.memory_space<vmem>>[vector<16xi32>], vector<16xf32>,
          %swap3A_373 = arith.index_cast %mul3A_369 : i32 to index
          %swap3A_374 = tpu.vector_load %arg9[%swap3A_373] {strides = array<i32>} : memref<4096xf32, #tpu.memory_space<vmem>>, vector<16xf32>,
          tpu.vector_store %arg9[%swap3A_373], %gather3A_372 {strides = array<i32>} : memref<4096xf32, #tpu.memory_space<vmem>>, vector<16xf32>,
          %add3A_375 = arith.constant 6 : i32
          %add3A_376 = arith.addi %add3A_321, %add3A_375 : i32
          %mul3A_377 = arith.constant 16 : i32
          %mul3A_378 = arith.muli %add3A_376, %mul3A_377 : i32
          %get3A_379 = arith.index_cast %mul3A_378 : i32 to index
          %get3A_380 = tpu.vector_load %arg6[%get3A_379] {strides = array<i32>} : memref<4096xi32, #tpu.memory_space<vmem>>, vector<16xi32>,
          %gather3A_381 = tpu.vector_load_idx %arg5[%get3A_380] : memref<100000xf32, #tpu.memory_space<vmem>>[vector<16xi32>], vector<16xf32>,
          %swap3A_382 = arith.index_cast %mul3A_378 : i32 to index
          %swap3A_383 = tpu.vector_load %arg9[%swap3A_382] {strides = array<i32>} : memref<4096xf32, #tpu.memory_space<vmem>>, vector<16xf32>,
          tpu.vector_store %arg9[%swap3A_382], %gather3A_381 {strides = array<i32>} : memref<4096xf32, #tpu.memory_space<vmem>>, vector<16xf32>,
          %add3A_384 = arith.constant 7 : i32
          %add3A_385 = arith.addi %add3A_321, %add3A_384 : i32
          %mul3A_386 = arith.constant 16 : i32
          %mul3A_387 = arith.muli %add3A_385, %mul3A_386 : i32
          %get3A_388 = arith.index_cast %mul3A_387 : i32 to index
          %get3A_389 = tpu.vector_load %arg6[%get3A_388] {strides = array<i32>} : memref<4096xi32, #tpu.memory_space<vmem>>, vector<16xi32>,
          %gather3A_390 = tpu.vector_load_idx %arg5[%get3A_389] : memref<100000xf32, #tpu.memory_space<vmem>>[vector<16xi32>], vector<16xf32>,
          %swap3A_391 = arith.index_cast %mul3A_387 : i32 to index
          %swap3A_392 = tpu.vector_load %arg9[%swap3A_391] {strides = array<i32>} : memref<4096xf32, #tpu.memory_space<vmem>>, vector<16xf32>,
          tpu.vector_store %arg9[%swap3A_391], %gather3A_390 {strides = array<i32>} : memref<4096xf32, #tpu.memory_space<vmem>>, vector<16xf32>,
          %add3A_393 = arith.constant 8 : i32
          %add3A_394 = arith.addi %add3A_321, %add3A_393 : i32
          %mul3A_395 = arith.constant 16 : i32
          %mul3A_396 = arith.muli %add3A_394, %mul3A_395 : i32
          %get3A_397 = arith.index_cast %mul3A_396 : i32 to index
          %get3A_398 = tpu.vector_load %arg6[%get3A_397] {strides = array<i32>} : memref<4096xi32, #tpu.memory_space<vmem>>, vector<16xi32>,
          %gather3A_399 = tpu.vector_load_idx %arg5[%get3A_398] : memref<100000xf32, #tpu.memory_space<vmem>>[vector<16xi32>], vector<16xf32>,
          %swap3A_400 = arith.index_cast %mul3A_396 : i32 to index
          %swap3A_401 = tpu.vector_load %arg9[%swap3A_400] {strides = array<i32>} : memref<4096xf32, #tpu.memory_space<vmem>>, vector<16xf32>,
          tpu.vector_store %arg9[%swap3A_400], %gather3A_399 {strides = array<i32>} : memref<4096xf32, #tpu.memory_space<vmem>>, vector<16xf32>,
          %add3A_402 = arith.constant 9 : i32
          %add3A_403 = arith.addi %add3A_321, %add3A_402 : i32
          %mul3A_404 = arith.constant 16 : i32
          %mul3A_405 = arith.muli %add3A_403, %mul3A_404 : i32
          %get3A_406 = arith.index_cast %mul3A_405 : i32 to index
          %get3A_407 = tpu.vector_load %arg6[%get3A_406] {strides = array<i32>} : memref<4096xi32, #tpu.memory_space<vmem>>, vector<16xi32>,
          %gather3A_408 = tpu.vector_load_idx %arg5[%get3A_407] : memref<100000xf32, #tpu.memory_space<vmem>>[vector<16xi32>], vector<16xf32>,
          %swap3A_409 = arith.index_cast %mul3A_405 : i32 to index
          %swap3A_410 = tpu.vector_load %arg9[%swap3A_409] {strides = array<i32>} : memref<4096xf32, #tpu.memory_space<vmem>>, vector<16xf32>,
          tpu.vector_store %arg9[%swap3A_409], %gather3A_408 {strides = array<i32>} : memref<4096xf32, #tpu.memory_space<vmem>>, vector<16xf32>,
          %add3A_411 = arith.constant 10 : i32
          %add3A_412 = arith.addi %add3A_321, %add3A_411 : i32
          %mul3A_413 = arith.constant 16 : i32
          %mul3A_414 = arith.muli %add3A_412, %mul3A_413 : i32
          %get3A_415 = arith.index_cast %mul3A_414 : i32 to index
          %get3A_416 = tpu.vector_load %arg6[%get3A_415] {strides = array<i32>} : memref<4096xi32, #tpu.memory_space<vmem>>, vector<16xi32>,
          %gather3A_417 = tpu.vector_load_idx %arg5[%get3A_416] : memref<100000xf32, #tpu.memory_space<vmem>>[vector<16xi32>], vector<16xf32>,
          %swap3A_418 = arith.index_cast %mul3A_414 : i32 to index
          %swap3A_419 = tpu.vector_load %arg9[%swap3A_418] {strides = array<i32>} : memref<4096xf32, #tpu.memory_space<vmem>>, vector<16xf32>,
          tpu.vector_store %arg9[%swap3A_418], %gather3A_417 {strides = array<i32>} : memref<4096xf32, #tpu.memory_space<vmem>>, vector<16xf32>,
          %add3A_420 = arith.constant 11 : i32
          %add3A_421 = arith.addi %add3A_321, %add3A_420 : i32
          %mul3A_422 = arith.constant 16 : i32
          %mul3A_423 = arith.muli %add3A_421, %mul3A_422 : i32
          %get3A_424 = arith.index_cast %mul3A_423 : i32 to index
          %get3A_425 = tpu.vector_load %arg6[%get3A_424] {strides = array<i32>} : memref<4096xi32, #tpu.memory_space<vmem>>, vector<16xi32>,
          %gather3A_426 = tpu.vector_load_idx %arg5[%get3A_425] : memref<100000xf32, #tpu.memory_space<vmem>>[vector<16xi32>], vector<16xf32>,
          %swap3A_427 = arith.index_cast %mul3A_423 : i32 to index
          %swap3A_428 = tpu.vector_load %arg9[%swap3A_427] {strides = array<i32>} : memref<4096xf32, #tpu.memory_space<vmem>>, vector<16xf32>,
          tpu.vector_store %arg9[%swap3A_427], %gather3A_426 {strides = array<i32>} : memref<4096xf32, #tpu.memory_space<vmem>>, vector<16xf32>,
          %add3A_429 = arith.constant 12 : i32
          %add3A_430 = arith.addi %add3A_321, %add3A_429 : i32
          %mul3A_431 = arith.constant 16 : i32
          %mul3A_432 = arith.muli %add3A_430, %mul3A_431 : i32
          %get3A_433 = arith.index_cast %mul3A_432 : i32 to index
          %get3A_434 = tpu.vector_load %arg6[%get3A_433] {strides = array<i32>} : memref<4096xi32, #tpu.memory_space<vmem>>, vector<16xi32>,
          %gather3A_435 = tpu.vector_load_idx %arg5[%get3A_434] : memref<100000xf32, #tpu.memory_space<vmem>>[vector<16xi32>], vector<16xf32>,
          %swap3A_436 = arith.index_cast %mul3A_432 : i32 to index
          %swap3A_437 = tpu.vector_load %arg9[%swap3A_436] {strides = array<i32>} : memref<4096xf32, #tpu.memory_space<vmem>>, vector<16xf32>,
          tpu.vector_store %arg9[%swap3A_436], %gather3A_435 {strides = array<i32>} : memref<4096xf32, #tpu.memory_space<vmem>>, vector<16xf32>,
          %add3A_438 = arith.constant 13 : i32
          %add3A_439 = arith.addi %add3A_321, %add3A_438 : i32
          %mul3A_440 = arith.constant 16 : i32
          %mul3A_441 = arith.muli %add3A_439, %mul3A_440 : i32
          %get3A_442 = arith.index_cast %mul3A_441 : i32 to index
          %get3A_443 = tpu.vector_load %arg6[%get3A_442] {strides = array<i32>} : memref<4096xi32, #tpu.memory_space<vmem>>, vector<16xi32>,
          %gather3A_444 = tpu.vector_load_idx %arg5[%get3A_443] : memref<100000xf32, #tpu.memory_space<vmem>>[vector<16xi32>], vector<16xf32>,
          %swap3A_445 = arith.index_cast %mul3A_441 : i32 to index
          %swap3A_446 = tpu.vector_load %arg9[%swap3A_445] {strides = array<i32>} : memref<4096xf32, #tpu.memory_space<vmem>>, vector<16xf32>,
          tpu.vector_store %arg9[%swap3A_445], %gather3A_444 {strides = array<i32>} : memref<4096xf32, #tpu.memory_space<vmem>>, vector<16xf32>,
          %add3A_447 = arith.constant 14 : i32
          %add3A_448 = arith.addi %add3A_321, %add3A_447 : i32
          %mul3A_449 = arith.constant 16 : i32
          %mul3A_450 = arith.muli %add3A_448, %mul3A_449 : i32
          %get3A_451 = arith.index_cast %mul3A_450 : i32 to index
          %get3A_452 = tpu.vector_load %arg6[%get3A_451] {strides = array<i32>} : memref<4096xi32, #tpu.memory_space<vmem>>, vector<16xi32>,
          %gather3A_453 = tpu.vector_load_idx %arg5[%get3A_452] : memref<100000xf32, #tpu.memory_space<vmem>>[vector<16xi32>], vector<16xf32>,
          %swap3A_454 = arith.index_cast %mul3A_450 : i32 to index
          %swap3A_455 = tpu.vector_load %arg9[%swap3A_454] {strides = array<i32>} : memref<4096xf32, #tpu.memory_space<vmem>>, vector<16xf32>,
          tpu.vector_store %arg9[%swap3A_454], %gather3A_453 {strides = array<i32>} : memref<4096xf32, #tpu.memory_space<vmem>>, vector<16xf32>,
          %add3A_456 = arith.constant 15 : i32
          %add3A_457 = arith.addi %add3A_321, %add3A_456 : i32
          %mul3A_458 = arith.constant 16 : i32
          %mul3A_459 = arith.muli %add3A_457, %mul3A_458 : i32
          %get3A_460 = arith.index_cast %mul3A_459 : i32 to index
          %get3A_461 = tpu.vector_load %arg6[%get3A_460] {strides = array<i32>} : memref<4096xi32, #tpu.memory_space<vmem>>, vector<16xi32>,
          %gather3A_462 = tpu.vector_load_idx %arg5[%get3A_461] : memref<100000xf32, #tpu.memory_space<vmem>>[vector<16xi32>], vector<16xf32>,
          %swap3A_463 = arith.index_cast %mul3A_459 : i32 to index
          %swap3A_464 = tpu.vector_load %arg9[%swap3A_463] {strides = array<i32>} : memref<4096xf32, #tpu.memory_space<vmem>>, vector<16xf32>,
          tpu.vector_store %arg9[%swap3A_463], %gather3A_462 {strides = array<i32>} : memref<4096xf32, #tpu.memory_space<vmem>>, vector<16xf32>,
        }
        %scan3A_263 = arith.constant 16 : i32
        %add3A_264 = arith.addi %select_n3A_32, %add3A_232 : i32
        %jit3A_265 = arith.constant 4 : i32
        %div3A_266 = arith.divsi %add3A_264, %jit3A_265 : i32
        %sign3A_267 = arith.constant 0 : i32
        %sign3A_268 = arith.cmpi sgt, %add3A_264, %sign3A_267 : i32
        %sign3A_269 = arith.extui %sign3A_268 : i1 to i32
        %sign3A_270 = arith.constant 0 : i32
        %sign3A_271 = arith.cmpi slt, %add3A_264, %sign3A_270 : i32
        %sign3A_272 = arith.extui %sign3A_271 : i1 to i32
        %sign3A_273 = arith.subi %sign3A_269, %sign3A_272 : i32
        %sign3A_274 = arith.constant 0 : i32
        %sign3A_275 = arith.cmpi sgt, %jit3A_265, %sign3A_274 : i32
        %sign3A_276 = arith.extui %sign3A_275 : i1 to i32
        %sign3A_277 = arith.constant 0 : i32
        %sign3A_278 = arith.cmpi slt, %jit3A_265, %sign3A_277 : i32
        %sign3A_279 = arith.extui %sign3A_278 : i1 to i32
        %sign3A_280 = arith.subi %sign3A_276, %sign3A_279 : i32
        %ne3A_281 = arith.cmpi ne, %sign3A_273, %sign3A_280 : i32
        %rem3A_282 = arith.remsi %add3A_264, %jit3A_265 : i32
        %ne3A_283 = arith.constant 0 : i32
        %ne3A_284 = arith.cmpi ne, %rem3A_282, %ne3A_283 : i32
        %and3A_285 = arith.andi %ne3A_281, %ne3A_284 : i1
        %sub3A_286 = arith.constant 1 : i32
        %sub3A_287 = arith.subi %div3A_266, %sub3A_286 : i32
        %select_n3A_288 = arith.select %and3A_285, %sub3A_287, %div3A_266 : i32
        %jit3A_289 = arith.constant 4 : i32
        %eq3A_290 = arith.constant 0 : i32
        %eq3A_291 = arith.cmpi eq, %jit3A_289, %eq3A_290 : i32
        %jit3A_292 = arith.constant 1 : i32
        %select_n3A_293 = arith.select %eq3A_291, %jit3A_292, %jit3A_289 : i32
        %rem3A_294 = arith.remsi %add3A_264, %select_n3A_293 : i32
        %ne3A_295 = arith.constant 0 : i32
        %ne3A_296 = arith.cmpi ne, %rem3A_294, %ne3A_295 : i32
        %lt3A_297 = arith.constant 0 : i32
        %lt3A_298 = arith.cmpi slt, %rem3A_294, %lt3A_297 : i32
        %lt3A_299 = arith.constant 0 : i32
        %lt3A_300 = arith.cmpi slt, %select_n3A_293, %lt3A_299 : i32
        %ne3A_301 = arith.xori %lt3A_298, %lt3A_300 : i1
        %and3A_302 = arith.andi %ne3A_301, %ne3A_296 : i1
        %add3A_303 = arith.addi %rem3A_294, %select_n3A_293 : i32
        %select_n3A_304 = arith.select %and3A_302, %add3A_303, %rem3A_294 : i32
        %mul3A_305 = arith.constant 4096 : i32
        %mul3A_306 = arith.muli %select_n3A_304, %mul3A_305 : i32
        %dma_start3A_307 = tpu.memref_slice %arg4[%select_n3A, %select_n3A_288, %mul3A_306] : memref<20x30x16384xf32, #tpu.memory_space<hbm>> -> memref<1x1x4096xf32, #tpu.memory_space<hbm>>
        %dma_start3A_308 = tpu.memref_squeeze %dma_start3A_307 : memref<1x1x4096xf32, #tpu.memory_space<hbm>> -> memref<4096xf32, #tpu.memory_space<hbm>>
        %dma_start3A_309 = tpu.memref_slice %arg4[%select_n3A, %select_n3A_288, %mul3A_306] : memref<20x30x16384xf32, #tpu.memory_space<hbm>> -> memref<1x1x4096xf32, #tpu.memory_space<hbm>>
        %dma_start3A_310 = tpu.memref_squeeze %dma_start3A_309 : memref<1x1x4096xf32, #tpu.memory_space<hbm>> -> memref<4096xf32, #tpu.memory_space<hbm>>
        tpu.enqueue_dma source(%arg9 : memref<4096xf32, #tpu.memory_space<vmem>>) target(%dma_start3A_310 : memref<4096xf32, #tpu.memory_space<hbm>>) target_semaphore(%arg15 : memref<!tpu.dma_semaphore, #tpu.memory_space<semaphore_mem>>)
        %add3A_311 = arith.constant 3 : i32
        %add3A_312 = arith.addi %add3A_232, %add3A_311 : i32
        %lt3A_313 = arith.cmpi slt, %add3A_312, %min3A_35 : i32
        %convert_element_type3A_314 = arith.extui %lt3A_313 : i1 to i32
        %cond3A_315 = arith.constant 0 : i32
        %cond3A_316 = arith.cmpi ne, %convert_element_type3A_314, %cond3A_315 : i32
        scf.if %cond3A_316 {
          %add3A_317 = arith.constant 3 : i32
          %add3A_318 = arith.addi %add3A_232, %add3A_317 : i32
          %add3A_319 = arith.addi %select_n3A_32, %add3A_318 : i32
          %jit3A_320 = arith.constant 4 : i32
          %div3A_321 = arith.divsi %add3A_319, %jit3A_320 : i32
          %sign3A_322 = arith.constant 0 : i32
          %sign3A_323 = arith.cmpi sgt, %add3A_319, %sign3A_322 : i32
          %sign3A_324 = arith.extui %sign3A_323 : i1 to i32
          %sign3A_325 = arith.constant 0 : i32
          %sign3A_326 = arith.cmpi slt, %add3A_319, %sign3A_325 : i32
          %sign3A_327 = arith.extui %sign3A_326 : i1 to i32
          %sign3A_328 = arith.subi %sign3A_324, %sign3A_327 : i32
          %sign3A_329 = arith.constant 0 : i32
          %sign3A_330 = arith.cmpi sgt, %jit3A_320, %sign3A_329 : i32
          %sign3A_331 = arith.extui %sign3A_330 : i1 to i32
          %sign3A_332 = arith.constant 0 : i32
          %sign3A_333 = arith.cmpi slt, %jit3A_320, %sign3A_332 : i32
          %sign3A_334 = arith.extui %sign3A_333 : i1 to i32
          %sign3A_335 = arith.subi %sign3A_331, %sign3A_334 : i32
          %ne3A_336 = arith.cmpi ne, %sign3A_328, %sign3A_335 : i32
          %rem3A_337 = arith.remsi %add3A_319, %jit3A_320 : i32
          %ne3A_338 = arith.constant 0 : i32
          %ne3A_339 = arith.cmpi ne, %rem3A_337, %ne3A_338 : i32
          %and3A_340 = arith.andi %ne3A_336, %ne3A_339 : i1
          %sub3A_341 = arith.constant 1 : i32
          %sub3A_342 = arith.subi %div3A_321, %sub3A_341 : i32
          %select_n3A_343 = arith.select %and3A_340, %sub3A_342, %div3A_321 : i32
          %jit3A_344 = arith.constant 4 : i32
          %eq3A_345 = arith.constant 0 : i32
          %eq3A_346 = arith.cmpi eq, %jit3A_344, %eq3A_345 : i32
          %jit3A_347 = arith.constant 1 : i32
          %select_n3A_348 = arith.select %eq3A_346, %jit3A_347, %jit3A_344 : i32
          %rem3A_349 = arith.remsi %add3A_319, %select_n3A_348 : i32
          %ne3A_350 = arith.constant 0 : i32
          %ne3A_351 = arith.cmpi ne, %rem3A_349, %ne3A_350 : i32
          %lt3A_352 = arith.constant 0 : i32
          %lt3A_353 = arith.cmpi slt, %rem3A_349, %lt3A_352 : i32
          %lt3A_354 = arith.constant 0 : i32
          %lt3A_355 = arith.cmpi slt, %select_n3A_348, %lt3A_354 : i32
          %ne3A_356 = arith.xori %lt3A_353, %lt3A_355 : i1
          %and3A_357 = arith.andi %ne3A_356, %ne3A_351 : i1
          %add3A_358 = arith.addi %rem3A_349, %select_n3A_348 : i32
          %select_n3A_359 = arith.select %and3A_357, %add3A_358, %rem3A_349 : i32
          %mul3A_360 = arith.constant 4096 : i32
          %mul3A_361 = arith.muli %select_n3A_359, %mul3A_360 : i32
          %dma_start3A_362 = tpu.memref_slice %arg3[%select_n3A_343, %mul3A_361] : memref<30x16384xi32, #tpu.memory_space<hbm>> -> memref<1x4096xi32, #tpu.memory_space<hbm>>
          %dma_start3A_363 = tpu.memref_squeeze %dma_start3A_362 : memref<1x4096xi32, #tpu.memory_space<hbm>> -> memref<4096xi32, #tpu.memory_space<hbm>>
          %dma_start3A_364 = tpu.memref_slice %arg3[%select_n3A_343, %mul3A_361] : memref<30x16384xi32, #tpu.memory_space<hbm>> -> memref<1x4096xi32, #tpu.memory_space<hbm>>
          %dma_start3A_365 = tpu.memref_squeeze %dma_start3A_364 : memref<1x4096xi32, #tpu.memory_space<hbm>> -> memref<4096xi32, #tpu.memory_space<hbm>>
          tpu.enqueue_dma source(%dma_start3A_365 : memref<4096xi32, #tpu.memory_space<hbm>>) target(%arg6 : memref<4096xi32, #tpu.memory_space<vmem>>) target_semaphore(%arg12 : memref<!tpu.dma_semaphore, #tpu.memory_space<semaphore_mem>>)
        } else {
        }
      } else {
      }
      %add3A_237 = arith.constant 1 : i32
      %add3A_238 = arith.addi %add3A_230, %add3A_237 : i32
      %lt3A_239 = arith.cmpi slt, %add3A_238, %min3A_35 : i32
      %convert_element_type3A_240 = arith.extui %lt3A_239 : i1 to i32
      %cond3A_241 = arith.constant 0 : i32
      %cond3A_242 = arith.cmpi ne, %convert_element_type3A_240, %cond3A_241 : i32
      scf.if %cond3A_242 {
        %dma_wait3A_249 = arith.constant 0 : i32
        %dma_wait3A_250 = arith.constant 0 : i32
        %dma_wait3A_251 = tpu.memref_slice %arg3[%dma_wait3A_249, %dma_wait3A_250] : memref<30x16384xi32, #tpu.memory_space<hbm>> -> memref<1x4096xi32, #tpu.memory_space<hbm>>
        %dma_wait3A_252 = tpu.memref_squeeze %dma_wait3A_251 : memref<1x4096xi32, #tpu.memory_space<hbm>> -> memref<4096xi32, #tpu.memory_space<hbm>>
        %dma_wait3A_253 = arith.constant 0 : i32
        %dma_wait3A_254 = tpu.memref_slice %arg3[%dma_wait3A_249, %dma_wait3A_253] : memref<30x16384xi32, #tpu.memory_space<hbm>> -> memref<1x4096xi32, #tpu.memory_space<hbm>>
        %dma_wait3A_255 = tpu.memref_squeeze %dma_wait3A_254 : memref<1x4096xi32, #tpu.memory_space<hbm>> -> memref<4096xi32, #tpu.memory_space<hbm>>
        tpu.wait_dma2 semaphore(%arg13 : memref<!tpu.dma_semaphore, #tpu.memory_space<semaphore_mem>>) src(%dma_wait3A_255 : memref<4096xi32, #tpu.memory_space<hbm>>) dst(%arg7 : memref<4096xi32, #tpu.memory_space<vmem>>)
        %ge3A = arith.constant 3 : i32
        %ge3A_256 = arith.cmpi sge, %add3A_238, %ge3A : i32
        %convert_element_type3A_257 = arith.extui %ge3A_256 : i1 to i32
        %cond3A_258 = arith.constant 0 : i32
        %cond3A_259 = arith.cmpi ne, %convert_element_type3A_257, %cond3A_258 : i32
        scf.if %cond3A_259 {
          %dma_wait3A_317 = arith.constant 0 : i32
          %dma_wait3A_318 = arith.constant 0 : i32
          %dma_wait3A_319 = tpu.memref_slice %arg4[%select_n3A, %dma_wait3A_317, %dma_wait3A_318] : memref<20x30x16384xf32, #tpu.memory_space<hbm>> -> memref<1x1x4096xf32, #tpu.memory_space<hbm>>
          %dma_wait3A_320 = tpu.memref_squeeze %dma_wait3A_319 : memref<1x1x4096xf32, #tpu.memory_space<hbm>> -> memref<4096xf32, #tpu.memory_space<hbm>>
          %dma_wait3A_321 = arith.constant 0 : i32
          %dma_wait3A_322 = tpu.memref_slice %arg4[%select_n3A, %dma_wait3A_317, %dma_wait3A_321] : memref<20x30x16384xf32, #tpu.memory_space<hbm>> -> memref<1x1x4096xf32, #tpu.memory_space<hbm>>
          %dma_wait3A_323 = tpu.memref_squeeze %dma_wait3A_322 : memref<1x1x4096xf32, #tpu.memory_space<hbm>> -> memref<4096xf32, #tpu.memory_space<hbm>>
          tpu.wait_dma2 semaphore(%arg16 : memref<!tpu.dma_semaphore, #tpu.memory_space<semaphore_mem>>) src(%arg10 : memref<4096xf32, #tpu.memory_space<vmem>>) dst(%dma_wait3A_323 : memref<4096xf32, #tpu.memory_space<hbm>>)
        } else {
        }
        %scan3A = arith.constant 0 : i32
        %scan3A_260 = arith.constant 16 : i32
        %scan3A_261 = arith.addi %scan3A, %scan3A_260 : i32
        %scan3A_262 = arith.constant 1 : i32
        scf.for %scan3A_317 = %scan3A to %scan3A_261 step %scan3A_262  : i32 {
          %mul3A_318 = arith.constant 16 : i32
          %mul3A_319 = arith.muli %scan3A_317, %mul3A_318 : i32
          %add3A_320 = arith.constant 0 : i32
          %add3A_321 = arith.addi %add3A_320, %mul3A_319 : i32
          %add3A_322 = arith.constant 0 : i32
          %add3A_323 = arith.addi %add3A_321, %add3A_322 : i32
          %mul3A_324 = arith.constant 16 : i32
          %mul3A_325 = arith.muli %add3A_323, %mul3A_324 : i32
          %get3A_326 = arith.index_cast %mul3A_325 : i32 to index
          %get3A_327 = tpu.vector_load %arg7[%get3A_326] {strides = array<i32>} : memref<4096xi32, #tpu.memory_space<vmem>>, vector<16xi32>,
          %gather3A = tpu.vector_load_idx %arg5[%get3A_327] : memref<100000xf32, #tpu.memory_space<vmem>>[vector<16xi32>], vector<16xf32>,
          %swap3A_328 = arith.index_cast %mul3A_325 : i32 to index
          %swap3A_329 = tpu.vector_load %arg10[%swap3A_328] {strides = array<i32>} : memref<4096xf32, #tpu.memory_space<vmem>>, vector<16xf32>,
          tpu.vector_store %arg10[%swap3A_328], %gather3A {strides = array<i32>} : memref<4096xf32, #tpu.memory_space<vmem>>, vector<16xf32>,
          %add3A_330 = arith.constant 1 : i32
          %add3A_331 = arith.addi %add3A_321, %add3A_330 : i32
          %mul3A_332 = arith.constant 16 : i32
          %mul3A_333 = arith.muli %add3A_331, %mul3A_332 : i32
          %get3A_334 = arith.index_cast %mul3A_333 : i32 to index
          %get3A_335 = tpu.vector_load %arg7[%get3A_334] {strides = array<i32>} : memref<4096xi32, #tpu.memory_space<vmem>>, vector<16xi32>,
          %gather3A_336 = tpu.vector_load_idx %arg5[%get3A_335] : memref<100000xf32, #tpu.memory_space<vmem>>[vector<16xi32>], vector<16xf32>,
          %swap3A_337 = arith.index_cast %mul3A_333 : i32 to index
          %swap3A_338 = tpu.vector_load %arg10[%swap3A_337] {strides = array<i32>} : memref<4096xf32, #tpu.memory_space<vmem>>, vector<16xf32>,
          tpu.vector_store %arg10[%swap3A_337], %gather3A_336 {strides = array<i32>} : memref<4096xf32, #tpu.memory_space<vmem>>, vector<16xf32>,
          %add3A_339 = arith.constant 2 : i32
          %add3A_340 = arith.addi %add3A_321, %add3A_339 : i32
          %mul3A_341 = arith.constant 16 : i32
          %mul3A_342 = arith.muli %add3A_340, %mul3A_341 : i32
          %get3A_343 = arith.index_cast %mul3A_342 : i32 to index
          %get3A_344 = tpu.vector_load %arg7[%get3A_343] {strides = array<i32>} : memref<4096xi32, #tpu.memory_space<vmem>>, vector<16xi32>,
          %gather3A_345 = tpu.vector_load_idx %arg5[%get3A_344] : memref<100000xf32, #tpu.memory_space<vmem>>[vector<16xi32>], vector<16xf32>,
          %swap3A_346 = arith.index_cast %mul3A_342 : i32 to index
          %swap3A_347 = tpu.vector_load %arg10[%swap3A_346] {strides = array<i32>} : memref<4096xf32, #tpu.memory_space<vmem>>, vector<16xf32>,
          tpu.vector_store %arg10[%swap3A_346], %gather3A_345 {strides = array<i32>} : memref<4096xf32, #tpu.memory_space<vmem>>, vector<16xf32>,
          %add3A_348 = arith.constant 3 : i32
          %add3A_349 = arith.addi %add3A_321, %add3A_348 : i32
          %mul3A_350 = arith.constant 16 : i32
          %mul3A_351 = arith.muli %add3A_349, %mul3A_350 : i32
          %get3A_352 = arith.index_cast %mul3A_351 : i32 to index
          %get3A_353 = tpu.vector_load %arg7[%get3A_352] {strides = array<i32>} : memref<4096xi32, #tpu.memory_space<vmem>>, vector<16xi32>,
          %gather3A_354 = tpu.vector_load_idx %arg5[%get3A_353] : memref<100000xf32, #tpu.memory_space<vmem>>[vector<16xi32>], vector<16xf32>,
          %swap3A_355 = arith.index_cast %mul3A_351 : i32 to index
          %swap3A_356 = tpu.vector_load %arg10[%swap3A_355] {strides = array<i32>} : memref<4096xf32, #tpu.memory_space<vmem>>, vector<16xf32>,
          tpu.vector_store %arg10[%swap3A_355], %gather3A_354 {strides = array<i32>} : memref<4096xf32, #tpu.memory_space<vmem>>, vector<16xf32>,
          %add3A_357 = arith.constant 4 : i32
          %add3A_358 = arith.addi %add3A_321, %add3A_357 : i32
          %mul3A_359 = arith.constant 16 : i32
          %mul3A_360 = arith.muli %add3A_358, %mul3A_359 : i32
          %get3A_361 = arith.index_cast %mul3A_360 : i32 to index
          %get3A_362 = tpu.vector_load %arg7[%get3A_361] {strides = array<i32>} : memref<4096xi32, #tpu.memory_space<vmem>>, vector<16xi32>,
          %gather3A_363 = tpu.vector_load_idx %arg5[%get3A_362] : memref<100000xf32, #tpu.memory_space<vmem>>[vector<16xi32>], vector<16xf32>,
          %swap3A_364 = arith.index_cast %mul3A_360 : i32 to index
          %swap3A_365 = tpu.vector_load %arg10[%swap3A_364] {strides = array<i32>} : memref<4096xf32, #tpu.memory_space<vmem>>, vector<16xf32>,
          tpu.vector_store %arg10[%swap3A_364], %gather3A_363 {strides = array<i32>} : memref<4096xf32, #tpu.memory_space<vmem>>, vector<16xf32>,
          %add3A_366 = arith.constant 5 : i32
          %add3A_367 = arith.addi %add3A_321, %add3A_366 : i32
          %mul3A_368 = arith.constant 16 : i32
          %mul3A_369 = arith.muli %add3A_367, %mul3A_368 : i32
          %get3A_370 = arith.index_cast %mul3A_369 : i32 to index
          %get3A_371 = tpu.vector_load %arg7[%get3A_370] {strides = array<i32>} : memref<4096xi32, #tpu.memory_space<vmem>>, vector<16xi32>,
          %gather3A_372 = tpu.vector_load_idx %arg5[%get3A_371] : memref<100000xf32, #tpu.memory_space<vmem>>[vector<16xi32>], vector<16xf32>,
          %swap3A_373 = arith.index_cast %mul3A_369 : i32 to index
          %swap3A_374 = tpu.vector_load %arg10[%swap3A_373] {strides = array<i32>} : memref<4096xf32, #tpu.memory_space<vmem>>, vector<16xf32>,
          tpu.vector_store %arg10[%swap3A_373], %gather3A_372 {strides = array<i32>} : memref<4096xf32, #tpu.memory_space<vmem>>, vector<16xf32>,
          %add3A_375 = arith.constant 6 : i32
          %add3A_376 = arith.addi %add3A_321, %add3A_375 : i32
          %mul3A_377 = arith.constant 16 : i32
          %mul3A_378 = arith.muli %add3A_376, %mul3A_377 : i32
          %get3A_379 = arith.index_cast %mul3A_378 : i32 to index
          %get3A_380 = tpu.vector_load %arg7[%get3A_379] {strides = array<i32>} : memref<4096xi32, #tpu.memory_space<vmem>>, vector<16xi32>,
          %gather3A_381 = tpu.vector_load_idx %arg5[%get3A_380] : memref<100000xf32, #tpu.memory_space<vmem>>[vector<16xi32>], vector<16xf32>,
          %swap3A_382 = arith.index_cast %mul3A_378 : i32 to index
          %swap3A_383 = tpu.vector_load %arg10[%swap3A_382] {strides = array<i32>} : memref<4096xf32, #tpu.memory_space<vmem>>, vector<16xf32>,
          tpu.vector_store %arg10[%swap3A_382], %gather3A_381 {strides = array<i32>} : memref<4096xf32, #tpu.memory_space<vmem>>, vector<16xf32>,
          %add3A_384 = arith.constant 7 : i32
          %add3A_385 = arith.addi %add3A_321, %add3A_384 : i32
          %mul3A_386 = arith.constant 16 : i32
          %mul3A_387 = arith.muli %add3A_385, %mul3A_386 : i32
          %get3A_388 = arith.index_cast %mul3A_387 : i32 to index
          %get3A_389 = tpu.vector_load %arg7[%get3A_388] {strides = array<i32>} : memref<4096xi32, #tpu.memory_space<vmem>>, vector<16xi32>,
          %gather3A_390 = tpu.vector_load_idx %arg5[%get3A_389] : memref<100000xf32, #tpu.memory_space<vmem>>[vector<16xi32>], vector<16xf32>,
          %swap3A_391 = arith.index_cast %mul3A_387 : i32 to index
          %swap3A_392 = tpu.vector_load %arg10[%swap3A_391] {strides = array<i32>} : memref<4096xf32, #tpu.memory_space<vmem>>, vector<16xf32>,
          tpu.vector_store %arg10[%swap3A_391], %gather3A_390 {strides = array<i32>} : memref<4096xf32, #tpu.memory_space<vmem>>, vector<16xf32>,
          %add3A_393 = arith.constant 8 : i32
          %add3A_394 = arith.addi %add3A_321, %add3A_393 : i32
          %mul3A_395 = arith.constant 16 : i32
          %mul3A_396 = arith.muli %add3A_394, %mul3A_395 : i32
          %get3A_397 = arith.index_cast %mul3A_396 : i32 to index
          %get3A_398 = tpu.vector_load %arg7[%get3A_397] {strides = array<i32>} : memref<4096xi32, #tpu.memory_space<vmem>>, vector<16xi32>,
          %gather3A_399 = tpu.vector_load_idx %arg5[%get3A_398] : memref<100000xf32, #tpu.memory_space<vmem>>[vector<16xi32>], vector<16xf32>,
          %swap3A_400 = arith.index_cast %mul3A_396 : i32 to index
          %swap3A_401 = tpu.vector_load %arg10[%swap3A_400] {strides = array<i32>} : memref<4096xf32, #tpu.memory_space<vmem>>, vector<16xf32>,
          tpu.vector_store %arg10[%swap3A_400], %gather3A_399 {strides = array<i32>} : memref<4096xf32, #tpu.memory_space<vmem>>, vector<16xf32>,
          %add3A_402 = arith.constant 9 : i32
          %add3A_403 = arith.addi %add3A_321, %add3A_402 : i32
          %mul3A_404 = arith.constant 16 : i32
          %mul3A_405 = arith.muli %add3A_403, %mul3A_404 : i32
          %get3A_406 = arith.index_cast %mul3A_405 : i32 to index
          %get3A_407 = tpu.vector_load %arg7[%get3A_406] {strides = array<i32>} : memref<4096xi32, #tpu.memory_space<vmem>>, vector<16xi32>,
          %gather3A_408 = tpu.vector_load_idx %arg5[%get3A_407] : memref<100000xf32, #tpu.memory_space<vmem>>[vector<16xi32>], vector<16xf32>,
          %swap3A_409 = arith.index_cast %mul3A_405 : i32 to index
          %swap3A_410 = tpu.vector_load %arg10[%swap3A_409] {strides = array<i32>} : memref<4096xf32, #tpu.memory_space<vmem>>, vector<16xf32>,
          tpu.vector_store %arg10[%swap3A_409], %gather3A_408 {strides = array<i32>} : memref<4096xf32, #tpu.memory_space<vmem>>, vector<16xf32>,
          %add3A_411 = arith.constant 10 : i32
          %add3A_412 = arith.addi %add3A_321, %add3A_411 : i32
          %mul3A_413 = arith.constant 16 : i32
          %mul3A_414 = arith.muli %add3A_412, %mul3A_413 : i32
          %get3A_415 = arith.index_cast %mul3A_414 : i32 to index
          %get3A_416 = tpu.vector_load %arg7[%get3A_415] {strides = array<i32>} : memref<4096xi32, #tpu.memory_space<vmem>>, vector<16xi32>,
          %gather3A_417 = tpu.vector_load_idx %arg5[%get3A_416] : memref<100000xf32, #tpu.memory_space<vmem>>[vector<16xi32>], vector<16xf32>,
          %swap3A_418 = arith.index_cast %mul3A_414 : i32 to index
          %swap3A_419 = tpu.vector_load %arg10[%swap3A_418] {strides = array<i32>} : memref<4096xf32, #tpu.memory_space<vmem>>, vector<16xf32>,
          tpu.vector_store %arg10[%swap3A_418], %gather3A_417 {strides = array<i32>} : memref<4096xf32, #tpu.memory_space<vmem>>, vector<16xf32>,
          %add3A_420 = arith.constant 11 : i32
          %add3A_421 = arith.addi %add3A_321, %add3A_420 : i32
          %mul3A_422 = arith.constant 16 : i32
          %mul3A_423 = arith.muli %add3A_421, %mul3A_422 : i32
          %get3A_424 = arith.index_cast %mul3A_423 : i32 to index
          %get3A_425 = tpu.vector_load %arg7[%get3A_424] {strides = array<i32>} : memref<4096xi32, #tpu.memory_space<vmem>>, vector<16xi32>,
          %gather3A_426 = tpu.vector_load_idx %arg5[%get3A_425] : memref<100000xf32, #tpu.memory_space<vmem>>[vector<16xi32>], vector<16xf32>,
          %swap3A_427 = arith.index_cast %mul3A_423 : i32 to index
          %swap3A_428 = tpu.vector_load %arg10[%swap3A_427] {strides = array<i32>} : memref<4096xf32, #tpu.memory_space<vmem>>, vector<16xf32>,
          tpu.vector_store %arg10[%swap3A_427], %gather3A_426 {strides = array<i32>} : memref<4096xf32, #tpu.memory_space<vmem>>, vector<16xf32>,
          %add3A_429 = arith.constant 12 : i32
          %add3A_430 = arith.addi %add3A_321, %add3A_429 : i32
          %mul3A_431 = arith.constant 16 : i32
          %mul3A_432 = arith.muli %add3A_430, %mul3A_431 : i32
          %get3A_433 = arith.index_cast %mul3A_432 : i32 to index
          %get3A_434 = tpu.vector_load %arg7[%get3A_433] {strides = array<i32>} : memref<4096xi32, #tpu.memory_space<vmem>>, vector<16xi32>,
          %gather3A_435 = tpu.vector_load_idx %arg5[%get3A_434] : memref<100000xf32, #tpu.memory_space<vmem>>[vector<16xi32>], vector<16xf32>,
          %swap3A_436 = arith.index_cast %mul3A_432 : i32 to index
          %swap3A_437 = tpu.vector_load %arg10[%swap3A_436] {strides = array<i32>} : memref<4096xf32, #tpu.memory_space<vmem>>, vector<16xf32>,
          tpu.vector_store %arg10[%swap3A_436], %gather3A_435 {strides = array<i32>} : memref<4096xf32, #tpu.memory_space<vmem>>, vector<16xf32>,
          %add3A_438 = arith.constant 13 : i32
          %add3A_439 = arith.addi %add3A_321, %add3A_438 : i32
          %mul3A_440 = arith.constant 16 : i32
          %mul3A_441 = arith.muli %add3A_439, %mul3A_440 : i32
          %get3A_442 = arith.index_cast %mul3A_441 : i32 to index
          %get3A_443 = tpu.vector_load %arg7[%get3A_442] {strides = array<i32>} : memref<4096xi32, #tpu.memory_space<vmem>>, vector<16xi32>,
          %gather3A_444 = tpu.vector_load_idx %arg5[%get3A_443] : memref<100000xf32, #tpu.memory_space<vmem>>[vector<16xi32>], vector<16xf32>,
          %swap3A_445 = arith.index_cast %mul3A_441 : i32 to index
          %swap3A_446 = tpu.vector_load %arg10[%swap3A_445] {strides = array<i32>} : memref<4096xf32, #tpu.memory_space<vmem>>, vector<16xf32>,
          tpu.vector_store %arg10[%swap3A_445], %gather3A_444 {strides = array<i32>} : memref<4096xf32, #tpu.memory_space<vmem>>, vector<16xf32>,
          %add3A_447 = arith.constant 14 : i32
          %add3A_448 = arith.addi %add3A_321, %add3A_447 : i32
          %mul3A_449 = arith.constant 16 : i32
          %mul3A_450 = arith.muli %add3A_448, %mul3A_449 : i32
          %get3A_451 = arith.index_cast %mul3A_450 : i32 to index
          %get3A_452 = tpu.vector_load %arg7[%get3A_451] {strides = array<i32>} : memref<4096xi32, #tpu.memory_space<vmem>>, vector<16xi32>,
          %gather3A_453 = tpu.vector_load_idx %arg5[%get3A_452] : memref<100000xf32, #tpu.memory_space<vmem>>[vector<16xi32>], vector<16xf32>,
          %swap3A_454 = arith.index_cast %mul3A_450 : i32 to index
          %swap3A_455 = tpu.vector_load %arg10[%swap3A_454] {strides = array<i32>} : memref<4096xf32, #tpu.memory_space<vmem>>, vector<16xf32>,
          tpu.vector_store %arg10[%swap3A_454], %gather3A_453 {strides = array<i32>} : memref<4096xf32, #tpu.memory_space<vmem>>, vector<16xf32>,
          %add3A_456 = arith.constant 15 : i32
          %add3A_457 = arith.addi %add3A_321, %add3A_456 : i32
          %mul3A_458 = arith.constant 16 : i32
          %mul3A_459 = arith.muli %add3A_457, %mul3A_458 : i32
          %get3A_460 = arith.index_cast %mul3A_459 : i32 to index
          %get3A_461 = tpu.vector_load %arg7[%get3A_460] {strides = array<i32>} : memref<4096xi32, #tpu.memory_space<vmem>>, vector<16xi32>,
          %gather3A_462 = tpu.vector_load_idx %arg5[%get3A_461] : memref<100000xf32, #tpu.memory_space<vmem>>[vector<16xi32>], vector<16xf32>,
          %swap3A_463 = arith.index_cast %mul3A_459 : i32 to index
          %swap3A_464 = tpu.vector_load %arg10[%swap3A_463] {strides = array<i32>} : memref<4096xf32, #tpu.memory_space<vmem>>, vector<16xf32>,
          tpu.vector_store %arg10[%swap3A_463], %gather3A_462 {strides = array<i32>} : memref<4096xf32, #tpu.memory_space<vmem>>, vector<16xf32>,
        }
        %scan3A_263 = arith.constant 16 : i32
        %add3A_264 = arith.addi %select_n3A_32, %add3A_238 : i32
        %jit3A_265 = arith.constant 4 : i32
        %div3A_266 = arith.divsi %add3A_264, %jit3A_265 : i32
        %sign3A_267 = arith.constant 0 : i32
        %sign3A_268 = arith.cmpi sgt, %add3A_264, %sign3A_267 : i32
        %sign3A_269 = arith.extui %sign3A_268 : i1 to i32
        %sign3A_270 = arith.constant 0 : i32
        %sign3A_271 = arith.cmpi slt, %add3A_264, %sign3A_270 : i32
        %sign3A_272 = arith.extui %sign3A_271 : i1 to i32
        %sign3A_273 = arith.subi %sign3A_269, %sign3A_272 : i32
        %sign3A_274 = arith.constant 0 : i32
        %sign3A_275 = arith.cmpi sgt, %jit3A_265, %sign3A_274 : i32
        %sign3A_276 = arith.extui %sign3A_275 : i1 to i32
        %sign3A_277 = arith.constant 0 : i32
        %sign3A_278 = arith.cmpi slt, %jit3A_265, %sign3A_277 : i32
        %sign3A_279 = arith.extui %sign3A_278 : i1 to i32
        %sign3A_280 = arith.subi %sign3A_276, %sign3A_279 : i32
        %ne3A_281 = arith.cmpi ne, %sign3A_273, %sign3A_280 : i32
        %rem3A_282 = arith.remsi %add3A_264, %jit3A_265 : i32
        %ne3A_283 = arith.constant 0 : i32
        %ne3A_284 = arith.cmpi ne, %rem3A_282, %ne3A_283 : i32
        %and3A_285 = arith.andi %ne3A_281, %ne3A_284 : i1
        %sub3A_286 = arith.constant 1 : i32
        %sub3A_287 = arith.subi %div3A_266, %sub3A_286 : i32
        %select_n3A_288 = arith.select %and3A_285, %sub3A_287, %div3A_266 : i32
        %jit3A_289 = arith.constant 4 : i32
        %eq3A_290 = arith.constant 0 : i32
        %eq3A_291 = arith.cmpi eq, %jit3A_289, %eq3A_290 : i32
        %jit3A_292 = arith.constant 1 : i32
        %select_n3A_293 = arith.select %eq3A_291, %jit3A_292, %jit3A_289 : i32
        %rem3A_294 = arith.remsi %add3A_264, %select_n3A_293 : i32
        %ne3A_295 = arith.constant 0 : i32
        %ne3A_296 = arith.cmpi ne, %rem3A_294, %ne3A_295 : i32
        %lt3A_297 = arith.constant 0 : i32
        %lt3A_298 = arith.cmpi slt, %rem3A_294, %lt3A_297 : i32
        %lt3A_299 = arith.constant 0 : i32
        %lt3A_300 = arith.cmpi slt, %select_n3A_293, %lt3A_299 : i32
        %ne3A_301 = arith.xori %lt3A_298, %lt3A_300 : i1
        %and3A_302 = arith.andi %ne3A_301, %ne3A_296 : i1
        %add3A_303 = arith.addi %rem3A_294, %select_n3A_293 : i32
        %select_n3A_304 = arith.select %and3A_302, %add3A_303, %rem3A_294 : i32
        %mul3A_305 = arith.constant 4096 : i32
        %mul3A_306 = arith.muli %select_n3A_304, %mul3A_305 : i32
        %dma_start3A_307 = tpu.memref_slice %arg4[%select_n3A, %select_n3A_288, %mul3A_306] : memref<20x30x16384xf32, #tpu.memory_space<hbm>> -> memref<1x1x4096xf32, #tpu.memory_space<hbm>>
        %dma_start3A_308 = tpu.memref_squeeze %dma_start3A_307 : memref<1x1x4096xf32, #tpu.memory_space<hbm>> -> memref<4096xf32, #tpu.memory_space<hbm>>
        %dma_start3A_309 = tpu.memref_slice %arg4[%select_n3A, %select_n3A_288, %mul3A_306] : memref<20x30x16384xf32, #tpu.memory_space<hbm>> -> memref<1x1x4096xf32, #tpu.memory_space<hbm>>
        %dma_start3A_310 = tpu.memref_squeeze %dma_start3A_309 : memref<1x1x4096xf32, #tpu.memory_space<hbm>> -> memref<4096xf32, #tpu.memory_space<hbm>>
        tpu.enqueue_dma source(%arg10 : memref<4096xf32, #tpu.memory_space<vmem>>) target(%dma_start3A_310 : memref<4096xf32, #tpu.memory_space<hbm>>) target_semaphore(%arg16 : memref<!tpu.dma_semaphore, #tpu.memory_space<semaphore_mem>>)
        %add3A_311 = arith.constant 3 : i32
        %add3A_312 = arith.addi %add3A_238, %add3A_311 : i32
        %lt3A_313 = arith.cmpi slt, %add3A_312, %min3A_35 : i32
        %convert_element_type3A_314 = arith.extui %lt3A_313 : i1 to i32
        %cond3A_315 = arith.constant 0 : i32
        %cond3A_316 = arith.cmpi ne, %convert_element_type3A_314, %cond3A_315 : i32
        scf.if %cond3A_316 {
          %add3A_317 = arith.constant 3 : i32
          %add3A_318 = arith.addi %add3A_238, %add3A_317 : i32
          %add3A_319 = arith.addi %select_n3A_32, %add3A_318 : i32
          %jit3A_320 = arith.constant 4 : i32
          %div3A_321 = arith.divsi %add3A_319, %jit3A_320 : i32
          %sign3A_322 = arith.constant 0 : i32
          %sign3A_323 = arith.cmpi sgt, %add3A_319, %sign3A_322 : i32
          %sign3A_324 = arith.extui %sign3A_323 : i1 to i32
          %sign3A_325 = arith.constant 0 : i32
          %sign3A_326 = arith.cmpi slt, %add3A_319, %sign3A_325 : i32
          %sign3A_327 = arith.extui %sign3A_326 : i1 to i32
          %sign3A_328 = arith.subi %sign3A_324, %sign3A_327 : i32
          %sign3A_329 = arith.constant 0 : i32
          %sign3A_330 = arith.cmpi sgt, %jit3A_320, %sign3A_329 : i32
          %sign3A_331 = arith.extui %sign3A_330 : i1 to i32
          %sign3A_332 = arith.constant 0 : i32
          %sign3A_333 = arith.cmpi slt, %jit3A_320, %sign3A_332 : i32
          %sign3A_334 = arith.extui %sign3A_333 : i1 to i32
          %sign3A_335 = arith.subi %sign3A_331, %sign3A_334 : i32
          %ne3A_336 = arith.cmpi ne, %sign3A_328, %sign3A_335 : i32
          %rem3A_337 = arith.remsi %add3A_319, %jit3A_320 : i32
          %ne3A_338 = arith.constant 0 : i32
          %ne3A_339 = arith.cmpi ne, %rem3A_337, %ne3A_338 : i32
          %and3A_340 = arith.andi %ne3A_336, %ne3A_339 : i1
          %sub3A_341 = arith.constant 1 : i32
          %sub3A_342 = arith.subi %div3A_321, %sub3A_341 : i32
          %select_n3A_343 = arith.select %and3A_340, %sub3A_342, %div3A_321 : i32
          %jit3A_344 = arith.constant 4 : i32
          %eq3A_345 = arith.constant 0 : i32
          %eq3A_346 = arith.cmpi eq, %jit3A_344, %eq3A_345 : i32
          %jit3A_347 = arith.constant 1 : i32
          %select_n3A_348 = arith.select %eq3A_346, %jit3A_347, %jit3A_344 : i32
          %rem3A_349 = arith.remsi %add3A_319, %select_n3A_348 : i32
          %ne3A_350 = arith.constant 0 : i32
          %ne3A_351 = arith.cmpi ne, %rem3A_349, %ne3A_350 : i32
          %lt3A_352 = arith.constant 0 : i32
          %lt3A_353 = arith.cmpi slt, %rem3A_349, %lt3A_352 : i32
          %lt3A_354 = arith.constant 0 : i32
          %lt3A_355 = arith.cmpi slt, %select_n3A_348, %lt3A_354 : i32
          %ne3A_356 = arith.xori %lt3A_353, %lt3A_355 : i1
          %and3A_357 = arith.andi %ne3A_356, %ne3A_351 : i1
          %add3A_358 = arith.addi %rem3A_349, %select_n3A_348 : i32
          %select_n3A_359 = arith.select %and3A_357, %add3A_358, %rem3A_349 : i32
          %mul3A_360 = arith.constant 4096 : i32
          %mul3A_361 = arith.muli %select_n3A_359, %mul3A_360 : i32
          %dma_start3A_362 = tpu.memref_slice %arg3[%select_n3A_343, %mul3A_361] : memref<30x16384xi32, #tpu.memory_space<hbm>> -> memref<1x4096xi32, #tpu.memory_space<hbm>>
          %dma_start3A_363 = tpu.memref_squeeze %dma_start3A_362 : memref<1x4096xi32, #tpu.memory_space<hbm>> -> memref<4096xi32, #tpu.memory_space<hbm>>
          %dma_start3A_364 = tpu.memref_slice %arg3[%select_n3A_343, %mul3A_361] : memref<30x16384xi32, #tpu.memory_space<hbm>> -> memref<1x4096xi32, #tpu.memory_space<hbm>>
          %dma_start3A_365 = tpu.memref_squeeze %dma_start3A_364 : memref<1x4096xi32, #tpu.memory_space<hbm>> -> memref<4096xi32, #tpu.memory_space<hbm>>
          tpu.enqueue_dma source(%dma_start3A_365 : memref<4096xi32, #tpu.memory_space<hbm>>) target(%arg7 : memref<4096xi32, #tpu.memory_space<vmem>>) target_semaphore(%arg13 : memref<!tpu.dma_semaphore, #tpu.memory_space<semaphore_mem>>)
        } else {
        }
      } else {
      }
      %add3A_243 = arith.constant 2 : i32
      %add3A_244 = arith.addi %add3A_230, %add3A_243 : i32
      %lt3A_245 = arith.cmpi slt, %add3A_244, %min3A_35 : i32
      %convert_element_type3A_246 = arith.extui %lt3A_245 : i1 to i32
      %cond3A_247 = arith.constant 0 : i32
      %cond3A_248 = arith.cmpi ne, %convert_element_type3A_246, %cond3A_247 : i32
      scf.if %cond3A_248 {
        %dma_wait3A_249 = arith.constant 0 : i32
        %dma_wait3A_250 = arith.constant 0 : i32
        %dma_wait3A_251 = tpu.memref_slice %arg3[%dma_wait3A_249, %dma_wait3A_250] : memref<30x16384xi32, #tpu.memory_space<hbm>> -> memref<1x4096xi32, #tpu.memory_space<hbm>>
        %dma_wait3A_252 = tpu.memref_squeeze %dma_wait3A_251 : memref<1x4096xi32, #tpu.memory_space<hbm>> -> memref<4096xi32, #tpu.memory_space<hbm>>
        %dma_wait3A_253 = arith.constant 0 : i32
        %dma_wait3A_254 = tpu.memref_slice %arg3[%dma_wait3A_249, %dma_wait3A_253] : memref<30x16384xi32, #tpu.memory_space<hbm>> -> memref<1x4096xi32, #tpu.memory_space<hbm>>
        %dma_wait3A_255 = tpu.memref_squeeze %dma_wait3A_254 : memref<1x4096xi32, #tpu.memory_space<hbm>> -> memref<4096xi32, #tpu.memory_space<hbm>>
        tpu.wait_dma2 semaphore(%arg14 : memref<!tpu.dma_semaphore, #tpu.memory_space<semaphore_mem>>) src(%dma_wait3A_255 : memref<4096xi32, #tpu.memory_space<hbm>>) dst(%arg8 : memref<4096xi32, #tpu.memory_space<vmem>>)
        %ge3A = arith.constant 3 : i32
        %ge3A_256 = arith.cmpi sge, %add3A_244, %ge3A : i32
        %convert_element_type3A_257 = arith.extui %ge3A_256 : i1 to i32
        %cond3A_258 = arith.constant 0 : i32
        %cond3A_259 = arith.cmpi ne, %convert_element_type3A_257, %cond3A_258 : i32
        scf.if %cond3A_259 {
          %dma_wait3A_317 = arith.constant 0 : i32
          %dma_wait3A_318 = arith.constant 0 : i32
          %dma_wait3A_319 = tpu.memref_slice %arg4[%select_n3A, %dma_wait3A_317, %dma_wait3A_318] : memref<20x30x16384xf32, #tpu.memory_space<hbm>> -> memref<1x1x4096xf32, #tpu.memory_space<hbm>>
          %dma_wait3A_320 = tpu.memref_squeeze %dma_wait3A_319 : memref<1x1x4096xf32, #tpu.memory_space<hbm>> -> memref<4096xf32, #tpu.memory_space<hbm>>
          %dma_wait3A_321 = arith.constant 0 : i32
          %dma_wait3A_322 = tpu.memref_slice %arg4[%select_n3A, %dma_wait3A_317, %dma_wait3A_321] : memref<20x30x16384xf32, #tpu.memory_space<hbm>> -> memref<1x1x4096xf32, #tpu.memory_space<hbm>>
          %dma_wait3A_323 = tpu.memref_squeeze %dma_wait3A_322 : memref<1x1x4096xf32, #tpu.memory_space<hbm>> -> memref<4096xf32, #tpu.memory_space<hbm>>
          tpu.wait_dma2 semaphore(%arg17 : memref<!tpu.dma_semaphore, #tpu.memory_space<semaphore_mem>>) src(%arg11 : memref<4096xf32, #tpu.memory_space<vmem>>) dst(%dma_wait3A_323 : memref<4096xf32, #tpu.memory_space<hbm>>)
        } else {
        }
        %scan3A = arith.constant 0 : i32
        %scan3A_260 = arith.constant 16 : i32
        %scan3A_261 = arith.addi %scan3A, %scan3A_260 : i32
        %scan3A_262 = arith.constant 1 : i32
        scf.for %scan3A_317 = %scan3A to %scan3A_261 step %scan3A_262  : i32 {
          %mul3A_318 = arith.constant 16 : i32
          %mul3A_319 = arith.muli %scan3A_317, %mul3A_318 : i32
          %add3A_320 = arith.constant 0 : i32
          %add3A_321 = arith.addi %add3A_320, %mul3A_319 : i32
          %add3A_322 = arith.constant 0 : i32
          %add3A_323 = arith.addi %add3A_321, %add3A_322 : i32
          %mul3A_324 = arith.constant 16 : i32
          %mul3A_325 = arith.muli %add3A_323, %mul3A_324 : i32
          %get3A_326 = arith.index_cast %mul3A_325 : i32 to index
          %get3A_327 = tpu.vector_load %arg8[%get3A_326] {strides = array<i32>} : memref<4096xi32, #tpu.memory_space<vmem>>, vector<16xi32>,
          %gather3A = tpu.vector_load_idx %arg5[%get3A_327] : memref<100000xf32, #tpu.memory_space<vmem>>[vector<16xi32>], vector<16xf32>,
          %swap3A_328 = arith.index_cast %mul3A_325 : i32 to index
          %swap3A_329 = tpu.vector_load %arg11[%swap3A_328] {strides = array<i32>} : memref<4096xf32, #tpu.memory_space<vmem>>, vector<16xf32>,
          tpu.vector_store %arg11[%swap3A_328], %gather3A {strides = array<i32>} : memref<4096xf32, #tpu.memory_space<vmem>>, vector<16xf32>,
          %add3A_330 = arith.constant 1 : i32
          %add3A_331 = arith.addi %add3A_321, %add3A_330 : i32
          %mul3A_332 = arith.constant 16 : i32
          %mul3A_333 = arith.muli %add3A_331, %mul3A_332 : i32
          %get3A_334 = arith.index_cast %mul3A_333 : i32 to index
          %get3A_335 = tpu.vector_load %arg8[%get3A_334] {strides = array<i32>} : memref<4096xi32, #tpu.memory_space<vmem>>, vector<16xi32>,
          %gather3A_336 = tpu.vector_load_idx %arg5[%get3A_335] : memref<100000xf32, #tpu.memory_space<vmem>>[vector<16xi32>], vector<16xf32>,
          %swap3A_337 = arith.index_cast %mul3A_333 : i32 to index
          %swap3A_338 = tpu.vector_load %arg11[%swap3A_337] {strides = array<i32>} : memref<4096xf32, #tpu.memory_space<vmem>>, vector<16xf32>,
          tpu.vector_store %arg11[%swap3A_337], %gather3A_336 {strides = array<i32>} : memref<4096xf32, #tpu.memory_space<vmem>>, vector<16xf32>,
          %add3A_339 = arith.constant 2 : i32
          %add3A_340 = arith.addi %add3A_321, %add3A_339 : i32
          %mul3A_341 = arith.constant 16 : i32
          %mul3A_342 = arith.muli %add3A_340, %mul3A_341 : i32
          %get3A_343 = arith.index_cast %mul3A_342 : i32 to index
          %get3A_344 = tpu.vector_load %arg8[%get3A_343] {strides = array<i32>} : memref<4096xi32, #tpu.memory_space<vmem>>, vector<16xi32>,
          %gather3A_345 = tpu.vector_load_idx %arg5[%get3A_344] : memref<100000xf32, #tpu.memory_space<vmem>>[vector<16xi32>], vector<16xf32>,
          %swap3A_346 = arith.index_cast %mul3A_342 : i32 to index
          %swap3A_347 = tpu.vector_load %arg11[%swap3A_346] {strides = array<i32>} : memref<4096xf32, #tpu.memory_space<vmem>>, vector<16xf32>,
          tpu.vector_store %arg11[%swap3A_346], %gather3A_345 {strides = array<i32>} : memref<4096xf32, #tpu.memory_space<vmem>>, vector<16xf32>,
          %add3A_348 = arith.constant 3 : i32
          %add3A_349 = arith.addi %add3A_321, %add3A_348 : i32
          %mul3A_350 = arith.constant 16 : i32
          %mul3A_351 = arith.muli %add3A_349, %mul3A_350 : i32
          %get3A_352 = arith.index_cast %mul3A_351 : i32 to index
          %get3A_353 = tpu.vector_load %arg8[%get3A_352] {strides = array<i32>} : memref<4096xi32, #tpu.memory_space<vmem>>, vector<16xi32>,
          %gather3A_354 = tpu.vector_load_idx %arg5[%get3A_353] : memref<100000xf32, #tpu.memory_space<vmem>>[vector<16xi32>], vector<16xf32>,
          %swap3A_355 = arith.index_cast %mul3A_351 : i32 to index
          %swap3A_356 = tpu.vector_load %arg11[%swap3A_355] {strides = array<i32>} : memref<4096xf32, #tpu.memory_space<vmem>>, vector<16xf32>,
          tpu.vector_store %arg11[%swap3A_355], %gather3A_354 {strides = array<i32>} : memref<4096xf32, #tpu.memory_space<vmem>>, vector<16xf32>,
          %add3A_357 = arith.constant 4 : i32
          %add3A_358 = arith.addi %add3A_321, %add3A_357 : i32
          %mul3A_359 = arith.constant 16 : i32
          %mul3A_360 = arith.muli %add3A_358, %mul3A_359 : i32
          %get3A_361 = arith.index_cast %mul3A_360 : i32 to index
          %get3A_362 = tpu.vector_load %arg8[%get3A_361] {strides = array<i32>} : memref<4096xi32, #tpu.memory_space<vmem>>, vector<16xi32>,
          %gather3A_363 = tpu.vector_load_idx %arg5[%get3A_362] : memref<100000xf32, #tpu.memory_space<vmem>>[vector<16xi32>], vector<16xf32>,
          %swap3A_364 = arith.index_cast %mul3A_360 : i32 to index
          %swap3A_365 = tpu.vector_load %arg11[%swap3A_364] {strides = array<i32>} : memref<4096xf32, #tpu.memory_space<vmem>>, vector<16xf32>,
          tpu.vector_store %arg11[%swap3A_364], %gather3A_363 {strides = array<i32>} : memref<4096xf32, #tpu.memory_space<vmem>>, vector<16xf32>,
          %add3A_366 = arith.constant 5 : i32
          %add3A_367 = arith.addi %add3A_321, %add3A_366 : i32
          %mul3A_368 = arith.constant 16 : i32
          %mul3A_369 = arith.muli %add3A_367, %mul3A_368 : i32
          %get3A_370 = arith.index_cast %mul3A_369 : i32 to index
          %get3A_371 = tpu.vector_load %arg8[%get3A_370] {strides = array<i32>} : memref<4096xi32, #tpu.memory_space<vmem>>, vector<16xi32>,
          %gather3A_372 = tpu.vector_load_idx %arg5[%get3A_371] : memref<100000xf32, #tpu.memory_space<vmem>>[vector<16xi32>], vector<16xf32>,
          %swap3A_373 = arith.index_cast %mul3A_369 : i32 to index
          %swap3A_374 = tpu.vector_load %arg11[%swap3A_373] {strides = array<i32>} : memref<4096xf32, #tpu.memory_space<vmem>>, vector<16xf32>,
          tpu.vector_store %arg11[%swap3A_373], %gather3A_372 {strides = array<i32>} : memref<4096xf32, #tpu.memory_space<vmem>>, vector<16xf32>,
          %add3A_375 = arith.constant 6 : i32
          %add3A_376 = arith.addi %add3A_321, %add3A_375 : i32
          %mul3A_377 = arith.constant 16 : i32
          %mul3A_378 = arith.muli %add3A_376, %mul3A_377 : i32
          %get3A_379 = arith.index_cast %mul3A_378 : i32 to index
          %get3A_380 = tpu.vector_load %arg8[%get3A_379] {strides = array<i32>} : memref<4096xi32, #tpu.memory_space<vmem>>, vector<16xi32>,
          %gather3A_381 = tpu.vector_load_idx %arg5[%get3A_380] : memref<100000xf32, #tpu.memory_space<vmem>>[vector<16xi32>], vector<16xf32>,
          %swap3A_382 = arith.index_cast %mul3A_378 : i32 to index
          %swap3A_383 = tpu.vector_load %arg11[%swap3A_382] {strides = array<i32>} : memref<4096xf32, #tpu.memory_space<vmem>>, vector<16xf32>,
          tpu.vector_store %arg11[%swap3A_382], %gather3A_381 {strides = array<i32>} : memref<4096xf32, #tpu.memory_space<vmem>>, vector<16xf32>,
          %add3A_384 = arith.constant 7 : i32
          %add3A_385 = arith.addi %add3A_321, %add3A_384 : i32
          %mul3A_386 = arith.constant 16 : i32
          %mul3A_387 = arith.muli %add3A_385, %mul3A_386 : i32
          %get3A_388 = arith.index_cast %mul3A_387 : i32 to index
          %get3A_389 = tpu.vector_load %arg8[%get3A_388] {strides = array<i32>} : memref<4096xi32, #tpu.memory_space<vmem>>, vector<16xi32>,
          %gather3A_390 = tpu.vector_load_idx %arg5[%get3A_389] : memref<100000xf32, #tpu.memory_space<vmem>>[vector<16xi32>], vector<16xf32>,
          %swap3A_391 = arith.index_cast %mul3A_387 : i32 to index
          %swap3A_392 = tpu.vector_load %arg11[%swap3A_391] {strides = array<i32>} : memref<4096xf32, #tpu.memory_space<vmem>>, vector<16xf32>,
          tpu.vector_store %arg11[%swap3A_391], %gather3A_390 {strides = array<i32>} : memref<4096xf32, #tpu.memory_space<vmem>>, vector<16xf32>,
          %add3A_393 = arith.constant 8 : i32
          %add3A_394 = arith.addi %add3A_321, %add3A_393 : i32
          %mul3A_395 = arith.constant 16 : i32
          %mul3A_396 = arith.muli %add3A_394, %mul3A_395 : i32
          %get3A_397 = arith.index_cast %mul3A_396 : i32 to index
          %get3A_398 = tpu.vector_load %arg8[%get3A_397] {strides = array<i32>} : memref<4096xi32, #tpu.memory_space<vmem>>, vector<16xi32>,
          %gather3A_399 = tpu.vector_load_idx %arg5[%get3A_398] : memref<100000xf32, #tpu.memory_space<vmem>>[vector<16xi32>], vector<16xf32>,
          %swap3A_400 = arith.index_cast %mul3A_396 : i32 to index
          %swap3A_401 = tpu.vector_load %arg11[%swap3A_400] {strides = array<i32>} : memref<4096xf32, #tpu.memory_space<vmem>>, vector<16xf32>,
          tpu.vector_store %arg11[%swap3A_400], %gather3A_399 {strides = array<i32>} : memref<4096xf32, #tpu.memory_space<vmem>>, vector<16xf32>,
          %add3A_402 = arith.constant 9 : i32
          %add3A_403 = arith.addi %add3A_321, %add3A_402 : i32
          %mul3A_404 = arith.constant 16 : i32
          %mul3A_405 = arith.muli %add3A_403, %mul3A_404 : i32
          %get3A_406 = arith.index_cast %mul3A_405 : i32 to index
          %get3A_407 = tpu.vector_load %arg8[%get3A_406] {strides = array<i32>} : memref<4096xi32, #tpu.memory_space<vmem>>, vector<16xi32>,
          %gather3A_408 = tpu.vector_load_idx %arg5[%get3A_407] : memref<100000xf32, #tpu.memory_space<vmem>>[vector<16xi32>], vector<16xf32>,
          %swap3A_409 = arith.index_cast %mul3A_405 : i32 to index
          %swap3A_410 = tpu.vector_load %arg11[%swap3A_409] {strides = array<i32>} : memref<4096xf32, #tpu.memory_space<vmem>>, vector<16xf32>,
          tpu.vector_store %arg11[%swap3A_409], %gather3A_408 {strides = array<i32>} : memref<4096xf32, #tpu.memory_space<vmem>>, vector<16xf32>,
          %add3A_411 = arith.constant 10 : i32
          %add3A_412 = arith.addi %add3A_321, %add3A_411 : i32
          %mul3A_413 = arith.constant 16 : i32
          %mul3A_414 = arith.muli %add3A_412, %mul3A_413 : i32
          %get3A_415 = arith.index_cast %mul3A_414 : i32 to index
          %get3A_416 = tpu.vector_load %arg8[%get3A_415] {strides = array<i32>} : memref<4096xi32, #tpu.memory_space<vmem>>, vector<16xi32>,
          %gather3A_417 = tpu.vector_load_idx %arg5[%get3A_416] : memref<100000xf32, #tpu.memory_space<vmem>>[vector<16xi32>], vector<16xf32>,
          %swap3A_418 = arith.index_cast %mul3A_414 : i32 to index
          %swap3A_419 = tpu.vector_load %arg11[%swap3A_418] {strides = array<i32>} : memref<4096xf32, #tpu.memory_space<vmem>>, vector<16xf32>,
          tpu.vector_store %arg11[%swap3A_418], %gather3A_417 {strides = array<i32>} : memref<4096xf32, #tpu.memory_space<vmem>>, vector<16xf32>,
          %add3A_420 = arith.constant 11 : i32
          %add3A_421 = arith.addi %add3A_321, %add3A_420 : i32
          %mul3A_422 = arith.constant 16 : i32
          %mul3A_423 = arith.muli %add3A_421, %mul3A_422 : i32
          %get3A_424 = arith.index_cast %mul3A_423 : i32 to index
          %get3A_425 = tpu.vector_load %arg8[%get3A_424] {strides = array<i32>} : memref<4096xi32, #tpu.memory_space<vmem>>, vector<16xi32>,
          %gather3A_426 = tpu.vector_load_idx %arg5[%get3A_425] : memref<100000xf32, #tpu.memory_space<vmem>>[vector<16xi32>], vector<16xf32>,
          %swap3A_427 = arith.index_cast %mul3A_423 : i32 to index
          %swap3A_428 = tpu.vector_load %arg11[%swap3A_427] {strides = array<i32>} : memref<4096xf32, #tpu.memory_space<vmem>>, vector<16xf32>,
          tpu.vector_store %arg11[%swap3A_427], %gather3A_426 {strides = array<i32>} : memref<4096xf32, #tpu.memory_space<vmem>>, vector<16xf32>,
          %add3A_429 = arith.constant 12 : i32
          %add3A_430 = arith.addi %add3A_321, %add3A_429 : i32
          %mul3A_431 = arith.constant 16 : i32
          %mul3A_432 = arith.muli %add3A_430, %mul3A_431 : i32
          %get3A_433 = arith.index_cast %mul3A_432 : i32 to index
          %get3A_434 = tpu.vector_load %arg8[%get3A_433] {strides = array<i32>} : memref<4096xi32, #tpu.memory_space<vmem>>, vector<16xi32>,
          %gather3A_435 = tpu.vector_load_idx %arg5[%get3A_434] : memref<100000xf32, #tpu.memory_space<vmem>>[vector<16xi32>], vector<16xf32>,
          %swap3A_436 = arith.index_cast %mul3A_432 : i32 to index
          %swap3A_437 = tpu.vector_load %arg11[%swap3A_436] {strides = array<i32>} : memref<4096xf32, #tpu.memory_space<vmem>>, vector<16xf32>,
          tpu.vector_store %arg11[%swap3A_436], %gather3A_435 {strides = array<i32>} : memref<4096xf32, #tpu.memory_space<vmem>>, vector<16xf32>,
          %add3A_438 = arith.constant 13 : i32
          %add3A_439 = arith.addi %add3A_321, %add3A_438 : i32
          %mul3A_440 = arith.constant 16 : i32
          %mul3A_441 = arith.muli %add3A_439, %mul3A_440 : i32
          %get3A_442 = arith.index_cast %mul3A_441 : i32 to index
          %get3A_443 = tpu.vector_load %arg8[%get3A_442] {strides = array<i32>} : memref<4096xi32, #tpu.memory_space<vmem>>, vector<16xi32>,
          %gather3A_444 = tpu.vector_load_idx %arg5[%get3A_443] : memref<100000xf32, #tpu.memory_space<vmem>>[vector<16xi32>], vector<16xf32>,
          %swap3A_445 = arith.index_cast %mul3A_441 : i32 to index
          %swap3A_446 = tpu.vector_load %arg11[%swap3A_445] {strides = array<i32>} : memref<4096xf32, #tpu.memory_space<vmem>>, vector<16xf32>,
          tpu.vector_store %arg11[%swap3A_445], %gather3A_444 {strides = array<i32>} : memref<4096xf32, #tpu.memory_space<vmem>>, vector<16xf32>,
          %add3A_447 = arith.constant 14 : i32
          %add3A_448 = arith.addi %add3A_321, %add3A_447 : i32
          %mul3A_449 = arith.constant 16 : i32
          %mul3A_450 = arith.muli %add3A_448, %mul3A_449 : i32
          %get3A_451 = arith.index_cast %mul3A_450 : i32 to index
          %get3A_452 = tpu.vector_load %arg8[%get3A_451] {strides = array<i32>} : memref<4096xi32, #tpu.memory_space<vmem>>, vector<16xi32>,
          %gather3A_453 = tpu.vector_load_idx %arg5[%get3A_452] : memref<100000xf32, #tpu.memory_space<vmem>>[vector<16xi32>], vector<16xf32>,
          %swap3A_454 = arith.index_cast %mul3A_450 : i32 to index
          %swap3A_455 = tpu.vector_load %arg11[%swap3A_454] {strides = array<i32>} : memref<4096xf32, #tpu.memory_space<vmem>>, vector<16xf32>,
          tpu.vector_store %arg11[%swap3A_454], %gather3A_453 {strides = array<i32>} : memref<4096xf32, #tpu.memory_space<vmem>>, vector<16xf32>,
          %add3A_456 = arith.constant 15 : i32
          %add3A_457 = arith.addi %add3A_321, %add3A_456 : i32
          %mul3A_458 = arith.constant 16 : i32
          %mul3A_459 = arith.muli %add3A_457, %mul3A_458 : i32
          %get3A_460 = arith.index_cast %mul3A_459 : i32 to index
          %get3A_461 = tpu.vector_load %arg8[%get3A_460] {strides = array<i32>} : memref<4096xi32, #tpu.memory_space<vmem>>, vector<16xi32>,
          %gather3A_462 = tpu.vector_load_idx %arg5[%get3A_461] : memref<100000xf32, #tpu.memory_space<vmem>>[vector<16xi32>], vector<16xf32>,
          %swap3A_463 = arith.index_cast %mul3A_459 : i32 to index
          %swap3A_464 = tpu.vector_load %arg11[%swap3A_463] {strides = array<i32>} : memref<4096xf32, #tpu.memory_space<vmem>>, vector<16xf32>,
          tpu.vector_store %arg11[%swap3A_463], %gather3A_462 {strides = array<i32>} : memref<4096xf32, #tpu.memory_space<vmem>>, vector<16xf32>,
        }
        %scan3A_263 = arith.constant 16 : i32
        %add3A_264 = arith.addi %select_n3A_32, %add3A_244 : i32
        %jit3A_265 = arith.constant 4 : i32
        %div3A_266 = arith.divsi %add3A_264, %jit3A_265 : i32
        %sign3A_267 = arith.constant 0 : i32
        %sign3A_268 = arith.cmpi sgt, %add3A_264, %sign3A_267 : i32
        %sign3A_269 = arith.extui %sign3A_268 : i1 to i32
        %sign3A_270 = arith.constant 0 : i32
        %sign3A_271 = arith.cmpi slt, %add3A_264, %sign3A_270 : i32
        %sign3A_272 = arith.extui %sign3A_271 : i1 to i32
        %sign3A_273 = arith.subi %sign3A_269, %sign3A_272 : i32
        %sign3A_274 = arith.constant 0 : i32
        %sign3A_275 = arith.cmpi sgt, %jit3A_265, %sign3A_274 : i32
        %sign3A_276 = arith.extui %sign3A_275 : i1 to i32
        %sign3A_277 = arith.constant 0 : i32
        %sign3A_278 = arith.cmpi slt, %jit3A_265, %sign3A_277 : i32
        %sign3A_279 = arith.extui %sign3A_278 : i1 to i32
        %sign3A_280 = arith.subi %sign3A_276, %sign3A_279 : i32
        %ne3A_281 = arith.cmpi ne, %sign3A_273, %sign3A_280 : i32
        %rem3A_282 = arith.remsi %add3A_264, %jit3A_265 : i32
        %ne3A_283 = arith.constant 0 : i32
        %ne3A_284 = arith.cmpi ne, %rem3A_282, %ne3A_283 : i32
        %and3A_285 = arith.andi %ne3A_281, %ne3A_284 : i1
        %sub3A_286 = arith.constant 1 : i32
        %sub3A_287 = arith.subi %div3A_266, %sub3A_286 : i32
        %select_n3A_288 = arith.select %and3A_285, %sub3A_287, %div3A_266 : i32
        %jit3A_289 = arith.constant 4 : i32
        %eq3A_290 = arith.constant 0 : i32
        %eq3A_291 = arith.cmpi eq, %jit3A_289, %eq3A_290 : i32
        %jit3A_292 = arith.constant 1 : i32
        %select_n3A_293 = arith.select %eq3A_291, %jit3A_292, %jit3A_289 : i32
        %rem3A_294 = arith.remsi %add3A_264, %select_n3A_293 : i32
        %ne3A_295 = arith.constant 0 : i32
        %ne3A_296 = arith.cmpi ne, %rem3A_294, %ne3A_295 : i32
        %lt3A_297 = arith.constant 0 : i32
        %lt3A_298 = arith.cmpi slt, %rem3A_294, %lt3A_297 : i32
        %lt3A_299 = arith.constant 0 : i32
        %lt3A_300 = arith.cmpi slt, %select_n3A_293, %lt3A_299 : i32
        %ne3A_301 = arith.xori %lt3A_298, %lt3A_300 : i1
        %and3A_302 = arith.andi %ne3A_301, %ne3A_296 : i1
        %add3A_303 = arith.addi %rem3A_294, %select_n3A_293 : i32
        %select_n3A_304 = arith.select %and3A_302, %add3A_303, %rem3A_294 : i32
        %mul3A_305 = arith.constant 4096 : i32
        %mul3A_306 = arith.muli %select_n3A_304, %mul3A_305 : i32
        %dma_start3A_307 = tpu.memref_slice %arg4[%select_n3A, %select_n3A_288, %mul3A_306] : memref<20x30x16384xf32, #tpu.memory_space<hbm>> -> memref<1x1x4096xf32, #tpu.memory_space<hbm>>
        %dma_start3A_308 = tpu.memref_squeeze %dma_start3A_307 : memref<1x1x4096xf32, #tpu.memory_space<hbm>> -> memref<4096xf32, #tpu.memory_space<hbm>>
        %dma_start3A_309 = tpu.memref_slice %arg4[%select_n3A, %select_n3A_288, %mul3A_306] : memref<20x30x16384xf32, #tpu.memory_space<hbm>> -> memref<1x1x4096xf32, #tpu.memory_space<hbm>>
        %dma_start3A_310 = tpu.memref_squeeze %dma_start3A_309 : memref<1x1x4096xf32, #tpu.memory_space<hbm>> -> memref<4096xf32, #tpu.memory_space<hbm>>
        tpu.enqueue_dma source(%arg11 : memref<4096xf32, #tpu.memory_space<vmem>>) target(%dma_start3A_310 : memref<4096xf32, #tpu.memory_space<hbm>>) target_semaphore(%arg17 : memref<!tpu.dma_semaphore, #tpu.memory_space<semaphore_mem>>)
        %add3A_311 = arith.constant 3 : i32
        %add3A_312 = arith.addi %add3A_244, %add3A_311 : i32
        %lt3A_313 = arith.cmpi slt, %add3A_312, %min3A_35 : i32
        %convert_element_type3A_314 = arith.extui %lt3A_313 : i1 to i32
        %cond3A_315 = arith.constant 0 : i32
        %cond3A_316 = arith.cmpi ne, %convert_element_type3A_314, %cond3A_315 : i32
        scf.if %cond3A_316 {
          %add3A_317 = arith.constant 3 : i32
          %add3A_318 = arith.addi %add3A_244, %add3A_317 : i32
          %add3A_319 = arith.addi %select_n3A_32, %add3A_318 : i32
          %jit3A_320 = arith.constant 4 : i32
          %div3A_321 = arith.divsi %add3A_319, %jit3A_320 : i32
          %sign3A_322 = arith.constant 0 : i32
          %sign3A_323 = arith.cmpi sgt, %add3A_319, %sign3A_322 : i32
          %sign3A_324 = arith.extui %sign3A_323 : i1 to i32
          %sign3A_325 = arith.constant 0 : i32
          %sign3A_326 = arith.cmpi slt, %add3A_319, %sign3A_325 : i32
          %sign3A_327 = arith.extui %sign3A_326 : i1 to i32
          %sign3A_328 = arith.subi %sign3A_324, %sign3A_327 : i32
          %sign3A_329 = arith.constant 0 : i32
          %sign3A_330 = arith.cmpi sgt, %jit3A_320, %sign3A_329 : i32
          %sign3A_331 = arith.extui %sign3A_330 : i1 to i32
          %sign3A_332 = arith.constant 0 : i32
          %sign3A_333 = arith.cmpi slt, %jit3A_320, %sign3A_332 : i32
          %sign3A_334 = arith.extui %sign3A_333 : i1 to i32
          %sign3A_335 = arith.subi %sign3A_331, %sign3A_334 : i32
          %ne3A_336 = arith.cmpi ne, %sign3A_328, %sign3A_335 : i32
          %rem3A_337 = arith.remsi %add3A_319, %jit3A_320 : i32
          %ne3A_338 = arith.constant 0 : i32
          %ne3A_339 = arith.cmpi ne, %rem3A_337, %ne3A_338 : i32
          %and3A_340 = arith.andi %ne3A_336, %ne3A_339 : i1
          %sub3A_341 = arith.constant 1 : i32
          %sub3A_342 = arith.subi %div3A_321, %sub3A_341 : i32
          %select_n3A_343 = arith.select %and3A_340, %sub3A_342, %div3A_321 : i32
          %jit3A_344 = arith.constant 4 : i32
          %eq3A_345 = arith.constant 0 : i32
          %eq3A_346 = arith.cmpi eq, %jit3A_344, %eq3A_345 : i32
          %jit3A_347 = arith.constant 1 : i32
          %select_n3A_348 = arith.select %eq3A_346, %jit3A_347, %jit3A_344 : i32
          %rem3A_349 = arith.remsi %add3A_319, %select_n3A_348 : i32
          %ne3A_350 = arith.constant 0 : i32
          %ne3A_351 = arith.cmpi ne, %rem3A_349, %ne3A_350 : i32
          %lt3A_352 = arith.constant 0 : i32
          %lt3A_353 = arith.cmpi slt, %rem3A_349, %lt3A_352 : i32
          %lt3A_354 = arith.constant 0 : i32
          %lt3A_355 = arith.cmpi slt, %select_n3A_348, %lt3A_354 : i32
          %ne3A_356 = arith.xori %lt3A_353, %lt3A_355 : i1
          %and3A_357 = arith.andi %ne3A_356, %ne3A_351 : i1
          %add3A_358 = arith.addi %rem3A_349, %select_n3A_348 : i32
          %select_n3A_359 = arith.select %and3A_357, %add3A_358, %rem3A_349 : i32
          %mul3A_360 = arith.constant 4096 : i32
          %mul3A_361 = arith.muli %select_n3A_359, %mul3A_360 : i32
          %dma_start3A_362 = tpu.memref_slice %arg3[%select_n3A_343, %mul3A_361] : memref<30x16384xi32, #tpu.memory_space<hbm>> -> memref<1x4096xi32, #tpu.memory_space<hbm>>
          %dma_start3A_363 = tpu.memref_squeeze %dma_start3A_362 : memref<1x4096xi32, #tpu.memory_space<hbm>> -> memref<4096xi32, #tpu.memory_space<hbm>>
          %dma_start3A_364 = tpu.memref_slice %arg3[%select_n3A_343, %mul3A_361] : memref<30x16384xi32, #tpu.memory_space<hbm>> -> memref<1x4096xi32, #tpu.memory_space<hbm>>
          %dma_start3A_365 = tpu.memref_squeeze %dma_start3A_364 : memref<1x4096xi32, #tpu.memory_space<hbm>> -> memref<4096xi32, #tpu.memory_space<hbm>>
          tpu.enqueue_dma source(%dma_start3A_365 : memref<4096xi32, #tpu.memory_space<hbm>>) target(%arg8 : memref<4096xi32, #tpu.memory_space<vmem>>) target_semaphore(%arg14 : memref<!tpu.dma_semaphore, #tpu.memory_space<semaphore_mem>>)
        } else {
        }
      } else {
      }
    }
    %dma_wait3A = arith.constant 0 : i32
    %dma_wait3A_206 = arith.constant 0 : i32
    %dma_wait3A_207 = tpu.memref_slice %arg4[%select_n3A, %dma_wait3A, %dma_wait3A_206] : memref<20x30x16384xf32, #tpu.memory_space<hbm>> -> memref<1x1x4096xf32, #tpu.memory_space<hbm>>
    %dma_wait3A_208 = tpu.memref_squeeze %dma_wait3A_207 : memref<1x1x4096xf32, #tpu.memory_space<hbm>> -> memref<4096xf32, #tpu.memory_space<hbm>>
    %dma_wait3A_209 = arith.constant 0 : i32
    %dma_wait3A_210 = tpu.memref_slice %arg4[%select_n3A, %dma_wait3A, %dma_wait3A_209] : memref<20x30x16384xf32, #tpu.memory_space<hbm>> -> memref<1x1x4096xf32, #tpu.memory_space<hbm>>
    %dma_wait3A_211 = tpu.memref_squeeze %dma_wait3A_210 : memref<1x1x4096xf32, #tpu.memory_space<hbm>> -> memref<4096xf32, #tpu.memory_space<hbm>>
    tpu.wait_dma2 semaphore(%arg15 : memref<!tpu.dma_semaphore, #tpu.memory_space<semaphore_mem>>) src(%arg9 : memref<4096xf32, #tpu.memory_space<vmem>>) dst(%dma_wait3A_211 : memref<4096xf32, #tpu.memory_space<hbm>>)
    %dma_wait3A_212 = arith.constant 0 : i32
    %dma_wait3A_213 = arith.constant 0 : i32
    %dma_wait3A_214 = tpu.memref_slice %arg4[%select_n3A, %dma_wait3A_212, %dma_wait3A_213] : memref<20x30x16384xf32, #tpu.memory_space<hbm>> -> memref<1x1x4096xf32, #tpu.memory_space<hbm>>
    %dma_wait3A_215 = tpu.memref_squeeze %dma_wait3A_214 : memref<1x1x4096xf32, #tpu.memory_space<hbm>> -> memref<4096xf32, #tpu.memory_space<hbm>>
    %dma_wait3A_216 = arith.constant 0 : i32
    %dma_wait3A_217 = tpu.memref_slice %arg4[%select_n3A, %dma_wait3A_212, %dma_wait3A_216] : memref<20x30x16384xf32, #tpu.memory_space<hbm>> -> memref<1x1x4096xf32, #tpu.memory_space<hbm>>
    %dma_wait3A_218 = tpu.memref_squeeze %dma_wait3A_217 : memref<1x1x4096xf32, #tpu.memory_space<hbm>> -> memref<4096xf32, #tpu.memory_space<hbm>>
    tpu.wait_dma2 semaphore(%arg16 : memref<!tpu.dma_semaphore, #tpu.memory_space<semaphore_mem>>) src(%arg10 : memref<4096xf32, #tpu.memory_space<vmem>>) dst(%dma_wait3A_218 : memref<4096xf32, #tpu.memory_space<hbm>>)
    %dma_wait3A_219 = arith.constant 0 : i32
    %dma_wait3A_220 = arith.constant 0 : i32
    %dma_wait3A_221 = tpu.memref_slice %arg4[%select_n3A, %dma_wait3A_219, %dma_wait3A_220] : memref<20x30x16384xf32, #tpu.memory_space<hbm>> -> memref<1x1x4096xf32, #tpu.memory_space<hbm>>
    %dma_wait3A_222 = tpu.memref_squeeze %dma_wait3A_221 : memref<1x1x4096xf32, #tpu.memory_space<hbm>> -> memref<4096xf32, #tpu.memory_space<hbm>>
    %dma_wait3A_223 = arith.constant 0 : i32
    %dma_wait3A_224 = tpu.memref_slice %arg4[%select_n3A, %dma_wait3A_219, %dma_wait3A_223] : memref<20x30x16384xf32, #tpu.memory_space<hbm>> -> memref<1x1x4096xf32, #tpu.memory_space<hbm>>
    %dma_wait3A_225 = tpu.memref_squeeze %dma_wait3A_224 : memref<1x1x4096xf32, #tpu.memory_space<hbm>> -> memref<4096xf32, #tpu.memory_space<hbm>>
    tpu.wait_dma2 semaphore(%arg17 : memref<!tpu.dma_semaphore, #tpu.memory_space<semaphore_mem>>) src(%arg11 : memref<4096xf32, #tpu.memory_space<vmem>>) dst(%dma_wait3A_225 : memref<4096xf32, #tpu.memory_space<hbm>>)
    %gt3A = arith.constant 0 : i32
    %gt3A_226 = arith.cmpi sgt, %sub3A_37, %gt3A : i32
    %convert_element_type3A = arith.extui %gt3A_226 : i1 to i32
    %cond3A = arith.constant 0 : i32
    %cond3A_227 = arith.cmpi ne, %convert_element_type3A, %cond3A : i32
    scf.if %cond3A_227 {
      %add3A_228 = arith.constant 1 : i32
      %add3A_229 = arith.addi %select_n3A, %add3A_228 : i32
      "tpu.region"() ({
        %run_scoped3A = tpu.sem_alloc : memref<!tpu.dma_semaphore, #tpu.memory_space<semaphore_mem>>
        %dma_start3A_429 = arith.constant 0 : i32
        %dma_start3A_430 = tpu.memref_slice %arg2[%add3A_229, %dma_start3A_429] : memref<20x100000xf32, #tpu.memory_space<hbm>> -> memref<1x100000xf32, #tpu.memory_space<hbm>>
        %dma_start3A_431 = tpu.memref_squeeze %dma_start3A_430 : memref<1x100000xf32, #tpu.memory_space<hbm>> -> memref<100000xf32, #tpu.memory_space<hbm>>
        %dma_start3A_432 = arith.constant 0 : i32
        %dma_start3A_433 = tpu.memref_slice %arg2[%add3A_229, %dma_start3A_432] : memref<20x100000xf32, #tpu.memory_space<hbm>> -> memref<1x100000xf32, #tpu.memory_space<hbm>>
        %dma_start3A_434 = tpu.memref_squeeze %dma_start3A_433 : memref<1x100000xf32, #tpu.memory_space<hbm>> -> memref<100000xf32, #tpu.memory_space<hbm>>
        tpu.enqueue_dma source(%dma_start3A_434 : memref<100000xf32, #tpu.memory_space<hbm>>) target(%arg5 : memref<100000xf32, #tpu.memory_space<vmem>>) target_semaphore(%run_scoped3A : memref<!tpu.dma_semaphore, #tpu.memory_space<semaphore_mem>>)
        %dma_wait3A_435 = arith.constant 0 : i32
        %dma_wait3A_436 = tpu.memref_slice %arg2[%add3A_229, %dma_wait3A_435] : memref<20x100000xf32, #tpu.memory_space<hbm>> -> memref<1x100000xf32, #tpu.memory_space<hbm>>
        %dma_wait3A_437 = tpu.memref_squeeze %dma_wait3A_436 : memref<1x100000xf32, #tpu.memory_space<hbm>> -> memref<100000xf32, #tpu.memory_space<hbm>>
        %dma_wait3A_438 = arith.constant 0 : i32
        %dma_wait3A_439 = tpu.memref_slice %arg2[%add3A_229, %dma_wait3A_438] : memref<20x100000xf32, #tpu.memory_space<hbm>> -> memref<1x100000xf32, #tpu.memory_space<hbm>>
        %dma_wait3A_440 = tpu.memref_squeeze %dma_wait3A_439 : memref<1x100000xf32, #tpu.memory_space<hbm>> -> memref<100000xf32, #tpu.memory_space<hbm>>
        tpu.wait_dma2 semaphore(%run_scoped3A : memref<!tpu.dma_semaphore, #tpu.memory_space<semaphore_mem>>) src(%dma_wait3A_440 : memref<100000xf32, #tpu.memory_space<hbm>>) dst(%arg5 : memref<100000xf32, #tpu.memory_space<vmem>>)
        tpu.yield
      }) : () -> ()
      %iota3A_230 = tpu.iota {dimensions = array<i32: 0>} : vector<16xi32>
      %eq3A_231 = arith.constant 4 : i32
      %eq3A_232 = vector.broadcast %eq3A_231 : i32 to vector<16xi32>
      %eq3A_233 = arith.cmpi eq, %iota3A_230, %eq3A_232 : vector<16xi32>
      %get3A_234 = arith.constant 0 : index
      %get3A_235 = tpu.vector_load %arg5[%get3A_234] {strides = array<i32>} : memref<100000xf32, #tpu.memory_space<vmem>>, vector<16xf32>,
      %jit3A_236 = arith.constant 0.000000e+00 : f32
      %broadcast_in_dim3A_237 = vector.broadcast %jit3A_236 : f32 to vector<16xf32>
      %select_n3A_238 = arith.select %eq3A_233, %broadcast_in_dim3A_237, %get3A_235 : vector<16xi1>, vector<16xf32>
      %swap3A_239 = arith.constant 0 : index
      %swap3A_240 = tpu.vector_load %arg5[%swap3A_239] {strides = array<i32>} : memref<100000xf32, #tpu.memory_space<vmem>>, vector<16xf32>,
      tpu.vector_store %arg5[%swap3A_239], %select_n3A_238 {strides = array<i32>} : memref<100000xf32, #tpu.memory_space<vmem>>, vector<16xf32>,
      %add3A_241 = arith.constant 0 : i32
      %add3A_242 = arith.constant 0 : i32
      %add3A_243 = arith.addi %add3A_241, %add3A_242 : i32
      %jit3A_244 = arith.constant 4 : i32
      %div3A_245 = arith.divsi %add3A_243, %jit3A_244 : i32
      %sign3A_246 = arith.constant 0 : i32
      %sign3A_247 = arith.cmpi sgt, %add3A_243, %sign3A_246 : i32
      %sign3A_248 = arith.extui %sign3A_247 : i1 to i32
      %sign3A_249 = arith.constant 0 : i32
      %sign3A_250 = arith.cmpi slt, %add3A_243, %sign3A_249 : i32
      %sign3A_251 = arith.extui %sign3A_250 : i1 to i32
      %sign3A_252 = arith.subi %sign3A_248, %sign3A_251 : i32
      %sign3A_253 = arith.constant 0 : i32
      %sign3A_254 = arith.cmpi sgt, %jit3A_244, %sign3A_253 : i32
      %sign3A_255 = arith.extui %sign3A_254 : i1 to i32
      %sign3A_256 = arith.constant 0 : i32
      %sign3A_257 = arith.cmpi slt, %jit3A_244, %sign3A_256 : i32
      %sign3A_258 = arith.extui %sign3A_257 : i1 to i32
      %sign3A_259 = arith.subi %sign3A_255, %sign3A_258 : i32
      %ne3A_260 = arith.cmpi ne, %sign3A_252, %sign3A_259 : i32
      %rem3A_261 = arith.remsi %add3A_243, %jit3A_244 : i32
      %ne3A_262 = arith.constant 0 : i32
      %ne3A_263 = arith.cmpi ne, %rem3A_261, %ne3A_262 : i32
      %and3A_264 = arith.andi %ne3A_260, %ne3A_263 : i1
      %sub3A_265 = arith.constant 1 : i32
      %sub3A_266 = arith.subi %div3A_245, %sub3A_265 : i32
      %select_n3A_267 = arith.select %and3A_264, %sub3A_266, %div3A_245 : i32
      %jit3A_268 = arith.constant 4 : i32
      %eq3A_269 = arith.constant 0 : i32
      %eq3A_270 = arith.cmpi eq, %jit3A_268, %eq3A_269 : i32
      %jit3A_271 = arith.constant 1 : i32
      %select_n3A_272 = arith.select %eq3A_270, %jit3A_271, %jit3A_268 : i32
      %rem3A_273 = arith.remsi %add3A_243, %select_n3A_272 : i32
      %ne3A_274 = arith.constant 0 : i32
      %ne3A_275 = arith.cmpi ne, %rem3A_273, %ne3A_274 : i32
      %lt3A_276 = arith.constant 0 : i32
      %lt3A_277 = arith.cmpi slt, %rem3A_273, %lt3A_276 : i32
      %lt3A_278 = arith.constant 0 : i32
      %lt3A_279 = arith.cmpi slt, %select_n3A_272, %lt3A_278 : i32
      %ne3A_280 = arith.xori %lt3A_277, %lt3A_279 : i1
      %and3A_281 = arith.andi %ne3A_280, %ne3A_275 : i1
      %add3A_282 = arith.addi %rem3A_273, %select_n3A_272 : i32
      %select_n3A_283 = arith.select %and3A_281, %add3A_282, %rem3A_273 : i32
      %mul3A_284 = arith.constant 4096 : i32
      %mul3A_285 = arith.muli %select_n3A_283, %mul3A_284 : i32
      %dma_start3A_286 = tpu.memref_slice %arg3[%select_n3A_267, %mul3A_285] : memref<30x16384xi32, #tpu.memory_space<hbm>> -> memref<1x4096xi32, #tpu.memory_space<hbm>>
      %dma_start3A_287 = tpu.memref_squeeze %dma_start3A_286 : memref<1x4096xi32, #tpu.memory_space<hbm>> -> memref<4096xi32, #tpu.memory_space<hbm>>
      %dma_start3A_288 = tpu.memref_slice %arg3[%select_n3A_267, %mul3A_285] : memref<30x16384xi32, #tpu.memory_space<hbm>> -> memref<1x4096xi32, #tpu.memory_space<hbm>>
      %dma_start3A_289 = tpu.memref_squeeze %dma_start3A_288 : memref<1x4096xi32, #tpu.memory_space<hbm>> -> memref<4096xi32, #tpu.memory_space<hbm>>
      tpu.enqueue_dma source(%dma_start3A_289 : memref<4096xi32, #tpu.memory_space<hbm>>) target(%arg6 : memref<4096xi32, #tpu.memory_space<vmem>>) target_semaphore(%arg12 : memref<!tpu.dma_semaphore, #tpu.memory_space<semaphore_mem>>)
      %add3A_290 = arith.constant 0 : i32
      %add3A_291 = arith.constant 1 : i32
      %add3A_292 = arith.addi %add3A_290, %add3A_291 : i32
      %jit3A_293 = arith.constant 4 : i32
      %div3A_294 = arith.divsi %add3A_292, %jit3A_293 : i32
      %sign3A_295 = arith.constant 0 : i32
      %sign3A_296 = arith.cmpi sgt, %add3A_292, %sign3A_295 : i32
      %sign3A_297 = arith.extui %sign3A_296 : i1 to i32
      %sign3A_298 = arith.constant 0 : i32
      %sign3A_299 = arith.cmpi slt, %add3A_292, %sign3A_298 : i32
      %sign3A_300 = arith.extui %sign3A_299 : i1 to i32
      %sign3A_301 = arith.subi %sign3A_297, %sign3A_300 : i32
      %sign3A_302 = arith.constant 0 : i32
      %sign3A_303 = arith.cmpi sgt, %jit3A_293, %sign3A_302 : i32
      %sign3A_304 = arith.extui %sign3A_303 : i1 to i32
      %sign3A_305 = arith.constant 0 : i32
      %sign3A_306 = arith.cmpi slt, %jit3A_293, %sign3A_305 : i32
      %sign3A_307 = arith.extui %sign3A_306 : i1 to i32
      %sign3A_308 = arith.subi %sign3A_304, %sign3A_307 : i32
      %ne3A_309 = arith.cmpi ne, %sign3A_301, %sign3A_308 : i32
      %rem3A_310 = arith.remsi %add3A_292, %jit3A_293 : i32
      %ne3A_311 = arith.constant 0 : i32
      %ne3A_312 = arith.cmpi ne, %rem3A_310, %ne3A_311 : i32
      %and3A_313 = arith.andi %ne3A_309, %ne3A_312 : i1
      %sub3A_314 = arith.constant 1 : i32
      %sub3A_315 = arith.subi %div3A_294, %sub3A_314 : i32
      %select_n3A_316 = arith.select %and3A_313, %sub3A_315, %div3A_294 : i32
      %jit3A_317 = arith.constant 4 : i32
      %eq3A_318 = arith.constant 0 : i32
      %eq3A_319 = arith.cmpi eq, %jit3A_317, %eq3A_318 : i32
      %jit3A_320 = arith.constant 1 : i32
      %select_n3A_321 = arith.select %eq3A_319, %jit3A_320, %jit3A_317 : i32
      %rem3A_322 = arith.remsi %add3A_292, %select_n3A_321 : i32
      %ne3A_323 = arith.constant 0 : i32
      %ne3A_324 = arith.cmpi ne, %rem3A_322, %ne3A_323 : i32
      %lt3A_325 = arith.constant 0 : i32
      %lt3A_326 = arith.cmpi slt, %rem3A_322, %lt3A_325 : i32
      %lt3A_327 = arith.constant 0 : i32
      %lt3A_328 = arith.cmpi slt, %select_n3A_321, %lt3A_327 : i32
      %ne3A_329 = arith.xori %lt3A_326, %lt3A_328 : i1
      %and3A_330 = arith.andi %ne3A_329, %ne3A_324 : i1
      %add3A_331 = arith.addi %rem3A_322, %select_n3A_321 : i32
      %select_n3A_332 = arith.select %and3A_330, %add3A_331, %rem3A_322 : i32
      %mul3A_333 = arith.constant 4096 : i32
      %mul3A_334 = arith.muli %select_n3A_332, %mul3A_333 : i32
      %dma_start3A_335 = tpu.memref_slice %arg3[%select_n3A_316, %mul3A_334] : memref<30x16384xi32, #tpu.memory_space<hbm>> -> memref<1x4096xi32, #tpu.memory_space<hbm>>
      %dma_start3A_336 = tpu.memref_squeeze %dma_start3A_335 : memref<1x4096xi32, #tpu.memory_space<hbm>> -> memref<4096xi32, #tpu.memory_space<hbm>>
      %dma_start3A_337 = tpu.memref_slice %arg3[%select_n3A_316, %mul3A_334] : memref<30x16384xi32, #tpu.memory_space<hbm>> -> memref<1x4096xi32, #tpu.memory_space<hbm>>
      %dma_start3A_338 = tpu.memref_squeeze %dma_start3A_337 : memref<1x4096xi32, #tpu.memory_space<hbm>> -> memref<4096xi32, #tpu.memory_space<hbm>>
      tpu.enqueue_dma source(%dma_start3A_338 : memref<4096xi32, #tpu.memory_space<hbm>>) target(%arg7 : memref<4096xi32, #tpu.memory_space<vmem>>) target_semaphore(%arg13 : memref<!tpu.dma_semaphore, #tpu.memory_space<semaphore_mem>>)
      %add3A_339 = arith.constant 0 : i32
      %add3A_340 = arith.constant 2 : i32
      %add3A_341 = arith.addi %add3A_339, %add3A_340 : i32
      %jit3A_342 = arith.constant 4 : i32
      %div3A_343 = arith.divsi %add3A_341, %jit3A_342 : i32
      %sign3A_344 = arith.constant 0 : i32
      %sign3A_345 = arith.cmpi sgt, %add3A_341, %sign3A_344 : i32
      %sign3A_346 = arith.extui %sign3A_345 : i1 to i32
      %sign3A_347 = arith.constant 0 : i32
      %sign3A_348 = arith.cmpi slt, %add3A_341, %sign3A_347 : i32
      %sign3A_349 = arith.extui %sign3A_348 : i1 to i32
      %sign3A_350 = arith.subi %sign3A_346, %sign3A_349 : i32
      %sign3A_351 = arith.constant 0 : i32
      %sign3A_352 = arith.cmpi sgt, %jit3A_342, %sign3A_351 : i32
      %sign3A_353 = arith.extui %sign3A_352 : i1 to i32
      %sign3A_354 = arith.constant 0 : i32
      %sign3A_355 = arith.cmpi slt, %jit3A_342, %sign3A_354 : i32
      %sign3A_356 = arith.extui %sign3A_355 : i1 to i32
      %sign3A_357 = arith.subi %sign3A_353, %sign3A_356 : i32
      %ne3A_358 = arith.cmpi ne, %sign3A_350, %sign3A_357 : i32
      %rem3A_359 = arith.remsi %add3A_341, %jit3A_342 : i32
      %ne3A_360 = arith.constant 0 : i32
      %ne3A_361 = arith.cmpi ne, %rem3A_359, %ne3A_360 : i32
      %and3A_362 = arith.andi %ne3A_358, %ne3A_361 : i1
      %sub3A_363 = arith.constant 1 : i32
      %sub3A_364 = arith.subi %div3A_343, %sub3A_363 : i32
      %select_n3A_365 = arith.select %and3A_362, %sub3A_364, %div3A_343 : i32
      %jit3A_366 = arith.constant 4 : i32
      %eq3A_367 = arith.constant 0 : i32
      %eq3A_368 = arith.cmpi eq, %jit3A_366, %eq3A_367 : i32
      %jit3A_369 = arith.constant 1 : i32
      %select_n3A_370 = arith.select %eq3A_368, %jit3A_369, %jit3A_366 : i32
      %rem3A_371 = arith.remsi %add3A_341, %select_n3A_370 : i32
      %ne3A_372 = arith.constant 0 : i32
      %ne3A_373 = arith.cmpi ne, %rem3A_371, %ne3A_372 : i32
      %lt3A_374 = arith.constant 0 : i32
      %lt3A_375 = arith.cmpi slt, %rem3A_371, %lt3A_374 : i32
      %lt3A_376 = arith.constant 0 : i32
      %lt3A_377 = arith.cmpi slt, %select_n3A_370, %lt3A_376 : i32
      %ne3A_378 = arith.xori %lt3A_375, %lt3A_377 : i1
      %and3A_379 = arith.andi %ne3A_378, %ne3A_373 : i1
      %add3A_380 = arith.addi %rem3A_371, %select_n3A_370 : i32
      %select_n3A_381 = arith.select %and3A_379, %add3A_380, %rem3A_371 : i32
      %mul3A_382 = arith.constant 4096 : i32
      %mul3A_383 = arith.muli %select_n3A_381, %mul3A_382 : i32
      %dma_start3A_384 = tpu.memref_slice %arg3[%select_n3A_365, %mul3A_383] : memref<30x16384xi32, #tpu.memory_space<hbm>> -> memref<1x4096xi32, #tpu.memory_space<hbm>>
      %dma_start3A_385 = tpu.memref_squeeze %dma_start3A_384 : memref<1x4096xi32, #tpu.memory_space<hbm>> -> memref<4096xi32, #tpu.memory_space<hbm>>
      %dma_start3A_386 = tpu.memref_slice %arg3[%select_n3A_365, %mul3A_383] : memref<30x16384xi32, #tpu.memory_space<hbm>> -> memref<1x4096xi32, #tpu.memory_space<hbm>>
      %dma_start3A_387 = tpu.memref_squeeze %dma_start3A_386 : memref<1x4096xi32, #tpu.memory_space<hbm>> -> memref<4096xi32, #tpu.memory_space<hbm>>
      tpu.enqueue_dma source(%dma_start3A_387 : memref<4096xi32, #tpu.memory_space<hbm>>) target(%arg8 : memref<4096xi32, #tpu.memory_space<vmem>>) target_semaphore(%arg14 : memref<!tpu.dma_semaphore, #tpu.memory_space<semaphore_mem>>)
      %sub3A_388 = arith.constant 0 : i32
      %sub3A_389 = arith.subi %sub3A_37, %sub3A_388 : i32
      %sub3A_390 = arith.constant 3 : i32
      %sub3A_391 = arith.constant 1 : i32
      %sub3A_392 = arith.subi %sub3A_390, %sub3A_391 : i32
      %add3A_393 = arith.addi %sub3A_389, %sub3A_392 : i32
      %div3A_394 = arith.constant 3 : i32
      %div3A_395 = arith.divsi %add3A_393, %div3A_394 : i32
      %while3A_396 = arith.constant 3 : i32
      %while3A_397 = arith.constant 0 : i32
      %while3A_398 = arith.constant 0 : i32
      %while3A_399 = arith.constant 0 : i32
      %while3A_400 = arith.subi %div3A_395, %while3A_399 : i32
      %while3A_401 = arith.addi %while3A_399, %while3A_400 : i32
      %while3A_402 = arith.constant 1 : i32
      %while3A_403 = arith.divsi %while3A_400, %while3A_402 : i32
      %while3A_404 = arith.muli %while3A_403, %while3A_402 : i32
      %while3A_405 = arith.addi %while3A_399, %while3A_404 : i32
      %while3A_406 = arith.constant 1 : i32
      scf.for %while3A_429 = %while3A_399 to %while3A_405 step %while3A_406  : i32 {
        %mul3A_430 = arith.muli %while3A_429, %while3A_396 : i32
        %add3A_431 = arith.addi %while3A_397, %mul3A_430 : i32
        %add3A_432 = arith.constant 0 : i32
        %add3A_433 = arith.addi %add3A_431, %add3A_432 : i32
        %lt3A_434 = arith.cmpi slt, %add3A_433, %sub3A_37 : i32
        %convert_element_type3A_435 = arith.extui %lt3A_434 : i1 to i32
        %cond3A_436 = arith.constant 0 : i32
        %cond3A_437 = arith.cmpi ne, %convert_element_type3A_435, %cond3A_436 : i32
        scf.if %cond3A_437 {
          %dma_wait3A_450 = arith.constant 0 : i32
          %dma_wait3A_451 = arith.constant 0 : i32
          %dma_wait3A_452 = tpu.memref_slice %arg3[%dma_wait3A_450, %dma_wait3A_451] : memref<30x16384xi32, #tpu.memory_space<hbm>> -> memref<1x4096xi32, #tpu.memory_space<hbm>>
          %dma_wait3A_453 = tpu.memref_squeeze %dma_wait3A_452 : memref<1x4096xi32, #tpu.memory_space<hbm>> -> memref<4096xi32, #tpu.memory_space<hbm>>
          %dma_wait3A_454 = arith.constant 0 : i32
          %dma_wait3A_455 = tpu.memref_slice %arg3[%dma_wait3A_450, %dma_wait3A_454] : memref<30x16384xi32, #tpu.memory_space<hbm>> -> memref<1x4096xi32, #tpu.memory_space<hbm>>
          %dma_wait3A_456 = tpu.memref_squeeze %dma_wait3A_455 : memref<1x4096xi32, #tpu.memory_space<hbm>> -> memref<4096xi32, #tpu.memory_space<hbm>>
          tpu.wait_dma2 semaphore(%arg12 : memref<!tpu.dma_semaphore, #tpu.memory_space<semaphore_mem>>) src(%dma_wait3A_456 : memref<4096xi32, #tpu.memory_space<hbm>>) dst(%arg6 : memref<4096xi32, #tpu.memory_space<vmem>>)
          %ge3A = arith.constant 3 : i32
          %ge3A_457 = arith.cmpi sge, %add3A_433, %ge3A : i32
          %convert_element_type3A_458 = arith.extui %ge3A_457 : i1 to i32
          %cond3A_459 = arith.constant 0 : i32
          %cond3A_460 = arith.cmpi ne, %convert_element_type3A_458, %cond3A_459 : i32
          scf.if %cond3A_460 {
            %dma_wait3A_518 = arith.constant 0 : i32
            %dma_wait3A_519 = arith.constant 0 : i32
            %dma_wait3A_520 = tpu.memref_slice %arg4[%add3A_229, %dma_wait3A_518, %dma_wait3A_519] : memref<20x30x16384xf32, #tpu.memory_space<hbm>> -> memref<1x1x4096xf32, #tpu.memory_space<hbm>>
            %dma_wait3A_521 = tpu.memref_squeeze %dma_wait3A_520 : memref<1x1x4096xf32, #tpu.memory_space<hbm>> -> memref<4096xf32, #tpu.memory_space<hbm>>
            %dma_wait3A_522 = arith.constant 0 : i32
            %dma_wait3A_523 = tpu.memref_slice %arg4[%add3A_229, %dma_wait3A_518, %dma_wait3A_522] : memref<20x30x16384xf32, #tpu.memory_space<hbm>> -> memref<1x1x4096xf32, #tpu.memory_space<hbm>>
            %dma_wait3A_524 = tpu.memref_squeeze %dma_wait3A_523 : memref<1x1x4096xf32, #tpu.memory_space<hbm>> -> memref<4096xf32, #tpu.memory_space<hbm>>
            tpu.wait_dma2 semaphore(%arg15 : memref<!tpu.dma_semaphore, #tpu.memory_space<semaphore_mem>>) src(%arg9 : memref<4096xf32, #tpu.memory_space<vmem>>) dst(%dma_wait3A_524 : memref<4096xf32, #tpu.memory_space<hbm>>)
          } else {
          }
          %scan3A = arith.constant 0 : i32
          %scan3A_461 = arith.constant 16 : i32
          %scan3A_462 = arith.addi %scan3A, %scan3A_461 : i32
          %scan3A_463 = arith.constant 1 : i32
          scf.for %scan3A_518 = %scan3A to %scan3A_462 step %scan3A_463  : i32 {
            %mul3A_519 = arith.constant 16 : i32
            %mul3A_520 = arith.muli %scan3A_518, %mul3A_519 : i32
            %add3A_521 = arith.constant 0 : i32
            %add3A_522 = arith.addi %add3A_521, %mul3A_520 : i32
            %add3A_523 = arith.constant 0 : i32
            %add3A_524 = arith.addi %add3A_522, %add3A_523 : i32
            %mul3A_525 = arith.constant 16 : i32
            %mul3A_526 = arith.muli %add3A_524, %mul3A_525 : i32
            %get3A_527 = arith.index_cast %mul3A_526 : i32 to index
            %get3A_528 = tpu.vector_load %arg6[%get3A_527] {strides = array<i32>} : memref<4096xi32, #tpu.memory_space<vmem>>, vector<16xi32>,
            %gather3A = tpu.vector_load_idx %arg5[%get3A_528] : memref<100000xf32, #tpu.memory_space<vmem>>[vector<16xi32>], vector<16xf32>,
            %swap3A_529 = arith.index_cast %mul3A_526 : i32 to index
            %swap3A_530 = tpu.vector_load %arg9[%swap3A_529] {strides = array<i32>} : memref<4096xf32, #tpu.memory_space<vmem>>, vector<16xf32>,
            tpu.vector_store %arg9[%swap3A_529], %gather3A {strides = array<i32>} : memref<4096xf32, #tpu.memory_space<vmem>>, vector<16xf32>,
            %add3A_531 = arith.constant 1 : i32
            %add3A_532 = arith.addi %add3A_522, %add3A_531 : i32
            %mul3A_533 = arith.constant 16 : i32
            %mul3A_534 = arith.muli %add3A_532, %mul3A_533 : i32
            %get3A_535 = arith.index_cast %mul3A_534 : i32 to index
            %get3A_536 = tpu.vector_load %arg6[%get3A_535] {strides = array<i32>} : memref<4096xi32, #tpu.memory_space<vmem>>, vector<16xi32>,
            %gather3A_537 = tpu.vector_load_idx %arg5[%get3A_536] : memref<100000xf32, #tpu.memory_space<vmem>>[vector<16xi32>], vector<16xf32>,
            %swap3A_538 = arith.index_cast %mul3A_534 : i32 to index
            %swap3A_539 = tpu.vector_load %arg9[%swap3A_538] {strides = array<i32>} : memref<4096xf32, #tpu.memory_space<vmem>>, vector<16xf32>,
            tpu.vector_store %arg9[%swap3A_538], %gather3A_537 {strides = array<i32>} : memref<4096xf32, #tpu.memory_space<vmem>>, vector<16xf32>,
            %add3A_540 = arith.constant 2 : i32
            %add3A_541 = arith.addi %add3A_522, %add3A_540 : i32
            %mul3A_542 = arith.constant 16 : i32
            %mul3A_543 = arith.muli %add3A_541, %mul3A_542 : i32
            %get3A_544 = arith.index_cast %mul3A_543 : i32 to index
            %get3A_545 = tpu.vector_load %arg6[%get3A_544] {strides = array<i32>} : memref<4096xi32, #tpu.memory_space<vmem>>, vector<16xi32>,
            %gather3A_546 = tpu.vector_load_idx %arg5[%get3A_545] : memref<100000xf32, #tpu.memory_space<vmem>>[vector<16xi32>], vector<16xf32>,
            %swap3A_547 = arith.index_cast %mul3A_543 : i32 to index
            %swap3A_548 = tpu.vector_load %arg9[%swap3A_547] {strides = array<i32>} : memref<4096xf32, #tpu.memory_space<vmem>>, vector<16xf32>,
            tpu.vector_store %arg9[%swap3A_547], %gather3A_546 {strides = array<i32>} : memref<4096xf32, #tpu.memory_space<vmem>>, vector<16xf32>,
            %add3A_549 = arith.constant 3 : i32
            %add3A_550 = arith.addi %add3A_522, %add3A_549 : i32
            %mul3A_551 = arith.constant 16 : i32
            %mul3A_552 = arith.muli %add3A_550, %mul3A_551 : i32
            %get3A_553 = arith.index_cast %mul3A_552 : i32 to index
            %get3A_554 = tpu.vector_load %arg6[%get3A_553] {strides = array<i32>} : memref<4096xi32, #tpu.memory_space<vmem>>, vector<16xi32>,
            %gather3A_555 = tpu.vector_load_idx %arg5[%get3A_554] : memref<100000xf32, #tpu.memory_space<vmem>>[vector<16xi32>], vector<16xf32>,
            %swap3A_556 = arith.index_cast %mul3A_552 : i32 to index
            %swap3A_557 = tpu.vector_load %arg9[%swap3A_556] {strides = array<i32>} : memref<4096xf32, #tpu.memory_space<vmem>>, vector<16xf32>,
            tpu.vector_store %arg9[%swap3A_556], %gather3A_555 {strides = array<i32>} : memref<4096xf32, #tpu.memory_space<vmem>>, vector<16xf32>,
            %add3A_558 = arith.constant 4 : i32
            %add3A_559 = arith.addi %add3A_522, %add3A_558 : i32
            %mul3A_560 = arith.constant 16 : i32
            %mul3A_561 = arith.muli %add3A_559, %mul3A_560 : i32
            %get3A_562 = arith.index_cast %mul3A_561 : i32 to index
            %get3A_563 = tpu.vector_load %arg6[%get3A_562] {strides = array<i32>} : memref<4096xi32, #tpu.memory_space<vmem>>, vector<16xi32>,
            %gather3A_564 = tpu.vector_load_idx %arg5[%get3A_563] : memref<100000xf32, #tpu.memory_space<vmem>>[vector<16xi32>], vector<16xf32>,
            %swap3A_565 = arith.index_cast %mul3A_561 : i32 to index
            %swap3A_566 = tpu.vector_load %arg9[%swap3A_565] {strides = array<i32>} : memref<4096xf32, #tpu.memory_space<vmem>>, vector<16xf32>,
            tpu.vector_store %arg9[%swap3A_565], %gather3A_564 {strides = array<i32>} : memref<4096xf32, #tpu.memory_space<vmem>>, vector<16xf32>,
            %add3A_567 = arith.constant 5 : i32
            %add3A_568 = arith.addi %add3A_522, %add3A_567 : i32
            %mul3A_569 = arith.constant 16 : i32
            %mul3A_570 = arith.muli %add3A_568, %mul3A_569 : i32
            %get3A_571 = arith.index_cast %mul3A_570 : i32 to index
            %get3A_572 = tpu.vector_load %arg6[%get3A_571] {strides = array<i32>} : memref<4096xi32, #tpu.memory_space<vmem>>, vector<16xi32>,
            %gather3A_573 = tpu.vector_load_idx %arg5[%get3A_572] : memref<100000xf32, #tpu.memory_space<vmem>>[vector<16xi32>], vector<16xf32>,
            %swap3A_574 = arith.index_cast %mul3A_570 : i32 to index
            %swap3A_575 = tpu.vector_load %arg9[%swap3A_574] {strides = array<i32>} : memref<4096xf32, #tpu.memory_space<vmem>>, vector<16xf32>,
            tpu.vector_store %arg9[%swap3A_574], %gather3A_573 {strides = array<i32>} : memref<4096xf32, #tpu.memory_space<vmem>>, vector<16xf32>,
            %add3A_576 = arith.constant 6 : i32
            %add3A_577 = arith.addi %add3A_522, %add3A_576 : i32
            %mul3A_578 = arith.constant 16 : i32
            %mul3A_579 = arith.muli %add3A_577, %mul3A_578 : i32
            %get3A_580 = arith.index_cast %mul3A_579 : i32 to index
            %get3A_581 = tpu.vector_load %arg6[%get3A_580] {strides = array<i32>} : memref<4096xi32, #tpu.memory_space<vmem>>, vector<16xi32>,
            %gather3A_582 = tpu.vector_load_idx %arg5[%get3A_581] : memref<100000xf32, #tpu.memory_space<vmem>>[vector<16xi32>], vector<16xf32>,
            %swap3A_583 = arith.index_cast %mul3A_579 : i32 to index
            %swap3A_584 = tpu.vector_load %arg9[%swap3A_583] {strides = array<i32>} : memref<4096xf32, #tpu.memory_space<vmem>>, vector<16xf32>,
            tpu.vector_store %arg9[%swap3A_583], %gather3A_582 {strides = array<i32>} : memref<4096xf32, #tpu.memory_space<vmem>>, vector<16xf32>,
            %add3A_585 = arith.constant 7 : i32
            %add3A_586 = arith.addi %add3A_522, %add3A_585 : i32
            %mul3A_587 = arith.constant 16 : i32
            %mul3A_588 = arith.muli %add3A_586, %mul3A_587 : i32
            %get3A_589 = arith.index_cast %mul3A_588 : i32 to index
            %get3A_590 = tpu.vector_load %arg6[%get3A_589] {strides = array<i32>} : memref<4096xi32, #tpu.memory_space<vmem>>, vector<16xi32>,
            %gather3A_591 = tpu.vector_load_idx %arg5[%get3A_590] : memref<100000xf32, #tpu.memory_space<vmem>>[vector<16xi32>], vector<16xf32>,
            %swap3A_592 = arith.index_cast %mul3A_588 : i32 to index
            %swap3A_593 = tpu.vector_load %arg9[%swap3A_592] {strides = array<i32>} : memref<4096xf32, #tpu.memory_space<vmem>>, vector<16xf32>,
            tpu.vector_store %arg9[%swap3A_592], %gather3A_591 {strides = array<i32>} : memref<4096xf32, #tpu.memory_space<vmem>>, vector<16xf32>,
            %add3A_594 = arith.constant 8 : i32
            %add3A_595 = arith.addi %add3A_522, %add3A_594 : i32
            %mul3A_596 = arith.constant 16 : i32
            %mul3A_597 = arith.muli %add3A_595, %mul3A_596 : i32
            %get3A_598 = arith.index_cast %mul3A_597 : i32 to index
            %get3A_599 = tpu.vector_load %arg6[%get3A_598] {strides = array<i32>} : memref<4096xi32, #tpu.memory_space<vmem>>, vector<16xi32>,
            %gather3A_600 = tpu.vector_load_idx %arg5[%get3A_599] : memref<100000xf32, #tpu.memory_space<vmem>>[vector<16xi32>], vector<16xf32>,
            %swap3A_601 = arith.index_cast %mul3A_597 : i32 to index
            %swap3A_602 = tpu.vector_load %arg9[%swap3A_601] {strides = array<i32>} : memref<4096xf32, #tpu.memory_space<vmem>>, vector<16xf32>,
            tpu.vector_store %arg9[%swap3A_601], %gather3A_600 {strides = array<i32>} : memref<4096xf32, #tpu.memory_space<vmem>>, vector<16xf32>,
            %add3A_603 = arith.constant 9 : i32
            %add3A_604 = arith.addi %add3A_522, %add3A_603 : i32
            %mul3A_605 = arith.constant 16 : i32
            %mul3A_606 = arith.muli %add3A_604, %mul3A_605 : i32
            %get3A_607 = arith.index_cast %mul3A_606 : i32 to index
            %get3A_608 = tpu.vector_load %arg6[%get3A_607] {strides = array<i32>} : memref<4096xi32, #tpu.memory_space<vmem>>, vector<16xi32>,
            %gather3A_609 = tpu.vector_load_idx %arg5[%get3A_608] : memref<100000xf32, #tpu.memory_space<vmem>>[vector<16xi32>], vector<16xf32>,
            %swap3A_610 = arith.index_cast %mul3A_606 : i32 to index
            %swap3A_611 = tpu.vector_load %arg9[%swap3A_610] {strides = array<i32>} : memref<4096xf32, #tpu.memory_space<vmem>>, vector<16xf32>,
            tpu.vector_store %arg9[%swap3A_610], %gather3A_609 {strides = array<i32>} : memref<4096xf32, #tpu.memory_space<vmem>>, vector<16xf32>,
            %add3A_612 = arith.constant 10 : i32
            %add3A_613 = arith.addi %add3A_522, %add3A_612 : i32
            %mul3A_614 = arith.constant 16 : i32
            %mul3A_615 = arith.muli %add3A_613, %mul3A_614 : i32
            %get3A_616 = arith.index_cast %mul3A_615 : i32 to index
            %get3A_617 = tpu.vector_load %arg6[%get3A_616] {strides = array<i32>} : memref<4096xi32, #tpu.memory_space<vmem>>, vector<16xi32>,
            %gather3A_618 = tpu.vector_load_idx %arg5[%get3A_617] : memref<100000xf32, #tpu.memory_space<vmem>>[vector<16xi32>], vector<16xf32>,
            %swap3A_619 = arith.index_cast %mul3A_615 : i32 to index
            %swap3A_620 = tpu.vector_load %arg9[%swap3A_619] {strides = array<i32>} : memref<4096xf32, #tpu.memory_space<vmem>>, vector<16xf32>,
            tpu.vector_store %arg9[%swap3A_619], %gather3A_618 {strides = array<i32>} : memref<4096xf32, #tpu.memory_space<vmem>>, vector<16xf32>,
            %add3A_621 = arith.constant 11 : i32
            %add3A_622 = arith.addi %add3A_522, %add3A_621 : i32
            %mul3A_623 = arith.constant 16 : i32
            %mul3A_624 = arith.muli %add3A_622, %mul3A_623 : i32
            %get3A_625 = arith.index_cast %mul3A_624 : i32 to index
            %get3A_626 = tpu.vector_load %arg6[%get3A_625] {strides = array<i32>} : memref<4096xi32, #tpu.memory_space<vmem>>, vector<16xi32>,
            %gather3A_627 = tpu.vector_load_idx %arg5[%get3A_626] : memref<100000xf32, #tpu.memory_space<vmem>>[vector<16xi32>], vector<16xf32>,
            %swap3A_628 = arith.index_cast %mul3A_624 : i32 to index
            %swap3A_629 = tpu.vector_load %arg9[%swap3A_628] {strides = array<i32>} : memref<4096xf32, #tpu.memory_space<vmem>>, vector<16xf32>,
            tpu.vector_store %arg9[%swap3A_628], %gather3A_627 {strides = array<i32>} : memref<4096xf32, #tpu.memory_space<vmem>>, vector<16xf32>,
            %add3A_630 = arith.constant 12 : i32
            %add3A_631 = arith.addi %add3A_522, %add3A_630 : i32
            %mul3A_632 = arith.constant 16 : i32
            %mul3A_633 = arith.muli %add3A_631, %mul3A_632 : i32
            %get3A_634 = arith.index_cast %mul3A_633 : i32 to index
            %get3A_635 = tpu.vector_load %arg6[%get3A_634] {strides = array<i32>} : memref<4096xi32, #tpu.memory_space<vmem>>, vector<16xi32>,
            %gather3A_636 = tpu.vector_load_idx %arg5[%get3A_635] : memref<100000xf32, #tpu.memory_space<vmem>>[vector<16xi32>], vector<16xf32>,
            %swap3A_637 = arith.index_cast %mul3A_633 : i32 to index
            %swap3A_638 = tpu.vector_load %arg9[%swap3A_637] {strides = array<i32>} : memref<4096xf32, #tpu.memory_space<vmem>>, vector<16xf32>,
            tpu.vector_store %arg9[%swap3A_637], %gather3A_636 {strides = array<i32>} : memref<4096xf32, #tpu.memory_space<vmem>>, vector<16xf32>,
            %add3A_639 = arith.constant 13 : i32
            %add3A_640 = arith.addi %add3A_522, %add3A_639 : i32
            %mul3A_641 = arith.constant 16 : i32
            %mul3A_642 = arith.muli %add3A_640, %mul3A_641 : i32
            %get3A_643 = arith.index_cast %mul3A_642 : i32 to index
            %get3A_644 = tpu.vector_load %arg6[%get3A_643] {strides = array<i32>} : memref<4096xi32, #tpu.memory_space<vmem>>, vector<16xi32>,
            %gather3A_645 = tpu.vector_load_idx %arg5[%get3A_644] : memref<100000xf32, #tpu.memory_space<vmem>>[vector<16xi32>], vector<16xf32>,
            %swap3A_646 = arith.index_cast %mul3A_642 : i32 to index
            %swap3A_647 = tpu.vector_load %arg9[%swap3A_646] {strides = array<i32>} : memref<4096xf32, #tpu.memory_space<vmem>>, vector<16xf32>,
            tpu.vector_store %arg9[%swap3A_646], %gather3A_645 {strides = array<i32>} : memref<4096xf32, #tpu.memory_space<vmem>>, vector<16xf32>,
            %add3A_648 = arith.constant 14 : i32
            %add3A_649 = arith.addi %add3A_522, %add3A_648 : i32
            %mul3A_650 = arith.constant 16 : i32
            %mul3A_651 = arith.muli %add3A_649, %mul3A_650 : i32
            %get3A_652 = arith.index_cast %mul3A_651 : i32 to index
            %get3A_653 = tpu.vector_load %arg6[%get3A_652] {strides = array<i32>} : memref<4096xi32, #tpu.memory_space<vmem>>, vector<16xi32>,
            %gather3A_654 = tpu.vector_load_idx %arg5[%get3A_653] : memref<100000xf32, #tpu.memory_space<vmem>>[vector<16xi32>], vector<16xf32>,
            %swap3A_655 = arith.index_cast %mul3A_651 : i32 to index
            %swap3A_656 = tpu.vector_load %arg9[%swap3A_655] {strides = array<i32>} : memref<4096xf32, #tpu.memory_space<vmem>>, vector<16xf32>,
            tpu.vector_store %arg9[%swap3A_655], %gather3A_654 {strides = array<i32>} : memref<4096xf32, #tpu.memory_space<vmem>>, vector<16xf32>,
            %add3A_657 = arith.constant 15 : i32
            %add3A_658 = arith.addi %add3A_522, %add3A_657 : i32
            %mul3A_659 = arith.constant 16 : i32
            %mul3A_660 = arith.muli %add3A_658, %mul3A_659 : i32
            %get3A_661 = arith.index_cast %mul3A_660 : i32 to index
            %get3A_662 = tpu.vector_load %arg6[%get3A_661] {strides = array<i32>} : memref<4096xi32, #tpu.memory_space<vmem>>, vector<16xi32>,
            %gather3A_663 = tpu.vector_load_idx %arg5[%get3A_662] : memref<100000xf32, #tpu.memory_space<vmem>>[vector<16xi32>], vector<16xf32>,
            %swap3A_664 = arith.index_cast %mul3A_660 : i32 to index
            %swap3A_665 = tpu.vector_load %arg9[%swap3A_664] {strides = array<i32>} : memref<4096xf32, #tpu.memory_space<vmem>>, vector<16xf32>,
            tpu.vector_store %arg9[%swap3A_664], %gather3A_663 {strides = array<i32>} : memref<4096xf32, #tpu.memory_space<vmem>>, vector<16xf32>,
          }
          %scan3A_464 = arith.constant 16 : i32
          %add3A_465 = arith.addi %while3A_398, %add3A_433 : i32
          %jit3A_466 = arith.constant 4 : i32
          %div3A_467 = arith.divsi %add3A_465, %jit3A_466 : i32
          %sign3A_468 = arith.constant 0 : i32
          %sign3A_469 = arith.cmpi sgt, %add3A_465, %sign3A_468 : i32
          %sign3A_470 = arith.extui %sign3A_469 : i1 to i32
          %sign3A_471 = arith.constant 0 : i32
          %sign3A_472 = arith.cmpi slt, %add3A_465, %sign3A_471 : i32
          %sign3A_473 = arith.extui %sign3A_472 : i1 to i32
          %sign3A_474 = arith.subi %sign3A_470, %sign3A_473 : i32
          %sign3A_475 = arith.constant 0 : i32
          %sign3A_476 = arith.cmpi sgt, %jit3A_466, %sign3A_475 : i32
          %sign3A_477 = arith.extui %sign3A_476 : i1 to i32
          %sign3A_478 = arith.constant 0 : i32
          %sign3A_479 = arith.cmpi slt, %jit3A_466, %sign3A_478 : i32
          %sign3A_480 = arith.extui %sign3A_479 : i1 to i32
          %sign3A_481 = arith.subi %sign3A_477, %sign3A_480 : i32
          %ne3A_482 = arith.cmpi ne, %sign3A_474, %sign3A_481 : i32
          %rem3A_483 = arith.remsi %add3A_465, %jit3A_466 : i32
          %ne3A_484 = arith.constant 0 : i32
          %ne3A_485 = arith.cmpi ne, %rem3A_483, %ne3A_484 : i32
          %and3A_486 = arith.andi %ne3A_482, %ne3A_485 : i1
          %sub3A_487 = arith.constant 1 : i32
          %sub3A_488 = arith.subi %div3A_467, %sub3A_487 : i32
          %select_n3A_489 = arith.select %and3A_486, %sub3A_488, %div3A_467 : i32
          %jit3A_490 = arith.constant 4 : i32
          %eq3A_491 = arith.constant 0 : i32
          %eq3A_492 = arith.cmpi eq, %jit3A_490, %eq3A_491 : i32
          %jit3A_493 = arith.constant 1 : i32
          %select_n3A_494 = arith.select %eq3A_492, %jit3A_493, %jit3A_490 : i32
          %rem3A_495 = arith.remsi %add3A_465, %select_n3A_494 : i32
          %ne3A_496 = arith.constant 0 : i32
          %ne3A_497 = arith.cmpi ne, %rem3A_495, %ne3A_496 : i32
          %lt3A_498 = arith.constant 0 : i32
          %lt3A_499 = arith.cmpi slt, %rem3A_495, %lt3A_498 : i32
          %lt3A_500 = arith.constant 0 : i32
          %lt3A_501 = arith.cmpi slt, %select_n3A_494, %lt3A_500 : i32
          %ne3A_502 = arith.xori %lt3A_499, %lt3A_501 : i1
          %and3A_503 = arith.andi %ne3A_502, %ne3A_497 : i1
          %add3A_504 = arith.addi %rem3A_495, %select_n3A_494 : i32
          %select_n3A_505 = arith.select %and3A_503, %add3A_504, %rem3A_495 : i32
          %mul3A_506 = arith.constant 4096 : i32
          %mul3A_507 = arith.muli %select_n3A_505, %mul3A_506 : i32
          %dma_start3A_508 = tpu.memref_slice %arg4[%add3A_229, %select_n3A_489, %mul3A_507] : memref<20x30x16384xf32, #tpu.memory_space<hbm>> -> memref<1x1x4096xf32, #tpu.memory_space<hbm>>
          %dma_start3A_509 = tpu.memref_squeeze %dma_start3A_508 : memref<1x1x4096xf32, #tpu.memory_space<hbm>> -> memref<4096xf32, #tpu.memory_space<hbm>>
          %dma_start3A_510 = tpu.memref_slice %arg4[%add3A_229, %select_n3A_489, %mul3A_507] : memref<20x30x16384xf32, #tpu.memory_space<hbm>> -> memref<1x1x4096xf32, #tpu.memory_space<hbm>>
          %dma_start3A_511 = tpu.memref_squeeze %dma_start3A_510 : memref<1x1x4096xf32, #tpu.memory_space<hbm>> -> memref<4096xf32, #tpu.memory_space<hbm>>
          tpu.enqueue_dma source(%arg9 : memref<4096xf32, #tpu.memory_space<vmem>>) target(%dma_start3A_511 : memref<4096xf32, #tpu.memory_space<hbm>>) target_semaphore(%arg15 : memref<!tpu.dma_semaphore, #tpu.memory_space<semaphore_mem>>)
          %add3A_512 = arith.constant 3 : i32
          %add3A_513 = arith.addi %add3A_433, %add3A_512 : i32
          %lt3A_514 = arith.cmpi slt, %add3A_513, %sub3A_37 : i32
          %convert_element_type3A_515 = arith.extui %lt3A_514 : i1 to i32
          %cond3A_516 = arith.constant 0 : i32
          %cond3A_517 = arith.cmpi ne, %convert_element_type3A_515, %cond3A_516 : i32
          scf.if %cond3A_517 {
            %add3A_518 = arith.constant 3 : i32
            %add3A_519 = arith.addi %add3A_433, %add3A_518 : i32
            %add3A_520 = arith.addi %while3A_398, %add3A_519 : i32
            %jit3A_521 = arith.constant 4 : i32
            %div3A_522 = arith.divsi %add3A_520, %jit3A_521 : i32
            %sign3A_523 = arith.constant 0 : i32
            %sign3A_524 = arith.cmpi sgt, %add3A_520, %sign3A_523 : i32
            %sign3A_525 = arith.extui %sign3A_524 : i1 to i32
            %sign3A_526 = arith.constant 0 : i32
            %sign3A_527 = arith.cmpi slt, %add3A_520, %sign3A_526 : i32
            %sign3A_528 = arith.extui %sign3A_527 : i1 to i32
            %sign3A_529 = arith.subi %sign3A_525, %sign3A_528 : i32
            %sign3A_530 = arith.constant 0 : i32
            %sign3A_531 = arith.cmpi sgt, %jit3A_521, %sign3A_530 : i32
            %sign3A_532 = arith.extui %sign3A_531 : i1 to i32
            %sign3A_533 = arith.constant 0 : i32
            %sign3A_534 = arith.cmpi slt, %jit3A_521, %sign3A_533 : i32
            %sign3A_535 = arith.extui %sign3A_534 : i1 to i32
            %sign3A_536 = arith.subi %sign3A_532, %sign3A_535 : i32
            %ne3A_537 = arith.cmpi ne, %sign3A_529, %sign3A_536 : i32
            %rem3A_538 = arith.remsi %add3A_520, %jit3A_521 : i32
            %ne3A_539 = arith.constant 0 : i32
            %ne3A_540 = arith.cmpi ne, %rem3A_538, %ne3A_539 : i32
            %and3A_541 = arith.andi %ne3A_537, %ne3A_540 : i1
            %sub3A_542 = arith.constant 1 : i32
            %sub3A_543 = arith.subi %div3A_522, %sub3A_542 : i32
            %select_n3A_544 = arith.select %and3A_541, %sub3A_543, %div3A_522 : i32
            %jit3A_545 = arith.constant 4 : i32
            %eq3A_546 = arith.constant 0 : i32
            %eq3A_547 = arith.cmpi eq, %jit3A_545, %eq3A_546 : i32
            %jit3A_548 = arith.constant 1 : i32
            %select_n3A_549 = arith.select %eq3A_547, %jit3A_548, %jit3A_545 : i32
            %rem3A_550 = arith.remsi %add3A_520, %select_n3A_549 : i32
            %ne3A_551 = arith.constant 0 : i32
            %ne3A_552 = arith.cmpi ne, %rem3A_550, %ne3A_551 : i32
            %lt3A_553 = arith.constant 0 : i32
            %lt3A_554 = arith.cmpi slt, %rem3A_550, %lt3A_553 : i32
            %lt3A_555 = arith.constant 0 : i32
            %lt3A_556 = arith.cmpi slt, %select_n3A_549, %lt3A_555 : i32
            %ne3A_557 = arith.xori %lt3A_554, %lt3A_556 : i1
            %and3A_558 = arith.andi %ne3A_557, %ne3A_552 : i1
            %add3A_559 = arith.addi %rem3A_550, %select_n3A_549 : i32
            %select_n3A_560 = arith.select %and3A_558, %add3A_559, %rem3A_550 : i32
            %mul3A_561 = arith.constant 4096 : i32
            %mul3A_562 = arith.muli %select_n3A_560, %mul3A_561 : i32
            %dma_start3A_563 = tpu.memref_slice %arg3[%select_n3A_544, %mul3A_562] : memref<30x16384xi32, #tpu.memory_space<hbm>> -> memref<1x4096xi32, #tpu.memory_space<hbm>>
            %dma_start3A_564 = tpu.memref_squeeze %dma_start3A_563 : memref<1x4096xi32, #tpu.memory_space<hbm>> -> memref<4096xi32, #tpu.memory_space<hbm>>
            %dma_start3A_565 = tpu.memref_slice %arg3[%select_n3A_544, %mul3A_562] : memref<30x16384xi32, #tpu.memory_space<hbm>> -> memref<1x4096xi32, #tpu.memory_space<hbm>>
            %dma_start3A_566 = tpu.memref_squeeze %dma_start3A_565 : memref<1x4096xi32, #tpu.memory_space<hbm>> -> memref<4096xi32, #tpu.memory_space<hbm>>
            tpu.enqueue_dma source(%dma_start3A_566 : memref<4096xi32, #tpu.memory_space<hbm>>) target(%arg6 : memref<4096xi32, #tpu.memory_space<vmem>>) target_semaphore(%arg12 : memref<!tpu.dma_semaphore, #tpu.memory_space<semaphore_mem>>)
          } else {
          }
        } else {
        }
        %add3A_438 = arith.constant 1 : i32
        %add3A_439 = arith.addi %add3A_431, %add3A_438 : i32
        %lt3A_440 = arith.cmpi slt, %add3A_439, %sub3A_37 : i32
        %convert_element_type3A_441 = arith.extui %lt3A_440 : i1 to i32
        %cond3A_442 = arith.constant 0 : i32
        %cond3A_443 = arith.cmpi ne, %convert_element_type3A_441, %cond3A_442 : i32
        scf.if %cond3A_443 {
          %dma_wait3A_450 = arith.constant 0 : i32
          %dma_wait3A_451 = arith.constant 0 : i32
          %dma_wait3A_452 = tpu.memref_slice %arg3[%dma_wait3A_450, %dma_wait3A_451] : memref<30x16384xi32, #tpu.memory_space<hbm>> -> memref<1x4096xi32, #tpu.memory_space<hbm>>
          %dma_wait3A_453 = tpu.memref_squeeze %dma_wait3A_452 : memref<1x4096xi32, #tpu.memory_space<hbm>> -> memref<4096xi32, #tpu.memory_space<hbm>>
          %dma_wait3A_454 = arith.constant 0 : i32
          %dma_wait3A_455 = tpu.memref_slice %arg3[%dma_wait3A_450, %dma_wait3A_454] : memref<30x16384xi32, #tpu.memory_space<hbm>> -> memref<1x4096xi32, #tpu.memory_space<hbm>>
          %dma_wait3A_456 = tpu.memref_squeeze %dma_wait3A_455 : memref<1x4096xi32, #tpu.memory_space<hbm>> -> memref<4096xi32, #tpu.memory_space<hbm>>
          tpu.wait_dma2 semaphore(%arg13 : memref<!tpu.dma_semaphore, #tpu.memory_space<semaphore_mem>>) src(%dma_wait3A_456 : memref<4096xi32, #tpu.memory_space<hbm>>) dst(%arg7 : memref<4096xi32, #tpu.memory_space<vmem>>)
          %ge3A = arith.constant 3 : i32
          %ge3A_457 = arith.cmpi sge, %add3A_439, %ge3A : i32
          %convert_element_type3A_458 = arith.extui %ge3A_457 : i1 to i32
          %cond3A_459 = arith.constant 0 : i32
          %cond3A_460 = arith.cmpi ne, %convert_element_type3A_458, %cond3A_459 : i32
          scf.if %cond3A_460 {
            %dma_wait3A_518 = arith.constant 0 : i32
            %dma_wait3A_519 = arith.constant 0 : i32
            %dma_wait3A_520 = tpu.memref_slice %arg4[%add3A_229, %dma_wait3A_518, %dma_wait3A_519] : memref<20x30x16384xf32, #tpu.memory_space<hbm>> -> memref<1x1x4096xf32, #tpu.memory_space<hbm>>
            %dma_wait3A_521 = tpu.memref_squeeze %dma_wait3A_520 : memref<1x1x4096xf32, #tpu.memory_space<hbm>> -> memref<4096xf32, #tpu.memory_space<hbm>>
            %dma_wait3A_522 = arith.constant 0 : i32
            %dma_wait3A_523 = tpu.memref_slice %arg4[%add3A_229, %dma_wait3A_518, %dma_wait3A_522] : memref<20x30x16384xf32, #tpu.memory_space<hbm>> -> memref<1x1x4096xf32, #tpu.memory_space<hbm>>
            %dma_wait3A_524 = tpu.memref_squeeze %dma_wait3A_523 : memref<1x1x4096xf32, #tpu.memory_space<hbm>> -> memref<4096xf32, #tpu.memory_space<hbm>>
            tpu.wait_dma2 semaphore(%arg16 : memref<!tpu.dma_semaphore, #tpu.memory_space<semaphore_mem>>) src(%arg10 : memref<4096xf32, #tpu.memory_space<vmem>>) dst(%dma_wait3A_524 : memref<4096xf32, #tpu.memory_space<hbm>>)
          } else {
          }
          %scan3A = arith.constant 0 : i32
          %scan3A_461 = arith.constant 16 : i32
          %scan3A_462 = arith.addi %scan3A, %scan3A_461 : i32
          %scan3A_463 = arith.constant 1 : i32
          scf.for %scan3A_518 = %scan3A to %scan3A_462 step %scan3A_463  : i32 {
            %mul3A_519 = arith.constant 16 : i32
            %mul3A_520 = arith.muli %scan3A_518, %mul3A_519 : i32
            %add3A_521 = arith.constant 0 : i32
            %add3A_522 = arith.addi %add3A_521, %mul3A_520 : i32
            %add3A_523 = arith.constant 0 : i32
            %add3A_524 = arith.addi %add3A_522, %add3A_523 : i32
            %mul3A_525 = arith.constant 16 : i32
            %mul3A_526 = arith.muli %add3A_524, %mul3A_525 : i32
            %get3A_527 = arith.index_cast %mul3A_526 : i32 to index
            %get3A_528 = tpu.vector_load %arg7[%get3A_527] {strides = array<i32>} : memref<4096xi32, #tpu.memory_space<vmem>>, vector<16xi32>,
            %gather3A = tpu.vector_load_idx %arg5[%get3A_528] : memref<100000xf32, #tpu.memory_space<vmem>>[vector<16xi32>], vector<16xf32>,
            %swap3A_529 = arith.index_cast %mul3A_526 : i32 to index
            %swap3A_530 = tpu.vector_load %arg10[%swap3A_529] {strides = array<i32>} : memref<4096xf32, #tpu.memory_space<vmem>>, vector<16xf32>,
            tpu.vector_store %arg10[%swap3A_529], %gather3A {strides = array<i32>} : memref<4096xf32, #tpu.memory_space<vmem>>, vector<16xf32>,
            %add3A_531 = arith.constant 1 : i32
            %add3A_532 = arith.addi %add3A_522, %add3A_531 : i32
            %mul3A_533 = arith.constant 16 : i32
            %mul3A_534 = arith.muli %add3A_532, %mul3A_533 : i32
            %get3A_535 = arith.index_cast %mul3A_534 : i32 to index
            %get3A_536 = tpu.vector_load %arg7[%get3A_535] {strides = array<i32>} : memref<4096xi32, #tpu.memory_space<vmem>>, vector<16xi32>,
            %gather3A_537 = tpu.vector_load_idx %arg5[%get3A_536] : memref<100000xf32, #tpu.memory_space<vmem>>[vector<16xi32>], vector<16xf32>,
            %swap3A_538 = arith.index_cast %mul3A_534 : i32 to index
            %swap3A_539 = tpu.vector_load %arg10[%swap3A_538] {strides = array<i32>} : memref<4096xf32, #tpu.memory_space<vmem>>, vector<16xf32>,
            tpu.vector_store %arg10[%swap3A_538], %gather3A_537 {strides = array<i32>} : memref<4096xf32, #tpu.memory_space<vmem>>, vector<16xf32>,
            %add3A_540 = arith.constant 2 : i32
            %add3A_541 = arith.addi %add3A_522, %add3A_540 : i32
            %mul3A_542 = arith.constant 16 : i32
            %mul3A_543 = arith.muli %add3A_541, %mul3A_542 : i32
            %get3A_544 = arith.index_cast %mul3A_543 : i32 to index
            %get3A_545 = tpu.vector_load %arg7[%get3A_544] {strides = array<i32>} : memref<4096xi32, #tpu.memory_space<vmem>>, vector<16xi32>,
            %gather3A_546 = tpu.vector_load_idx %arg5[%get3A_545] : memref<100000xf32, #tpu.memory_space<vmem>>[vector<16xi32>], vector<16xf32>,
            %swap3A_547 = arith.index_cast %mul3A_543 : i32 to index
            %swap3A_548 = tpu.vector_load %arg10[%swap3A_547] {strides = array<i32>} : memref<4096xf32, #tpu.memory_space<vmem>>, vector<16xf32>,
            tpu.vector_store %arg10[%swap3A_547], %gather3A_546 {strides = array<i32>} : memref<4096xf32, #tpu.memory_space<vmem>>, vector<16xf32>,
            %add3A_549 = arith.constant 3 : i32
            %add3A_550 = arith.addi %add3A_522, %add3A_549 : i32
            %mul3A_551 = arith.constant 16 : i32
            %mul3A_552 = arith.muli %add3A_550, %mul3A_551 : i32
            %get3A_553 = arith.index_cast %mul3A_552 : i32 to index
            %get3A_554 = tpu.vector_load %arg7[%get3A_553] {strides = array<i32>} : memref<4096xi32, #tpu.memory_space<vmem>>, vector<16xi32>,
            %gather3A_555 = tpu.vector_load_idx %arg5[%get3A_554] : memref<100000xf32, #tpu.memory_space<vmem>>[vector<16xi32>], vector<16xf32>,
            %swap3A_556 = arith.index_cast %mul3A_552 : i32 to index
            %swap3A_557 = tpu.vector_load %arg10[%swap3A_556] {strides = array<i32>} : memref<4096xf32, #tpu.memory_space<vmem>>, vector<16xf32>,
            tpu.vector_store %arg10[%swap3A_556], %gather3A_555 {strides = array<i32>} : memref<4096xf32, #tpu.memory_space<vmem>>, vector<16xf32>,
            %add3A_558 = arith.constant 4 : i32
            %add3A_559 = arith.addi %add3A_522, %add3A_558 : i32
            %mul3A_560 = arith.constant 16 : i32
            %mul3A_561 = arith.muli %add3A_559, %mul3A_560 : i32
            %get3A_562 = arith.index_cast %mul3A_561 : i32 to index
            %get3A_563 = tpu.vector_load %arg7[%get3A_562] {strides = array<i32>} : memref<4096xi32, #tpu.memory_space<vmem>>, vector<16xi32>,
            %gather3A_564 = tpu.vector_load_idx %arg5[%get3A_563] : memref<100000xf32, #tpu.memory_space<vmem>>[vector<16xi32>], vector<16xf32>,
            %swap3A_565 = arith.index_cast %mul3A_561 : i32 to index
            %swap3A_566 = tpu.vector_load %arg10[%swap3A_565] {strides = array<i32>} : memref<4096xf32, #tpu.memory_space<vmem>>, vector<16xf32>,
            tpu.vector_store %arg10[%swap3A_565], %gather3A_564 {strides = array<i32>} : memref<4096xf32, #tpu.memory_space<vmem>>, vector<16xf32>,
            %add3A_567 = arith.constant 5 : i32
            %add3A_568 = arith.addi %add3A_522, %add3A_567 : i32
            %mul3A_569 = arith.constant 16 : i32
            %mul3A_570 = arith.muli %add3A_568, %mul3A_569 : i32
            %get3A_571 = arith.index_cast %mul3A_570 : i32 to index
            %get3A_572 = tpu.vector_load %arg7[%get3A_571] {strides = array<i32>} : memref<4096xi32, #tpu.memory_space<vmem>>, vector<16xi32>,
            %gather3A_573 = tpu.vector_load_idx %arg5[%get3A_572] : memref<100000xf32, #tpu.memory_space<vmem>>[vector<16xi32>], vector<16xf32>,
            %swap3A_574 = arith.index_cast %mul3A_570 : i32 to index
            %swap3A_575 = tpu.vector_load %arg10[%swap3A_574] {strides = array<i32>} : memref<4096xf32, #tpu.memory_space<vmem>>, vector<16xf32>,
            tpu.vector_store %arg10[%swap3A_574], %gather3A_573 {strides = array<i32>} : memref<4096xf32, #tpu.memory_space<vmem>>, vector<16xf32>,
            %add3A_576 = arith.constant 6 : i32
            %add3A_577 = arith.addi %add3A_522, %add3A_576 : i32
            %mul3A_578 = arith.constant 16 : i32
            %mul3A_579 = arith.muli %add3A_577, %mul3A_578 : i32
            %get3A_580 = arith.index_cast %mul3A_579 : i32 to index
            %get3A_581 = tpu.vector_load %arg7[%get3A_580] {strides = array<i32>} : memref<4096xi32, #tpu.memory_space<vmem>>, vector<16xi32>,
            %gather3A_582 = tpu.vector_load_idx %arg5[%get3A_581] : memref<100000xf32, #tpu.memory_space<vmem>>[vector<16xi32>], vector<16xf32>,
            %swap3A_583 = arith.index_cast %mul3A_579 : i32 to index
            %swap3A_584 = tpu.vector_load %arg10[%swap3A_583] {strides = array<i32>} : memref<4096xf32, #tpu.memory_space<vmem>>, vector<16xf32>,
            tpu.vector_store %arg10[%swap3A_583], %gather3A_582 {strides = array<i32>} : memref<4096xf32, #tpu.memory_space<vmem>>, vector<16xf32>,
            %add3A_585 = arith.constant 7 : i32
            %add3A_586 = arith.addi %add3A_522, %add3A_585 : i32
            %mul3A_587 = arith.constant 16 : i32
            %mul3A_588 = arith.muli %add3A_586, %mul3A_587 : i32
            %get3A_589 = arith.index_cast %mul3A_588 : i32 to index
            %get3A_590 = tpu.vector_load %arg7[%get3A_589] {strides = array<i32>} : memref<4096xi32, #tpu.memory_space<vmem>>, vector<16xi32>,
            %gather3A_591 = tpu.vector_load_idx %arg5[%get3A_590] : memref<100000xf32, #tpu.memory_space<vmem>>[vector<16xi32>], vector<16xf32>,
            %swap3A_592 = arith.index_cast %mul3A_588 : i32 to index
            %swap3A_593 = tpu.vector_load %arg10[%swap3A_592] {strides = array<i32>} : memref<4096xf32, #tpu.memory_space<vmem>>, vector<16xf32>,
            tpu.vector_store %arg10[%swap3A_592], %gather3A_591 {strides = array<i32>} : memref<4096xf32, #tpu.memory_space<vmem>>, vector<16xf32>,
            %add3A_594 = arith.constant 8 : i32
            %add3A_595 = arith.addi %add3A_522, %add3A_594 : i32
            %mul3A_596 = arith.constant 16 : i32
            %mul3A_597 = arith.muli %add3A_595, %mul3A_596 : i32
            %get3A_598 = arith.index_cast %mul3A_597 : i32 to index
            %get3A_599 = tpu.vector_load %arg7[%get3A_598] {strides = array<i32>} : memref<4096xi32, #tpu.memory_space<vmem>>, vector<16xi32>,
            %gather3A_600 = tpu.vector_load_idx %arg5[%get3A_599] : memref<100000xf32, #tpu.memory_space<vmem>>[vector<16xi32>], vector<16xf32>,
            %swap3A_601 = arith.index_cast %mul3A_597 : i32 to index
            %swap3A_602 = tpu.vector_load %arg10[%swap3A_601] {strides = array<i32>} : memref<4096xf32, #tpu.memory_space<vmem>>, vector<16xf32>,
            tpu.vector_store %arg10[%swap3A_601], %gather3A_600 {strides = array<i32>} : memref<4096xf32, #tpu.memory_space<vmem>>, vector<16xf32>,
            %add3A_603 = arith.constant 9 : i32
            %add3A_604 = arith.addi %add3A_522, %add3A_603 : i32
            %mul3A_605 = arith.constant 16 : i32
            %mul3A_606 = arith.muli %add3A_604, %mul3A_605 : i32
            %get3A_607 = arith.index_cast %mul3A_606 : i32 to index
            %get3A_608 = tpu.vector_load %arg7[%get3A_607] {strides = array<i32>} : memref<4096xi32, #tpu.memory_space<vmem>>, vector<16xi32>,
            %gather3A_609 = tpu.vector_load_idx %arg5[%get3A_608] : memref<100000xf32, #tpu.memory_space<vmem>>[vector<16xi32>], vector<16xf32>,
            %swap3A_610 = arith.index_cast %mul3A_606 : i32 to index
            %swap3A_611 = tpu.vector_load %arg10[%swap3A_610] {strides = array<i32>} : memref<4096xf32, #tpu.memory_space<vmem>>, vector<16xf32>,
            tpu.vector_store %arg10[%swap3A_610], %gather3A_609 {strides = array<i32>} : memref<4096xf32, #tpu.memory_space<vmem>>, vector<16xf32>,
            %add3A_612 = arith.constant 10 : i32
            %add3A_613 = arith.addi %add3A_522, %add3A_612 : i32
            %mul3A_614 = arith.constant 16 : i32
            %mul3A_615 = arith.muli %add3A_613, %mul3A_614 : i32
            %get3A_616 = arith.index_cast %mul3A_615 : i32 to index
            %get3A_617 = tpu.vector_load %arg7[%get3A_616] {strides = array<i32>} : memref<4096xi32, #tpu.memory_space<vmem>>, vector<16xi32>,
            %gather3A_618 = tpu.vector_load_idx %arg5[%get3A_617] : memref<100000xf32, #tpu.memory_space<vmem>>[vector<16xi32>], vector<16xf32>,
            %swap3A_619 = arith.index_cast %mul3A_615 : i32 to index
            %swap3A_620 = tpu.vector_load %arg10[%swap3A_619] {strides = array<i32>} : memref<4096xf32, #tpu.memory_space<vmem>>, vector<16xf32>,
            tpu.vector_store %arg10[%swap3A_619], %gather3A_618 {strides = array<i32>} : memref<4096xf32, #tpu.memory_space<vmem>>, vector<16xf32>,
            %add3A_621 = arith.constant 11 : i32
            %add3A_622 = arith.addi %add3A_522, %add3A_621 : i32
            %mul3A_623 = arith.constant 16 : i32
            %mul3A_624 = arith.muli %add3A_622, %mul3A_623 : i32
            %get3A_625 = arith.index_cast %mul3A_624 : i32 to index
            %get3A_626 = tpu.vector_load %arg7[%get3A_625] {strides = array<i32>} : memref<4096xi32, #tpu.memory_space<vmem>>, vector<16xi32>,
            %gather3A_627 = tpu.vector_load_idx %arg5[%get3A_626] : memref<100000xf32, #tpu.memory_space<vmem>>[vector<16xi32>], vector<16xf32>,
            %swap3A_628 = arith.index_cast %mul3A_624 : i32 to index
            %swap3A_629 = tpu.vector_load %arg10[%swap3A_628] {strides = array<i32>} : memref<4096xf32, #tpu.memory_space<vmem>>, vector<16xf32>,
            tpu.vector_store %arg10[%swap3A_628], %gather3A_627 {strides = array<i32>} : memref<4096xf32, #tpu.memory_space<vmem>>, vector<16xf32>,
            %add3A_630 = arith.constant 12 : i32
            %add3A_631 = arith.addi %add3A_522, %add3A_630 : i32
            %mul3A_632 = arith.constant 16 : i32
            %mul3A_633 = arith.muli %add3A_631, %mul3A_632 : i32
            %get3A_634 = arith.index_cast %mul3A_633 : i32 to index
            %get3A_635 = tpu.vector_load %arg7[%get3A_634] {strides = array<i32>} : memref<4096xi32, #tpu.memory_space<vmem>>, vector<16xi32>,
            %gather3A_636 = tpu.vector_load_idx %arg5[%get3A_635] : memref<100000xf32, #tpu.memory_space<vmem>>[vector<16xi32>], vector<16xf32>,
            %swap3A_637 = arith.index_cast %mul3A_633 : i32 to index
            %swap3A_638 = tpu.vector_load %arg10[%swap3A_637] {strides = array<i32>} : memref<4096xf32, #tpu.memory_space<vmem>>, vector<16xf32>,
            tpu.vector_store %arg10[%swap3A_637], %gather3A_636 {strides = array<i32>} : memref<4096xf32, #tpu.memory_space<vmem>>, vector<16xf32>,
            %add3A_639 = arith.constant 13 : i32
            %add3A_640 = arith.addi %add3A_522, %add3A_639 : i32
            %mul3A_641 = arith.constant 16 : i32
            %mul3A_642 = arith.muli %add3A_640, %mul3A_641 : i32
            %get3A_643 = arith.index_cast %mul3A_642 : i32 to index
            %get3A_644 = tpu.vector_load %arg7[%get3A_643] {strides = array<i32>} : memref<4096xi32, #tpu.memory_space<vmem>>, vector<16xi32>,
            %gather3A_645 = tpu.vector_load_idx %arg5[%get3A_644] : memref<100000xf32, #tpu.memory_space<vmem>>[vector<16xi32>], vector<16xf32>,
            %swap3A_646 = arith.index_cast %mul3A_642 : i32 to index
            %swap3A_647 = tpu.vector_load %arg10[%swap3A_646] {strides = array<i32>} : memref<4096xf32, #tpu.memory_space<vmem>>, vector<16xf32>,
            tpu.vector_store %arg10[%swap3A_646], %gather3A_645 {strides = array<i32>} : memref<4096xf32, #tpu.memory_space<vmem>>, vector<16xf32>,
            %add3A_648 = arith.constant 14 : i32
            %add3A_649 = arith.addi %add3A_522, %add3A_648 : i32
            %mul3A_650 = arith.constant 16 : i32
            %mul3A_651 = arith.muli %add3A_649, %mul3A_650 : i32
            %get3A_652 = arith.index_cast %mul3A_651 : i32 to index
            %get3A_653 = tpu.vector_load %arg7[%get3A_652] {strides = array<i32>} : memref<4096xi32, #tpu.memory_space<vmem>>, vector<16xi32>,
            %gather3A_654 = tpu.vector_load_idx %arg5[%get3A_653] : memref<100000xf32, #tpu.memory_space<vmem>>[vector<16xi32>], vector<16xf32>,
            %swap3A_655 = arith.index_cast %mul3A_651 : i32 to index
            %swap3A_656 = tpu.vector_load %arg10[%swap3A_655] {strides = array<i32>} : memref<4096xf32, #tpu.memory_space<vmem>>, vector<16xf32>,
            tpu.vector_store %arg10[%swap3A_655], %gather3A_654 {strides = array<i32>} : memref<4096xf32, #tpu.memory_space<vmem>>, vector<16xf32>,
            %add3A_657 = arith.constant 15 : i32
            %add3A_658 = arith.addi %add3A_522, %add3A_657 : i32
            %mul3A_659 = arith.constant 16 : i32
            %mul3A_660 = arith.muli %add3A_658, %mul3A_659 : i32
            %get3A_661 = arith.index_cast %mul3A_660 : i32 to index
            %get3A_662 = tpu.vector_load %arg7[%get3A_661] {strides = array<i32>} : memref<4096xi32, #tpu.memory_space<vmem>>, vector<16xi32>,
            %gather3A_663 = tpu.vector_load_idx %arg5[%get3A_662] : memref<100000xf32, #tpu.memory_space<vmem>>[vector<16xi32>], vector<16xf32>,
            %swap3A_664 = arith.index_cast %mul3A_660 : i32 to index
            %swap3A_665 = tpu.vector_load %arg10[%swap3A_664] {strides = array<i32>} : memref<4096xf32, #tpu.memory_space<vmem>>, vector<16xf32>,
            tpu.vector_store %arg10[%swap3A_664], %gather3A_663 {strides = array<i32>} : memref<4096xf32, #tpu.memory_space<vmem>>, vector<16xf32>,
          }
          %scan3A_464 = arith.constant 16 : i32
          %add3A_465 = arith.addi %while3A_398, %add3A_439 : i32
          %jit3A_466 = arith.constant 4 : i32
          %div3A_467 = arith.divsi %add3A_465, %jit3A_466 : i32
          %sign3A_468 = arith.constant 0 : i32
          %sign3A_469 = arith.cmpi sgt, %add3A_465, %sign3A_468 : i32
          %sign3A_470 = arith.extui %sign3A_469 : i1 to i32
          %sign3A_471 = arith.constant 0 : i32
          %sign3A_472 = arith.cmpi slt, %add3A_465, %sign3A_471 : i32
          %sign3A_473 = arith.extui %sign3A_472 : i1 to i32
          %sign3A_474 = arith.subi %sign3A_470, %sign3A_473 : i32
          %sign3A_475 = arith.constant 0 : i32
          %sign3A_476 = arith.cmpi sgt, %jit3A_466, %sign3A_475 : i32
          %sign3A_477 = arith.extui %sign3A_476 : i1 to i32
          %sign3A_478 = arith.constant 0 : i32
          %sign3A_479 = arith.cmpi slt, %jit3A_466, %sign3A_478 : i32
          %sign3A_480 = arith.extui %sign3A_479 : i1 to i32
          %sign3A_481 = arith.subi %sign3A_477, %sign3A_480 : i32
          %ne3A_482 = arith.cmpi ne, %sign3A_474, %sign3A_481 : i32
          %rem3A_483 = arith.remsi %add3A_465, %jit3A_466 : i32
          %ne3A_484 = arith.constant 0 : i32
          %ne3A_485 = arith.cmpi ne, %rem3A_483, %ne3A_484 : i32
          %and3A_486 = arith.andi %ne3A_482, %ne3A_485 : i1
          %sub3A_487 = arith.constant 1 : i32
          %sub3A_488 = arith.subi %div3A_467, %sub3A_487 : i32
          %select_n3A_489 = arith.select %and3A_486, %sub3A_488, %div3A_467 : i32
          %jit3A_490 = arith.constant 4 : i32
          %eq3A_491 = arith.constant 0 : i32
          %eq3A_492 = arith.cmpi eq, %jit3A_490, %eq3A_491 : i32
          %jit3A_493 = arith.constant 1 : i32
          %select_n3A_494 = arith.select %eq3A_492, %jit3A_493, %jit3A_490 : i32
          %rem3A_495 = arith.remsi %add3A_465, %select_n3A_494 : i32
          %ne3A_496 = arith.constant 0 : i32
          %ne3A_497 = arith.cmpi ne, %rem3A_495, %ne3A_496 : i32
          %lt3A_498 = arith.constant 0 : i32
          %lt3A_499 = arith.cmpi slt, %rem3A_495, %lt3A_498 : i32
          %lt3A_500 = arith.constant 0 : i32
          %lt3A_501 = arith.cmpi slt, %select_n3A_494, %lt3A_500 : i32
          %ne3A_502 = arith.xori %lt3A_499, %lt3A_501 : i1
          %and3A_503 = arith.andi %ne3A_502, %ne3A_497 : i1
          %add3A_504 = arith.addi %rem3A_495, %select_n3A_494 : i32
          %select_n3A_505 = arith.select %and3A_503, %add3A_504, %rem3A_495 : i32
          %mul3A_506 = arith.constant 4096 : i32
          %mul3A_507 = arith.muli %select_n3A_505, %mul3A_506 : i32
          %dma_start3A_508 = tpu.memref_slice %arg4[%add3A_229, %select_n3A_489, %mul3A_507] : memref<20x30x16384xf32, #tpu.memory_space<hbm>> -> memref<1x1x4096xf32, #tpu.memory_space<hbm>>
          %dma_start3A_509 = tpu.memref_squeeze %dma_start3A_508 : memref<1x1x4096xf32, #tpu.memory_space<hbm>> -> memref<4096xf32, #tpu.memory_space<hbm>>
          %dma_start3A_510 = tpu.memref_slice %arg4[%add3A_229, %select_n3A_489, %mul3A_507] : memref<20x30x16384xf32, #tpu.memory_space<hbm>> -> memref<1x1x4096xf32, #tpu.memory_space<hbm>>
          %dma_start3A_511 = tpu.memref_squeeze %dma_start3A_510 : memref<1x1x4096xf32, #tpu.memory_space<hbm>> -> memref<4096xf32, #tpu.memory_space<hbm>>
          tpu.enqueue_dma source(%arg10 : memref<4096xf32, #tpu.memory_space<vmem>>) target(%dma_start3A_511 : memref<4096xf32, #tpu.memory_space<hbm>>) target_semaphore(%arg16 : memref<!tpu.dma_semaphore, #tpu.memory_space<semaphore_mem>>)
          %add3A_512 = arith.constant 3 : i32
          %add3A_513 = arith.addi %add3A_439, %add3A_512 : i32
          %lt3A_514 = arith.cmpi slt, %add3A_513, %sub3A_37 : i32
          %convert_element_type3A_515 = arith.extui %lt3A_514 : i1 to i32
          %cond3A_516 = arith.constant 0 : i32
          %cond3A_517 = arith.cmpi ne, %convert_element_type3A_515, %cond3A_516 : i32
          scf.if %cond3A_517 {
            %add3A_518 = arith.constant 3 : i32
            %add3A_519 = arith.addi %add3A_439, %add3A_518 : i32
            %add3A_520 = arith.addi %while3A_398, %add3A_519 : i32
            %jit3A_521 = arith.constant 4 : i32
            %div3A_522 = arith.divsi %add3A_520, %jit3A_521 : i32
            %sign3A_523 = arith.constant 0 : i32
            %sign3A_524 = arith.cmpi sgt, %add3A_520, %sign3A_523 : i32
            %sign3A_525 = arith.extui %sign3A_524 : i1 to i32
            %sign3A_526 = arith.constant 0 : i32
            %sign3A_527 = arith.cmpi slt, %add3A_520, %sign3A_526 : i32
            %sign3A_528 = arith.extui %sign3A_527 : i1 to i32
            %sign3A_529 = arith.subi %sign3A_525, %sign3A_528 : i32
            %sign3A_530 = arith.constant 0 : i32
            %sign3A_531 = arith.cmpi sgt, %jit3A_521, %sign3A_530 : i32
            %sign3A_532 = arith.extui %sign3A_531 : i1 to i32
            %sign3A_533 = arith.constant 0 : i32
            %sign3A_534 = arith.cmpi slt, %jit3A_521, %sign3A_533 : i32
            %sign3A_535 = arith.extui %sign3A_534 : i1 to i32
            %sign3A_536 = arith.subi %sign3A_532, %sign3A_535 : i32
            %ne3A_537 = arith.cmpi ne, %sign3A_529, %sign3A_536 : i32
            %rem3A_538 = arith.remsi %add3A_520, %jit3A_521 : i32
            %ne3A_539 = arith.constant 0 : i32
            %ne3A_540 = arith.cmpi ne, %rem3A_538, %ne3A_539 : i32
            %and3A_541 = arith.andi %ne3A_537, %ne3A_540 : i1
            %sub3A_542 = arith.constant 1 : i32
            %sub3A_543 = arith.subi %div3A_522, %sub3A_542 : i32
            %select_n3A_544 = arith.select %and3A_541, %sub3A_543, %div3A_522 : i32
            %jit3A_545 = arith.constant 4 : i32
            %eq3A_546 = arith.constant 0 : i32
            %eq3A_547 = arith.cmpi eq, %jit3A_545, %eq3A_546 : i32
            %jit3A_548 = arith.constant 1 : i32
            %select_n3A_549 = arith.select %eq3A_547, %jit3A_548, %jit3A_545 : i32
            %rem3A_550 = arith.remsi %add3A_520, %select_n3A_549 : i32
            %ne3A_551 = arith.constant 0 : i32
            %ne3A_552 = arith.cmpi ne, %rem3A_550, %ne3A_551 : i32
            %lt3A_553 = arith.constant 0 : i32
            %lt3A_554 = arith.cmpi slt, %rem3A_550, %lt3A_553 : i32
            %lt3A_555 = arith.constant 0 : i32
            %lt3A_556 = arith.cmpi slt, %select_n3A_549, %lt3A_555 : i32
            %ne3A_557 = arith.xori %lt3A_554, %lt3A_556 : i1
            %and3A_558 = arith.andi %ne3A_557, %ne3A_552 : i1
            %add3A_559 = arith.addi %rem3A_550, %select_n3A_549 : i32
            %select_n3A_560 = arith.select %and3A_558, %add3A_559, %rem3A_550 : i32
            %mul3A_561 = arith.constant 4096 : i32
            %mul3A_562 = arith.muli %select_n3A_560, %mul3A_561 : i32
            %dma_start3A_563 = tpu.memref_slice %arg3[%select_n3A_544, %mul3A_562] : memref<30x16384xi32, #tpu.memory_space<hbm>> -> memref<1x4096xi32, #tpu.memory_space<hbm>>
            %dma_start3A_564 = tpu.memref_squeeze %dma_start3A_563 : memref<1x4096xi32, #tpu.memory_space<hbm>> -> memref<4096xi32, #tpu.memory_space<hbm>>
            %dma_start3A_565 = tpu.memref_slice %arg3[%select_n3A_544, %mul3A_562] : memref<30x16384xi32, #tpu.memory_space<hbm>> -> memref<1x4096xi32, #tpu.memory_space<hbm>>
            %dma_start3A_566 = tpu.memref_squeeze %dma_start3A_565 : memref<1x4096xi32, #tpu.memory_space<hbm>> -> memref<4096xi32, #tpu.memory_space<hbm>>
            tpu.enqueue_dma source(%dma_start3A_566 : memref<4096xi32, #tpu.memory_space<hbm>>) target(%arg7 : memref<4096xi32, #tpu.memory_space<vmem>>) target_semaphore(%arg13 : memref<!tpu.dma_semaphore, #tpu.memory_space<semaphore_mem>>)
          } else {
          }
        } else {
        }
        %add3A_444 = arith.constant 2 : i32
        %add3A_445 = arith.addi %add3A_431, %add3A_444 : i32
        %lt3A_446 = arith.cmpi slt, %add3A_445, %sub3A_37 : i32
        %convert_element_type3A_447 = arith.extui %lt3A_446 : i1 to i32
        %cond3A_448 = arith.constant 0 : i32
        %cond3A_449 = arith.cmpi ne, %convert_element_type3A_447, %cond3A_448 : i32
        scf.if %cond3A_449 {
          %dma_wait3A_450 = arith.constant 0 : i32
          %dma_wait3A_451 = arith.constant 0 : i32
          %dma_wait3A_452 = tpu.memref_slice %arg3[%dma_wait3A_450, %dma_wait3A_451] : memref<30x16384xi32, #tpu.memory_space<hbm>> -> memref<1x4096xi32, #tpu.memory_space<hbm>>
          %dma_wait3A_453 = tpu.memref_squeeze %dma_wait3A_452 : memref<1x4096xi32, #tpu.memory_space<hbm>> -> memref<4096xi32, #tpu.memory_space<hbm>>
          %dma_wait3A_454 = arith.constant 0 : i32
          %dma_wait3A_455 = tpu.memref_slice %arg3[%dma_wait3A_450, %dma_wait3A_454] : memref<30x16384xi32, #tpu.memory_space<hbm>> -> memref<1x4096xi32, #tpu.memory_space<hbm>>
          %dma_wait3A_456 = tpu.memref_squeeze %dma_wait3A_455 : memref<1x4096xi32, #tpu.memory_space<hbm>> -> memref<4096xi32, #tpu.memory_space<hbm>>
          tpu.wait_dma2 semaphore(%arg14 : memref<!tpu.dma_semaphore, #tpu.memory_space<semaphore_mem>>) src(%dma_wait3A_456 : memref<4096xi32, #tpu.memory_space<hbm>>) dst(%arg8 : memref<4096xi32, #tpu.memory_space<vmem>>)
          %ge3A = arith.constant 3 : i32
          %ge3A_457 = arith.cmpi sge, %add3A_445, %ge3A : i32
          %convert_element_type3A_458 = arith.extui %ge3A_457 : i1 to i32
          %cond3A_459 = arith.constant 0 : i32
          %cond3A_460 = arith.cmpi ne, %convert_element_type3A_458, %cond3A_459 : i32
          scf.if %cond3A_460 {
            %dma_wait3A_518 = arith.constant 0 : i32
            %dma_wait3A_519 = arith.constant 0 : i32
            %dma_wait3A_520 = tpu.memref_slice %arg4[%add3A_229, %dma_wait3A_518, %dma_wait3A_519] : memref<20x30x16384xf32, #tpu.memory_space<hbm>> -> memref<1x1x4096xf32, #tpu.memory_space<hbm>>
            %dma_wait3A_521 = tpu.memref_squeeze %dma_wait3A_520 : memref<1x1x4096xf32, #tpu.memory_space<hbm>> -> memref<4096xf32, #tpu.memory_space<hbm>>
            %dma_wait3A_522 = arith.constant 0 : i32
            %dma_wait3A_523 = tpu.memref_slice %arg4[%add3A_229, %dma_wait3A_518, %dma_wait3A_522] : memref<20x30x16384xf32, #tpu.memory_space<hbm>> -> memref<1x1x4096xf32, #tpu.memory_space<hbm>>
            %dma_wait3A_524 = tpu.memref_squeeze %dma_wait3A_523 : memref<1x1x4096xf32, #tpu.memory_space<hbm>> -> memref<4096xf32, #tpu.memory_space<hbm>>
            tpu.wait_dma2 semaphore(%arg17 : memref<!tpu.dma_semaphore, #tpu.memory_space<semaphore_mem>>) src(%arg11 : memref<4096xf32, #tpu.memory_space<vmem>>) dst(%dma_wait3A_524 : memref<4096xf32, #tpu.memory_space<hbm>>)
          } else {
          }
          %scan3A = arith.constant 0 : i32
          %scan3A_461 = arith.constant 16 : i32
          %scan3A_462 = arith.addi %scan3A, %scan3A_461 : i32
          %scan3A_463 = arith.constant 1 : i32
          scf.for %scan3A_518 = %scan3A to %scan3A_462 step %scan3A_463  : i32 {
            %mul3A_519 = arith.constant 16 : i32
            %mul3A_520 = arith.muli %scan3A_518, %mul3A_519 : i32
            %add3A_521 = arith.constant 0 : i32
            %add3A_522 = arith.addi %add3A_521, %mul3A_520 : i32
            %add3A_523 = arith.constant 0 : i32
            %add3A_524 = arith.addi %add3A_522, %add3A_523 : i32
            %mul3A_525 = arith.constant 16 : i32
            %mul3A_526 = arith.muli %add3A_524, %mul3A_525 : i32
            %get3A_527 = arith.index_cast %mul3A_526 : i32 to index
            %get3A_528 = tpu.vector_load %arg8[%get3A_527] {strides = array<i32>} : memref<4096xi32, #tpu.memory_space<vmem>>, vector<16xi32>,
            %gather3A = tpu.vector_load_idx %arg5[%get3A_528] : memref<100000xf32, #tpu.memory_space<vmem>>[vector<16xi32>], vector<16xf32>,
            %swap3A_529 = arith.index_cast %mul3A_526 : i32 to index
            %swap3A_530 = tpu.vector_load %arg11[%swap3A_529] {strides = array<i32>} : memref<4096xf32, #tpu.memory_space<vmem>>, vector<16xf32>,
            tpu.vector_store %arg11[%swap3A_529], %gather3A {strides = array<i32>} : memref<4096xf32, #tpu.memory_space<vmem>>, vector<16xf32>,
            %add3A_531 = arith.constant 1 : i32
            %add3A_532 = arith.addi %add3A_522, %add3A_531 : i32
            %mul3A_533 = arith.constant 16 : i32
            %mul3A_534 = arith.muli %add3A_532, %mul3A_533 : i32
            %get3A_535 = arith.index_cast %mul3A_534 : i32 to index
            %get3A_536 = tpu.vector_load %arg8[%get3A_535] {strides = array<i32>} : memref<4096xi32, #tpu.memory_space<vmem>>, vector<16xi32>,
            %gather3A_537 = tpu.vector_load_idx %arg5[%get3A_536] : memref<100000xf32, #tpu.memory_space<vmem>>[vector<16xi32>], vector<16xf32>,
            %swap3A_538 = arith.index_cast %mul3A_534 : i32 to index
            %swap3A_539 = tpu.vector_load %arg11[%swap3A_538] {strides = array<i32>} : memref<4096xf32, #tpu.memory_space<vmem>>, vector<16xf32>,
            tpu.vector_store %arg11[%swap3A_538], %gather3A_537 {strides = array<i32>} : memref<4096xf32, #tpu.memory_space<vmem>>, vector<16xf32>,
            %add3A_540 = arith.constant 2 : i32
            %add3A_541 = arith.addi %add3A_522, %add3A_540 : i32
            %mul3A_542 = arith.constant 16 : i32
            %mul3A_543 = arith.muli %add3A_541, %mul3A_542 : i32
            %get3A_544 = arith.index_cast %mul3A_543 : i32 to index
            %get3A_545 = tpu.vector_load %arg8[%get3A_544] {strides = array<i32>} : memref<4096xi32, #tpu.memory_space<vmem>>, vector<16xi32>,
            %gather3A_546 = tpu.vector_load_idx %arg5[%get3A_545] : memref<100000xf32, #tpu.memory_space<vmem>>[vector<16xi32>], vector<16xf32>,
            %swap3A_547 = arith.index_cast %mul3A_543 : i32 to index
            %swap3A_548 = tpu.vector_load %arg11[%swap3A_547] {strides = array<i32>} : memref<4096xf32, #tpu.memory_space<vmem>>, vector<16xf32>,
            tpu.vector_store %arg11[%swap3A_547], %gather3A_546 {strides = array<i32>} : memref<4096xf32, #tpu.memory_space<vmem>>, vector<16xf32>,
            %add3A_549 = arith.constant 3 : i32
            %add3A_550 = arith.addi %add3A_522, %add3A_549 : i32
            %mul3A_551 = arith.constant 16 : i32
            %mul3A_552 = arith.muli %add3A_550, %mul3A_551 : i32
            %get3A_553 = arith.index_cast %mul3A_552 : i32 to index
            %get3A_554 = tpu.vector_load %arg8[%get3A_553] {strides = array<i32>} : memref<4096xi32, #tpu.memory_space<vmem>>, vector<16xi32>,
            %gather3A_555 = tpu.vector_load_idx %arg5[%get3A_554] : memref<100000xf32, #tpu.memory_space<vmem>>[vector<16xi32>], vector<16xf32>,
            %swap3A_556 = arith.index_cast %mul3A_552 : i32 to index
            %swap3A_557 = tpu.vector_load %arg11[%swap3A_556] {strides = array<i32>} : memref<4096xf32, #tpu.memory_space<vmem>>, vector<16xf32>,
            tpu.vector_store %arg11[%swap3A_556], %gather3A_555 {strides = array<i32>} : memref<4096xf32, #tpu.memory_space<vmem>>, vector<16xf32>,
            %add3A_558 = arith.constant 4 : i32
            %add3A_559 = arith.addi %add3A_522, %add3A_558 : i32
            %mul3A_560 = arith.constant 16 : i32
            %mul3A_561 = arith.muli %add3A_559, %mul3A_560 : i32
            %get3A_562 = arith.index_cast %mul3A_561 : i32 to index
            %get3A_563 = tpu.vector_load %arg8[%get3A_562] {strides = array<i32>} : memref<4096xi32, #tpu.memory_space<vmem>>, vector<16xi32>,
            %gather3A_564 = tpu.vector_load_idx %arg5[%get3A_563] : memref<100000xf32, #tpu.memory_space<vmem>>[vector<16xi32>], vector<16xf32>,
            %swap3A_565 = arith.index_cast %mul3A_561 : i32 to index
            %swap3A_566 = tpu.vector_load %arg11[%swap3A_565] {strides = array<i32>} : memref<4096xf32, #tpu.memory_space<vmem>>, vector<16xf32>,
            tpu.vector_store %arg11[%swap3A_565], %gather3A_564 {strides = array<i32>} : memref<4096xf32, #tpu.memory_space<vmem>>, vector<16xf32>,
            %add3A_567 = arith.constant 5 : i32
            %add3A_568 = arith.addi %add3A_522, %add3A_567 : i32
            %mul3A_569 = arith.constant 16 : i32
            %mul3A_570 = arith.muli %add3A_568, %mul3A_569 : i32
            %get3A_571 = arith.index_cast %mul3A_570 : i32 to index
            %get3A_572 = tpu.vector_load %arg8[%get3A_571] {strides = array<i32>} : memref<4096xi32, #tpu.memory_space<vmem>>, vector<16xi32>,
            %gather3A_573 = tpu.vector_load_idx %arg5[%get3A_572] : memref<100000xf32, #tpu.memory_space<vmem>>[vector<16xi32>], vector<16xf32>,
            %swap3A_574 = arith.index_cast %mul3A_570 : i32 to index
            %swap3A_575 = tpu.vector_load %arg11[%swap3A_574] {strides = array<i32>} : memref<4096xf32, #tpu.memory_space<vmem>>, vector<16xf32>,
            tpu.vector_store %arg11[%swap3A_574], %gather3A_573 {strides = array<i32>} : memref<4096xf32, #tpu.memory_space<vmem>>, vector<16xf32>,
            %add3A_576 = arith.constant 6 : i32
            %add3A_577 = arith.addi %add3A_522, %add3A_576 : i32
            %mul3A_578 = arith.constant 16 : i32
            %mul3A_579 = arith.muli %add3A_577, %mul3A_578 : i32
            %get3A_580 = arith.index_cast %mul3A_579 : i32 to index
            %get3A_581 = tpu.vector_load %arg8[%get3A_580] {strides = array<i32>} : memref<4096xi32, #tpu.memory_space<vmem>>, vector<16xi32>,
            %gather3A_582 = tpu.vector_load_idx %arg5[%get3A_581] : memref<100000xf32, #tpu.memory_space<vmem>>[vector<16xi32>], vector<16xf32>,
            %swap3A_583 = arith.index_cast %mul3A_579 : i32 to index
            %swap3A_584 = tpu.vector_load %arg11[%swap3A_583] {strides = array<i32>} : memref<4096xf32, #tpu.memory_space<vmem>>, vector<16xf32>,
            tpu.vector_store %arg11[%swap3A_583], %gather3A_582 {strides = array<i32>} : memref<4096xf32, #tpu.memory_space<vmem>>, vector<16xf32>,
            %add3A_585 = arith.constant 7 : i32
            %add3A_586 = arith.addi %add3A_522, %add3A_585 : i32
            %mul3A_587 = arith.constant 16 : i32
            %mul3A_588 = arith.muli %add3A_586, %mul3A_587 : i32
            %get3A_589 = arith.index_cast %mul3A_588 : i32 to index
            %get3A_590 = tpu.vector_load %arg8[%get3A_589] {strides = array<i32>} : memref<4096xi32, #tpu.memory_space<vmem>>, vector<16xi32>,
            %gather3A_591 = tpu.vector_load_idx %arg5[%get3A_590] : memref<100000xf32, #tpu.memory_space<vmem>>[vector<16xi32>], vector<16xf32>,
            %swap3A_592 = arith.index_cast %mul3A_588 : i32 to index
            %swap3A_593 = tpu.vector_load %arg11[%swap3A_592] {strides = array<i32>} : memref<4096xf32, #tpu.memory_space<vmem>>, vector<16xf32>,
            tpu.vector_store %arg11[%swap3A_592], %gather3A_591 {strides = array<i32>} : memref<4096xf32, #tpu.memory_space<vmem>>, vector<16xf32>,
            %add3A_594 = arith.constant 8 : i32
            %add3A_595 = arith.addi %add3A_522, %add3A_594 : i32
            %mul3A_596 = arith.constant 16 : i32
            %mul3A_597 = arith.muli %add3A_595, %mul3A_596 : i32
            %get3A_598 = arith.index_cast %mul3A_597 : i32 to index
            %get3A_599 = tpu.vector_load %arg8[%get3A_598] {strides = array<i32>} : memref<4096xi32, #tpu.memory_space<vmem>>, vector<16xi32>,
            %gather3A_600 = tpu.vector_load_idx %arg5[%get3A_599] : memref<100000xf32, #tpu.memory_space<vmem>>[vector<16xi32>], vector<16xf32>,
            %swap3A_601 = arith.index_cast %mul3A_597 : i32 to index
            %swap3A_602 = tpu.vector_load %arg11[%swap3A_601] {strides = array<i32>} : memref<4096xf32, #tpu.memory_space<vmem>>, vector<16xf32>,
            tpu.vector_store %arg11[%swap3A_601], %gather3A_600 {strides = array<i32>} : memref<4096xf32, #tpu.memory_space<vmem>>, vector<16xf32>,
            %add3A_603 = arith.constant 9 : i32
            %add3A_604 = arith.addi %add3A_522, %add3A_603 : i32
            %mul3A_605 = arith.constant 16 : i32
            %mul3A_606 = arith.muli %add3A_604, %mul3A_605 : i32
            %get3A_607 = arith.index_cast %mul3A_606 : i32 to index
            %get3A_608 = tpu.vector_load %arg8[%get3A_607] {strides = array<i32>} : memref<4096xi32, #tpu.memory_space<vmem>>, vector<16xi32>,
            %gather3A_609 = tpu.vector_load_idx %arg5[%get3A_608] : memref<100000xf32, #tpu.memory_space<vmem>>[vector<16xi32>], vector<16xf32>,
            %swap3A_610 = arith.index_cast %mul3A_606 : i32 to index
            %swap3A_611 = tpu.vector_load %arg11[%swap3A_610] {strides = array<i32>} : memref<4096xf32, #tpu.memory_space<vmem>>, vector<16xf32>,
            tpu.vector_store %arg11[%swap3A_610], %gather3A_609 {strides = array<i32>} : memref<4096xf32, #tpu.memory_space<vmem>>, vector<16xf32>,
            %add3A_612 = arith.constant 10 : i32
            %add3A_613 = arith.addi %add3A_522, %add3A_612 : i32
            %mul3A_614 = arith.constant 16 : i32
            %mul3A_615 = arith.muli %add3A_613, %mul3A_614 : i32
            %get3A_616 = arith.index_cast %mul3A_615 : i32 to index
            %get3A_617 = tpu.vector_load %arg8[%get3A_616] {strides = array<i32>} : memref<4096xi32, #tpu.memory_space<vmem>>, vector<16xi32>,
            %gather3A_618 = tpu.vector_load_idx %arg5[%get3A_617] : memref<100000xf32, #tpu.memory_space<vmem>>[vector<16xi32>], vector<16xf32>,
            %swap3A_619 = arith.index_cast %mul3A_615 : i32 to index
            %swap3A_620 = tpu.vector_load %arg11[%swap3A_619] {strides = array<i32>} : memref<4096xf32, #tpu.memory_space<vmem>>, vector<16xf32>,
            tpu.vector_store %arg11[%swap3A_619], %gather3A_618 {strides = array<i32>} : memref<4096xf32, #tpu.memory_space<vmem>>, vector<16xf32>,
            %add3A_621 = arith.constant 11 : i32
            %add3A_622 = arith.addi %add3A_522, %add3A_621 : i32
            %mul3A_623 = arith.constant 16 : i32
            %mul3A_624 = arith.muli %add3A_622, %mul3A_623 : i32
            %get3A_625 = arith.index_cast %mul3A_624 : i32 to index
            %get3A_626 = tpu.vector_load %arg8[%get3A_625] {strides = array<i32>} : memref<4096xi32, #tpu.memory_space<vmem>>, vector<16xi32>,
            %gather3A_627 = tpu.vector_load_idx %arg5[%get3A_626] : memref<100000xf32, #tpu.memory_space<vmem>>[vector<16xi32>], vector<16xf32>,
            %swap3A_628 = arith.index_cast %mul3A_624 : i32 to index
            %swap3A_629 = tpu.vector_load %arg11[%swap3A_628] {strides = array<i32>} : memref<4096xf32, #tpu.memory_space<vmem>>, vector<16xf32>,
            tpu.vector_store %arg11[%swap3A_628], %gather3A_627 {strides = array<i32>} : memref<4096xf32, #tpu.memory_space<vmem>>, vector<16xf32>,
            %add3A_630 = arith.constant 12 : i32
            %add3A_631 = arith.addi %add3A_522, %add3A_630 : i32
            %mul3A_632 = arith.constant 16 : i32
            %mul3A_633 = arith.muli %add3A_631, %mul3A_632 : i32
            %get3A_634 = arith.index_cast %mul3A_633 : i32 to index
            %get3A_635 = tpu.vector_load %arg8[%get3A_634] {strides = array<i32>} : memref<4096xi32, #tpu.memory_space<vmem>>, vector<16xi32>,
            %gather3A_636 = tpu.vector_load_idx %arg5[%get3A_635] : memref<100000xf32, #tpu.memory_space<vmem>>[vector<16xi32>], vector<16xf32>,
            %swap3A_637 = arith.index_cast %mul3A_633 : i32 to index
            %swap3A_638 = tpu.vector_load %arg11[%swap3A_637] {strides = array<i32>} : memref<4096xf32, #tpu.memory_space<vmem>>, vector<16xf32>,
            tpu.vector_store %arg11[%swap3A_637], %gather3A_636 {strides = array<i32>} : memref<4096xf32, #tpu.memory_space<vmem>>, vector<16xf32>,
            %add3A_639 = arith.constant 13 : i32
            %add3A_640 = arith.addi %add3A_522, %add3A_639 : i32
            %mul3A_641 = arith.constant 16 : i32
            %mul3A_642 = arith.muli %add3A_640, %mul3A_641 : i32
            %get3A_643 = arith.index_cast %mul3A_642 : i32 to index
            %get3A_644 = tpu.vector_load %arg8[%get3A_643] {strides = array<i32>} : memref<4096xi32, #tpu.memory_space<vmem>>, vector<16xi32>,
            %gather3A_645 = tpu.vector_load_idx %arg5[%get3A_644] : memref<100000xf32, #tpu.memory_space<vmem>>[vector<16xi32>], vector<16xf32>,
            %swap3A_646 = arith.index_cast %mul3A_642 : i32 to index
            %swap3A_647 = tpu.vector_load %arg11[%swap3A_646] {strides = array<i32>} : memref<4096xf32, #tpu.memory_space<vmem>>, vector<16xf32>,
            tpu.vector_store %arg11[%swap3A_646], %gather3A_645 {strides = array<i32>} : memref<4096xf32, #tpu.memory_space<vmem>>, vector<16xf32>,
            %add3A_648 = arith.constant 14 : i32
            %add3A_649 = arith.addi %add3A_522, %add3A_648 : i32
            %mul3A_650 = arith.constant 16 : i32
            %mul3A_651 = arith.muli %add3A_649, %mul3A_650 : i32
            %get3A_652 = arith.index_cast %mul3A_651 : i32 to index
            %get3A_653 = tpu.vector_load %arg8[%get3A_652] {strides = array<i32>} : memref<4096xi32, #tpu.memory_space<vmem>>, vector<16xi32>,
            %gather3A_654 = tpu.vector_load_idx %arg5[%get3A_653] : memref<100000xf32, #tpu.memory_space<vmem>>[vector<16xi32>], vector<16xf32>,
            %swap3A_655 = arith.index_cast %mul3A_651 : i32 to index
            %swap3A_656 = tpu.vector_load %arg11[%swap3A_655] {strides = array<i32>} : memref<4096xf32, #tpu.memory_space<vmem>>, vector<16xf32>,
            tpu.vector_store %arg11[%swap3A_655], %gather3A_654 {strides = array<i32>} : memref<4096xf32, #tpu.memory_space<vmem>>, vector<16xf32>,
            %add3A_657 = arith.constant 15 : i32
            %add3A_658 = arith.addi %add3A_522, %add3A_657 : i32
            %mul3A_659 = arith.constant 16 : i32
            %mul3A_660 = arith.muli %add3A_658, %mul3A_659 : i32
            %get3A_661 = arith.index_cast %mul3A_660 : i32 to index
            %get3A_662 = tpu.vector_load %arg8[%get3A_661] {strides = array<i32>} : memref<4096xi32, #tpu.memory_space<vmem>>, vector<16xi32>,
            %gather3A_663 = tpu.vector_load_idx %arg5[%get3A_662] : memref<100000xf32, #tpu.memory_space<vmem>>[vector<16xi32>], vector<16xf32>,
            %swap3A_664 = arith.index_cast %mul3A_660 : i32 to index
            %swap3A_665 = tpu.vector_load %arg11[%swap3A_664] {strides = array<i32>} : memref<4096xf32, #tpu.memory_space<vmem>>, vector<16xf32>,
            tpu.vector_store %arg11[%swap3A_664], %gather3A_663 {strides = array<i32>} : memref<4096xf32, #tpu.memory_space<vmem>>, vector<16xf32>,
          }
          %scan3A_464 = arith.constant 16 : i32
          %add3A_465 = arith.addi %while3A_398, %add3A_445 : i32
          %jit3A_466 = arith.constant 4 : i32
          %div3A_467 = arith.divsi %add3A_465, %jit3A_466 : i32
          %sign3A_468 = arith.constant 0 : i32
          %sign3A_469 = arith.cmpi sgt, %add3A_465, %sign3A_468 : i32
          %sign3A_470 = arith.extui %sign3A_469 : i1 to i32
          %sign3A_471 = arith.constant 0 : i32
          %sign3A_472 = arith.cmpi slt, %add3A_465, %sign3A_471 : i32
          %sign3A_473 = arith.extui %sign3A_472 : i1 to i32
          %sign3A_474 = arith.subi %sign3A_470, %sign3A_473 : i32
          %sign3A_475 = arith.constant 0 : i32
          %sign3A_476 = arith.cmpi sgt, %jit3A_466, %sign3A_475 : i32
          %sign3A_477 = arith.extui %sign3A_476 : i1 to i32
          %sign3A_478 = arith.constant 0 : i32
          %sign3A_479 = arith.cmpi slt, %jit3A_466, %sign3A_478 : i32
          %sign3A_480 = arith.extui %sign3A_479 : i1 to i32
          %sign3A_481 = arith.subi %sign3A_477, %sign3A_480 : i32
          %ne3A_482 = arith.cmpi ne, %sign3A_474, %sign3A_481 : i32
          %rem3A_483 = arith.remsi %add3A_465, %jit3A_466 : i32
          %ne3A_484 = arith.constant 0 : i32
          %ne3A_485 = arith.cmpi ne, %rem3A_483, %ne3A_484 : i32
          %and3A_486 = arith.andi %ne3A_482, %ne3A_485 : i1
          %sub3A_487 = arith.constant 1 : i32
          %sub3A_488 = arith.subi %div3A_467, %sub3A_487 : i32
          %select_n3A_489 = arith.select %and3A_486, %sub3A_488, %div3A_467 : i32
          %jit3A_490 = arith.constant 4 : i32
          %eq3A_491 = arith.constant 0 : i32
          %eq3A_492 = arith.cmpi eq, %jit3A_490, %eq3A_491 : i32
          %jit3A_493 = arith.constant 1 : i32
          %select_n3A_494 = arith.select %eq3A_492, %jit3A_493, %jit3A_490 : i32
          %rem3A_495 = arith.remsi %add3A_465, %select_n3A_494 : i32
          %ne3A_496 = arith.constant 0 : i32
          %ne3A_497 = arith.cmpi ne, %rem3A_495, %ne3A_496 : i32
          %lt3A_498 = arith.constant 0 : i32
          %lt3A_499 = arith.cmpi slt, %rem3A_495, %lt3A_498 : i32
          %lt3A_500 = arith.constant 0 : i32
          %lt3A_501 = arith.cmpi slt, %select_n3A_494, %lt3A_500 : i32
          %ne3A_502 = arith.xori %lt3A_499, %lt3A_501 : i1
          %and3A_503 = arith.andi %ne3A_502, %ne3A_497 : i1
          %add3A_504 = arith.addi %rem3A_495, %select_n3A_494 : i32
          %select_n3A_505 = arith.select %and3A_503, %add3A_504, %rem3A_495 : i32
          %mul3A_506 = arith.constant 4096 : i32
          %mul3A_507 = arith.muli %select_n3A_505, %mul3A_506 : i32
          %dma_start3A_508 = tpu.memref_slice %arg4[%add3A_229, %select_n3A_489, %mul3A_507] : memref<20x30x16384xf32, #tpu.memory_space<hbm>> -> memref<1x1x4096xf32, #tpu.memory_space<hbm>>
          %dma_start3A_509 = tpu.memref_squeeze %dma_start3A_508 : memref<1x1x4096xf32, #tpu.memory_space<hbm>> -> memref<4096xf32, #tpu.memory_space<hbm>>
          %dma_start3A_510 = tpu.memref_slice %arg4[%add3A_229, %select_n3A_489, %mul3A_507] : memref<20x30x16384xf32, #tpu.memory_space<hbm>> -> memref<1x1x4096xf32, #tpu.memory_space<hbm>>
          %dma_start3A_511 = tpu.memref_squeeze %dma_start3A_510 : memref<1x1x4096xf32, #tpu.memory_space<hbm>> -> memref<4096xf32, #tpu.memory_space<hbm>>
          tpu.enqueue_dma source(%arg11 : memref<4096xf32, #tpu.memory_space<vmem>>) target(%dma_start3A_511 : memref<4096xf32, #tpu.memory_space<hbm>>) target_semaphore(%arg17 : memref<!tpu.dma_semaphore, #tpu.memory_space<semaphore_mem>>)
          %add3A_512 = arith.constant 3 : i32
          %add3A_513 = arith.addi %add3A_445, %add3A_512 : i32
          %lt3A_514 = arith.cmpi slt, %add3A_513, %sub3A_37 : i32
          %convert_element_type3A_515 = arith.extui %lt3A_514 : i1 to i32
          %cond3A_516 = arith.constant 0 : i32
          %cond3A_517 = arith.cmpi ne, %convert_element_type3A_515, %cond3A_516 : i32
          scf.if %cond3A_517 {
            %add3A_518 = arith.constant 3 : i32
            %add3A_519 = arith.addi %add3A_445, %add3A_518 : i32
            %add3A_520 = arith.addi %while3A_398, %add3A_519 : i32
            %jit3A_521 = arith.constant 4 : i32
            %div3A_522 = arith.divsi %add3A_520, %jit3A_521 : i32
            %sign3A_523 = arith.constant 0 : i32
            %sign3A_524 = arith.cmpi sgt, %add3A_520, %sign3A_523 : i32
            %sign3A_525 = arith.extui %sign3A_524 : i1 to i32
            %sign3A_526 = arith.constant 0 : i32
            %sign3A_527 = arith.cmpi slt, %add3A_520, %sign3A_526 : i32
            %sign3A_528 = arith.extui %sign3A_527 : i1 to i32
            %sign3A_529 = arith.subi %sign3A_525, %sign3A_528 : i32
            %sign3A_530 = arith.constant 0 : i32
            %sign3A_531 = arith.cmpi sgt, %jit3A_521, %sign3A_530 : i32
            %sign3A_532 = arith.extui %sign3A_531 : i1 to i32
            %sign3A_533 = arith.constant 0 : i32
            %sign3A_534 = arith.cmpi slt, %jit3A_521, %sign3A_533 : i32
            %sign3A_535 = arith.extui %sign3A_534 : i1 to i32
            %sign3A_536 = arith.subi %sign3A_532, %sign3A_535 : i32
            %ne3A_537 = arith.cmpi ne, %sign3A_529, %sign3A_536 : i32
            %rem3A_538 = arith.remsi %add3A_520, %jit3A_521 : i32
            %ne3A_539 = arith.constant 0 : i32
            %ne3A_540 = arith.cmpi ne, %rem3A_538, %ne3A_539 : i32
            %and3A_541 = arith.andi %ne3A_537, %ne3A_540 : i1
            %sub3A_542 = arith.constant 1 : i32
            %sub3A_543 = arith.subi %div3A_522, %sub3A_542 : i32
            %select_n3A_544 = arith.select %and3A_541, %sub3A_543, %div3A_522 : i32
            %jit3A_545 = arith.constant 4 : i32
            %eq3A_546 = arith.constant 0 : i32
            %eq3A_547 = arith.cmpi eq, %jit3A_545, %eq3A_546 : i32
            %jit3A_548 = arith.constant 1 : i32
            %select_n3A_549 = arith.select %eq3A_547, %jit3A_548, %jit3A_545 : i32
            %rem3A_550 = arith.remsi %add3A_520, %select_n3A_549 : i32
            %ne3A_551 = arith.constant 0 : i32
            %ne3A_552 = arith.cmpi ne, %rem3A_550, %ne3A_551 : i32
            %lt3A_553 = arith.constant 0 : i32
            %lt3A_554 = arith.cmpi slt, %rem3A_550, %lt3A_553 : i32
            %lt3A_555 = arith.constant 0 : i32
            %lt3A_556 = arith.cmpi slt, %select_n3A_549, %lt3A_555 : i32
            %ne3A_557 = arith.xori %lt3A_554, %lt3A_556 : i1
            %and3A_558 = arith.andi %ne3A_557, %ne3A_552 : i1
            %add3A_559 = arith.addi %rem3A_550, %select_n3A_549 : i32
            %select_n3A_560 = arith.select %and3A_558, %add3A_559, %rem3A_550 : i32
            %mul3A_561 = arith.constant 4096 : i32
            %mul3A_562 = arith.muli %select_n3A_560, %mul3A_561 : i32
            %dma_start3A_563 = tpu.memref_slice %arg3[%select_n3A_544, %mul3A_562] : memref<30x16384xi32, #tpu.memory_space<hbm>> -> memref<1x4096xi32, #tpu.memory_space<hbm>>
            %dma_start3A_564 = tpu.memref_squeeze %dma_start3A_563 : memref<1x4096xi32, #tpu.memory_space<hbm>> -> memref<4096xi32, #tpu.memory_space<hbm>>
            %dma_start3A_565 = tpu.memref_slice %arg3[%select_n3A_544, %mul3A_562] : memref<30x16384xi32, #tpu.memory_space<hbm>> -> memref<1x4096xi32, #tpu.memory_space<hbm>>
            %dma_start3A_566 = tpu.memref_squeeze %dma_start3A_565 : memref<1x4096xi32, #tpu.memory_space<hbm>> -> memref<4096xi32, #tpu.memory_space<hbm>>
            tpu.enqueue_dma source(%dma_start3A_566 : memref<4096xi32, #tpu.memory_space<hbm>>) target(%arg8 : memref<4096xi32, #tpu.memory_space<vmem>>) target_semaphore(%arg14 : memref<!tpu.dma_semaphore, #tpu.memory_space<semaphore_mem>>)
          } else {
          }
        } else {
        }
      }
      %while3A_407 = arith.constant 1 : i32
      scf.for %while3A_429 = %while3A_405 to %while3A_401 step %while3A_407  : i32 {
        %mul3A_430 = arith.muli %while3A_429, %while3A_396 : i32
        %add3A_431 = arith.addi %while3A_397, %mul3A_430 : i32
        %add3A_432 = arith.constant 0 : i32
        %add3A_433 = arith.addi %add3A_431, %add3A_432 : i32
        %lt3A_434 = arith.cmpi slt, %add3A_433, %sub3A_37 : i32
        %convert_element_type3A_435 = arith.extui %lt3A_434 : i1 to i32
        %cond3A_436 = arith.constant 0 : i32
        %cond3A_437 = arith.cmpi ne, %convert_element_type3A_435, %cond3A_436 : i32
        scf.if %cond3A_437 {
          %dma_wait3A_450 = arith.constant 0 : i32
          %dma_wait3A_451 = arith.constant 0 : i32
          %dma_wait3A_452 = tpu.memref_slice %arg3[%dma_wait3A_450, %dma_wait3A_451] : memref<30x16384xi32, #tpu.memory_space<hbm>> -> memref<1x4096xi32, #tpu.memory_space<hbm>>
          %dma_wait3A_453 = tpu.memref_squeeze %dma_wait3A_452 : memref<1x4096xi32, #tpu.memory_space<hbm>> -> memref<4096xi32, #tpu.memory_space<hbm>>
          %dma_wait3A_454 = arith.constant 0 : i32
          %dma_wait3A_455 = tpu.memref_slice %arg3[%dma_wait3A_450, %dma_wait3A_454] : memref<30x16384xi32, #tpu.memory_space<hbm>> -> memref<1x4096xi32, #tpu.memory_space<hbm>>
          %dma_wait3A_456 = tpu.memref_squeeze %dma_wait3A_455 : memref<1x4096xi32, #tpu.memory_space<hbm>> -> memref<4096xi32, #tpu.memory_space<hbm>>
          tpu.wait_dma2 semaphore(%arg12 : memref<!tpu.dma_semaphore, #tpu.memory_space<semaphore_mem>>) src(%dma_wait3A_456 : memref<4096xi32, #tpu.memory_space<hbm>>) dst(%arg6 : memref<4096xi32, #tpu.memory_space<vmem>>)
          %ge3A = arith.constant 3 : i32
          %ge3A_457 = arith.cmpi sge, %add3A_433, %ge3A : i32
          %convert_element_type3A_458 = arith.extui %ge3A_457 : i1 to i32
          %cond3A_459 = arith.constant 0 : i32
          %cond3A_460 = arith.cmpi ne, %convert_element_type3A_458, %cond3A_459 : i32
          scf.if %cond3A_460 {
            %dma_wait3A_518 = arith.constant 0 : i32
            %dma_wait3A_519 = arith.constant 0 : i32
            %dma_wait3A_520 = tpu.memref_slice %arg4[%add3A_229, %dma_wait3A_518, %dma_wait3A_519] : memref<20x30x16384xf32, #tpu.memory_space<hbm>> -> memref<1x1x4096xf32, #tpu.memory_space<hbm>>
            %dma_wait3A_521 = tpu.memref_squeeze %dma_wait3A_520 : memref<1x1x4096xf32, #tpu.memory_space<hbm>> -> memref<4096xf32, #tpu.memory_space<hbm>>
            %dma_wait3A_522 = arith.constant 0 : i32
            %dma_wait3A_523 = tpu.memref_slice %arg4[%add3A_229, %dma_wait3A_518, %dma_wait3A_522] : memref<20x30x16384xf32, #tpu.memory_space<hbm>> -> memref<1x1x4096xf32, #tpu.memory_space<hbm>>
            %dma_wait3A_524 = tpu.memref_squeeze %dma_wait3A_523 : memref<1x1x4096xf32, #tpu.memory_space<hbm>> -> memref<4096xf32, #tpu.memory_space<hbm>>
            tpu.wait_dma2 semaphore(%arg15 : memref<!tpu.dma_semaphore, #tpu.memory_space<semaphore_mem>>) src(%arg9 : memref<4096xf32, #tpu.memory_space<vmem>>) dst(%dma_wait3A_524 : memref<4096xf32, #tpu.memory_space<hbm>>)
          } else {
          }
          %scan3A = arith.constant 0 : i32
          %scan3A_461 = arith.constant 16 : i32
          %scan3A_462 = arith.addi %scan3A, %scan3A_461 : i32
          %scan3A_463 = arith.constant 1 : i32
          scf.for %scan3A_518 = %scan3A to %scan3A_462 step %scan3A_463  : i32 {
            %mul3A_519 = arith.constant 16 : i32
            %mul3A_520 = arith.muli %scan3A_518, %mul3A_519 : i32
            %add3A_521 = arith.constant 0 : i32
            %add3A_522 = arith.addi %add3A_521, %mul3A_520 : i32
            %add3A_523 = arith.constant 0 : i32
            %add3A_524 = arith.addi %add3A_522, %add3A_523 : i32
            %mul3A_525 = arith.constant 16 : i32
            %mul3A_526 = arith.muli %add3A_524, %mul3A_525 : i32
            %get3A_527 = arith.index_cast %mul3A_526 : i32 to index
            %get3A_528 = tpu.vector_load %arg6[%get3A_527] {strides = array<i32>} : memref<4096xi32, #tpu.memory_space<vmem>>, vector<16xi32>,
            %gather3A = tpu.vector_load_idx %arg5[%get3A_528] : memref<100000xf32, #tpu.memory_space<vmem>>[vector<16xi32>], vector<16xf32>,
            %swap3A_529 = arith.index_cast %mul3A_526 : i32 to index
            %swap3A_530 = tpu.vector_load %arg9[%swap3A_529] {strides = array<i32>} : memref<4096xf32, #tpu.memory_space<vmem>>, vector<16xf32>,
            tpu.vector_store %arg9[%swap3A_529], %gather3A {strides = array<i32>} : memref<4096xf32, #tpu.memory_space<vmem>>, vector<16xf32>,
            %add3A_531 = arith.constant 1 : i32
            %add3A_532 = arith.addi %add3A_522, %add3A_531 : i32
            %mul3A_533 = arith.constant 16 : i32
            %mul3A_534 = arith.muli %add3A_532, %mul3A_533 : i32
            %get3A_535 = arith.index_cast %mul3A_534 : i32 to index
            %get3A_536 = tpu.vector_load %arg6[%get3A_535] {strides = array<i32>} : memref<4096xi32, #tpu.memory_space<vmem>>, vector<16xi32>,
            %gather3A_537 = tpu.vector_load_idx %arg5[%get3A_536] : memref<100000xf32, #tpu.memory_space<vmem>>[vector<16xi32>], vector<16xf32>,
            %swap3A_538 = arith.index_cast %mul3A_534 : i32 to index
            %swap3A_539 = tpu.vector_load %arg9[%swap3A_538] {strides = array<i32>} : memref<4096xf32, #tpu.memory_space<vmem>>, vector<16xf32>,
            tpu.vector_store %arg9[%swap3A_538], %gather3A_537 {strides = array<i32>} : memref<4096xf32, #tpu.memory_space<vmem>>, vector<16xf32>,
            %add3A_540 = arith.constant 2 : i32
            %add3A_541 = arith.addi %add3A_522, %add3A_540 : i32
            %mul3A_542 = arith.constant 16 : i32
            %mul3A_543 = arith.muli %add3A_541, %mul3A_542 : i32
            %get3A_544 = arith.index_cast %mul3A_543 : i32 to index
            %get3A_545 = tpu.vector_load %arg6[%get3A_544] {strides = array<i32>} : memref<4096xi32, #tpu.memory_space<vmem>>, vector<16xi32>,
            %gather3A_546 = tpu.vector_load_idx %arg5[%get3A_545] : memref<100000xf32, #tpu.memory_space<vmem>>[vector<16xi32>], vector<16xf32>,
            %swap3A_547 = arith.index_cast %mul3A_543 : i32 to index
            %swap3A_548 = tpu.vector_load %arg9[%swap3A_547] {strides = array<i32>} : memref<4096xf32, #tpu.memory_space<vmem>>, vector<16xf32>,
            tpu.vector_store %arg9[%swap3A_547], %gather3A_546 {strides = array<i32>} : memref<4096xf32, #tpu.memory_space<vmem>>, vector<16xf32>,
            %add3A_549 = arith.constant 3 : i32
            %add3A_550 = arith.addi %add3A_522, %add3A_549 : i32
            %mul3A_551 = arith.constant 16 : i32
            %mul3A_552 = arith.muli %add3A_550, %mul3A_551 : i32
            %get3A_553 = arith.index_cast %mul3A_552 : i32 to index
            %get3A_554 = tpu.vector_load %arg6[%get3A_553] {strides = array<i32>} : memref<4096xi32, #tpu.memory_space<vmem>>, vector<16xi32>,
            %gather3A_555 = tpu.vector_load_idx %arg5[%get3A_554] : memref<100000xf32, #tpu.memory_space<vmem>>[vector<16xi32>], vector<16xf32>,
            %swap3A_556 = arith.index_cast %mul3A_552 : i32 to index
            %swap3A_557 = tpu.vector_load %arg9[%swap3A_556] {strides = array<i32>} : memref<4096xf32, #tpu.memory_space<vmem>>, vector<16xf32>,
            tpu.vector_store %arg9[%swap3A_556], %gather3A_555 {strides = array<i32>} : memref<4096xf32, #tpu.memory_space<vmem>>, vector<16xf32>,
            %add3A_558 = arith.constant 4 : i32
            %add3A_559 = arith.addi %add3A_522, %add3A_558 : i32
            %mul3A_560 = arith.constant 16 : i32
            %mul3A_561 = arith.muli %add3A_559, %mul3A_560 : i32
            %get3A_562 = arith.index_cast %mul3A_561 : i32 to index
            %get3A_563 = tpu.vector_load %arg6[%get3A_562] {strides = array<i32>} : memref<4096xi32, #tpu.memory_space<vmem>>, vector<16xi32>,
            %gather3A_564 = tpu.vector_load_idx %arg5[%get3A_563] : memref<100000xf32, #tpu.memory_space<vmem>>[vector<16xi32>], vector<16xf32>,
            %swap3A_565 = arith.index_cast %mul3A_561 : i32 to index
            %swap3A_566 = tpu.vector_load %arg9[%swap3A_565] {strides = array<i32>} : memref<4096xf32, #tpu.memory_space<vmem>>, vector<16xf32>,
            tpu.vector_store %arg9[%swap3A_565], %gather3A_564 {strides = array<i32>} : memref<4096xf32, #tpu.memory_space<vmem>>, vector<16xf32>,
            %add3A_567 = arith.constant 5 : i32
            %add3A_568 = arith.addi %add3A_522, %add3A_567 : i32
            %mul3A_569 = arith.constant 16 : i32
            %mul3A_570 = arith.muli %add3A_568, %mul3A_569 : i32
            %get3A_571 = arith.index_cast %mul3A_570 : i32 to index
            %get3A_572 = tpu.vector_load %arg6[%get3A_571] {strides = array<i32>} : memref<4096xi32, #tpu.memory_space<vmem>>, vector<16xi32>,
            %gather3A_573 = tpu.vector_load_idx %arg5[%get3A_572] : memref<100000xf32, #tpu.memory_space<vmem>>[vector<16xi32>], vector<16xf32>,
            %swap3A_574 = arith.index_cast %mul3A_570 : i32 to index
            %swap3A_575 = tpu.vector_load %arg9[%swap3A_574] {strides = array<i32>} : memref<4096xf32, #tpu.memory_space<vmem>>, vector<16xf32>,
            tpu.vector_store %arg9[%swap3A_574], %gather3A_573 {strides = array<i32>} : memref<4096xf32, #tpu.memory_space<vmem>>, vector<16xf32>,
            %add3A_576 = arith.constant 6 : i32
            %add3A_577 = arith.addi %add3A_522, %add3A_576 : i32
            %mul3A_578 = arith.constant 16 : i32
            %mul3A_579 = arith.muli %add3A_577, %mul3A_578 : i32
            %get3A_580 = arith.index_cast %mul3A_579 : i32 to index
            %get3A_581 = tpu.vector_load %arg6[%get3A_580] {strides = array<i32>} : memref<4096xi32, #tpu.memory_space<vmem>>, vector<16xi32>,
            %gather3A_582 = tpu.vector_load_idx %arg5[%get3A_581] : memref<100000xf32, #tpu.memory_space<vmem>>[vector<16xi32>], vector<16xf32>,
            %swap3A_583 = arith.index_cast %mul3A_579 : i32 to index
            %swap3A_584 = tpu.vector_load %arg9[%swap3A_583] {strides = array<i32>} : memref<4096xf32, #tpu.memory_space<vmem>>, vector<16xf32>,
            tpu.vector_store %arg9[%swap3A_583], %gather3A_582 {strides = array<i32>} : memref<4096xf32, #tpu.memory_space<vmem>>, vector<16xf32>,
            %add3A_585 = arith.constant 7 : i32
            %add3A_586 = arith.addi %add3A_522, %add3A_585 : i32
            %mul3A_587 = arith.constant 16 : i32
            %mul3A_588 = arith.muli %add3A_586, %mul3A_587 : i32
            %get3A_589 = arith.index_cast %mul3A_588 : i32 to index
            %get3A_590 = tpu.vector_load %arg6[%get3A_589] {strides = array<i32>} : memref<4096xi32, #tpu.memory_space<vmem>>, vector<16xi32>,
            %gather3A_591 = tpu.vector_load_idx %arg5[%get3A_590] : memref<100000xf32, #tpu.memory_space<vmem>>[vector<16xi32>], vector<16xf32>,
            %swap3A_592 = arith.index_cast %mul3A_588 : i32 to index
            %swap3A_593 = tpu.vector_load %arg9[%swap3A_592] {strides = array<i32>} : memref<4096xf32, #tpu.memory_space<vmem>>, vector<16xf32>,
            tpu.vector_store %arg9[%swap3A_592], %gather3A_591 {strides = array<i32>} : memref<4096xf32, #tpu.memory_space<vmem>>, vector<16xf32>,
            %add3A_594 = arith.constant 8 : i32
            %add3A_595 = arith.addi %add3A_522, %add3A_594 : i32
            %mul3A_596 = arith.constant 16 : i32
            %mul3A_597 = arith.muli %add3A_595, %mul3A_596 : i32
            %get3A_598 = arith.index_cast %mul3A_597 : i32 to index
            %get3A_599 = tpu.vector_load %arg6[%get3A_598] {strides = array<i32>} : memref<4096xi32, #tpu.memory_space<vmem>>, vector<16xi32>,
            %gather3A_600 = tpu.vector_load_idx %arg5[%get3A_599] : memref<100000xf32, #tpu.memory_space<vmem>>[vector<16xi32>], vector<16xf32>,
            %swap3A_601 = arith.index_cast %mul3A_597 : i32 to index
            %swap3A_602 = tpu.vector_load %arg9[%swap3A_601] {strides = array<i32>} : memref<4096xf32, #tpu.memory_space<vmem>>, vector<16xf32>,
            tpu.vector_store %arg9[%swap3A_601], %gather3A_600 {strides = array<i32>} : memref<4096xf32, #tpu.memory_space<vmem>>, vector<16xf32>,
            %add3A_603 = arith.constant 9 : i32
            %add3A_604 = arith.addi %add3A_522, %add3A_603 : i32
            %mul3A_605 = arith.constant 16 : i32
            %mul3A_606 = arith.muli %add3A_604, %mul3A_605 : i32
            %get3A_607 = arith.index_cast %mul3A_606 : i32 to index
            %get3A_608 = tpu.vector_load %arg6[%get3A_607] {strides = array<i32>} : memref<4096xi32, #tpu.memory_space<vmem>>, vector<16xi32>,
            %gather3A_609 = tpu.vector_load_idx %arg5[%get3A_608] : memref<100000xf32, #tpu.memory_space<vmem>>[vector<16xi32>], vector<16xf32>,
            %swap3A_610 = arith.index_cast %mul3A_606 : i32 to index
            %swap3A_611 = tpu.vector_load %arg9[%swap3A_610] {strides = array<i32>} : memref<4096xf32, #tpu.memory_space<vmem>>, vector<16xf32>,
            tpu.vector_store %arg9[%swap3A_610], %gather3A_609 {strides = array<i32>} : memref<4096xf32, #tpu.memory_space<vmem>>, vector<16xf32>,
            %add3A_612 = arith.constant 10 : i32
            %add3A_613 = arith.addi %add3A_522, %add3A_612 : i32
            %mul3A_614 = arith.constant 16 : i32
            %mul3A_615 = arith.muli %add3A_613, %mul3A_614 : i32
            %get3A_616 = arith.index_cast %mul3A_615 : i32 to index
            %get3A_617 = tpu.vector_load %arg6[%get3A_616] {strides = array<i32>} : memref<4096xi32, #tpu.memory_space<vmem>>, vector<16xi32>,
            %gather3A_618 = tpu.vector_load_idx %arg5[%get3A_617] : memref<100000xf32, #tpu.memory_space<vmem>>[vector<16xi32>], vector<16xf32>,
            %swap3A_619 = arith.index_cast %mul3A_615 : i32 to index
            %swap3A_620 = tpu.vector_load %arg9[%swap3A_619] {strides = array<i32>} : memref<4096xf32, #tpu.memory_space<vmem>>, vector<16xf32>,
            tpu.vector_store %arg9[%swap3A_619], %gather3A_618 {strides = array<i32>} : memref<4096xf32, #tpu.memory_space<vmem>>, vector<16xf32>,
            %add3A_621 = arith.constant 11 : i32
            %add3A_622 = arith.addi %add3A_522, %add3A_621 : i32
            %mul3A_623 = arith.constant 16 : i32
            %mul3A_624 = arith.muli %add3A_622, %mul3A_623 : i32
            %get3A_625 = arith.index_cast %mul3A_624 : i32 to index
            %get3A_626 = tpu.vector_load %arg6[%get3A_625] {strides = array<i32>} : memref<4096xi32, #tpu.memory_space<vmem>>, vector<16xi32>,
            %gather3A_627 = tpu.vector_load_idx %arg5[%get3A_626] : memref<100000xf32, #tpu.memory_space<vmem>>[vector<16xi32>], vector<16xf32>,
            %swap3A_628 = arith.index_cast %mul3A_624 : i32 to index
            %swap3A_629 = tpu.vector_load %arg9[%swap3A_628] {strides = array<i32>} : memref<4096xf32, #tpu.memory_space<vmem>>, vector<16xf32>,
            tpu.vector_store %arg9[%swap3A_628], %gather3A_627 {strides = array<i32>} : memref<4096xf32, #tpu.memory_space<vmem>>, vector<16xf32>,
            %add3A_630 = arith.constant 12 : i32
            %add3A_631 = arith.addi %add3A_522, %add3A_630 : i32
            %mul3A_632 = arith.constant 16 : i32
            %mul3A_633 = arith.muli %add3A_631, %mul3A_632 : i32
            %get3A_634 = arith.index_cast %mul3A_633 : i32 to index
            %get3A_635 = tpu.vector_load %arg6[%get3A_634] {strides = array<i32>} : memref<4096xi32, #tpu.memory_space<vmem>>, vector<16xi32>,
            %gather3A_636 = tpu.vector_load_idx %arg5[%get3A_635] : memref<100000xf32, #tpu.memory_space<vmem>>[vector<16xi32>], vector<16xf32>,
            %swap3A_637 = arith.index_cast %mul3A_633 : i32 to index
            %swap3A_638 = tpu.vector_load %arg9[%swap3A_637] {strides = array<i32>} : memref<4096xf32, #tpu.memory_space<vmem>>, vector<16xf32>,
            tpu.vector_store %arg9[%swap3A_637], %gather3A_636 {strides = array<i32>} : memref<4096xf32, #tpu.memory_space<vmem>>, vector<16xf32>,
            %add3A_639 = arith.constant 13 : i32
            %add3A_640 = arith.addi %add3A_522, %add3A_639 : i32
            %mul3A_641 = arith.constant 16 : i32
            %mul3A_642 = arith.muli %add3A_640, %mul3A_641 : i32
            %get3A_643 = arith.index_cast %mul3A_642 : i32 to index
            %get3A_644 = tpu.vector_load %arg6[%get3A_643] {strides = array<i32>} : memref<4096xi32, #tpu.memory_space<vmem>>, vector<16xi32>,
            %gather3A_645 = tpu.vector_load_idx %arg5[%get3A_644] : memref<100000xf32, #tpu.memory_space<vmem>>[vector<16xi32>], vector<16xf32>,
            %swap3A_646 = arith.index_cast %mul3A_642 : i32 to index
            %swap3A_647 = tpu.vector_load %arg9[%swap3A_646] {strides = array<i32>} : memref<4096xf32, #tpu.memory_space<vmem>>, vector<16xf32>,
            tpu.vector_store %arg9[%swap3A_646], %gather3A_645 {strides = array<i32>} : memref<4096xf32, #tpu.memory_space<vmem>>, vector<16xf32>,
            %add3A_648 = arith.constant 14 : i32
            %add3A_649 = arith.addi %add3A_522, %add3A_648 : i32
            %mul3A_650 = arith.constant 16 : i32
            %mul3A_651 = arith.muli %add3A_649, %mul3A_650 : i32
            %get3A_652 = arith.index_cast %mul3A_651 : i32 to index
            %get3A_653 = tpu.vector_load %arg6[%get3A_652] {strides = array<i32>} : memref<4096xi32, #tpu.memory_space<vmem>>, vector<16xi32>,
            %gather3A_654 = tpu.vector_load_idx %arg5[%get3A_653] : memref<100000xf32, #tpu.memory_space<vmem>>[vector<16xi32>], vector<16xf32>,
            %swap3A_655 = arith.index_cast %mul3A_651 : i32 to index
            %swap3A_656 = tpu.vector_load %arg9[%swap3A_655] {strides = array<i32>} : memref<4096xf32, #tpu.memory_space<vmem>>, vector<16xf32>,
            tpu.vector_store %arg9[%swap3A_655], %gather3A_654 {strides = array<i32>} : memref<4096xf32, #tpu.memory_space<vmem>>, vector<16xf32>,
            %add3A_657 = arith.constant 15 : i32
            %add3A_658 = arith.addi %add3A_522, %add3A_657 : i32
            %mul3A_659 = arith.constant 16 : i32
            %mul3A_660 = arith.muli %add3A_658, %mul3A_659 : i32
            %get3A_661 = arith.index_cast %mul3A_660 : i32 to index
            %get3A_662 = tpu.vector_load %arg6[%get3A_661] {strides = array<i32>} : memref<4096xi32, #tpu.memory_space<vmem>>, vector<16xi32>,
            %gather3A_663 = tpu.vector_load_idx %arg5[%get3A_662] : memref<100000xf32, #tpu.memory_space<vmem>>[vector<16xi32>], vector<16xf32>,
            %swap3A_664 = arith.index_cast %mul3A_660 : i32 to index
            %swap3A_665 = tpu.vector_load %arg9[%swap3A_664] {strides = array<i32>} : memref<4096xf32, #tpu.memory_space<vmem>>, vector<16xf32>,
            tpu.vector_store %arg9[%swap3A_664], %gather3A_663 {strides = array<i32>} : memref<4096xf32, #tpu.memory_space<vmem>>, vector<16xf32>,
          }
          %scan3A_464 = arith.constant 16 : i32
          %add3A_465 = arith.addi %while3A_398, %add3A_433 : i32
          %jit3A_466 = arith.constant 4 : i32
          %div3A_467 = arith.divsi %add3A_465, %jit3A_466 : i32
          %sign3A_468 = arith.constant 0 : i32
          %sign3A_469 = arith.cmpi sgt, %add3A_465, %sign3A_468 : i32
          %sign3A_470 = arith.extui %sign3A_469 : i1 to i32
          %sign3A_471 = arith.constant 0 : i32
          %sign3A_472 = arith.cmpi slt, %add3A_465, %sign3A_471 : i32
          %sign3A_473 = arith.extui %sign3A_472 : i1 to i32
          %sign3A_474 = arith.subi %sign3A_470, %sign3A_473 : i32
          %sign3A_475 = arith.constant 0 : i32
          %sign3A_476 = arith.cmpi sgt, %jit3A_466, %sign3A_475 : i32
          %sign3A_477 = arith.extui %sign3A_476 : i1 to i32
          %sign3A_478 = arith.constant 0 : i32
          %sign3A_479 = arith.cmpi slt, %jit3A_466, %sign3A_478 : i32
          %sign3A_480 = arith.extui %sign3A_479 : i1 to i32
          %sign3A_481 = arith.subi %sign3A_477, %sign3A_480 : i32
          %ne3A_482 = arith.cmpi ne, %sign3A_474, %sign3A_481 : i32
          %rem3A_483 = arith.remsi %add3A_465, %jit3A_466 : i32
          %ne3A_484 = arith.constant 0 : i32
          %ne3A_485 = arith.cmpi ne, %rem3A_483, %ne3A_484 : i32
          %and3A_486 = arith.andi %ne3A_482, %ne3A_485 : i1
          %sub3A_487 = arith.constant 1 : i32
          %sub3A_488 = arith.subi %div3A_467, %sub3A_487 : i32
          %select_n3A_489 = arith.select %and3A_486, %sub3A_488, %div3A_467 : i32
          %jit3A_490 = arith.constant 4 : i32
          %eq3A_491 = arith.constant 0 : i32
          %eq3A_492 = arith.cmpi eq, %jit3A_490, %eq3A_491 : i32
          %jit3A_493 = arith.constant 1 : i32
          %select_n3A_494 = arith.select %eq3A_492, %jit3A_493, %jit3A_490 : i32
          %rem3A_495 = arith.remsi %add3A_465, %select_n3A_494 : i32
          %ne3A_496 = arith.constant 0 : i32
          %ne3A_497 = arith.cmpi ne, %rem3A_495, %ne3A_496 : i32
          %lt3A_498 = arith.constant 0 : i32
          %lt3A_499 = arith.cmpi slt, %rem3A_495, %lt3A_498 : i32
          %lt3A_500 = arith.constant 0 : i32
          %lt3A_501 = arith.cmpi slt, %select_n3A_494, %lt3A_500 : i32
          %ne3A_502 = arith.xori %lt3A_499, %lt3A_501 : i1
          %and3A_503 = arith.andi %ne3A_502, %ne3A_497 : i1
          %add3A_504 = arith.addi %rem3A_495, %select_n3A_494 : i32
          %select_n3A_505 = arith.select %and3A_503, %add3A_504, %rem3A_495 : i32
          %mul3A_506 = arith.constant 4096 : i32
          %mul3A_507 = arith.muli %select_n3A_505, %mul3A_506 : i32
          %dma_start3A_508 = tpu.memref_slice %arg4[%add3A_229, %select_n3A_489, %mul3A_507] : memref<20x30x16384xf32, #tpu.memory_space<hbm>> -> memref<1x1x4096xf32, #tpu.memory_space<hbm>>
          %dma_start3A_509 = tpu.memref_squeeze %dma_start3A_508 : memref<1x1x4096xf32, #tpu.memory_space<hbm>> -> memref<4096xf32, #tpu.memory_space<hbm>>
          %dma_start3A_510 = tpu.memref_slice %arg4[%add3A_229, %select_n3A_489, %mul3A_507] : memref<20x30x16384xf32, #tpu.memory_space<hbm>> -> memref<1x1x4096xf32, #tpu.memory_space<hbm>>
          %dma_start3A_511 = tpu.memref_squeeze %dma_start3A_510 : memref<1x1x4096xf32, #tpu.memory_space<hbm>> -> memref<4096xf32, #tpu.memory_space<hbm>>
          tpu.enqueue_dma source(%arg9 : memref<4096xf32, #tpu.memory_space<vmem>>) target(%dma_start3A_511 : memref<4096xf32, #tpu.memory_space<hbm>>) target_semaphore(%arg15 : memref<!tpu.dma_semaphore, #tpu.memory_space<semaphore_mem>>)
          %add3A_512 = arith.constant 3 : i32
          %add3A_513 = arith.addi %add3A_433, %add3A_512 : i32
          %lt3A_514 = arith.cmpi slt, %add3A_513, %sub3A_37 : i32
          %convert_element_type3A_515 = arith.extui %lt3A_514 : i1 to i32
          %cond3A_516 = arith.constant 0 : i32
          %cond3A_517 = arith.cmpi ne, %convert_element_type3A_515, %cond3A_516 : i32
          scf.if %cond3A_517 {
            %add3A_518 = arith.constant 3 : i32
            %add3A_519 = arith.addi %add3A_433, %add3A_518 : i32
            %add3A_520 = arith.addi %while3A_398, %add3A_519 : i32
            %jit3A_521 = arith.constant 4 : i32
            %div3A_522 = arith.divsi %add3A_520, %jit3A_521 : i32
            %sign3A_523 = arith.constant 0 : i32
            %sign3A_524 = arith.cmpi sgt, %add3A_520, %sign3A_523 : i32
            %sign3A_525 = arith.extui %sign3A_524 : i1 to i32
            %sign3A_526 = arith.constant 0 : i32
            %sign3A_527 = arith.cmpi slt, %add3A_520, %sign3A_526 : i32
            %sign3A_528 = arith.extui %sign3A_527 : i1 to i32
            %sign3A_529 = arith.subi %sign3A_525, %sign3A_528 : i32
            %sign3A_530 = arith.constant 0 : i32
            %sign3A_531 = arith.cmpi sgt, %jit3A_521, %sign3A_530 : i32
            %sign3A_532 = arith.extui %sign3A_531 : i1 to i32
            %sign3A_533 = arith.constant 0 : i32
            %sign3A_534 = arith.cmpi slt, %jit3A_521, %sign3A_533 : i32
            %sign3A_535 = arith.extui %sign3A_534 : i1 to i32
            %sign3A_536 = arith.subi %sign3A_532, %sign3A_535 : i32
            %ne3A_537 = arith.cmpi ne, %sign3A_529, %sign3A_536 : i32
            %rem3A_538 = arith.remsi %add3A_520, %jit3A_521 : i32
            %ne3A_539 = arith.constant 0 : i32
            %ne3A_540 = arith.cmpi ne, %rem3A_538, %ne3A_539 : i32
            %and3A_541 = arith.andi %ne3A_537, %ne3A_540 : i1
            %sub3A_542 = arith.constant 1 : i32
            %sub3A_543 = arith.subi %div3A_522, %sub3A_542 : i32
            %select_n3A_544 = arith.select %and3A_541, %sub3A_543, %div3A_522 : i32
            %jit3A_545 = arith.constant 4 : i32
            %eq3A_546 = arith.constant 0 : i32
            %eq3A_547 = arith.cmpi eq, %jit3A_545, %eq3A_546 : i32
            %jit3A_548 = arith.constant 1 : i32
            %select_n3A_549 = arith.select %eq3A_547, %jit3A_548, %jit3A_545 : i32
            %rem3A_550 = arith.remsi %add3A_520, %select_n3A_549 : i32
            %ne3A_551 = arith.constant 0 : i32
            %ne3A_552 = arith.cmpi ne, %rem3A_550, %ne3A_551 : i32
            %lt3A_553 = arith.constant 0 : i32
            %lt3A_554 = arith.cmpi slt, %rem3A_550, %lt3A_553 : i32
            %lt3A_555 = arith.constant 0 : i32
            %lt3A_556 = arith.cmpi slt, %select_n3A_549, %lt3A_555 : i32
            %ne3A_557 = arith.xori %lt3A_554, %lt3A_556 : i1
            %and3A_558 = arith.andi %ne3A_557, %ne3A_552 : i1
            %add3A_559 = arith.addi %rem3A_550, %select_n3A_549 : i32
            %select_n3A_560 = arith.select %and3A_558, %add3A_559, %rem3A_550 : i32
            %mul3A_561 = arith.constant 4096 : i32
            %mul3A_562 = arith.muli %select_n3A_560, %mul3A_561 : i32
            %dma_start3A_563 = tpu.memref_slice %arg3[%select_n3A_544, %mul3A_562] : memref<30x16384xi32, #tpu.memory_space<hbm>> -> memref<1x4096xi32, #tpu.memory_space<hbm>>
            %dma_start3A_564 = tpu.memref_squeeze %dma_start3A_563 : memref<1x4096xi32, #tpu.memory_space<hbm>> -> memref<4096xi32, #tpu.memory_space<hbm>>
            %dma_start3A_565 = tpu.memref_slice %arg3[%select_n3A_544, %mul3A_562] : memref<30x16384xi32, #tpu.memory_space<hbm>> -> memref<1x4096xi32, #tpu.memory_space<hbm>>
            %dma_start3A_566 = tpu.memref_squeeze %dma_start3A_565 : memref<1x4096xi32, #tpu.memory_space<hbm>> -> memref<4096xi32, #tpu.memory_space<hbm>>
            tpu.enqueue_dma source(%dma_start3A_566 : memref<4096xi32, #tpu.memory_space<hbm>>) target(%arg6 : memref<4096xi32, #tpu.memory_space<vmem>>) target_semaphore(%arg12 : memref<!tpu.dma_semaphore, #tpu.memory_space<semaphore_mem>>)
          } else {
          }
        } else {
        }
        %add3A_438 = arith.constant 1 : i32
        %add3A_439 = arith.addi %add3A_431, %add3A_438 : i32
        %lt3A_440 = arith.cmpi slt, %add3A_439, %sub3A_37 : i32
        %convert_element_type3A_441 = arith.extui %lt3A_440 : i1 to i32
        %cond3A_442 = arith.constant 0 : i32
        %cond3A_443 = arith.cmpi ne, %convert_element_type3A_441, %cond3A_442 : i32
        scf.if %cond3A_443 {
          %dma_wait3A_450 = arith.constant 0 : i32
          %dma_wait3A_451 = arith.constant 0 : i32
          %dma_wait3A_452 = tpu.memref_slice %arg3[%dma_wait3A_450, %dma_wait3A_451] : memref<30x16384xi32, #tpu.memory_space<hbm>> -> memref<1x4096xi32, #tpu.memory_space<hbm>>
          %dma_wait3A_453 = tpu.memref_squeeze %dma_wait3A_452 : memref<1x4096xi32, #tpu.memory_space<hbm>> -> memref<4096xi32, #tpu.memory_space<hbm>>
          %dma_wait3A_454 = arith.constant 0 : i32
          %dma_wait3A_455 = tpu.memref_slice %arg3[%dma_wait3A_450, %dma_wait3A_454] : memref<30x16384xi32, #tpu.memory_space<hbm>> -> memref<1x4096xi32, #tpu.memory_space<hbm>>
          %dma_wait3A_456 = tpu.memref_squeeze %dma_wait3A_455 : memref<1x4096xi32, #tpu.memory_space<hbm>> -> memref<4096xi32, #tpu.memory_space<hbm>>
          tpu.wait_dma2 semaphore(%arg13 : memref<!tpu.dma_semaphore, #tpu.memory_space<semaphore_mem>>) src(%dma_wait3A_456 : memref<4096xi32, #tpu.memory_space<hbm>>) dst(%arg7 : memref<4096xi32, #tpu.memory_space<vmem>>)
          %ge3A = arith.constant 3 : i32
          %ge3A_457 = arith.cmpi sge, %add3A_439, %ge3A : i32
          %convert_element_type3A_458 = arith.extui %ge3A_457 : i1 to i32
          %cond3A_459 = arith.constant 0 : i32
          %cond3A_460 = arith.cmpi ne, %convert_element_type3A_458, %cond3A_459 : i32
          scf.if %cond3A_460 {
            %dma_wait3A_518 = arith.constant 0 : i32
            %dma_wait3A_519 = arith.constant 0 : i32
            %dma_wait3A_520 = tpu.memref_slice %arg4[%add3A_229, %dma_wait3A_518, %dma_wait3A_519] : memref<20x30x16384xf32, #tpu.memory_space<hbm>> -> memref<1x1x4096xf32, #tpu.memory_space<hbm>>
            %dma_wait3A_521 = tpu.memref_squeeze %dma_wait3A_520 : memref<1x1x4096xf32, #tpu.memory_space<hbm>> -> memref<4096xf32, #tpu.memory_space<hbm>>
            %dma_wait3A_522 = arith.constant 0 : i32
            %dma_wait3A_523 = tpu.memref_slice %arg4[%add3A_229, %dma_wait3A_518, %dma_wait3A_522] : memref<20x30x16384xf32, #tpu.memory_space<hbm>> -> memref<1x1x4096xf32, #tpu.memory_space<hbm>>
            %dma_wait3A_524 = tpu.memref_squeeze %dma_wait3A_523 : memref<1x1x4096xf32, #tpu.memory_space<hbm>> -> memref<4096xf32, #tpu.memory_space<hbm>>
            tpu.wait_dma2 semaphore(%arg16 : memref<!tpu.dma_semaphore, #tpu.memory_space<semaphore_mem>>) src(%arg10 : memref<4096xf32, #tpu.memory_space<vmem>>) dst(%dma_wait3A_524 : memref<4096xf32, #tpu.memory_space<hbm>>)
          } else {
          }
          %scan3A = arith.constant 0 : i32
          %scan3A_461 = arith.constant 16 : i32
          %scan3A_462 = arith.addi %scan3A, %scan3A_461 : i32
          %scan3A_463 = arith.constant 1 : i32
          scf.for %scan3A_518 = %scan3A to %scan3A_462 step %scan3A_463  : i32 {
            %mul3A_519 = arith.constant 16 : i32
            %mul3A_520 = arith.muli %scan3A_518, %mul3A_519 : i32
            %add3A_521 = arith.constant 0 : i32
            %add3A_522 = arith.addi %add3A_521, %mul3A_520 : i32
            %add3A_523 = arith.constant 0 : i32
            %add3A_524 = arith.addi %add3A_522, %add3A_523 : i32
            %mul3A_525 = arith.constant 16 : i32
            %mul3A_526 = arith.muli %add3A_524, %mul3A_525 : i32
            %get3A_527 = arith.index_cast %mul3A_526 : i32 to index
            %get3A_528 = tpu.vector_load %arg7[%get3A_527] {strides = array<i32>} : memref<4096xi32, #tpu.memory_space<vmem>>, vector<16xi32>,
            %gather3A = tpu.vector_load_idx %arg5[%get3A_528] : memref<100000xf32, #tpu.memory_space<vmem>>[vector<16xi32>], vector<16xf32>,
            %swap3A_529 = arith.index_cast %mul3A_526 : i32 to index
            %swap3A_530 = tpu.vector_load %arg10[%swap3A_529] {strides = array<i32>} : memref<4096xf32, #tpu.memory_space<vmem>>, vector<16xf32>,
            tpu.vector_store %arg10[%swap3A_529], %gather3A {strides = array<i32>} : memref<4096xf32, #tpu.memory_space<vmem>>, vector<16xf32>,
            %add3A_531 = arith.constant 1 : i32
            %add3A_532 = arith.addi %add3A_522, %add3A_531 : i32
            %mul3A_533 = arith.constant 16 : i32
            %mul3A_534 = arith.muli %add3A_532, %mul3A_533 : i32
            %get3A_535 = arith.index_cast %mul3A_534 : i32 to index
            %get3A_536 = tpu.vector_load %arg7[%get3A_535] {strides = array<i32>} : memref<4096xi32, #tpu.memory_space<vmem>>, vector<16xi32>,
            %gather3A_537 = tpu.vector_load_idx %arg5[%get3A_536] : memref<100000xf32, #tpu.memory_space<vmem>>[vector<16xi32>], vector<16xf32>,
            %swap3A_538 = arith.index_cast %mul3A_534 : i32 to index
            %swap3A_539 = tpu.vector_load %arg10[%swap3A_538] {strides = array<i32>} : memref<4096xf32, #tpu.memory_space<vmem>>, vector<16xf32>,
            tpu.vector_store %arg10[%swap3A_538], %gather3A_537 {strides = array<i32>} : memref<4096xf32, #tpu.memory_space<vmem>>, vector<16xf32>,
            %add3A_540 = arith.constant 2 : i32
            %add3A_541 = arith.addi %add3A_522, %add3A_540 : i32
            %mul3A_542 = arith.constant 16 : i32
            %mul3A_543 = arith.muli %add3A_541, %mul3A_542 : i32
            %get3A_544 = arith.index_cast %mul3A_543 : i32 to index
            %get3A_545 = tpu.vector_load %arg7[%get3A_544] {strides = array<i32>} : memref<4096xi32, #tpu.memory_space<vmem>>, vector<16xi32>,
            %gather3A_546 = tpu.vector_load_idx %arg5[%get3A_545] : memref<100000xf32, #tpu.memory_space<vmem>>[vector<16xi32>], vector<16xf32>,
            %swap3A_547 = arith.index_cast %mul3A_543 : i32 to index
            %swap3A_548 = tpu.vector_load %arg10[%swap3A_547] {strides = array<i32>} : memref<4096xf32, #tpu.memory_space<vmem>>, vector<16xf32>,
            tpu.vector_store %arg10[%swap3A_547], %gather3A_546 {strides = array<i32>} : memref<4096xf32, #tpu.memory_space<vmem>>, vector<16xf32>,
            %add3A_549 = arith.constant 3 : i32
            %add3A_550 = arith.addi %add3A_522, %add3A_549 : i32
            %mul3A_551 = arith.constant 16 : i32
            %mul3A_552 = arith.muli %add3A_550, %mul3A_551 : i32
            %get3A_553 = arith.index_cast %mul3A_552 : i32 to index
            %get3A_554 = tpu.vector_load %arg7[%get3A_553] {strides = array<i32>} : memref<4096xi32, #tpu.memory_space<vmem>>, vector<16xi32>,
            %gather3A_555 = tpu.vector_load_idx %arg5[%get3A_554] : memref<100000xf32, #tpu.memory_space<vmem>>[vector<16xi32>], vector<16xf32>,
            %swap3A_556 = arith.index_cast %mul3A_552 : i32 to index
            %swap3A_557 = tpu.vector_load %arg10[%swap3A_556] {strides = array<i32>} : memref<4096xf32, #tpu.memory_space<vmem>>, vector<16xf32>,
            tpu.vector_store %arg10[%swap3A_556], %gather3A_555 {strides = array<i32>} : memref<4096xf32, #tpu.memory_space<vmem>>, vector<16xf32>,
            %add3A_558 = arith.constant 4 : i32
            %add3A_559 = arith.addi %add3A_522, %add3A_558 : i32
            %mul3A_560 = arith.constant 16 : i32
            %mul3A_561 = arith.muli %add3A_559, %mul3A_560 : i32
            %get3A_562 = arith.index_cast %mul3A_561 : i32 to index
            %get3A_563 = tpu.vector_load %arg7[%get3A_562] {strides = array<i32>} : memref<4096xi32, #tpu.memory_space<vmem>>, vector<16xi32>,
            %gather3A_564 = tpu.vector_load_idx %arg5[%get3A_563] : memref<100000xf32, #tpu.memory_space<vmem>>[vector<16xi32>], vector<16xf32>,
            %swap3A_565 = arith.index_cast %mul3A_561 : i32 to index
            %swap3A_566 = tpu.vector_load %arg10[%swap3A_565] {strides = array<i32>} : memref<4096xf32, #tpu.memory_space<vmem>>, vector<16xf32>,
            tpu.vector_store %arg10[%swap3A_565], %gather3A_564 {strides = array<i32>} : memref<4096xf32, #tpu.memory_space<vmem>>, vector<16xf32>,
            %add3A_567 = arith.constant 5 : i32
            %add3A_568 = arith.addi %add3A_522, %add3A_567 : i32
            %mul3A_569 = arith.constant 16 : i32
            %mul3A_570 = arith.muli %add3A_568, %mul3A_569 : i32
            %get3A_571 = arith.index_cast %mul3A_570 : i32 to index
            %get3A_572 = tpu.vector_load %arg7[%get3A_571] {strides = array<i32>} : memref<4096xi32, #tpu.memory_space<vmem>>, vector<16xi32>,
            %gather3A_573 = tpu.vector_load_idx %arg5[%get3A_572] : memref<100000xf32, #tpu.memory_space<vmem>>[vector<16xi32>], vector<16xf32>,
            %swap3A_574 = arith.index_cast %mul3A_570 : i32 to index
            %swap3A_575 = tpu.vector_load %arg10[%swap3A_574] {strides = array<i32>} : memref<4096xf32, #tpu.memory_space<vmem>>, vector<16xf32>,
            tpu.vector_store %arg10[%swap3A_574], %gather3A_573 {strides = array<i32>} : memref<4096xf32, #tpu.memory_space<vmem>>, vector<16xf32>,
            %add3A_576 = arith.constant 6 : i32
            %add3A_577 = arith.addi %add3A_522, %add3A_576 : i32
            %mul3A_578 = arith.constant 16 : i32
            %mul3A_579 = arith.muli %add3A_577, %mul3A_578 : i32
            %get3A_580 = arith.index_cast %mul3A_579 : i32 to index
            %get3A_581 = tpu.vector_load %arg7[%get3A_580] {strides = array<i32>} : memref<4096xi32, #tpu.memory_space<vmem>>, vector<16xi32>,
            %gather3A_582 = tpu.vector_load_idx %arg5[%get3A_581] : memref<100000xf32, #tpu.memory_space<vmem>>[vector<16xi32>], vector<16xf32>,
            %swap3A_583 = arith.index_cast %mul3A_579 : i32 to index
            %swap3A_584 = tpu.vector_load %arg10[%swap3A_583] {strides = array<i32>} : memref<4096xf32, #tpu.memory_space<vmem>>, vector<16xf32>,
            tpu.vector_store %arg10[%swap3A_583], %gather3A_582 {strides = array<i32>} : memref<4096xf32, #tpu.memory_space<vmem>>, vector<16xf32>,
            %add3A_585 = arith.constant 7 : i32
            %add3A_586 = arith.addi %add3A_522, %add3A_585 : i32
            %mul3A_587 = arith.constant 16 : i32
            %mul3A_588 = arith.muli %add3A_586, %mul3A_587 : i32
            %get3A_589 = arith.index_cast %mul3A_588 : i32 to index
            %get3A_590 = tpu.vector_load %arg7[%get3A_589] {strides = array<i32>} : memref<4096xi32, #tpu.memory_space<vmem>>, vector<16xi32>,
            %gather3A_591 = tpu.vector_load_idx %arg5[%get3A_590] : memref<100000xf32, #tpu.memory_space<vmem>>[vector<16xi32>], vector<16xf32>,
            %swap3A_592 = arith.index_cast %mul3A_588 : i32 to index
            %swap3A_593 = tpu.vector_load %arg10[%swap3A_592] {strides = array<i32>} : memref<4096xf32, #tpu.memory_space<vmem>>, vector<16xf32>,
            tpu.vector_store %arg10[%swap3A_592], %gather3A_591 {strides = array<i32>} : memref<4096xf32, #tpu.memory_space<vmem>>, vector<16xf32>,
            %add3A_594 = arith.constant 8 : i32
            %add3A_595 = arith.addi %add3A_522, %add3A_594 : i32
            %mul3A_596 = arith.constant 16 : i32
            %mul3A_597 = arith.muli %add3A_595, %mul3A_596 : i32
            %get3A_598 = arith.index_cast %mul3A_597 : i32 to index
            %get3A_599 = tpu.vector_load %arg7[%get3A_598] {strides = array<i32>} : memref<4096xi32, #tpu.memory_space<vmem>>, vector<16xi32>,
            %gather3A_600 = tpu.vector_load_idx %arg5[%get3A_599] : memref<100000xf32, #tpu.memory_space<vmem>>[vector<16xi32>], vector<16xf32>,
            %swap3A_601 = arith.index_cast %mul3A_597 : i32 to index
            %swap3A_602 = tpu.vector_load %arg10[%swap3A_601] {strides = array<i32>} : memref<4096xf32, #tpu.memory_space<vmem>>, vector<16xf32>,
            tpu.vector_store %arg10[%swap3A_601], %gather3A_600 {strides = array<i32>} : memref<4096xf32, #tpu.memory_space<vmem>>, vector<16xf32>,
            %add3A_603 = arith.constant 9 : i32
            %add3A_604 = arith.addi %add3A_522, %add3A_603 : i32
            %mul3A_605 = arith.constant 16 : i32
            %mul3A_606 = arith.muli %add3A_604, %mul3A_605 : i32
            %get3A_607 = arith.index_cast %mul3A_606 : i32 to index
            %get3A_608 = tpu.vector_load %arg7[%get3A_607] {strides = array<i32>} : memref<4096xi32, #tpu.memory_space<vmem>>, vector<16xi32>,
            %gather3A_609 = tpu.vector_load_idx %arg5[%get3A_608] : memref<100000xf32, #tpu.memory_space<vmem>>[vector<16xi32>], vector<16xf32>,
            %swap3A_610 = arith.index_cast %mul3A_606 : i32 to index
            %swap3A_611 = tpu.vector_load %arg10[%swap3A_610] {strides = array<i32>} : memref<4096xf32, #tpu.memory_space<vmem>>, vector<16xf32>,
            tpu.vector_store %arg10[%swap3A_610], %gather3A_609 {strides = array<i32>} : memref<4096xf32, #tpu.memory_space<vmem>>, vector<16xf32>,
            %add3A_612 = arith.constant 10 : i32
            %add3A_613 = arith.addi %add3A_522, %add3A_612 : i32
            %mul3A_614 = arith.constant 16 : i32
            %mul3A_615 = arith.muli %add3A_613, %mul3A_614 : i32
            %get3A_616 = arith.index_cast %mul3A_615 : i32 to index
            %get3A_617 = tpu.vector_load %arg7[%get3A_616] {strides = array<i32>} : memref<4096xi32, #tpu.memory_space<vmem>>, vector<16xi32>,
            %gather3A_618 = tpu.vector_load_idx %arg5[%get3A_617] : memref<100000xf32, #tpu.memory_space<vmem>>[vector<16xi32>], vector<16xf32>,
            %swap3A_619 = arith.index_cast %mul3A_615 : i32 to index
            %swap3A_620 = tpu.vector_load %arg10[%swap3A_619] {strides = array<i32>} : memref<4096xf32, #tpu.memory_space<vmem>>, vector<16xf32>,
            tpu.vector_store %arg10[%swap3A_619], %gather3A_618 {strides = array<i32>} : memref<4096xf32, #tpu.memory_space<vmem>>, vector<16xf32>,
            %add3A_621 = arith.constant 11 : i32
            %add3A_622 = arith.addi %add3A_522, %add3A_621 : i32
            %mul3A_623 = arith.constant 16 : i32
            %mul3A_624 = arith.muli %add3A_622, %mul3A_623 : i32
            %get3A_625 = arith.index_cast %mul3A_624 : i32 to index
            %get3A_626 = tpu.vector_load %arg7[%get3A_625] {strides = array<i32>} : memref<4096xi32, #tpu.memory_space<vmem>>, vector<16xi32>,
            %gather3A_627 = tpu.vector_load_idx %arg5[%get3A_626] : memref<100000xf32, #tpu.memory_space<vmem>>[vector<16xi32>], vector<16xf32>,
            %swap3A_628 = arith.index_cast %mul3A_624 : i32 to index
            %swap3A_629 = tpu.vector_load %arg10[%swap3A_628] {strides = array<i32>} : memref<4096xf32, #tpu.memory_space<vmem>>, vector<16xf32>,
            tpu.vector_store %arg10[%swap3A_628], %gather3A_627 {strides = array<i32>} : memref<4096xf32, #tpu.memory_space<vmem>>, vector<16xf32>,
            %add3A_630 = arith.constant 12 : i32
            %add3A_631 = arith.addi %add3A_522, %add3A_630 : i32
            %mul3A_632 = arith.constant 16 : i32
            %mul3A_633 = arith.muli %add3A_631, %mul3A_632 : i32
            %get3A_634 = arith.index_cast %mul3A_633 : i32 to index
            %get3A_635 = tpu.vector_load %arg7[%get3A_634] {strides = array<i32>} : memref<4096xi32, #tpu.memory_space<vmem>>, vector<16xi32>,
            %gather3A_636 = tpu.vector_load_idx %arg5[%get3A_635] : memref<100000xf32, #tpu.memory_space<vmem>>[vector<16xi32>], vector<16xf32>,
            %swap3A_637 = arith.index_cast %mul3A_633 : i32 to index
            %swap3A_638 = tpu.vector_load %arg10[%swap3A_637] {strides = array<i32>} : memref<4096xf32, #tpu.memory_space<vmem>>, vector<16xf32>,
            tpu.vector_store %arg10[%swap3A_637], %gather3A_636 {strides = array<i32>} : memref<4096xf32, #tpu.memory_space<vmem>>, vector<16xf32>,
            %add3A_639 = arith.constant 13 : i32
            %add3A_640 = arith.addi %add3A_522, %add3A_639 : i32
            %mul3A_641 = arith.constant 16 : i32
            %mul3A_642 = arith.muli %add3A_640, %mul3A_641 : i32
            %get3A_643 = arith.index_cast %mul3A_642 : i32 to index
            %get3A_644 = tpu.vector_load %arg7[%get3A_643] {strides = array<i32>} : memref<4096xi32, #tpu.memory_space<vmem>>, vector<16xi32>,
            %gather3A_645 = tpu.vector_load_idx %arg5[%get3A_644] : memref<100000xf32, #tpu.memory_space<vmem>>[vector<16xi32>], vector<16xf32>,
            %swap3A_646 = arith.index_cast %mul3A_642 : i32 to index
            %swap3A_647 = tpu.vector_load %arg10[%swap3A_646] {strides = array<i32>} : memref<4096xf32, #tpu.memory_space<vmem>>, vector<16xf32>,
            tpu.vector_store %arg10[%swap3A_646], %gather3A_645 {strides = array<i32>} : memref<4096xf32, #tpu.memory_space<vmem>>, vector<16xf32>,
            %add3A_648 = arith.constant 14 : i32
            %add3A_649 = arith.addi %add3A_522, %add3A_648 : i32
            %mul3A_650 = arith.constant 16 : i32
            %mul3A_651 = arith.muli %add3A_649, %mul3A_650 : i32
            %get3A_652 = arith.index_cast %mul3A_651 : i32 to index
            %get3A_653 = tpu.vector_load %arg7[%get3A_652] {strides = array<i32>} : memref<4096xi32, #tpu.memory_space<vmem>>, vector<16xi32>,
            %gather3A_654 = tpu.vector_load_idx %arg5[%get3A_653] : memref<100000xf32, #tpu.memory_space<vmem>>[vector<16xi32>], vector<16xf32>,
            %swap3A_655 = arith.index_cast %mul3A_651 : i32 to index
            %swap3A_656 = tpu.vector_load %arg10[%swap3A_655] {strides = array<i32>} : memref<4096xf32, #tpu.memory_space<vmem>>, vector<16xf32>,
            tpu.vector_store %arg10[%swap3A_655], %gather3A_654 {strides = array<i32>} : memref<4096xf32, #tpu.memory_space<vmem>>, vector<16xf32>,
            %add3A_657 = arith.constant 15 : i32
            %add3A_658 = arith.addi %add3A_522, %add3A_657 : i32
            %mul3A_659 = arith.constant 16 : i32
            %mul3A_660 = arith.muli %add3A_658, %mul3A_659 : i32
            %get3A_661 = arith.index_cast %mul3A_660 : i32 to index
            %get3A_662 = tpu.vector_load %arg7[%get3A_661] {strides = array<i32>} : memref<4096xi32, #tpu.memory_space<vmem>>, vector<16xi32>,
            %gather3A_663 = tpu.vector_load_idx %arg5[%get3A_662] : memref<100000xf32, #tpu.memory_space<vmem>>[vector<16xi32>], vector<16xf32>,
            %swap3A_664 = arith.index_cast %mul3A_660 : i32 to index
            %swap3A_665 = tpu.vector_load %arg10[%swap3A_664] {strides = array<i32>} : memref<4096xf32, #tpu.memory_space<vmem>>, vector<16xf32>,
            tpu.vector_store %arg10[%swap3A_664], %gather3A_663 {strides = array<i32>} : memref<4096xf32, #tpu.memory_space<vmem>>, vector<16xf32>,
          }
          %scan3A_464 = arith.constant 16 : i32
          %add3A_465 = arith.addi %while3A_398, %add3A_439 : i32
          %jit3A_466 = arith.constant 4 : i32
          %div3A_467 = arith.divsi %add3A_465, %jit3A_466 : i32
          %sign3A_468 = arith.constant 0 : i32
          %sign3A_469 = arith.cmpi sgt, %add3A_465, %sign3A_468 : i32
          %sign3A_470 = arith.extui %sign3A_469 : i1 to i32
          %sign3A_471 = arith.constant 0 : i32
          %sign3A_472 = arith.cmpi slt, %add3A_465, %sign3A_471 : i32
          %sign3A_473 = arith.extui %sign3A_472 : i1 to i32
          %sign3A_474 = arith.subi %sign3A_470, %sign3A_473 : i32
          %sign3A_475 = arith.constant 0 : i32
          %sign3A_476 = arith.cmpi sgt, %jit3A_466, %sign3A_475 : i32
          %sign3A_477 = arith.extui %sign3A_476 : i1 to i32
          %sign3A_478 = arith.constant 0 : i32
          %sign3A_479 = arith.cmpi slt, %jit3A_466, %sign3A_478 : i32
          %sign3A_480 = arith.extui %sign3A_479 : i1 to i32
          %sign3A_481 = arith.subi %sign3A_477, %sign3A_480 : i32
          %ne3A_482 = arith.cmpi ne, %sign3A_474, %sign3A_481 : i32
          %rem3A_483 = arith.remsi %add3A_465, %jit3A_466 : i32
          %ne3A_484 = arith.constant 0 : i32
          %ne3A_485 = arith.cmpi ne, %rem3A_483, %ne3A_484 : i32
          %and3A_486 = arith.andi %ne3A_482, %ne3A_485 : i1
          %sub3A_487 = arith.constant 1 : i32
          %sub3A_488 = arith.subi %div3A_467, %sub3A_487 : i32
          %select_n3A_489 = arith.select %and3A_486, %sub3A_488, %div3A_467 : i32
          %jit3A_490 = arith.constant 4 : i32
          %eq3A_491 = arith.constant 0 : i32
          %eq3A_492 = arith.cmpi eq, %jit3A_490, %eq3A_491 : i32
          %jit3A_493 = arith.constant 1 : i32
          %select_n3A_494 = arith.select %eq3A_492, %jit3A_493, %jit3A_490 : i32
          %rem3A_495 = arith.remsi %add3A_465, %select_n3A_494 : i32
          %ne3A_496 = arith.constant 0 : i32
          %ne3A_497 = arith.cmpi ne, %rem3A_495, %ne3A_496 : i32
          %lt3A_498 = arith.constant 0 : i32
          %lt3A_499 = arith.cmpi slt, %rem3A_495, %lt3A_498 : i32
          %lt3A_500 = arith.constant 0 : i32
          %lt3A_501 = arith.cmpi slt, %select_n3A_494, %lt3A_500 : i32
          %ne3A_502 = arith.xori %lt3A_499, %lt3A_501 : i1
          %and3A_503 = arith.andi %ne3A_502, %ne3A_497 : i1
          %add3A_504 = arith.addi %rem3A_495, %select_n3A_494 : i32
          %select_n3A_505 = arith.select %and3A_503, %add3A_504, %rem3A_495 : i32
          %mul3A_506 = arith.constant 4096 : i32
          %mul3A_507 = arith.muli %select_n3A_505, %mul3A_506 : i32
          %dma_start3A_508 = tpu.memref_slice %arg4[%add3A_229, %select_n3A_489, %mul3A_507] : memref<20x30x16384xf32, #tpu.memory_space<hbm>> -> memref<1x1x4096xf32, #tpu.memory_space<hbm>>
          %dma_start3A_509 = tpu.memref_squeeze %dma_start3A_508 : memref<1x1x4096xf32, #tpu.memory_space<hbm>> -> memref<4096xf32, #tpu.memory_space<hbm>>
          %dma_start3A_510 = tpu.memref_slice %arg4[%add3A_229, %select_n3A_489, %mul3A_507] : memref<20x30x16384xf32, #tpu.memory_space<hbm>> -> memref<1x1x4096xf32, #tpu.memory_space<hbm>>
          %dma_start3A_511 = tpu.memref_squeeze %dma_start3A_510 : memref<1x1x4096xf32, #tpu.memory_space<hbm>> -> memref<4096xf32, #tpu.memory_space<hbm>>
          tpu.enqueue_dma source(%arg10 : memref<4096xf32, #tpu.memory_space<vmem>>) target(%dma_start3A_511 : memref<4096xf32, #tpu.memory_space<hbm>>) target_semaphore(%arg16 : memref<!tpu.dma_semaphore, #tpu.memory_space<semaphore_mem>>)
          %add3A_512 = arith.constant 3 : i32
          %add3A_513 = arith.addi %add3A_439, %add3A_512 : i32
          %lt3A_514 = arith.cmpi slt, %add3A_513, %sub3A_37 : i32
          %convert_element_type3A_515 = arith.extui %lt3A_514 : i1 to i32
          %cond3A_516 = arith.constant 0 : i32
          %cond3A_517 = arith.cmpi ne, %convert_element_type3A_515, %cond3A_516 : i32
          scf.if %cond3A_517 {
            %add3A_518 = arith.constant 3 : i32
            %add3A_519 = arith.addi %add3A_439, %add3A_518 : i32
            %add3A_520 = arith.addi %while3A_398, %add3A_519 : i32
            %jit3A_521 = arith.constant 4 : i32
            %div3A_522 = arith.divsi %add3A_520, %jit3A_521 : i32
            %sign3A_523 = arith.constant 0 : i32
            %sign3A_524 = arith.cmpi sgt, %add3A_520, %sign3A_523 : i32
            %sign3A_525 = arith.extui %sign3A_524 : i1 to i32
            %sign3A_526 = arith.constant 0 : i32
            %sign3A_527 = arith.cmpi slt, %add3A_520, %sign3A_526 : i32
            %sign3A_528 = arith.extui %sign3A_527 : i1 to i32
            %sign3A_529 = arith.subi %sign3A_525, %sign3A_528 : i32
            %sign3A_530 = arith.constant 0 : i32
            %sign3A_531 = arith.cmpi sgt, %jit3A_521, %sign3A_530 : i32
            %sign3A_532 = arith.extui %sign3A_531 : i1 to i32
            %sign3A_533 = arith.constant 0 : i32
            %sign3A_534 = arith.cmpi slt, %jit3A_521, %sign3A_533 : i32
            %sign3A_535 = arith.extui %sign3A_534 : i1 to i32
            %sign3A_536 = arith.subi %sign3A_532, %sign3A_535 : i32
            %ne3A_537 = arith.cmpi ne, %sign3A_529, %sign3A_536 : i32
            %rem3A_538 = arith.remsi %add3A_520, %jit3A_521 : i32
            %ne3A_539 = arith.constant 0 : i32
            %ne3A_540 = arith.cmpi ne, %rem3A_538, %ne3A_539 : i32
            %and3A_541 = arith.andi %ne3A_537, %ne3A_540 : i1
            %sub3A_542 = arith.constant 1 : i32
            %sub3A_543 = arith.subi %div3A_522, %sub3A_542 : i32
            %select_n3A_544 = arith.select %and3A_541, %sub3A_543, %div3A_522 : i32
            %jit3A_545 = arith.constant 4 : i32
            %eq3A_546 = arith.constant 0 : i32
            %eq3A_547 = arith.cmpi eq, %jit3A_545, %eq3A_546 : i32
            %jit3A_548 = arith.constant 1 : i32
            %select_n3A_549 = arith.select %eq3A_547, %jit3A_548, %jit3A_545 : i32
            %rem3A_550 = arith.remsi %add3A_520, %select_n3A_549 : i32
            %ne3A_551 = arith.constant 0 : i32
            %ne3A_552 = arith.cmpi ne, %rem3A_550, %ne3A_551 : i32
            %lt3A_553 = arith.constant 0 : i32
            %lt3A_554 = arith.cmpi slt, %rem3A_550, %lt3A_553 : i32
            %lt3A_555 = arith.constant 0 : i32
            %lt3A_556 = arith.cmpi slt, %select_n3A_549, %lt3A_555 : i32
            %ne3A_557 = arith.xori %lt3A_554, %lt3A_556 : i1
            %and3A_558 = arith.andi %ne3A_557, %ne3A_552 : i1
            %add3A_559 = arith.addi %rem3A_550, %select_n3A_549 : i32
            %select_n3A_560 = arith.select %and3A_558, %add3A_559, %rem3A_550 : i32
            %mul3A_561 = arith.constant 4096 : i32
            %mul3A_562 = arith.muli %select_n3A_560, %mul3A_561 : i32
            %dma_start3A_563 = tpu.memref_slice %arg3[%select_n3A_544, %mul3A_562] : memref<30x16384xi32, #tpu.memory_space<hbm>> -> memref<1x4096xi32, #tpu.memory_space<hbm>>
            %dma_start3A_564 = tpu.memref_squeeze %dma_start3A_563 : memref<1x4096xi32, #tpu.memory_space<hbm>> -> memref<4096xi32, #tpu.memory_space<hbm>>
            %dma_start3A_565 = tpu.memref_slice %arg3[%select_n3A_544, %mul3A_562] : memref<30x16384xi32, #tpu.memory_space<hbm>> -> memref<1x4096xi32, #tpu.memory_space<hbm>>
            %dma_start3A_566 = tpu.memref_squeeze %dma_start3A_565 : memref<1x4096xi32, #tpu.memory_space<hbm>> -> memref<4096xi32, #tpu.memory_space<hbm>>
            tpu.enqueue_dma source(%dma_start3A_566 : memref<4096xi32, #tpu.memory_space<hbm>>) target(%arg7 : memref<4096xi32, #tpu.memory_space<vmem>>) target_semaphore(%arg13 : memref<!tpu.dma_semaphore, #tpu.memory_space<semaphore_mem>>)
          } else {
          }
        } else {
        }
        %add3A_444 = arith.constant 2 : i32
        %add3A_445 = arith.addi %add3A_431, %add3A_444 : i32
        %lt3A_446 = arith.cmpi slt, %add3A_445, %sub3A_37 : i32
        %convert_element_type3A_447 = arith.extui %lt3A_446 : i1 to i32
        %cond3A_448 = arith.constant 0 : i32
        %cond3A_449 = arith.cmpi ne, %convert_element_type3A_447, %cond3A_448 : i32
        scf.if %cond3A_449 {
          %dma_wait3A_450 = arith.constant 0 : i32
          %dma_wait3A_451 = arith.constant 0 : i32
          %dma_wait3A_452 = tpu.memref_slice %arg3[%dma_wait3A_450, %dma_wait3A_451] : memref<30x16384xi32, #tpu.memory_space<hbm>> -> memref<1x4096xi32, #tpu.memory_space<hbm>>
          %dma_wait3A_453 = tpu.memref_squeeze %dma_wait3A_452 : memref<1x4096xi32, #tpu.memory_space<hbm>> -> memref<4096xi32, #tpu.memory_space<hbm>>
          %dma_wait3A_454 = arith.constant 0 : i32
          %dma_wait3A_455 = tpu.memref_slice %arg3[%dma_wait3A_450, %dma_wait3A_454] : memref<30x16384xi32, #tpu.memory_space<hbm>> -> memref<1x4096xi32, #tpu.memory_space<hbm>>
          %dma_wait3A_456 = tpu.memref_squeeze %dma_wait3A_455 : memref<1x4096xi32, #tpu.memory_space<hbm>> -> memref<4096xi32, #tpu.memory_space<hbm>>
          tpu.wait_dma2 semaphore(%arg14 : memref<!tpu.dma_semaphore, #tpu.memory_space<semaphore_mem>>) src(%dma_wait3A_456 : memref<4096xi32, #tpu.memory_space<hbm>>) dst(%arg8 : memref<4096xi32, #tpu.memory_space<vmem>>)
          %ge3A = arith.constant 3 : i32
          %ge3A_457 = arith.cmpi sge, %add3A_445, %ge3A : i32
          %convert_element_type3A_458 = arith.extui %ge3A_457 : i1 to i32
          %cond3A_459 = arith.constant 0 : i32
          %cond3A_460 = arith.cmpi ne, %convert_element_type3A_458, %cond3A_459 : i32
          scf.if %cond3A_460 {
            %dma_wait3A_518 = arith.constant 0 : i32
            %dma_wait3A_519 = arith.constant 0 : i32
            %dma_wait3A_520 = tpu.memref_slice %arg4[%add3A_229, %dma_wait3A_518, %dma_wait3A_519] : memref<20x30x16384xf32, #tpu.memory_space<hbm>> -> memref<1x1x4096xf32, #tpu.memory_space<hbm>>
            %dma_wait3A_521 = tpu.memref_squeeze %dma_wait3A_520 : memref<1x1x4096xf32, #tpu.memory_space<hbm>> -> memref<4096xf32, #tpu.memory_space<hbm>>
            %dma_wait3A_522 = arith.constant 0 : i32
            %dma_wait3A_523 = tpu.memref_slice %arg4[%add3A_229, %dma_wait3A_518, %dma_wait3A_522] : memref<20x30x16384xf32, #tpu.memory_space<hbm>> -> memref<1x1x4096xf32, #tpu.memory_space<hbm>>
            %dma_wait3A_524 = tpu.memref_squeeze %dma_wait3A_523 : memref<1x1x4096xf32, #tpu.memory_space<hbm>> -> memref<4096xf32, #tpu.memory_space<hbm>>
            tpu.wait_dma2 semaphore(%arg17 : memref<!tpu.dma_semaphore, #tpu.memory_space<semaphore_mem>>) src(%arg11 : memref<4096xf32, #tpu.memory_space<vmem>>) dst(%dma_wait3A_524 : memref<4096xf32, #tpu.memory_space<hbm>>)
          } else {
          }
          %scan3A = arith.constant 0 : i32
          %scan3A_461 = arith.constant 16 : i32
          %scan3A_462 = arith.addi %scan3A, %scan3A_461 : i32
          %scan3A_463 = arith.constant 1 : i32
          scf.for %scan3A_518 = %scan3A to %scan3A_462 step %scan3A_463  : i32 {
            %mul3A_519 = arith.constant 16 : i32
            %mul3A_520 = arith.muli %scan3A_518, %mul3A_519 : i32
            %add3A_521 = arith.constant 0 : i32
            %add3A_522 = arith.addi %add3A_521, %mul3A_520 : i32
            %add3A_523 = arith.constant 0 : i32
            %add3A_524 = arith.addi %add3A_522, %add3A_523 : i32
            %mul3A_525 = arith.constant 16 : i32
            %mul3A_526 = arith.muli %add3A_524, %mul3A_525 : i32
            %get3A_527 = arith.index_cast %mul3A_526 : i32 to index
            %get3A_528 = tpu.vector_load %arg8[%get3A_527] {strides = array<i32>} : memref<4096xi32, #tpu.memory_space<vmem>>, vector<16xi32>,
            %gather3A = tpu.vector_load_idx %arg5[%get3A_528] : memref<100000xf32, #tpu.memory_space<vmem>>[vector<16xi32>], vector<16xf32>,
            %swap3A_529 = arith.index_cast %mul3A_526 : i32 to index
            %swap3A_530 = tpu.vector_load %arg11[%swap3A_529] {strides = array<i32>} : memref<4096xf32, #tpu.memory_space<vmem>>, vector<16xf32>,
            tpu.vector_store %arg11[%swap3A_529], %gather3A {strides = array<i32>} : memref<4096xf32, #tpu.memory_space<vmem>>, vector<16xf32>,
            %add3A_531 = arith.constant 1 : i32
            %add3A_532 = arith.addi %add3A_522, %add3A_531 : i32
            %mul3A_533 = arith.constant 16 : i32
            %mul3A_534 = arith.muli %add3A_532, %mul3A_533 : i32
            %get3A_535 = arith.index_cast %mul3A_534 : i32 to index
            %get3A_536 = tpu.vector_load %arg8[%get3A_535] {strides = array<i32>} : memref<4096xi32, #tpu.memory_space<vmem>>, vector<16xi32>,
            %gather3A_537 = tpu.vector_load_idx %arg5[%get3A_536] : memref<100000xf32, #tpu.memory_space<vmem>>[vector<16xi32>], vector<16xf32>,
            %swap3A_538 = arith.index_cast %mul3A_534 : i32 to index
            %swap3A_539 = tpu.vector_load %arg11[%swap3A_538] {strides = array<i32>} : memref<4096xf32, #tpu.memory_space<vmem>>, vector<16xf32>,
            tpu.vector_store %arg11[%swap3A_538], %gather3A_537 {strides = array<i32>} : memref<4096xf32, #tpu.memory_space<vmem>>, vector<16xf32>,
            %add3A_540 = arith.constant 2 : i32
            %add3A_541 = arith.addi %add3A_522, %add3A_540 : i32
            %mul3A_542 = arith.constant 16 : i32
            %mul3A_543 = arith.muli %add3A_541, %mul3A_542 : i32
            %get3A_544 = arith.index_cast %mul3A_543 : i32 to index
            %get3A_545 = tpu.vector_load %arg8[%get3A_544] {strides = array<i32>} : memref<4096xi32, #tpu.memory_space<vmem>>, vector<16xi32>,
            %gather3A_546 = tpu.vector_load_idx %arg5[%get3A_545] : memref<100000xf32, #tpu.memory_space<vmem>>[vector<16xi32>], vector<16xf32>,
            %swap3A_547 = arith.index_cast %mul3A_543 : i32 to index
            %swap3A_548 = tpu.vector_load %arg11[%swap3A_547] {strides = array<i32>} : memref<4096xf32, #tpu.memory_space<vmem>>, vector<16xf32>,
            tpu.vector_store %arg11[%swap3A_547], %gather3A_546 {strides = array<i32>} : memref<4096xf32, #tpu.memory_space<vmem>>, vector<16xf32>,
            %add3A_549 = arith.constant 3 : i32
            %add3A_550 = arith.addi %add3A_522, %add3A_549 : i32
            %mul3A_551 = arith.constant 16 : i32
            %mul3A_552 = arith.muli %add3A_550, %mul3A_551 : i32
            %get3A_553 = arith.index_cast %mul3A_552 : i32 to index
            %get3A_554 = tpu.vector_load %arg8[%get3A_553] {strides = array<i32>} : memref<4096xi32, #tpu.memory_space<vmem>>, vector<16xi32>,
            %gather3A_555 = tpu.vector_load_idx %arg5[%get3A_554] : memref<100000xf32, #tpu.memory_space<vmem>>[vector<16xi32>], vector<16xf32>,
            %swap3A_556 = arith.index_cast %mul3A_552 : i32 to index
            %swap3A_557 = tpu.vector_load %arg11[%swap3A_556] {strides = array<i32>} : memref<4096xf32, #tpu.memory_space<vmem>>, vector<16xf32>,
            tpu.vector_store %arg11[%swap3A_556], %gather3A_555 {strides = array<i32>} : memref<4096xf32, #tpu.memory_space<vmem>>, vector<16xf32>,
            %add3A_558 = arith.constant 4 : i32
            %add3A_559 = arith.addi %add3A_522, %add3A_558 : i32
            %mul3A_560 = arith.constant 16 : i32
            %mul3A_561 = arith.muli %add3A_559, %mul3A_560 : i32
            %get3A_562 = arith.index_cast %mul3A_561 : i32 to index
            %get3A_563 = tpu.vector_load %arg8[%get3A_562] {strides = array<i32>} : memref<4096xi32, #tpu.memory_space<vmem>>, vector<16xi32>,
            %gather3A_564 = tpu.vector_load_idx %arg5[%get3A_563] : memref<100000xf32, #tpu.memory_space<vmem>>[vector<16xi32>], vector<16xf32>,
            %swap3A_565 = arith.index_cast %mul3A_561 : i32 to index
            %swap3A_566 = tpu.vector_load %arg11[%swap3A_565] {strides = array<i32>} : memref<4096xf32, #tpu.memory_space<vmem>>, vector<16xf32>,
            tpu.vector_store %arg11[%swap3A_565], %gather3A_564 {strides = array<i32>} : memref<4096xf32, #tpu.memory_space<vmem>>, vector<16xf32>,
            %add3A_567 = arith.constant 5 : i32
            %add3A_568 = arith.addi %add3A_522, %add3A_567 : i32
            %mul3A_569 = arith.constant 16 : i32
            %mul3A_570 = arith.muli %add3A_568, %mul3A_569 : i32
            %get3A_571 = arith.index_cast %mul3A_570 : i32 to index
            %get3A_572 = tpu.vector_load %arg8[%get3A_571] {strides = array<i32>} : memref<4096xi32, #tpu.memory_space<vmem>>, vector<16xi32>,
            %gather3A_573 = tpu.vector_load_idx %arg5[%get3A_572] : memref<100000xf32, #tpu.memory_space<vmem>>[vector<16xi32>], vector<16xf32>,
            %swap3A_574 = arith.index_cast %mul3A_570 : i32 to index
            %swap3A_575 = tpu.vector_load %arg11[%swap3A_574] {strides = array<i32>} : memref<4096xf32, #tpu.memory_space<vmem>>, vector<16xf32>,
            tpu.vector_store %arg11[%swap3A_574], %gather3A_573 {strides = array<i32>} : memref<4096xf32, #tpu.memory_space<vmem>>, vector<16xf32>,
            %add3A_576 = arith.constant 6 : i32
            %add3A_577 = arith.addi %add3A_522, %add3A_576 : i32
            %mul3A_578 = arith.constant 16 : i32
            %mul3A_579 = arith.muli %add3A_577, %mul3A_578 : i32
            %get3A_580 = arith.index_cast %mul3A_579 : i32 to index
            %get3A_581 = tpu.vector_load %arg8[%get3A_580] {strides = array<i32>} : memref<4096xi32, #tpu.memory_space<vmem>>, vector<16xi32>,
            %gather3A_582 = tpu.vector_load_idx %arg5[%get3A_581] : memref<100000xf32, #tpu.memory_space<vmem>>[vector<16xi32>], vector<16xf32>,
            %swap3A_583 = arith.index_cast %mul3A_579 : i32 to index
            %swap3A_584 = tpu.vector_load %arg11[%swap3A_583] {strides = array<i32>} : memref<4096xf32, #tpu.memory_space<vmem>>, vector<16xf32>,
            tpu.vector_store %arg11[%swap3A_583], %gather3A_582 {strides = array<i32>} : memref<4096xf32, #tpu.memory_space<vmem>>, vector<16xf32>,
            %add3A_585 = arith.constant 7 : i32
            %add3A_586 = arith.addi %add3A_522, %add3A_585 : i32
            %mul3A_587 = arith.constant 16 : i32
            %mul3A_588 = arith.muli %add3A_586, %mul3A_587 : i32
            %get3A_589 = arith.index_cast %mul3A_588 : i32 to index
            %get3A_590 = tpu.vector_load %arg8[%get3A_589] {strides = array<i32>} : memref<4096xi32, #tpu.memory_space<vmem>>, vector<16xi32>,
            %gather3A_591 = tpu.vector_load_idx %arg5[%get3A_590] : memref<100000xf32, #tpu.memory_space<vmem>>[vector<16xi32>], vector<16xf32>,
            %swap3A_592 = arith.index_cast %mul3A_588 : i32 to index
            %swap3A_593 = tpu.vector_load %arg11[%swap3A_592] {strides = array<i32>} : memref<4096xf32, #tpu.memory_space<vmem>>, vector<16xf32>,
            tpu.vector_store %arg11[%swap3A_592], %gather3A_591 {strides = array<i32>} : memref<4096xf32, #tpu.memory_space<vmem>>, vector<16xf32>,
            %add3A_594 = arith.constant 8 : i32
            %add3A_595 = arith.addi %add3A_522, %add3A_594 : i32
            %mul3A_596 = arith.constant 16 : i32
            %mul3A_597 = arith.muli %add3A_595, %mul3A_596 : i32
            %get3A_598 = arith.index_cast %mul3A_597 : i32 to index
            %get3A_599 = tpu.vector_load %arg8[%get3A_598] {strides = array<i32>} : memref<4096xi32, #tpu.memory_space<vmem>>, vector<16xi32>,
            %gather3A_600 = tpu.vector_load_idx %arg5[%get3A_599] : memref<100000xf32, #tpu.memory_space<vmem>>[vector<16xi32>], vector<16xf32>,
            %swap3A_601 = arith.index_cast %mul3A_597 : i32 to index
            %swap3A_602 = tpu.vector_load %arg11[%swap3A_601] {strides = array<i32>} : memref<4096xf32, #tpu.memory_space<vmem>>, vector<16xf32>,
            tpu.vector_store %arg11[%swap3A_601], %gather3A_600 {strides = array<i32>} : memref<4096xf32, #tpu.memory_space<vmem>>, vector<16xf32>,
            %add3A_603 = arith.constant 9 : i32
            %add3A_604 = arith.addi %add3A_522, %add3A_603 : i32
            %mul3A_605 = arith.constant 16 : i32
            %mul3A_606 = arith.muli %add3A_604, %mul3A_605 : i32
            %get3A_607 = arith.index_cast %mul3A_606 : i32 to index
            %get3A_608 = tpu.vector_load %arg8[%get3A_607] {strides = array<i32>} : memref<4096xi32, #tpu.memory_space<vmem>>, vector<16xi32>,
            %gather3A_609 = tpu.vector_load_idx %arg5[%get3A_608] : memref<100000xf32, #tpu.memory_space<vmem>>[vector<16xi32>], vector<16xf32>,
            %swap3A_610 = arith.index_cast %mul3A_606 : i32 to index
            %swap3A_611 = tpu.vector_load %arg11[%swap3A_610] {strides = array<i32>} : memref<4096xf32, #tpu.memory_space<vmem>>, vector<16xf32>,
            tpu.vector_store %arg11[%swap3A_610], %gather3A_609 {strides = array<i32>} : memref<4096xf32, #tpu.memory_space<vmem>>, vector<16xf32>,
            %add3A_612 = arith.constant 10 : i32
            %add3A_613 = arith.addi %add3A_522, %add3A_612 : i32
            %mul3A_614 = arith.constant 16 : i32
            %mul3A_615 = arith.muli %add3A_613, %mul3A_614 : i32
            %get3A_616 = arith.index_cast %mul3A_615 : i32 to index
            %get3A_617 = tpu.vector_load %arg8[%get3A_616] {strides = array<i32>} : memref<4096xi32, #tpu.memory_space<vmem>>, vector<16xi32>,
            %gather3A_618 = tpu.vector_load_idx %arg5[%get3A_617] : memref<100000xf32, #tpu.memory_space<vmem>>[vector<16xi32>], vector<16xf32>,
            %swap3A_619 = arith.index_cast %mul3A_615 : i32 to index
            %swap3A_620 = tpu.vector_load %arg11[%swap3A_619] {strides = array<i32>} : memref<4096xf32, #tpu.memory_space<vmem>>, vector<16xf32>,
            tpu.vector_store %arg11[%swap3A_619], %gather3A_618 {strides = array<i32>} : memref<4096xf32, #tpu.memory_space<vmem>>, vector<16xf32>,
            %add3A_621 = arith.constant 11 : i32
            %add3A_622 = arith.addi %add3A_522, %add3A_621 : i32
            %mul3A_623 = arith.constant 16 : i32
            %mul3A_624 = arith.muli %add3A_622, %mul3A_623 : i32
            %get3A_625 = arith.index_cast %mul3A_624 : i32 to index
            %get3A_626 = tpu.vector_load %arg8[%get3A_625] {strides = array<i32>} : memref<4096xi32, #tpu.memory_space<vmem>>, vector<16xi32>,
            %gather3A_627 = tpu.vector_load_idx %arg5[%get3A_626] : memref<100000xf32, #tpu.memory_space<vmem>>[vector<16xi32>], vector<16xf32>,
            %swap3A_628 = arith.index_cast %mul3A_624 : i32 to index
            %swap3A_629 = tpu.vector_load %arg11[%swap3A_628] {strides = array<i32>} : memref<4096xf32, #tpu.memory_space<vmem>>, vector<16xf32>,
            tpu.vector_store %arg11[%swap3A_628], %gather3A_627 {strides = array<i32>} : memref<4096xf32, #tpu.memory_space<vmem>>, vector<16xf32>,
            %add3A_630 = arith.constant 12 : i32
            %add3A_631 = arith.addi %add3A_522, %add3A_630 : i32
            %mul3A_632 = arith.constant 16 : i32
            %mul3A_633 = arith.muli %add3A_631, %mul3A_632 : i32
            %get3A_634 = arith.index_cast %mul3A_633 : i32 to index
            %get3A_635 = tpu.vector_load %arg8[%get3A_634] {strides = array<i32>} : memref<4096xi32, #tpu.memory_space<vmem>>, vector<16xi32>,
            %gather3A_636 = tpu.vector_load_idx %arg5[%get3A_635] : memref<100000xf32, #tpu.memory_space<vmem>>[vector<16xi32>], vector<16xf32>,
            %swap3A_637 = arith.index_cast %mul3A_633 : i32 to index
            %swap3A_638 = tpu.vector_load %arg11[%swap3A_637] {strides = array<i32>} : memref<4096xf32, #tpu.memory_space<vmem>>, vector<16xf32>,
            tpu.vector_store %arg11[%swap3A_637], %gather3A_636 {strides = array<i32>} : memref<4096xf32, #tpu.memory_space<vmem>>, vector<16xf32>,
            %add3A_639 = arith.constant 13 : i32
            %add3A_640 = arith.addi %add3A_522, %add3A_639 : i32
            %mul3A_641 = arith.constant 16 : i32
            %mul3A_642 = arith.muli %add3A_640, %mul3A_641 : i32
            %get3A_643 = arith.index_cast %mul3A_642 : i32 to index
            %get3A_644 = tpu.vector_load %arg8[%get3A_643] {strides = array<i32>} : memref<4096xi32, #tpu.memory_space<vmem>>, vector<16xi32>,
            %gather3A_645 = tpu.vector_load_idx %arg5[%get3A_644] : memref<100000xf32, #tpu.memory_space<vmem>>[vector<16xi32>], vector<16xf32>,
            %swap3A_646 = arith.index_cast %mul3A_642 : i32 to index
            %swap3A_647 = tpu.vector_load %arg11[%swap3A_646] {strides = array<i32>} : memref<4096xf32, #tpu.memory_space<vmem>>, vector<16xf32>,
            tpu.vector_store %arg11[%swap3A_646], %gather3A_645 {strides = array<i32>} : memref<4096xf32, #tpu.memory_space<vmem>>, vector<16xf32>,
            %add3A_648 = arith.constant 14 : i32
            %add3A_649 = arith.addi %add3A_522, %add3A_648 : i32
            %mul3A_650 = arith.constant 16 : i32
            %mul3A_651 = arith.muli %add3A_649, %mul3A_650 : i32
            %get3A_652 = arith.index_cast %mul3A_651 : i32 to index
            %get3A_653 = tpu.vector_load %arg8[%get3A_652] {strides = array<i32>} : memref<4096xi32, #tpu.memory_space<vmem>>, vector<16xi32>,
            %gather3A_654 = tpu.vector_load_idx %arg5[%get3A_653] : memref<100000xf32, #tpu.memory_space<vmem>>[vector<16xi32>], vector<16xf32>,
            %swap3A_655 = arith.index_cast %mul3A_651 : i32 to index
            %swap3A_656 = tpu.vector_load %arg11[%swap3A_655] {strides = array<i32>} : memref<4096xf32, #tpu.memory_space<vmem>>, vector<16xf32>,
            tpu.vector_store %arg11[%swap3A_655], %gather3A_654 {strides = array<i32>} : memref<4096xf32, #tpu.memory_space<vmem>>, vector<16xf32>,
            %add3A_657 = arith.constant 15 : i32
            %add3A_658 = arith.addi %add3A_522, %add3A_657 : i32
            %mul3A_659 = arith.constant 16 : i32
            %mul3A_660 = arith.muli %add3A_658, %mul3A_659 : i32
            %get3A_661 = arith.index_cast %mul3A_660 : i32 to index
            %get3A_662 = tpu.vector_load %arg8[%get3A_661] {strides = array<i32>} : memref<4096xi32, #tpu.memory_space<vmem>>, vector<16xi32>,
            %gather3A_663 = tpu.vector_load_idx %arg5[%get3A_662] : memref<100000xf32, #tpu.memory_space<vmem>>[vector<16xi32>], vector<16xf32>,
            %swap3A_664 = arith.index_cast %mul3A_660 : i32 to index
            %swap3A_665 = tpu.vector_load %arg11[%swap3A_664] {strides = array<i32>} : memref<4096xf32, #tpu.memory_space<vmem>>, vector<16xf32>,
            tpu.vector_store %arg11[%swap3A_664], %gather3A_663 {strides = array<i32>} : memref<4096xf32, #tpu.memory_space<vmem>>, vector<16xf32>,
          }
          %scan3A_464 = arith.constant 16 : i32
          %add3A_465 = arith.addi %while3A_398, %add3A_445 : i32
          %jit3A_466 = arith.constant 4 : i32
          %div3A_467 = arith.divsi %add3A_465, %jit3A_466 : i32
          %sign3A_468 = arith.constant 0 : i32
          %sign3A_469 = arith.cmpi sgt, %add3A_465, %sign3A_468 : i32
          %sign3A_470 = arith.extui %sign3A_469 : i1 to i32
          %sign3A_471 = arith.constant 0 : i32
          %sign3A_472 = arith.cmpi slt, %add3A_465, %sign3A_471 : i32
          %sign3A_473 = arith.extui %sign3A_472 : i1 to i32
          %sign3A_474 = arith.subi %sign3A_470, %sign3A_473 : i32
          %sign3A_475 = arith.constant 0 : i32
          %sign3A_476 = arith.cmpi sgt, %jit3A_466, %sign3A_475 : i32
          %sign3A_477 = arith.extui %sign3A_476 : i1 to i32
          %sign3A_478 = arith.constant 0 : i32
          %sign3A_479 = arith.cmpi slt, %jit3A_466, %sign3A_478 : i32
          %sign3A_480 = arith.extui %sign3A_479 : i1 to i32
          %sign3A_481 = arith.subi %sign3A_477, %sign3A_480 : i32
          %ne3A_482 = arith.cmpi ne, %sign3A_474, %sign3A_481 : i32
          %rem3A_483 = arith.remsi %add3A_465, %jit3A_466 : i32
          %ne3A_484 = arith.constant 0 : i32
          %ne3A_485 = arith.cmpi ne, %rem3A_483, %ne3A_484 : i32
          %and3A_486 = arith.andi %ne3A_482, %ne3A_485 : i1
          %sub3A_487 = arith.constant 1 : i32
          %sub3A_488 = arith.subi %div3A_467, %sub3A_487 : i32
          %select_n3A_489 = arith.select %and3A_486, %sub3A_488, %div3A_467 : i32
          %jit3A_490 = arith.constant 4 : i32
          %eq3A_491 = arith.constant 0 : i32
          %eq3A_492 = arith.cmpi eq, %jit3A_490, %eq3A_491 : i32
          %jit3A_493 = arith.constant 1 : i32
          %select_n3A_494 = arith.select %eq3A_492, %jit3A_493, %jit3A_490 : i32
          %rem3A_495 = arith.remsi %add3A_465, %select_n3A_494 : i32
          %ne3A_496 = arith.constant 0 : i32
          %ne3A_497 = arith.cmpi ne, %rem3A_495, %ne3A_496 : i32
          %lt3A_498 = arith.constant 0 : i32
          %lt3A_499 = arith.cmpi slt, %rem3A_495, %lt3A_498 : i32
          %lt3A_500 = arith.constant 0 : i32
          %lt3A_501 = arith.cmpi slt, %select_n3A_494, %lt3A_500 : i32
          %ne3A_502 = arith.xori %lt3A_499, %lt3A_501 : i1
          %and3A_503 = arith.andi %ne3A_502, %ne3A_497 : i1
          %add3A_504 = arith.addi %rem3A_495, %select_n3A_494 : i32
          %select_n3A_505 = arith.select %and3A_503, %add3A_504, %rem3A_495 : i32
          %mul3A_506 = arith.constant 4096 : i32
          %mul3A_507 = arith.muli %select_n3A_505, %mul3A_506 : i32
          %dma_start3A_508 = tpu.memref_slice %arg4[%add3A_229, %select_n3A_489, %mul3A_507] : memref<20x30x16384xf32, #tpu.memory_space<hbm>> -> memref<1x1x4096xf32, #tpu.memory_space<hbm>>
          %dma_start3A_509 = tpu.memref_squeeze %dma_start3A_508 : memref<1x1x4096xf32, #tpu.memory_space<hbm>> -> memref<4096xf32, #tpu.memory_space<hbm>>
          %dma_start3A_510 = tpu.memref_slice %arg4[%add3A_229, %select_n3A_489, %mul3A_507] : memref<20x30x16384xf32, #tpu.memory_space<hbm>> -> memref<1x1x4096xf32, #tpu.memory_space<hbm>>
          %dma_start3A_511 = tpu.memref_squeeze %dma_start3A_510 : memref<1x1x4096xf32, #tpu.memory_space<hbm>> -> memref<4096xf32, #tpu.memory_space<hbm>>
          tpu.enqueue_dma source(%arg11 : memref<4096xf32, #tpu.memory_space<vmem>>) target(%dma_start3A_511 : memref<4096xf32, #tpu.memory_space<hbm>>) target_semaphore(%arg17 : memref<!tpu.dma_semaphore, #tpu.memory_space<semaphore_mem>>)
          %add3A_512 = arith.constant 3 : i32
          %add3A_513 = arith.addi %add3A_445, %add3A_512 : i32
          %lt3A_514 = arith.cmpi slt, %add3A_513, %sub3A_37 : i32
          %convert_element_type3A_515 = arith.extui %lt3A_514 : i1 to i32
          %cond3A_516 = arith.constant 0 : i32
          %cond3A_517 = arith.cmpi ne, %convert_element_type3A_515, %cond3A_516 : i32
          scf.if %cond3A_517 {
            %add3A_518 = arith.constant 3 : i32
            %add3A_519 = arith.addi %add3A_445, %add3A_518 : i32
            %add3A_520 = arith.addi %while3A_398, %add3A_519 : i32
            %jit3A_521 = arith.constant 4 : i32
            %div3A_522 = arith.divsi %add3A_520, %jit3A_521 : i32
            %sign3A_523 = arith.constant 0 : i32
            %sign3A_524 = arith.cmpi sgt, %add3A_520, %sign3A_523 : i32
            %sign3A_525 = arith.extui %sign3A_524 : i1 to i32
            %sign3A_526 = arith.constant 0 : i32
            %sign3A_527 = arith.cmpi slt, %add3A_520, %sign3A_526 : i32
            %sign3A_528 = arith.extui %sign3A_527 : i1 to i32
            %sign3A_529 = arith.subi %sign3A_525, %sign3A_528 : i32
            %sign3A_530 = arith.constant 0 : i32
            %sign3A_531 = arith.cmpi sgt, %jit3A_521, %sign3A_530 : i32
            %sign3A_532 = arith.extui %sign3A_531 : i1 to i32
            %sign3A_533 = arith.constant 0 : i32
            %sign3A_534 = arith.cmpi slt, %jit3A_521, %sign3A_533 : i32
            %sign3A_535 = arith.extui %sign3A_534 : i1 to i32
            %sign3A_536 = arith.subi %sign3A_532, %sign3A_535 : i32
            %ne3A_537 = arith.cmpi ne, %sign3A_529, %sign3A_536 : i32
            %rem3A_538 = arith.remsi %add3A_520, %jit3A_521 : i32
            %ne3A_539 = arith.constant 0 : i32
            %ne3A_540 = arith.cmpi ne, %rem3A_538, %ne3A_539 : i32
            %and3A_541 = arith.andi %ne3A_537, %ne3A_540 : i1
            %sub3A_542 = arith.constant 1 : i32
            %sub3A_543 = arith.subi %div3A_522, %sub3A_542 : i32
            %select_n3A_544 = arith.select %and3A_541, %sub3A_543, %div3A_522 : i32
            %jit3A_545 = arith.constant 4 : i32
            %eq3A_546 = arith.constant 0 : i32
            %eq3A_547 = arith.cmpi eq, %jit3A_545, %eq3A_546 : i32
            %jit3A_548 = arith.constant 1 : i32
            %select_n3A_549 = arith.select %eq3A_547, %jit3A_548, %jit3A_545 : i32
            %rem3A_550 = arith.remsi %add3A_520, %select_n3A_549 : i32
            %ne3A_551 = arith.constant 0 : i32
            %ne3A_552 = arith.cmpi ne, %rem3A_550, %ne3A_551 : i32
            %lt3A_553 = arith.constant 0 : i32
            %lt3A_554 = arith.cmpi slt, %rem3A_550, %lt3A_553 : i32
            %lt3A_555 = arith.constant 0 : i32
            %lt3A_556 = arith.cmpi slt, %select_n3A_549, %lt3A_555 : i32
            %ne3A_557 = arith.xori %lt3A_554, %lt3A_556 : i1
            %and3A_558 = arith.andi %ne3A_557, %ne3A_552 : i1
            %add3A_559 = arith.addi %rem3A_550, %select_n3A_549 : i32
            %select_n3A_560 = arith.select %and3A_558, %add3A_559, %rem3A_550 : i32
            %mul3A_561 = arith.constant 4096 : i32
            %mul3A_562 = arith.muli %select_n3A_560, %mul3A_561 : i32
            %dma_start3A_563 = tpu.memref_slice %arg3[%select_n3A_544, %mul3A_562] : memref<30x16384xi32, #tpu.memory_space<hbm>> -> memref<1x4096xi32, #tpu.memory_space<hbm>>
            %dma_start3A_564 = tpu.memref_squeeze %dma_start3A_563 : memref<1x4096xi32, #tpu.memory_space<hbm>> -> memref<4096xi32, #tpu.memory_space<hbm>>
            %dma_start3A_565 = tpu.memref_slice %arg3[%select_n3A_544, %mul3A_562] : memref<30x16384xi32, #tpu.memory_space<hbm>> -> memref<1x4096xi32, #tpu.memory_space<hbm>>
            %dma_start3A_566 = tpu.memref_squeeze %dma_start3A_565 : memref<1x4096xi32, #tpu.memory_space<hbm>> -> memref<4096xi32, #tpu.memory_space<hbm>>
            tpu.enqueue_dma source(%dma_start3A_566 : memref<4096xi32, #tpu.memory_space<hbm>>) target(%arg8 : memref<4096xi32, #tpu.memory_space<vmem>>) target_semaphore(%arg14 : memref<!tpu.dma_semaphore, #tpu.memory_space<semaphore_mem>>)
          } else {
          }
        } else {
        }
      }
      %dma_wait3A_408 = arith.constant 0 : i32
      %dma_wait3A_409 = arith.constant 0 : i32
      %dma_wait3A_410 = tpu.memref_slice %arg4[%add3A_229, %dma_wait3A_408, %dma_wait3A_409] : memref<20x30x16384xf32, #tpu.memory_space<hbm>> -> memref<1x1x4096xf32, #tpu.memory_space<hbm>>
      %dma_wait3A_411 = tpu.memref_squeeze %dma_wait3A_410 : memref<1x1x4096xf32, #tpu.memory_space<hbm>> -> memref<4096xf32, #tpu.memory_space<hbm>>
      %dma_wait3A_412 = arith.constant 0 : i32
      %dma_wait3A_413 = tpu.memref_slice %arg4[%add3A_229, %dma_wait3A_408, %dma_wait3A_412] : memref<20x30x16384xf32, #tpu.memory_space<hbm>> -> memref<1x1x4096xf32, #tpu.memory_space<hbm>>
      %dma_wait3A_414 = tpu.memref_squeeze %dma_wait3A_413 : memref<1x1x4096xf32, #tpu.memory_space<hbm>> -> memref<4096xf32, #tpu.memory_space<hbm>>
      tpu.wait_dma2 semaphore(%arg15 : memref<!tpu.dma_semaphore, #tpu.memory_space<semaphore_mem>>) src(%arg9 : memref<4096xf32, #tpu.memory_space<vmem>>) dst(%dma_wait3A_414 : memref<4096xf32, #tpu.memory_space<hbm>>)
      %dma_wait3A_415 = arith.constant 0 : i32
      %dma_wait3A_416 = arith.constant 0 : i32
      %dma_wait3A_417 = tpu.memref_slice %arg4[%add3A_229, %dma_wait3A_415, %dma_wait3A_416] : memref<20x30x16384xf32, #tpu.memory_space<hbm>> -> memref<1x1x4096xf32, #tpu.memory_space<hbm>>
      %dma_wait3A_418 = tpu.memref_squeeze %dma_wait3A_417 : memref<1x1x4096xf32, #tpu.memory_space<hbm>> -> memref<4096xf32, #tpu.memory_space<hbm>>
      %dma_wait3A_419 = arith.constant 0 : i32
      %dma_wait3A_420 = tpu.memref_slice %arg4[%add3A_229, %dma_wait3A_415, %dma_wait3A_419] : memref<20x30x16384xf32, #tpu.memory_space<hbm>> -> memref<1x1x4096xf32, #tpu.memory_space<hbm>>
      %dma_wait3A_421 = tpu.memref_squeeze %dma_wait3A_420 : memref<1x1x4096xf32, #tpu.memory_space<hbm>> -> memref<4096xf32, #tpu.memory_space<hbm>>
      tpu.wait_dma2 semaphore(%arg16 : memref<!tpu.dma_semaphore, #tpu.memory_space<semaphore_mem>>) src(%arg10 : memref<4096xf32, #tpu.memory_space<vmem>>) dst(%dma_wait3A_421 : memref<4096xf32, #tpu.memory_space<hbm>>)
      %dma_wait3A_422 = arith.constant 0 : i32
      %dma_wait3A_423 = arith.constant 0 : i32
      %dma_wait3A_424 = tpu.memref_slice %arg4[%add3A_229, %dma_wait3A_422, %dma_wait3A_423] : memref<20x30x16384xf32, #tpu.memory_space<hbm>> -> memref<1x1x4096xf32, #tpu.memory_space<hbm>>
      %dma_wait3A_425 = tpu.memref_squeeze %dma_wait3A_424 : memref<1x1x4096xf32, #tpu.memory_space<hbm>> -> memref<4096xf32, #tpu.memory_space<hbm>>
      %dma_wait3A_426 = arith.constant 0 : i32
      %dma_wait3A_427 = tpu.memref_slice %arg4[%add3A_229, %dma_wait3A_422, %dma_wait3A_426] : memref<20x30x16384xf32, #tpu.memory_space<hbm>> -> memref<1x1x4096xf32, #tpu.memory_space<hbm>>
      %dma_wait3A_428 = tpu.memref_squeeze %dma_wait3A_427 : memref<1x1x4096xf32, #tpu.memory_space<hbm>> -> memref<4096xf32, #tpu.memory_space<hbm>>
      tpu.wait_dma2 semaphore(%arg17 : memref<!tpu.dma_semaphore, #tpu.memory_space<semaphore_mem>>) src(%arg11 : memref<4096xf32, #tpu.memory_space<vmem>>) dst(%dma_wait3A_428 : memref<4096xf32, #tpu.memory_space<hbm>>)
    } else {
    }
    return
  }
}

</mosaic_0001>

<sc_bundles>
// kernel: kernel.3.cloned.1.call-start
scs
__scs_entry_jumppad:
0x0: {  	(pc) =	sbr.rel $0x88, $3  }
0x1: {  	(tag) =	ssettag $0x0;
	lr =	simm.s32 $0x1  }
0x2: {  	[smem:$0x3F9F] =	sst lr;
	_ =	strace $0xD0000000  }
0x3: {  	_ = 	snop  }
0x4: {  	_ = 	snop  }
0x5: {  	_ = 	snop  }
0x6: {  	_ = 	snop  }
0x7: {  	_ = 	snop  }
__scs_overlays_trampoline_lowered:
0x8: {  	[smem:$0x3FAE] =	sst s0  }
0x9: {  	[smem:$0x3FAF] =	sst s1  }
0xa: {  	[smem:$0x3FB0] =	sst s2  }
0xb: {  	[smem:$0x3FB1] =	sst s3  }
0xc: {  	[smem:$0x3FB2] =	sst s4  }
0xd: {  	[smem:$0x3FB3] =	sst s5  }
0xe: {  	[smem:$0x3FB4] =	sst s6  }
0xf: {  	[smem:$0x3FB5] =	sst s7  }
0x10: {  	[smem:$0x3FB6] =	sst s8  }
0x11: {  	[smem:$0x3FB7] =	sst s9;
	s0 =	simm.s32 @!p0 $0x0  }
0x12: {  	s1 =	sld [smem:$0x3F9D];
	s0 =	simm.s32 @p0 $0x1  }
0x13: {  	[smem:$0x3FB8] =	sst s0;
	s0 =	simm.s32 @!p1 $0x0  }
0x14: {  	s2 =	sld [smem:$0x3F9C];
	s0 =	simm.s32 @p1 $0x1  }
0x15: {  	[smem:$0x3FB9] =	sst s0;
	s0 =	simm.s32 @!p2 $0x0  }
0x16: {  	s3 =	sld [smem:$0x3FDB];
	s0 =	simm.s32 @p2 $0x1  }
0x17: {  	s4 =	simm.s32 $0x1BF5;
	[smem:$0x3FBB] =	sst s0  }
0x18: {  	s0 =	sld [smem:$0x3F9E];
	_ =	swait.ge [sflag:s4], $0x0  }
0x19: {  	s7 =	sld [smem:$0x3F9F]  }
0x1a: {  	s8 =	sadd.s32 $0xFFFFE003, lr  }
0x1b: {  	s9 =	sadd.s32 $0xFFFFFEF7, lr;
	s5 =	simm.s32 $0xFFFFFFFF;
	p2 =	slt.u32 s8, $0xFFFFF086  }
0x1c: {  	p1 =	slt.u32 s9, $0xF7A;
	s5 =	simm.s32 @!p2 $0x0  }
0x1d: {  	s5 =	simm.s32 @p1 $0x1;
	p0 =	seq.s32 s7, s2  }
0x1e: {  	s7 =	smul.u32 @!p0 $0xF7A, s2;
	p2 =	seq.s32 @!p0 s5, $0x0  }
0x1f: {  	s9 =	smul.u32 $0xF7A, s1;
	s8 =	simm.s32 @!p0 $0x1BF5;
	p2 =	por !p2, p0  }
0x20: {  	[sflag:s8] =	ssyncset.s32 @!p0 $0xFFFFF086;
	s6 =	sadd.s32 @!p0 s3, s7;
	s7 =	simm.s32 @!p0 $0x108  }
0x21: {  	s3 =	sadd.s32 s3, s9;
	s6 =	sadd.s32 @!p0 $0x88, s6;
	s7 =	simm.s32 @p2 $0x1082  }
0x22: {  	[simem:s7], [sflag:s8] =	dma.local @!p0 [hbm:s6], $0xF7A  }
0x23: {  	s9 =	sor.u32 $0xD0000000, s2;
	s6 =	simm.s32 $0x108;
	_ =	swait.ge @!p0 [sflag:s8], $0x0  }
0x24: {  	s3 =	sadd.s32 $0x88, s3;
	s6 =	simm.s32 @!p1 $0x1082;
	[sflag:s4] =	ssyncset.s32 $0xFFFFF086  }
0x25: {  	[simem:s6], [sflag:s4] =	dma.local [hbm:s3], $0xF7A  }
0x26: {  	[smem:$0x3F9F] =	sst s1;
	(tag) =	ssettag s2;
	_ =	strace s9  }
0x27: {  	s1 =	sld [smem:$0x3FAF]  }
0x28: {  	s2 =	sld [smem:$0x3FB0]  }
0x29: {  	s4 =	sld [smem:$0x3FB2]  }
0x2a: {  	p0 =	seq.s32 s5, $0x0;
	s5 =	sld [smem:$0x3FB3]  }
0x2b: {  	s6 =	sld [smem:$0x3FB4]  }
0x2c: {  	s7 =	sld [smem:$0x3FB5]  }
0x2d: {  	s3 =	simm.s32 $0x108;
	s8 =	sld [smem:$0x3FB6]  }
0x2e: {  	s3 =	simm.s32 @!p0 $0x1082;
	s9 =	sld [smem:$0x3FB7]  }
0x2f: {  	lr =	sadd.s32 s0, s3;
	s0 =	sld [smem:$0x3FAE]  }
0x30: {  	s3 =	sld [smem:$0x3FB1]  }
0x31: {  	[smem:$0x3FBA] =	sst s10  }
0x32: {  	s10 =	sld [smem:$0x3FB8];
	_ =	sdelay $0x3  }
0x33: {  	p0 =	seq.s32 s10, $0x1;
	s10 =	sld [smem:$0x3FBA];
	_ =	sdelay $0x3  }
0x34: {  	[smem:$0x3FBA] =	sst s10  }
0x35: {  	s10 =	sld [smem:$0x3FB9];
	_ =	sdelay $0x3  }
0x36: {  	p1 =	seq.s32 s10, $0x1;
	s10 =	sld [smem:$0x3FBA];
	_ =	sdelay $0x3  }
0x37: {  	[smem:$0x3FBA] =	sst s10  }
0x38: {  	s10 =	sld [smem:$0x3FBB]  }
0x39: {  	_ = 	snop;
	(pc) =	sbr.ind lr, $3  }
0x3a: {  	_ = 	snop  }
0x3b: {  	_ = 	snop  }
0x3c: {  	p2 =	seq.s32 s10, $0x1;
	s10 =	sld [smem:$0x3FBA]  }
0x3d: {  	_ =	shalt  }
0x3e: {  	_ =	shalt  }
0x3f: {  	_ =	shalt  }
0x40: {  	_ =	shalt  }
0x41: {  	_ =	shalt  }
0x42: {  	_ =	shalt  }
0x43: {  	_ =	shalt  }
0x44: {  	_ =	shalt  }
0x45: {  	_ =	shalt  }
0x46: {  	_ =	shalt  }
0x47: {  	_ =	shalt  }
0x48: {  	_ =	shalt  }
0x49: {  	_ =	shalt  }
0x4a: {  	_ =	shalt  }
0x4b: {  	_ =	shalt  }
0x4c: {  	_ =	shalt  }
0x4d: {  	_ =	shalt  }
0x4e: {  	_ =	shalt  }
0x4f: {  	_ =	shalt  }
0x50: {  	_ =	shalt  }
0x51: {  	_ =	shalt  }
0x52: {  	_ =	shalt  }
0x53: {  	_ =	shalt  }
0x54: {  	_ =	shalt  }
0x55: {  	_ =	shalt  }
0x56: {  	_ =	shalt  }
0x57: {  	_ =	shalt  }
0x58: {  	_ =	shalt  }
0x59: {  	_ =	shalt  }
0x5a: {  	_ =	shalt  }
0x5b: {  	_ =	shalt  }
0x5c: {  	_ =	shalt  }
0x5d: {  	_ =	shalt  }
0x5e: {  	_ =	shalt  }
0x5f: {  	_ =	shalt  }
0x60: {  	_ =	shalt  }
0x61: {  	_ =	shalt  }
0x62: {  	_ =	shalt  }
0x63: {  	_ =	shalt  }
0x64: {  	_ =	shalt  }
0x65: {  	_ =	shalt  }
0x66: {  	_ =	shalt  }
0x67: {  	_ =	shalt  }
0x68: {  	_ =	shalt  }
0x69: {  	_ =	shalt  }
0x6a: {  	_ =	shalt  }
0x6b: {  	_ =	shalt  }
0x6c: {  	_ =	shalt  }
0x6d: {  	_ =	shalt  }
0x6e: {  	_ =	shalt  }
0x6f: {  	_ =	shalt  }
0x70: {  	_ =	shalt  }
0x71: {  	_ =	shalt  }
0x72: {  	_ =	shalt  }
0x73: {  	_ =	shalt  }
0x74: {  	_ =	shalt  }
0x75: {  	_ =	shalt  }
0x76: {  	_ =	shalt  }
0x77: {  	_ =	shalt  }
0x78: {  	_ =	shalt  }
0x79: {  	_ =	shalt  }
0x7a: {  	_ =	shalt  }
0x7b: {  	_ =	shalt  }
0x7c: {  	_ =	shalt  }
0x7d: {  	_ =	shalt  }
0x7e: {  	_ =	shalt  }
0x7f: {  	_ =	shalt  }
0x80: {  	_ =	shalt  }
0x81: {  	_ =	shalt  }
0x82: {  	_ =	shalt  }
0x83: {  	_ =	shalt  }
0x84: {  	_ =	shalt  }
0x85: {  	_ =	shalt  }
0x86: {  	_ =	shalt  }
0x87: {  	_ =	shalt  }
.Lfunc_end0:
.L_simem_size_0:
called_computation_lowered:
.L_overlay_start_0:
0x88: {  	s2 =	sld [smem:$0x3FD9]  }
0x89: {  	s3 =	sld [smem:$0x3FFE];
	_ =	sdelay $0x1  }
0x8a: {  	s1 =	srdreg.scid  }
0x8b: {  	s0 =	sand.u32 $0x1, s1  }
0x8c: {  	s18 =	sshll.u32 s0, $0xA;
	s2 =	sadd.s32 s3, s2  }
0x8d: {  	s2 =	sadd.s32 s2, s18  }
0x8e: {  	[smem:$0x3FC6] =	sst s2  }
0x8f: {  	_ = 	snop  }
0x90: {  	s2 =	sld [smem:$0x3FC9]  }
0x91: {  	s19 =	sld [smem:$0x3FC8]  }
0x92: {  	s4 =	sld [smem:$0x3FD0];
	(tm) =	ssettm $0x1  }
0x93: {  	s5 =	sld [smem:$0x3FFB];
	_ =	sdelay $0x3  }
0x94: {  	_ =	strace s5  }
0x95: {  	s5 =	sld [smem:$0x3FFC];
	_ =	sdelay $0x3  }
0x96: {  	_ =	strace s5  }
0x97: {  	s5 =	sld [smem:$0x3FFD];
	_ =	sdelay $0x3  }
0x98: {  	_ =	strace s5  }
0x99: {  	_ =	strace $0x8FFFFFFF  }
0x9a: {  	s20 =	sld [smem:$0x3FDB];
	_ =	sdelay $0x1  }
0x9b: {  	s6 =	simm.s32 $_scs_section_size  }
0x9c: {  	s7 =	simm.s32 $_size__tile_overlayer_lowered;
	s8 =	simm.s32 $_tile_overlayer_lowered  }
0x9d: {  	s23 =	simm.s32 $0x1BFF;
	s22 =	sshll.u32 s8, $0x1;
	s5 =	sadd.s32 s6, s20  }
0x9e: {  	s9 =	simm.s32 $0x0;
	s21 =	sshll.u32 s7, $0x1;
	s7 =	sadd.s32 s22, s5  }
0x9f: {  	[timem:s9], [sflag:s23] =	dma.local [hbm:s7], s21  }
0xa0: {  	_ =	swait.ge [sflag:s23], s21  }
0xa1: {  	s6 =	ssub.s32 $0x0, s21;
	[sflag:s23] =	ssyncset.done $0x0  }
0xa2: {  	[sflag:s23] =	ssyncadd.s32 s6;
	_ =	sdelay $0x1  }
0xa3: {  	s24 =	simm.s32 $0x1B8B  }
0xa4: {  	_ =	swait.ge [sflag:s24], $0x1  }
0xa5: {  	[sflag:s24] =	ssyncset.done $0x0  }
0xa6: {  	s25 =	simm.s32 $0x1B8E;
	[sflag:s24] =	ssyncadd.s32 $0xFFFFFFFF  }
0xa7: {  	s26 =	simm.s32 $execute0_lowered;
	[smem:$0x3FD2] =	sst s25  }
0xa8: {  	s6 =	sshll.u32 s26, $0x1;
	_ =	strace $0x80000046;
	[dreg:$0x1] =	wrdreg $0xFFFFFFFF  }
0xa9: {  	s28 =	simm.s32 $_size_execute0_lowered;
	s5 =	sadd.s32 s5, s6;
	[dreg:$0x0] =	wrdreg $0x0  }
0xaa: {  	s6 =	sshll.u32 s28, $0x1;
	[dreg:$0x2] =	wrdreg s5  }
0xab: {  	[dreg:$0x3] =	wrdreg s6  }
0xac: {  	[dreg:$0x4] =	wrdreg $0xC0  }
0xad: {  	_ =	task [dreg:s9], $0x5FFFF  }
0xae: {  	[dreg:$0x1] =	wrdreg $0xFFFFFFFF  }
0xaf: {  	[dreg:$0x0] =	wrdreg $0x60  }
0xb0: {  	[dreg:$0x2] =	wrdreg s19  }
0xb1: {  	[dreg:$0x3] =	wrdreg s2  }
0xb2: {  	[dreg:$0x4] =	wrdreg s4  }
0xb3: {  	[dreg:$0x5] =	wrdreg $0x9  }
0xb4: {  	_ =	task.clear_ibuf [dreg:s9], $0x6FFFF;
	_ =	strace $0x90000046  }
0xb5: {  	s29 =	simm.s32 $0x9;
	_ =	strace $0x80000048  }
0xb6: {  	_ =	swait.ge [sflag:s29], $0x1  }
0xb7: {  	[sflag:s29] =	ssyncadd.s32 $0xFFFFFFFF  }
0xb8: {  	_ =	strace $0x90000048  }
0xb9: {  	_ =	sfence  }
0xba: {  	s30 =	sld [smem:$0x0];
	_ =	sdelay $0x2  }
0xbb: {  	s31 =	sshll.u32 s1, $0xD;
	s1 =	sshrl.u32 s1, $0x2  }
0xbc: {  	s3 =	sand.u32 $0x4000, s31;
	s1 =	sadd.s32 s1, s30  }
0xbd: {  	s0 =	sor.u32 s3, s0;
	s1 =	sshll.u32 s1, $0x11  }
0xbe: {  	s0 =	sor.u32 s1, s0  }
0xbf: {  	s0 =	sadd.s32 $0x8F2B, s0  }
0xc0: {  	[sflag:s0] =	ssyncadd.remote.s32 $0x1  }
0xc1: {  	_ =	sfence.sel $0xFFFF  }
0xc2: {  	[dreg:$0x0] =	wrdreg $0xFFFFFFFF;
	(pc) =	sbr.abs _section_cstart, $3  }
0xc3: {  	[dreg:$0x1] =	wrdreg $0xFFFFFFFF  }
0xc4: {  	_ =	task.clear_ibuf [dreg:s9], $0x2FFFF;
	_ =	strace $0x9FFFFFFF  }
0xc5: {  	(tm) =	ssettm $0x7FFFFFFF  }
tec
execute0_lowered:
.L_overlay_start_1:
0x0: {  	(tag) =	ssettag $0x1  }
0x1: {  	s0 =	srdreg.scid;
	s2 =	rddreg [dreg:$0x1]  }
0x2: {  	s14 =	stileid.u32;
	s3 =	rddreg [dreg:$0x2]  }
0x3: {  	s4 =	simm.s32 $0x0;
	s28 =	simm.s32 $0x1B700;
	s29 =	simm.s32 $0x2  }
0x4: {  	s9 =	sand.u32 $0x1, s0;
	s13 =	sshll.u32 s14, $0x1;
	s21 =	smul.u32 $0x96, s14  }
0x5: {  	s1 =	sor.u32 s9, s13;
	s8 =	ssub.s32 $0x2, s9;
	s9 =	smul.u32 $0x4B, s9  }
0x6: {  	s30 =	simm.s32 $0x1C700;
	s31 =	simm.s32 $0x3;
	s7 =	smul.u32 $0x28023, s1  }
0x7: {  	s0 =	rddreg [dreg:$0x0];
	s5 =	smul.u32 $0x4B, s1;
	s9 =	sadd.s32 s9, s21  }
0x8: {  	[smem:$0x7FF] =	sst s4;
	s1 =	sshrl.u32 s7, $0x12;
	s24 =	smulhi.u32 $0x88888889, s9  }
0x9: {  	_ =	strace $0x80000047;
	s12 =	sshrl.u32 s7, $0x15;
	s6 =	smul.u32 $0x78, s1  }
0xa: {  	s11 =	sshrl.u32 s8, $0x1;
	s13 =	sshrl.u32 s7, $0xB;
	s12 =	smul.u32 $0xC3800, s12  }
0xb: {  	s8 =	ssub.s32 s8, s11;
	s16 =	sand.u32 $0x380, s13;
	s10 =	ssub.s32 s5, s6  }
0xc: {  	s11 =	sor.u32 s16, s12;
	s16 =	sshrl.u32 s24, $0x6;
	s24 =	sadd.s32 $0x1000, s2  }
0xd: {  	s5 =	sand.u32 $0xFFFF, s10;
	s17 =	sshll.u32 s10, $0x9;
	s18 =	sshll.u32 s10, $0xC  }
0xe: {  	s11 =	sshrl.u32 s11, $0x3;
	s10 =	sshll.u32 s10, $0x2;
	[dreg:$0x8] =	wrdreg s24  }
0xf: {  	s15 =	ssub.s32 $0x78, s5;
	s12 =	sand.u32 $0xC000, s17;
	s13 =	sand.u32 $0x3000, s18  }
0x10: {  	s11 =	sadd.s32 s0, s11;
	s10 =	sand.u32 $0x70, s10;
	s20 =	sadd.s32 $0x1, s5  }
0x11: {  	s26 =	sadd.s32 $0x2, s5;
	s17 =	sadd.s32 $0x1, s1;
	s6 =	smin.u32 s15, $0x4B  }
0x12: {  	[dreg:$0x4] =	wrdreg s11;
	s19 =	sor.u32 s12, s13;
	s10 =	sadd.s32 s2, s10  }
0x13: {  	s22 =	sshll.u32 s20, $0x9;
	s15 =	sshll.u32 s20, $0xC;
	s12 =	sshll.u32 s20, $0x2  }
0x14: {  	s13 =	sshll.u32 s26, $0x9;
	s18 =	sshrl.u32 s17, $0x3;
	s7 =	ssub.s32 $0x4B, s6  }
0x15: {  	s14 =	sand.u32 $0x1C000, s22;
	s15 =	sand.u32 $0x3000, s15;
	s12 =	sand.u32 $0x70, s12  }
0x16: {  	s10 =	sadd.s32 s19, s10;
	s11 =	sand.u32 $0x1C000, s13;
	s13 =	smul.u32 $0x78, s16  }
0x17: {  	s19 =	sshll.u32 s17, $0x7;
	s16 =	sshll.u32 s17, $0x13;
	s23 =	sor.u32 s14, s15  }
0x18: {  	s12 =	sadd.s32 s2, s12;
	[dreg:$0x5] =	wrdreg s10;
	s15 =	sshll.u32 s26, $0xC  }
0x19: {  	s10 =	sshll.u32 s26, $0x2;
	s14 =	simm.s32 $0x6;
	s25 =	sadd.s32 s23, s12  }
0x1a: {  	s12 =	sand.u32 $0x3000, s15;
	s10 =	sand.u32 $0x70, s10;
	s9 =	ssub.s32 s13, s9  }
0x1b: {  	s13 =	sand.u32 $0x380, s19;
	s19 =	smax.u32 s8, $0x1;
	s15 =	simm.s32 $0x0  }
0x1c: {  	[dreg:$0x6] =	wrdreg s25;
	s11 =	sor.u32 s11, s12;
	s12 =	smul.u32 $0xC3800, s18  }
0x1d: {  	s9 =	sadd.s32 $0x78, s9;
	s10 =	sadd.s32 s2, s10;
	s25 =	sadd.s32 $0x2000, s2  }
0x1e: {  	s9 =	smin.u32 s9, $0x4B;
	s11 =	sadd.s32 s11, s10;
	[dreg:$0x9] =	wrdreg s25  }
0x1f: {  	s20 =	sor.u32 s13, s12;
	s21 =	ssub.s32 $0x4D, s9;
	s9 =	smul.u32 $0x56, s9  }
0x20: {  	s12 =	sshll.u32 s1, $0x13;
	s1 =	simm.s32 $0x1D700;
	s13 =	simm.s32 $0x5  }
.Ltmp0:
0x21: {  	s10 =	sshrl.u32 s20, $0x3;
	s22 =	sand.u32 $0xFF, s21;
	(pc) =	sbr.rel .LBB2_1-.Ltmp0, $4  }
0x22: {  	s20 =	simm.s32 $0x80;
	s21 =	simm.s32 $0x400;
	s23 =	smul.u32 $0x56, s22  }
0x23: {  	s0 =	sadd.s32 s0, s10;
	s26 =	sadd.s32 $0xAC, s9;
	s22 =	simm.s32 $0x7  }
0x24: {  	[dreg:$0x7] =	wrdreg s0;
	s17 =	sshrl.u32 s26, $0x8;
	s0 =	sshrl.u32 s23, $0x8  }
0x25: {  	v0 =	vlaneseq.u32;
	s26 =	simm.s32 $0x1;
	s18 =	smax.u32 s0, $0x1;
	s0 =	simm.s32 $0x4  }
.LBB2_30:
0x26: {  	_ =	swait.ge [sflag:s0], $0x1000  }
0x27: {  	[sflag:s0] =	ssyncset.done $0x0  }
0x28: {  	[sflag:s0] =	ssyncadd.s32 $0xFFFFF000  }
0x29: {  	_ =	swait.ge [sflag:s13], $0x1000  }
0x2a: {  	[sflag:s13] =	ssyncset.done $0x0  }
0x2b: {  	[sflag:s13] =	ssyncadd.s32 $0xFFFFF000  }
0x2c: {  	_ =	swait.ge [sflag:s14], $0x1000  }
0x2d: {  	[sflag:s14] =	ssyncset.done $0x0  }
0x2e: {  	[sflag:s14] =	ssyncadd.s32 $0xFFFFF000  }
.LBB2_31:
0x2f: {  	s15 =	sadd.s32 $0x1, s15  }
0x30: {  	p0 =	sne.s32 s15, s19  }
.Ltmp1:
0x31: {  	_ = 	snop;
	(pc) =	sbr.rel @!p0 .LBB2_32-.Ltmp1, $1  }
0x32: {  	_ =	sdelay $0x3  }
.LBB2_1:
0x33: {  	s8 =	rddreg [dreg:$0x4]  }
0x34: {  	[tilespmem:s4], [sflag:$0x7] =	stream.strided.gather [hbm4b:s8+s20], $0x18700, s21, s20, $0x38;
	[tilespmem:$0x1E700] =	vst v63  }
0x35: {  	_ =	swait.ge [sflag:s22], $0x18700  }
0x36: {  	[sflag:s22] =	ssyncset.done $0x0  }
0x37: {  	[sflag:s22] =	ssyncadd.s32 $0xFFFE7900  }
0x38: {  	v1 =	vld [tilespmem:$0x0];
	_ =	sdelay $0x3  }
0x39: {  	vm0 =	veq.s32 v0, $0x4  }
0x3a: {  	v1 =	vsel vm0, $0x0, v1  }
0x3b: {  	s9 =	simm.s32 $0x18700;
	s10 =	rddreg [dreg:$0x5];
	[tilespmem:$0x0] =	vst v1  }
0x3c: {  	[tilespmem:s9], [sflag:$0x1] =	stream.strided.gather [hbm4b:s10+s20], $0x1000, s21, s20, $0x38;
	[tilespmem:$0x1E700] =	vst v63  }
.Ltmp2:
0x3d: {  	_ = 	snop;
	(pc) =	sbr.rel .LBB2_2-.Ltmp2, $4  }
0x3e: {  	s24 =	simm.s32 $0x19700;
	s23 =	rddreg [dreg:$0x6]  }
0x3f: {  	[tilespmem:s24], [sflag:$0x2] =	stream.strided.gather [hbm4b:s23+s20], $0x1000, s21, s20, $0x38;
	[tilespmem:$0x1E700] =	vst v63  }
0x40: {  	s25 =	simm.s32 $0x1A700;
	s23 =	simm.s32 $0x0  }
0x41: {  	[tilespmem:s25], [sflag:$0x3] =	stream.strided.gather [hbm4b:s11+s20], $0x1000, s21, s20, $0x38;
	[tilespmem:$0x1E700] =	vst v63  }
.LBB2_14:
0x42: {  	s23 =	sadd.s32 $0x1, s23  }
0x43: {  	p0 =	sne.s32 s23, s17  }
.Ltmp3:
0x44: {  	_ = 	snop;
	(pc) =	sbr.rel @!p0 .LBB2_15-.Ltmp3, $1  }
0x45: {  	_ =	sdelay $0x3  }
.LBB2_2:
0x46: {  	s24 =	smul.u32 $0x3, s23;
	_ =	sdelay $0x1  }
0x47: {  	p1 =	sge.u32 s24, s6  }
.Ltmp4:
0x48: {  	_ = 	snop;
	(pc) =	sbr.rel @p1 .LBB2_6-.Ltmp4, $2  }
0x49: {  	_ =	sdelay $0x2  }
0x4a: {  	p0 =	seq.s32 s23, $0x0  }
0x4b: {  	_ =	swait.ge [sflag:s26], $0x1000  }
0x4c: {  	[sflag:s26] =	ssyncset.done $0x0  }
0x4d: {  	s8 =	simm.s32 @!p0 $0x4;
	[sflag:s26] =	ssyncadd.s32 $0xFFFFF000  }
0x4e: {  	_ =	swait.ge @!p0 [sflag:s8], $0x1000  }
0x4f: {  	[sflag:s8] =	ssyncset.done @!p0 $0x0  }
0x50: {  	s25 =	simm.s32 $0x0;
	[sflag:s8] =	ssyncadd.s32 @!p0 $0xFFFFF000  }
0x51: {  	v1 =	vld [tilespmem:s25+$0x18700];
	_ =	sdelay $0x5  }
0x52: {  	v2 =	vld [tilespmem:s25+$0x18710];
	_ =	sdelay $0x1  }
0x53: {  	v1 =	vld.idx.msk [tilespmem:v1+s4+$0x0], $0xffff;
	_ =	sdelay $0x4  }
0x54: {  	[tilespmem:s25+$0x1B700] =	vst v1;
	v1 =	vld [tilespmem:s25+$0x18720]  }
0x55: {  	v2 =	vld.idx.msk [tilespmem:v2+s4+$0x0], $0xffff;
	_ =	sdelay $0x4  }
0x56: {  	[tilespmem:s25+$0x1B710] =	vst v2;
	v2 =	vld [tilespmem:s25+$0x18730];
	_ =	sdelay $0x1  }
0x57: {  	v1 =	vld.idx.msk [tilespmem:v1+s4+$0x0], $0xffff;
	_ =	sdelay $0x4  }
0x58: {  	[tilespmem:s25+$0x1B720] =	vst v1;
	v1 =	vld [tilespmem:s25+$0x18740]  }
0x59: {  	v2 =	vld.idx.msk [tilespmem:v2+s4+$0x0], $0xffff;
	_ =	sdelay $0x4  }
0x5a: {  	[tilespmem:s25+$0x1B730] =	vst v2;
	v2 =	vld [tilespmem:s25+$0x18750];
	_ =	sdelay $0x1  }
0x5b: {  	v1 =	vld.idx.msk [tilespmem:v1+s4+$0x0], $0xffff;
	_ =	sdelay $0x4  }
0x5c: {  	[tilespmem:s25+$0x1B740] =	vst v1;
	v1 =	vld [tilespmem:s25+$0x18760]  }
0x5d: {  	v2 =	vld.idx.msk [tilespmem:v2+s4+$0x0], $0xffff;
	_ =	sdelay $0x4  }
0x5e: {  	[tilespmem:s25+$0x1B750] =	vst v2;
	v2 =	vld [tilespmem:s25+$0x18770];
	_ =	sdelay $0x1  }
0x5f: {  	v1 =	vld.idx.msk [tilespmem:v1+s4+$0x0], $0xffff;
	_ =	sdelay $0x4  }
0x60: {  	[tilespmem:s25+$0x1B760] =	vst v1;
	v1 =	vld [tilespmem:s25+$0x18780]  }
0x61: {  	v2 =	vld.idx.msk [tilespmem:v2+s4+$0x0], $0xffff;
	_ =	sdelay $0x4  }
0x62: {  	[tilespmem:s25+$0x1B770] =	vst v2;
	v2 =	vld [tilespmem:s25+$0x18790];
	_ =	sdelay $0x1  }
0x63: {  	v1 =	vld.idx.msk [tilespmem:v1+s4+$0x0], $0xffff;
	_ =	sdelay $0x4  }
0x64: {  	[tilespmem:s25+$0x1B780] =	vst v1;
	v1 =	vld [tilespmem:s25+$0x187A0]  }
0x65: {  	v2 =	vld.idx.msk [tilespmem:v2+s4+$0x0], $0xffff;
	_ =	sdelay $0x4  }
0x66: {  	[tilespmem:s25+$0x1B790] =	vst v2;
	v2 =	vld [tilespmem:s25+$0x187B0];
	_ =	sdelay $0x1  }
0x67: {  	v1 =	vld.idx.msk [tilespmem:v1+s4+$0x0], $0xffff;
	_ =	sdelay $0x4  }
0x68: {  	[tilespmem:s25+$0x1B7A0] =	vst v1;
	v1 =	vld [tilespmem:s25+$0x187C0]  }
0x69: {  	v2 =	vld.idx.msk [tilespmem:v2+s4+$0x0], $0xffff;
	_ =	sdelay $0x4  }
0x6a: {  	[tilespmem:s25+$0x1B7B0] =	vst v2;
	v2 =	vld [tilespmem:s25+$0x187D0];
	_ =	sdelay $0x1  }
0x6b: {  	v1 =	vld.idx.msk [tilespmem:v1+s4+$0x0], $0xffff;
	_ =	sdelay $0x4  }
0x6c: {  	v3 =	vld [tilespmem:s25+$0x187E0];
	[tilespmem:s25+$0x1B7C0] =	vst v1  }
0x6d: {  	v1 =	vld.idx.msk [tilespmem:v2+s4+$0x0], $0xffff;
	_ =	sdelay $0x4  }
0x6e: {  	[tilespmem:s25+$0x1B7D0] =	vst v1;
	v1 =	vld [tilespmem:s25+$0x187F0];
	_ =	sdelay $0x1  }
0x6f: {  	v2 =	vld.idx.msk [tilespmem:v3+s4+$0x0], $0xffff;
	_ =	sdelay $0x3  }
0x70: {  	s9 =	simm.s32 $0x100;
	s8 =	simm.s32 $0x800  }
.LBB2_4:
0x71: {  	p1 =	sne.s32 s8, $0x3C00;
	v3 =	vld [tilespmem:s9+$0x18700];
	[tilespmem:s25+$0x1B7E0] =	vst v2  }
0x72: {  	v1 =	vld.idx.msk [tilespmem:v1+s4+$0x0], $0xffff;
	_ =	sdelay $0x5  }
0x73: {  	v2 =	vld [tilespmem:s9+$0x18710];
	[tilespmem:s25+$0x1B7F0] =	vst v1;
	s25 =	smov.u32 s9  }
0x74: {  	v1 =	vld.idx.msk [tilespmem:v3+s4+$0x0], $0xffff;
	_ =	sdelay $0x5  }
0x75: {  	[tilespmem:s25+$0x1B700] =	vst v1;
	v1 =	vld [tilespmem:s25+$0x18720]  }
0x76: {  	v2 =	vld.idx.msk [tilespmem:v2+s4+$0x0], $0xffff;
	_ =	sdelay $0x5  }
0x77: {  	[tilespmem:s25+$0x1B710] =	vst v2;
	v2 =	vld [tilespmem:s25+$0x18730]  }
0x78: {  	v1 =	vld.idx.msk [tilespmem:v1+s4+$0x0], $0xffff;
	_ =	sdelay $0x5  }
0x79: {  	[tilespmem:s25+$0x1B720] =	vst v1;
	v1 =	vld [tilespmem:s25+$0x18740]  }
0x7a: {  	v2 =	vld.idx.msk [tilespmem:v2+s4+$0x0], $0xffff;
	_ =	sdelay $0x5  }
0x7b: {  	[tilespmem:s25+$0x1B730] =	vst v2;
	v2 =	vld [tilespmem:s25+$0x18750]  }
0x7c: {  	v1 =	vld.idx.msk [tilespmem:v1+s4+$0x0], $0xffff;
	_ =	sdelay $0x5  }
0x7d: {  	[tilespmem:s25+$0x1B740] =	vst v1;
	v1 =	vld [tilespmem:s25+$0x18760]  }
0x7e: {  	v2 =	vld.idx.msk [tilespmem:v2+s4+$0x0], $0xffff;
	_ =	sdelay $0x5  }
0x7f: {  	[tilespmem:s25+$0x1B750] =	vst v2;
	v2 =	vld [tilespmem:s25+$0x18770]  }
0x80: {  	v1 =	vld.idx.msk [tilespmem:v1+s4+$0x0], $0xffff;
	_ =	sdelay $0x5  }
0x81: {  	[tilespmem:s25+$0x1B760] =	vst v1;
	v1 =	vld [tilespmem:s25+$0x18780]  }
0x82: {  	v2 =	vld.idx.msk [tilespmem:v2+s4+$0x0], $0xffff;
	_ =	sdelay $0x5  }
0x83: {  	[tilespmem:s25+$0x1B770] =	vst v2;
	v2 =	vld [tilespmem:s25+$0x18790]  }
0x84: {  	v1 =	vld.idx.msk [tilespmem:v1+s4+$0x0], $0xffff;
	_ =	sdelay $0x5  }
0x85: {  	[tilespmem:s25+$0x1B780] =	vst v1;
	v1 =	vld [tilespmem:s25+$0x187A0]  }
0x86: {  	v2 =	vld.idx.msk [tilespmem:v2+s4+$0x0], $0xffff;
	_ =	sdelay $0x5  }
0x87: {  	[tilespmem:s25+$0x1B790] =	vst v2;
	v2 =	vld [tilespmem:s25+$0x187B0]  }
0x88: {  	v1 =	vld.idx.msk [tilespmem:v1+s4+$0x0], $0xffff;
	_ =	sdelay $0x5  }
0x89: {  	[tilespmem:s25+$0x1B7A0] =	vst v1;
	v1 =	vld [tilespmem:s25+$0x187C0]  }
0x8a: {  	v2 =	vld.idx.msk [tilespmem:v2+s4+$0x0], $0xffff;
	_ =	sdelay $0x5  }
0x8b: {  	[tilespmem:s25+$0x1B7B0] =	vst v2;
	v2 =	vld [tilespmem:s25+$0x187D0]  }
0x8c: {  	v1 =	vld.idx.msk [tilespmem:v1+s4+$0x0], $0xffff;
	_ =	sdelay $0x5  }
0x8d: {  	[tilespmem:s25+$0x1B7C0] =	vst v1;
	v3 =	vld [tilespmem:s25+$0x187E0]  }
0x8e: {  	v1 =	vld.idx.msk [tilespmem:v2+s4+$0x0], $0xffff;
	_ =	sdelay $0x5  }
0x8f: {  	[tilespmem:s25+$0x1B7D0] =	vst v1;
	v1 =	vld [tilespmem:s25+$0x187F0]  }
0x90: {  	v2 =	vld.idx.msk [tilespmem:v3+s4+$0x0], $0xffff  }
.Ltmp5:
0x91: {  	(pc) =	sbr.rel @p1 .LBB2_4-.Ltmp5, $2  }
0x92: {  	_ =	sdelay $0x2  }
0x93: {  	s9 =	sshra.s32 s8, $0x2;
	s8 =	sadd.s32 $0x400, s8  }
0x94: {  	_ =	sdelay $0x1  }
0x95: {  	v3 =	vld [tilespmem:s9+$0x18700]  }
0x96: {  	[tilespmem:s25+$0x1B7E0] =	vst v2  }
0x97: {  	v1 =	vld.idx.msk [tilespmem:v1+s4+$0x0], $0xffff;
	_ =	sdelay $0x3  }
0x98: {  	v2 =	vld [tilespmem:s9+$0x18710]  }
0x99: {  	[tilespmem:s25+$0x1B7F0] =	vst v1  }
0x9a: {  	v1 =	vld.idx.msk [tilespmem:v3+s4+$0x0], $0xffff;
	_ =	sdelay $0x4  }
0x9b: {  	[tilespmem:s9+$0x1B700] =	vst v1;
	v1 =	vld [tilespmem:s9+$0x18720]  }
0x9c: {  	v2 =	vld.idx.msk [tilespmem:v2+s4+$0x0], $0xffff;
	_ =	sdelay $0x4  }
0x9d: {  	[tilespmem:s9+$0x1B710] =	vst v2;
	v2 =	vld [tilespmem:s9+$0x18730];
	_ =	sdelay $0x1  }
0x9e: {  	v1 =	vld.idx.msk [tilespmem:v1+s4+$0x0], $0xffff;
	_ =	sdelay $0x4  }
0x9f: {  	[tilespmem:s9+$0x1B720] =	vst v1;
	v1 =	vld [tilespmem:s9+$0x18740]  }
0xa0: {  	v2 =	vld.idx.msk [tilespmem:v2+s4+$0x0], $0xffff;
	_ =	sdelay $0x4  }
0xa1: {  	[tilespmem:s9+$0x1B730] =	vst v2;
	v2 =	vld [tilespmem:s9+$0x18750];
	_ =	sdelay $0x1  }
0xa2: {  	v1 =	vld.idx.msk [tilespmem:v1+s4+$0x0], $0xffff;
	_ =	sdelay $0x4  }
0xa3: {  	[tilespmem:s9+$0x1B740] =	vst v1;
	v1 =	vld [tilespmem:s9+$0x18760]  }
0xa4: {  	v2 =	vld.idx.msk [tilespmem:v2+s4+$0x0], $0xffff;
	_ =	sdelay $0x4  }
0xa5: {  	[tilespmem:s9+$0x1B750] =	vst v2;
	v2 =	vld [tilespmem:s9+$0x18770];
	_ =	sdelay $0x1  }
0xa6: {  	v1 =	vld.idx.msk [tilespmem:v1+s4+$0x0], $0xffff;
	_ =	sdelay $0x4  }
0xa7: {  	[tilespmem:s9+$0x1B760] =	vst v1;
	v1 =	vld [tilespmem:s9+$0x18780]  }
0xa8: {  	v2 =	vld.idx.msk [tilespmem:v2+s4+$0x0], $0xffff;
	_ =	sdelay $0x4  }
0xa9: {  	[tilespmem:s9+$0x1B770] =	vst v2;
	v2 =	vld [tilespmem:s9+$0x18790];
	_ =	sdelay $0x1  }
0xaa: {  	v1 =	vld.idx.msk [tilespmem:v1+s4+$0x0], $0xffff;
	_ =	sdelay $0x4  }
0xab: {  	[tilespmem:s9+$0x1B780] =	vst v1;
	v1 =	vld [tilespmem:s9+$0x187A0]  }
0xac: {  	v2 =	vld.idx.msk [tilespmem:v2+s4+$0x0], $0xffff;
	_ =	sdelay $0x4  }
0xad: {  	[tilespmem:s9+$0x1B790] =	vst v2;
	v2 =	vld [tilespmem:s9+$0x187B0];
	_ =	sdelay $0x1  }
0xae: {  	v1 =	vld.idx.msk [tilespmem:v1+s4+$0x0], $0xffff;
	_ =	sdelay $0x4  }
0xaf: {  	[tilespmem:s9+$0x1B7A0] =	vst v1;
	v1 =	vld [tilespmem:s9+$0x187C0]  }
0xb0: {  	v2 =	vld.idx.msk [tilespmem:v2+s4+$0x0], $0xffff;
	_ =	sdelay $0x4  }
0xb1: {  	[tilespmem:s9+$0x1B7B0] =	vst v2;
	v2 =	vld [tilespmem:s9+$0x187D0];
	_ =	sdelay $0x1  }
0xb2: {  	v1 =	vld.idx.msk [tilespmem:v1+s4+$0x0], $0xffff;
	_ =	sdelay $0x4  }
0xb3: {  	[tilespmem:s9+$0x1B7C0] =	vst v1;
	v1 =	vld [tilespmem:s9+$0x187E0]  }
0xb4: {  	v2 =	vld.idx.msk [tilespmem:v2+s4+$0x0], $0xffff;
	_ =	sdelay $0x4  }
0xb5: {  	[tilespmem:s9+$0x1B7D0] =	vst v2;
	v2 =	vld [tilespmem:s9+$0x187F0];
	_ =	sdelay $0x1  }
0xb6: {  	v1 =	vld.idx.msk [tilespmem:v1+s4+$0x0], $0xffff;
	_ =	sdelay $0x3  }
0xb7: {  	s8 =	sadd.s32 s5, s24  }
0xb8: {  	s10 =	sshll.u32 s8, $0xC;
	[tilespmem:s9+$0x1B7E0] =	vst v1  }
0xb9: {  	s10 =	sand.u32 $0x7FFE0000, s10;
	s25 =	sshll.u32 s8, $0xF;
	v1 =	vld.idx.msk [tilespmem:v2+s4+$0x0], $0xffff  }
0xba: {  	s10 =	sadd.s32 s12, s10;
	s8 =	sshll.u32 s8, $0x5;
	s25 =	sand.u32 $0x18000, s25  }
0xbb: {  	s8 =	sand.u32 $0x380, s8;
	s10 =	sor.u32 s25, s10  }
0xbc: {  	s8 =	sor.u32 s8, s10  }
0xbd: {  	s8 =	sshrl.u32 s8, $0x3  }
0xbe: {  	s8 =	sadd.s32 s3, s8;
	[tilespmem:s9+$0x1B7F0] =	vst v1  }
0xbf: {  	[hbm4b:s8+s20] =	stream.strided.scatter [tilespmem:s28], [sflag:$0x4], $0x1000, s21, s20, $0x38;
	[tilespmem:$0x1E700] =	vst v63  }
0xc0: {  	s8 =	sadd.s32 $0x3, s24  }
0xc1: {  	p1 =	sge.u32 s8, s6  }
0xc2: {  	s8 =	sadd.s32 @!p1 s5, s8  }
0xc3: {  	s9 =	sshll.u32 @!p1 s8, $0xC;
	s10 =	sshll.u32 @!p1 s8, $0xF  }
0xc4: {  	s8 =	sshll.u32 @!p1 s8, $0x5;
	s9 =	sand.u32 @!p1 $0xFFFE0000, s9;
	s10 =	sand.u32 @!p1 $0x18000, s10  }
0xc5: {  	s8 =	sand.u32 @!p1 $0x380, s8;
	s9 =	sor.u32 @!p1 s10, s9  }
0xc6: {  	s8 =	sor.u32 @!p1 s8, s9  }
0xc7: {  	s25 =	simm.s32 @!p1 $0x18700;
	s8 =	sshrl.u32 @!p1 s8, $0x3  }
0xc8: {  	s10 =	simm.s32 @!p1 $0x400;
	s9 =	simm.s32 @!p1 $0x80;
	s8 =	sadd.s32 @!p1 s2, s8  }
0xc9: {  	[tilespmem:s25], [sflag:$0x1] =	stream.strided.gather @!p1 [hbm4b:s8+s9], $0x1000, s10, s9, $0x38;
	[tilespmem:$0x1E700] =	vst v63  }
.LBB2_6:
0xca: {  	s25 =	sadd.s32 $0x1, s24  }
0xcb: {  	p1 =	sge.u32 s25, s6  }
.Ltmp6:
0xcc: {  	_ = 	snop;
	(pc) =	sbr.rel @p1 .LBB2_10-.Ltmp6, $1  }
0xcd: {  	_ =	sdelay $0x3  }
0xce: {  	_ =	swait.ge [sflag:s29], $0x1000  }
0xcf: {  	[sflag:s29] =	ssyncset.done $0x0  }
0xd0: {  	s8 =	simm.s32 @!p0 $0x5;
	[sflag:s29] =	ssyncadd.s32 $0xFFFFF000  }
0xd1: {  	_ =	swait.ge @!p0 [sflag:s8], $0x1000  }
0xd2: {  	[sflag:s8] =	ssyncset.done @!p0 $0x0  }
0xd3: {  	[sflag:s8] =	ssyncadd.s32 @!p0 $0xFFFFF000;
	s8 =	simm.s32 $0x0  }
0xd4: {  	v1 =	vld [tilespmem:s8+$0x19700];
	_ =	sdelay $0x5  }
0xd5: {  	v2 =	vld [tilespmem:s8+$0x19710];
	_ =	sdelay $0x1  }
0xd6: {  	v1 =	vld.idx.msk [tilespmem:v1+s4+$0x0], $0xffff;
	_ =	sdelay $0x4  }
0xd7: {  	[tilespmem:s8+$0x1C700] =	vst v1;
	v1 =	vld [tilespmem:s8+$0x19720]  }
0xd8: {  	v2 =	vld.idx.msk [tilespmem:v2+s4+$0x0], $0xffff;
	_ =	sdelay $0x4  }
0xd9: {  	[tilespmem:s8+$0x1C710] =	vst v2;
	v2 =	vld [tilespmem:s8+$0x19730];
	_ =	sdelay $0x1  }
0xda: {  	v1 =	vld.idx.msk [tilespmem:v1+s4+$0x0], $0xffff;
	_ =	sdelay $0x4  }
0xdb: {  	[tilespmem:s8+$0x1C720] =	vst v1;
	v1 =	vld [tilespmem:s8+$0x19740]  }
0xdc: {  	v2 =	vld.idx.msk [tilespmem:v2+s4+$0x0], $0xffff;
	_ =	sdelay $0x4  }
0xdd: {  	[tilespmem:s8+$0x1C730] =	vst v2;
	v2 =	vld [tilespmem:s8+$0x19750];
	_ =	sdelay $0x1  }
0xde: {  	v1 =	vld.idx.msk [tilespmem:v1+s4+$0x0], $0xffff;
	_ =	sdelay $0x4  }
0xdf: {  	[tilespmem:s8+$0x1C740] =	vst v1;
	v1 =	vld [tilespmem:s8+$0x19760]  }
0xe0: {  	v2 =	vld.idx.msk [tilespmem:v2+s4+$0x0], $0xffff;
	_ =	sdelay $0x4  }
0xe1: {  	[tilespmem:s8+$0x1C750] =	vst v2;
	v2 =	vld [tilespmem:s8+$0x19770];
	_ =	sdelay $0x1  }
0xe2: {  	v1 =	vld.idx.msk [tilespmem:v1+s4+$0x0], $0xffff;
	_ =	sdelay $0x4  }
0xe3: {  	[tilespmem:s8+$0x1C760] =	vst v1;
	v1 =	vld [tilespmem:s8+$0x19780]  }
0xe4: {  	v2 =	vld.idx.msk [tilespmem:v2+s4+$0x0], $0xffff;
	_ =	sdelay $0x4  }
0xe5: {  	[tilespmem:s8+$0x1C770] =	vst v2;
	v2 =	vld [tilespmem:s8+$0x19790];
	_ =	sdelay $0x1  }
0xe6: {  	v1 =	vld.idx.msk [tilespmem:v1+s4+$0x0], $0xffff;
	_ =	sdelay $0x4  }
0xe7: {  	[tilespmem:s8+$0x1C780] =	vst v1;
	v1 =	vld [tilespmem:s8+$0x197A0]  }
0xe8: {  	v2 =	vld.idx.msk [tilespmem:v2+s4+$0x0], $0xffff;
	_ =	sdelay $0x4  }
0xe9: {  	[tilespmem:s8+$0x1C790] =	vst v2;
	v2 =	vld [tilespmem:s8+$0x197B0];
	_ =	sdelay $0x1  }
0xea: {  	v1 =	vld.idx.msk [tilespmem:v1+s4+$0x0], $0xffff;
	_ =	sdelay $0x4  }
0xeb: {  	[tilespmem:s8+$0x1C7A0] =	vst v1;
	v1 =	vld [tilespmem:s8+$0x197C0]  }
0xec: {  	v2 =	vld.idx.msk [tilespmem:v2+s4+$0x0], $0xffff;
	_ =	sdelay $0x4  }
0xed: {  	[tilespmem:s8+$0x1C7B0] =	vst v2;
	v2 =	vld [tilespmem:s8+$0x197D0];
	_ =	sdelay $0x1  }
0xee: {  	v1 =	vld.idx.msk [tilespmem:v1+s4+$0x0], $0xffff;
	_ =	sdelay $0x4  }
0xef: {  	v3 =	vld [tilespmem:s8+$0x197E0];
	[tilespmem:s8+$0x1C7C0] =	vst v1  }
0xf0: {  	v1 =	vld.idx.msk [tilespmem:v2+s4+$0x0], $0xffff;
	_ =	sdelay $0x4  }
0xf1: {  	[tilespmem:s8+$0x1C7D0] =	vst v1;
	v1 =	vld [tilespmem:s8+$0x197F0];
	_ =	sdelay $0x1  }
0xf2: {  	v2 =	vld.idx.msk [tilespmem:v3+s4+$0x0], $0xffff;
	_ =	sdelay $0x3  }
0xf3: {  	s10 =	simm.s32 $0x100;
	s9 =	simm.s32 $0x800  }
.LBB2_8:
0xf4: {  	p1 =	sne.s32 s9, $0x3C00;
	v3 =	vld [tilespmem:s10+$0x19700];
	[tilespmem:s8+$0x1C7E0] =	vst v2  }
0xf5: {  	v1 =	vld.idx.msk [tilespmem:v1+s4+$0x0], $0xffff;
	_ =	sdelay $0x5  }
0xf6: {  	v2 =	vld [tilespmem:s10+$0x19710];
	[tilespmem:s8+$0x1C7F0] =	vst v1;
	s8 =	smov.u32 s10  }
0xf7: {  	v1 =	vld.idx.msk [tilespmem:v3+s4+$0x0], $0xffff;
	_ =	sdelay $0x5  }
0xf8: {  	[tilespmem:s8+$0x1C700] =	vst v1;
	v1 =	vld [tilespmem:s8+$0x19720]  }
0xf9: {  	v2 =	vld.idx.msk [tilespmem:v2+s4+$0x0], $0xffff;
	_ =	sdelay $0x5  }
0xfa: {  	[tilespmem:s8+$0x1C710] =	vst v2;
	v2 =	vld [tilespmem:s8+$0x19730]  }
0xfb: {  	v1 =	vld.idx.msk [tilespmem:v1+s4+$0x0], $0xffff;
	_ =	sdelay $0x5  }
0xfc: {  	[tilespmem:s8+$0x1C720] =	vst v1;
	v1 =	vld [tilespmem:s8+$0x19740]  }
0xfd: {  	v2 =	vld.idx.msk [tilespmem:v2+s4+$0x0], $0xffff;
	_ =	sdelay $0x5  }
0xfe: {  	[tilespmem:s8+$0x1C730] =	vst v2;
	v2 =	vld [tilespmem:s8+$0x19750]  }
0xff: {  	v1 =	vld.idx.msk [tilespmem:v1+s4+$0x0], $0xffff;
	_ =	sdelay $0x5  }
0x100: {  	[tilespmem:s8+$0x1C740] =	vst v1;
	v1 =	vld [tilespmem:s8+$0x19760]  }
0x101: {  	v2 =	vld.idx.msk [tilespmem:v2+s4+$0x0], $0xffff;
	_ =	sdelay $0x5  }
0x102: {  	[tilespmem:s8+$0x1C750] =	vst v2;
	v2 =	vld [tilespmem:s8+$0x19770]  }
0x103: {  	v1 =	vld.idx.msk [tilespmem:v1+s4+$0x0], $0xffff;
	_ =	sdelay $0x5  }
0x104: {  	[tilespmem:s8+$0x1C760] =	vst v1;
	v1 =	vld [tilespmem:s8+$0x19780]  }
0x105: {  	v2 =	vld.idx.msk [tilespmem:v2+s4+$0x0], $0xffff;
	_ =	sdelay $0x5  }
0x106: {  	[tilespmem:s8+$0x1C770] =	vst v2;
	v2 =	vld [tilespmem:s8+$0x19790]  }
0x107: {  	v1 =	vld.idx.msk [tilespmem:v1+s4+$0x0], $0xffff;
	_ =	sdelay $0x5  }
0x108: {  	[tilespmem:s8+$0x1C780] =	vst v1;
	v1 =	vld [tilespmem:s8+$0x197A0]  }
0x109: {  	v2 =	vld.idx.msk [tilespmem:v2+s4+$0x0], $0xffff;
	_ =	sdelay $0x5  }
0x10a: {  	[tilespmem:s8+$0x1C790] =	vst v2;
	v2 =	vld [tilespmem:s8+$0x197B0]  }
0x10b: {  	v1 =	vld.idx.msk [tilespmem:v1+s4+$0x0], $0xffff;
	_ =	sdelay $0x5  }
0x10c: {  	[tilespmem:s8+$0x1C7A0] =	vst v1;
	v1 =	vld [tilespmem:s8+$0x197C0]  }
0x10d: {  	v2 =	vld.idx.msk [tilespmem:v2+s4+$0x0], $0xffff;
	_ =	sdelay $0x5  }
0x10e: {  	[tilespmem:s8+$0x1C7B0] =	vst v2;
	v2 =	vld [tilespmem:s8+$0x197D0]  }
0x10f: {  	v1 =	vld.idx.msk [tilespmem:v1+s4+$0x0], $0xffff;
	_ =	sdelay $0x5  }
0x110: {  	[tilespmem:s8+$0x1C7C0] =	vst v1;
	v3 =	vld [tilespmem:s8+$0x197E0]  }
0x111: {  	v1 =	vld.idx.msk [tilespmem:v2+s4+$0x0], $0xffff;
	_ =	sdelay $0x5  }
0x112: {  	[tilespmem:s8+$0x1C7D0] =	vst v1;
	v1 =	vld [tilespmem:s8+$0x197F0]  }
0x113: {  	v2 =	vld.idx.msk [tilespmem:v3+s4+$0x0], $0xffff  }
.Ltmp7:
0x114: {  	(pc) =	sbr.rel @p1 .LBB2_8-.Ltmp7, $2  }
0x115: {  	_ =	sdelay $0x2  }
0x116: {  	s10 =	sshra.s32 s9, $0x2;
	s9 =	sadd.s32 $0x400, s9  }
0x117: {  	_ =	sdelay $0x1  }
0x118: {  	v3 =	vld [tilespmem:s10+$0x19700]  }
0x119: {  	[tilespmem:s8+$0x1C7E0] =	vst v2  }
0x11a: {  	v1 =	vld.idx.msk [tilespmem:v1+s4+$0x0], $0xffff;
	_ =	sdelay $0x3  }
0x11b: {  	v2 =	vld [tilespmem:s10+$0x19710]  }
0x11c: {  	[tilespmem:s8+$0x1C7F0] =	vst v1  }
0x11d: {  	v1 =	vld.idx.msk [tilespmem:v3+s4+$0x0], $0xffff;
	_ =	sdelay $0x4  }
0x11e: {  	[tilespmem:s10+$0x1C700] =	vst v1;
	v1 =	vld [tilespmem:s10+$0x19720]  }
0x11f: {  	v2 =	vld.idx.msk [tilespmem:v2+s4+$0x0], $0xffff;
	_ =	sdelay $0x4  }
0x120: {  	[tilespmem:s10+$0x1C710] =	vst v2;
	v2 =	vld [tilespmem:s10+$0x19730];
	_ =	sdelay $0x1  }
0x121: {  	v1 =	vld.idx.msk [tilespmem:v1+s4+$0x0], $0xffff;
	_ =	sdelay $0x4  }
0x122: {  	[tilespmem:s10+$0x1C720] =	vst v1;
	v1 =	vld [tilespmem:s10+$0x19740]  }
0x123: {  	v2 =	vld.idx.msk [tilespmem:v2+s4+$0x0], $0xffff;
	_ =	sdelay $0x4  }
0x124: {  	[tilespmem:s10+$0x1C730] =	vst v2;
	v2 =	vld [tilespmem:s10+$0x19750];
	_ =	sdelay $0x1  }
0x125: {  	v1 =	vld.idx.msk [tilespmem:v1+s4+$0x0], $0xffff;
	_ =	sdelay $0x4  }
0x126: {  	[tilespmem:s10+$0x1C740] =	vst v1;
	v1 =	vld [tilespmem:s10+$0x19760]  }
0x127: {  	v2 =	vld.idx.msk [tilespmem:v2+s4+$0x0], $0xffff;
	_ =	sdelay $0x4  }
0x128: {  	[tilespmem:s10+$0x1C750] =	vst v2;
	v2 =	vld [tilespmem:s10+$0x19770];
	_ =	sdelay $0x1  }
0x129: {  	v1 =	vld.idx.msk [tilespmem:v1+s4+$0x0], $0xffff;
	_ =	sdelay $0x4  }
0x12a: {  	[tilespmem:s10+$0x1C760] =	vst v1;
	v1 =	vld [tilespmem:s10+$0x19780]  }
0x12b: {  	v2 =	vld.idx.msk [tilespmem:v2+s4+$0x0], $0xffff;
	_ =	sdelay $0x4  }
0x12c: {  	[tilespmem:s10+$0x1C770] =	vst v2;
	v2 =	vld [tilespmem:s10+$0x19790];
	_ =	sdelay $0x1  }
0x12d: {  	v1 =	vld.idx.msk [tilespmem:v1+s4+$0x0], $0xffff;
	_ =	sdelay $0x4  }
0x12e: {  	[tilespmem:s10+$0x1C780] =	vst v1;
	v1 =	vld [tilespmem:s10+$0x197A0]  }
0x12f: {  	v2 =	vld.idx.msk [tilespmem:v2+s4+$0x0], $0xffff;
	_ =	sdelay $0x4  }
0x130: {  	[tilespmem:s10+$0x1C790] =	vst v2;
	v2 =	vld [tilespmem:s10+$0x197B0];
	_ =	sdelay $0x1  }
0x131: {  	v1 =	vld.idx.msk [tilespmem:v1+s4+$0x0], $0xffff;
	_ =	sdelay $0x4  }
0x132: {  	[tilespmem:s10+$0x1C7A0] =	vst v1;
	v1 =	vld [tilespmem:s10+$0x197C0]  }
0x133: {  	v2 =	vld.idx.msk [tilespmem:v2+s4+$0x0], $0xffff;
	_ =	sdelay $0x4  }
0x134: {  	[tilespmem:s10+$0x1C7B0] =	vst v2;
	v2 =	vld [tilespmem:s10+$0x197D0];
	_ =	sdelay $0x1  }
0x135: {  	v1 =	vld.idx.msk [tilespmem:v1+s4+$0x0], $0xffff;
	_ =	sdelay $0x4  }
0x136: {  	[tilespmem:s10+$0x1C7C0] =	vst v1;
	v1 =	vld [tilespmem:s10+$0x197E0]  }
0x137: {  	v2 =	vld.idx.msk [tilespmem:v2+s4+$0x0], $0xffff;
	_ =	sdelay $0x4  }
0x138: {  	[tilespmem:s10+$0x1C7D0] =	vst v2;
	v2 =	vld [tilespmem:s10+$0x197F0];
	_ =	sdelay $0x1  }
0x139: {  	v1 =	vld.idx.msk [tilespmem:v1+s4+$0x0], $0xffff;
	_ =	sdelay $0x3  }
0x13a: {  	s8 =	sadd.s32 s5, s25  }
0x13b: {  	s9 =	sshll.u32 s8, $0xC;
	[tilespmem:s10+$0x1C7E0] =	vst v1  }
0x13c: {  	s25 =	sshll.u32 s8, $0xF;
	s9 =	sand.u32 $0xFFFE0000, s9;
	v1 =	vld.idx.msk [tilespmem:v2+s4+$0x0], $0xffff  }
0x13d: {  	s8 =	sshll.u32 s8, $0x5;
	s25 =	sand.u32 $0x18000, s25;
	s9 =	sadd.s32 s12, s9  }
0x13e: {  	s8 =	sand.u32 $0x380, s8;
	s9 =	sor.u32 s25, s9  }
0x13f: {  	s8 =	sor.u32 s8, s9  }
0x140: {  	s8 =	sshrl.u32 s8, $0x3  }
0x141: {  	s8 =	sadd.s32 s3, s8;
	[tilespmem:s10+$0x1C7F0] =	vst v1  }
0x142: {  	[hbm4b:s8+s20] =	stream.strided.scatter [tilespmem:s30], [sflag:$0x5], $0x1000, s21, s20, $0x38;
	[tilespmem:$0x1E700] =	vst v63  }
0x143: {  	s8 =	sadd.s32 $0x4, s24  }
0x144: {  	p1 =	sge.u32 s8, s6  }
0x145: {  	s8 =	sadd.s32 @!p1 s5, s8  }
0x146: {  	s9 =	sshll.u32 @!p1 s8, $0xC;
	s10 =	sshll.u32 @!p1 s8, $0xF  }
0x147: {  	s8 =	sshll.u32 @!p1 s8, $0x5;
	s9 =	sand.u32 @!p1 $0xFFFE0000, s9;
	s10 =	sand.u32 @!p1 $0x18000, s10  }
0x148: {  	s8 =	sand.u32 @!p1 $0x380, s8;
	s9 =	sor.u32 @!p1 s10, s9  }
0x149: {  	s8 =	sor.u32 @!p1 s8, s9  }
0x14a: {  	s25 =	simm.s32 @!p1 $0x19700;
	s8 =	sshrl.u32 @!p1 s8, $0x3  }
0x14b: {  	s10 =	simm.s32 @!p1 $0x400;
	s9 =	simm.s32 @!p1 $0x80;
	s8 =	sadd.s32 @!p1 s2, s8  }
0x14c: {  	[tilespmem:s25], [sflag:$0x2] =	stream.strided.gather @!p1 [hbm4b:s8+s9], $0x1000, s10, s9, $0x38;
	[tilespmem:$0x1E700] =	vst v63  }
.LBB2_10:
0x14d: {  	s25 =	sadd.s32 $0x2, s24  }
0x14e: {  	p1 =	sge.u32 s25, s6  }
.Ltmp8:
0x14f: {  	_ = 	snop;
	(pc) =	sbr.rel @p1 .LBB2_14-.Ltmp8, $1  }
0x150: {  	_ =	sdelay $0x3  }
0x151: {  	_ =	swait.ge [sflag:s31], $0x1000  }
0x152: {  	[sflag:s31] =	ssyncset.done $0x0  }
0x153: {  	s8 =	simm.s32 @!p0 $0x6;
	[sflag:s31] =	ssyncadd.s32 $0xFFFFF000  }
0x154: {  	_ =	swait.ge @!p0 [sflag:s8], $0x1000  }
0x155: {  	[sflag:s8] =	ssyncset.done @!p0 $0x0  }
0x156: {  	[sflag:s8] =	ssyncadd.s32 @!p0 $0xFFFFF000;
	s8 =	simm.s32 $0x0  }
0x157: {  	v1 =	vld [tilespmem:s8+$0x1A700];
	_ =	sdelay $0x5  }
0x158: {  	v2 =	vld [tilespmem:s8+$0x1A710];
	_ =	sdelay $0x1  }
0x159: {  	v1 =	vld.idx.msk [tilespmem:v1+s4+$0x0], $0xffff;
	_ =	sdelay $0x4  }
0x15a: {  	[tilespmem:s8+$0x1D700] =	vst v1;
	v1 =	vld [tilespmem:s8+$0x1A720]  }
0x15b: {  	v2 =	vld.idx.msk [tilespmem:v2+s4+$0x0], $0xffff;
	_ =	sdelay $0x4  }
0x15c: {  	[tilespmem:s8+$0x1D710] =	vst v2;
	v2 =	vld [tilespmem:s8+$0x1A730];
	_ =	sdelay $0x1  }
0x15d: {  	v1 =	vld.idx.msk [tilespmem:v1+s4+$0x0], $0xffff;
	_ =	sdelay $0x4  }
0x15e: {  	[tilespmem:s8+$0x1D720] =	vst v1;
	v1 =	vld [tilespmem:s8+$0x1A740]  }
0x15f: {  	v2 =	vld.idx.msk [tilespmem:v2+s4+$0x0], $0xffff;
	_ =	sdelay $0x4  }
0x160: {  	[tilespmem:s8+$0x1D730] =	vst v2;
	v2 =	vld [tilespmem:s8+$0x1A750];
	_ =	sdelay $0x1  }
0x161: {  	v1 =	vld.idx.msk [tilespmem:v1+s4+$0x0], $0xffff;
	_ =	sdelay $0x4  }
0x162: {  	[tilespmem:s8+$0x1D740] =	vst v1;
	v1 =	vld [tilespmem:s8+$0x1A760]  }
0x163: {  	v2 =	vld.idx.msk [tilespmem:v2+s4+$0x0], $0xffff;
	_ =	sdelay $0x4  }
0x164: {  	[tilespmem:s8+$0x1D750] =	vst v2;
	v2 =	vld [tilespmem:s8+$0x1A770];
	_ =	sdelay $0x1  }
0x165: {  	v1 =	vld.idx.msk [tilespmem:v1+s4+$0x0], $0xffff;
	_ =	sdelay $0x4  }
0x166: {  	[tilespmem:s8+$0x1D760] =	vst v1;
	v1 =	vld [tilespmem:s8+$0x1A780]  }
0x167: {  	v2 =	vld.idx.msk [tilespmem:v2+s4+$0x0], $0xffff;
	_ =	sdelay $0x4  }
0x168: {  	[tilespmem:s8+$0x1D770] =	vst v2;
	v2 =	vld [tilespmem:s8+$0x1A790];
	_ =	sdelay $0x1  }
0x169: {  	v1 =	vld.idx.msk [tilespmem:v1+s4+$0x0], $0xffff;
	_ =	sdelay $0x4  }
0x16a: {  	[tilespmem:s8+$0x1D780] =	vst v1;
	v1 =	vld [tilespmem:s8+$0x1A7A0]  }
0x16b: {  	v2 =	vld.idx.msk [tilespmem:v2+s4+$0x0], $0xffff;
	_ =	sdelay $0x4  }
0x16c: {  	[tilespmem:s8+$0x1D790] =	vst v2;
	v2 =	vld [tilespmem:s8+$0x1A7B0];
	_ =	sdelay $0x1  }
0x16d: {  	v1 =	vld.idx.msk [tilespmem:v1+s4+$0x0], $0xffff;
	_ =	sdelay $0x4  }
0x16e: {  	[tilespmem:s8+$0x1D7A0] =	vst v1;
	v1 =	vld [tilespmem:s8+$0x1A7C0]  }
0x16f: {  	v2 =	vld.idx.msk [tilespmem:v2+s4+$0x0], $0xffff;
	_ =	sdelay $0x4  }
0x170: {  	[tilespmem:s8+$0x1D7B0] =	vst v2;
	v2 =	vld [tilespmem:s8+$0x1A7D0];
	_ =	sdelay $0x1  }
0x171: {  	v1 =	vld.idx.msk [tilespmem:v1+s4+$0x0], $0xffff;
	_ =	sdelay $0x4  }
0x172: {  	v3 =	vld [tilespmem:s8+$0x1A7E0];
	[tilespmem:s8+$0x1D7C0] =	vst v1  }
0x173: {  	v1 =	vld.idx.msk [tilespmem:v2+s4+$0x0], $0xffff;
	_ =	sdelay $0x4  }
0x174: {  	[tilespmem:s8+$0x1D7D0] =	vst v1;
	v1 =	vld [tilespmem:s8+$0x1A7F0];
	_ =	sdelay $0x1  }
0x175: {  	v2 =	vld.idx.msk [tilespmem:v3+s4+$0x0], $0xffff;
	_ =	sdelay $0x3  }
0x176: {  	s10 =	simm.s32 $0x100;
	s9 =	simm.s32 $0x800  }
.LBB2_12:
0x177: {  	p0 =	sne.s32 s9, $0x3C00;
	v3 =	vld [tilespmem:s10+$0x1A700];
	[tilespmem:s8+$0x1D7E0] =	vst v2  }
0x178: {  	v1 =	vld.idx.msk [tilespmem:v1+s4+$0x0], $0xffff;
	_ =	sdelay $0x5  }
0x179: {  	v2 =	vld [tilespmem:s10+$0x1A710];
	[tilespmem:s8+$0x1D7F0] =	vst v1;
	s8 =	smov.u32 s10  }
0x17a: {  	v1 =	vld.idx.msk [tilespmem:v3+s4+$0x0], $0xffff;
	_ =	sdelay $0x5  }
0x17b: {  	[tilespmem:s8+$0x1D700] =	vst v1;
	v1 =	vld [tilespmem:s8+$0x1A720]  }
0x17c: {  	v2 =	vld.idx.msk [tilespmem:v2+s4+$0x0], $0xffff;
	_ =	sdelay $0x5  }
0x17d: {  	[tilespmem:s8+$0x1D710] =	vst v2;
	v2 =	vld [tilespmem:s8+$0x1A730]  }
0x17e: {  	v1 =	vld.idx.msk [tilespmem:v1+s4+$0x0], $0xffff;
	_ =	sdelay $0x5  }
0x17f: {  	[tilespmem:s8+$0x1D720] =	vst v1;
	v1 =	vld [tilespmem:s8+$0x1A740]  }
0x180: {  	v2 =	vld.idx.msk [tilespmem:v2+s4+$0x0], $0xffff;
	_ =	sdelay $0x5  }
0x181: {  	[tilespmem:s8+$0x1D730] =	vst v2;
	v2 =	vld [tilespmem:s8+$0x1A750]  }
0x182: {  	v1 =	vld.idx.msk [tilespmem:v1+s4+$0x0], $0xffff;
	_ =	sdelay $0x5  }
0x183: {  	[tilespmem:s8+$0x1D740] =	vst v1;
	v1 =	vld [tilespmem:s8+$0x1A760]  }
0x184: {  	v2 =	vld.idx.msk [tilespmem:v2+s4+$0x0], $0xffff;
	_ =	sdelay $0x5  }
0x185: {  	[tilespmem:s8+$0x1D750] =	vst v2;
	v2 =	vld [tilespmem:s8+$0x1A770]  }
0x186: {  	v1 =	vld.idx.msk [tilespmem:v1+s4+$0x0], $0xffff;
	_ =	sdelay $0x5  }
0x187: {  	[tilespmem:s8+$0x1D760] =	vst v1;
	v1 =	vld [tilespmem:s8+$0x1A780]  }
0x188: {  	v2 =	vld.idx.msk [tilespmem:v2+s4+$0x0], $0xffff;
	_ =	sdelay $0x5  }
0x189: {  	[tilespmem:s8+$0x1D770] =	vst v2;
	v2 =	vld [tilespmem:s8+$0x1A790]  }
0x18a: {  	v1 =	vld.idx.msk [tilespmem:v1+s4+$0x0], $0xffff;
	_ =	sdelay $0x5  }
0x18b: {  	[tilespmem:s8+$0x1D780] =	vst v1;
	v1 =	vld [tilespmem:s8+$0x1A7A0]  }
0x18c: {  	v2 =	vld.idx.msk [tilespmem:v2+s4+$0x0], $0xffff;
	_ =	sdelay $0x5  }
0x18d: {  	[tilespmem:s8+$0x1D790] =	vst v2;
	v2 =	vld [tilespmem:s8+$0x1A7B0]  }
0x18e: {  	v1 =	vld.idx.msk [tilespmem:v1+s4+$0x0], $0xffff;
	_ =	sdelay $0x5  }
0x18f: {  	[tilespmem:s8+$0x1D7A0] =	vst v1;
	v1 =	vld [tilespmem:s8+$0x1A7C0]  }
0x190: {  	v2 =	vld.idx.msk [tilespmem:v2+s4+$0x0], $0xffff;
	_ =	sdelay $0x5  }
0x191: {  	[tilespmem:s8+$0x1D7B0] =	vst v2;
	v2 =	vld [tilespmem:s8+$0x1A7D0]  }
0x192: {  	v1 =	vld.idx.msk [tilespmem:v1+s4+$0x0], $0xffff;
	_ =	sdelay $0x5  }
0x193: {  	[tilespmem:s8+$0x1D7C0] =	vst v1;
	v3 =	vld [tilespmem:s8+$0x1A7E0]  }
0x194: {  	v1 =	vld.idx.msk [tilespmem:v2+s4+$0x0], $0xffff;
	_ =	sdelay $0x5  }
0x195: {  	[tilespmem:s8+$0x1D7D0] =	vst v1;
	v1 =	vld [tilespmem:s8+$0x1A7F0]  }
0x196: {  	v2 =	vld.idx.msk [tilespmem:v3+s4+$0x0], $0xffff  }
.Ltmp9:
0x197: {  	(pc) =	sbr.rel @p0 .LBB2_12-.Ltmp9, $2  }
0x198: {  	_ =	sdelay $0x2  }
0x199: {  	s10 =	sshra.s32 s9, $0x2;
	s9 =	sadd.s32 $0x400, s9  }
0x19a: {  	_ =	sdelay $0x1  }
0x19b: {  	v3 =	vld [tilespmem:s10+$0x1A700]  }
0x19c: {  	[tilespmem:s8+$0x1D7E0] =	vst v2  }
0x19d: {  	v1 =	vld.idx.msk [tilespmem:v1+s4+$0x0], $0xffff;
	_ =	sdelay $0x3  }
0x19e: {  	v2 =	vld [tilespmem:s10+$0x1A710]  }
0x19f: {  	[tilespmem:s8+$0x1D7F0] =	vst v1  }
0x1a0: {  	v1 =	vld.idx.msk [tilespmem:v3+s4+$0x0], $0xffff;
	_ =	sdelay $0x4  }
0x1a1: {  	[tilespmem:s10+$0x1D700] =	vst v1;
	v1 =	vld [tilespmem:s10+$0x1A720]  }
0x1a2: {  	v2 =	vld.idx.msk [tilespmem:v2+s4+$0x0], $0xffff;
	_ =	sdelay $0x4  }
0x1a3: {  	[tilespmem:s10+$0x1D710] =	vst v2;
	v2 =	vld [tilespmem:s10+$0x1A730];
	_ =	sdelay $0x1  }
0x1a4: {  	v1 =	vld.idx.msk [tilespmem:v1+s4+$0x0], $0xffff;
	_ =	sdelay $0x4  }
0x1a5: {  	[tilespmem:s10+$0x1D720] =	vst v1;
	v1 =	vld [tilespmem:s10+$0x1A740]  }
0x1a6: {  	v2 =	vld.idx.msk [tilespmem:v2+s4+$0x0], $0xffff;
	_ =	sdelay $0x4  }
0x1a7: {  	[tilespmem:s10+$0x1D730] =	vst v2;
	v2 =	vld [tilespmem:s10+$0x1A750];
	_ =	sdelay $0x1  }
0x1a8: {  	v1 =	vld.idx.msk [tilespmem:v1+s4+$0x0], $0xffff;
	_ =	sdelay $0x4  }
0x1a9: {  	[tilespmem:s10+$0x1D740] =	vst v1;
	v1 =	vld [tilespmem:s10+$0x1A760]  }
0x1aa: {  	v2 =	vld.idx.msk [tilespmem:v2+s4+$0x0], $0xffff;
	_ =	sdelay $0x4  }
0x1ab: {  	[tilespmem:s10+$0x1D750] =	vst v2;
	v2 =	vld [tilespmem:s10+$0x1A770];
	_ =	sdelay $0x1  }
0x1ac: {  	v1 =	vld.idx.msk [tilespmem:v1+s4+$0x0], $0xffff;
	_ =	sdelay $0x4  }
0x1ad: {  	[tilespmem:s10+$0x1D760] =	vst v1;
	v1 =	vld [tilespmem:s10+$0x1A780]  }
0x1ae: {  	v2 =	vld.idx.msk [tilespmem:v2+s4+$0x0], $0xffff;
	_ =	sdelay $0x4  }
0x1af: {  	[tilespmem:s10+$0x1D770] =	vst v2;
	v2 =	vld [tilespmem:s10+$0x1A790];
	_ =	sdelay $0x1  }
0x1b0: {  	v1 =	vld.idx.msk [tilespmem:v1+s4+$0x0], $0xffff;
	_ =	sdelay $0x4  }
0x1b1: {  	[tilespmem:s10+$0x1D780] =	vst v1;
	v1 =	vld [tilespmem:s10+$0x1A7A0]  }
0x1b2: {  	v2 =	vld.idx.msk [tilespmem:v2+s4+$0x0], $0xffff;
	_ =	sdelay $0x4  }
0x1b3: {  	[tilespmem:s10+$0x1D790] =	vst v2;
	v2 =	vld [tilespmem:s10+$0x1A7B0];
	_ =	sdelay $0x1  }
0x1b4: {  	v1 =	vld.idx.msk [tilespmem:v1+s4+$0x0], $0xffff;
	_ =	sdelay $0x4  }
0x1b5: {  	[tilespmem:s10+$0x1D7A0] =	vst v1;
	v1 =	vld [tilespmem:s10+$0x1A7C0]  }
0x1b6: {  	v2 =	vld.idx.msk [tilespmem:v2+s4+$0x0], $0xffff;
	_ =	sdelay $0x4  }
0x1b7: {  	[tilespmem:s10+$0x1D7B0] =	vst v2;
	v2 =	vld [tilespmem:s10+$0x1A7D0];
	_ =	sdelay $0x1  }
0x1b8: {  	v1 =	vld.idx.msk [tilespmem:v1+s4+$0x0], $0xffff;
	_ =	sdelay $0x4  }
0x1b9: {  	[tilespmem:s10+$0x1D7C0] =	vst v1;
	v1 =	vld [tilespmem:s10+$0x1A7E0]  }
0x1ba: {  	v2 =	vld.idx.msk [tilespmem:v2+s4+$0x0], $0xffff;
	_ =	sdelay $0x4  }
0x1bb: {  	[tilespmem:s10+$0x1D7D0] =	vst v2;
	v2 =	vld [tilespmem:s10+$0x1A7F0];
	_ =	sdelay $0x1  }
0x1bc: {  	v1 =	vld.idx.msk [tilespmem:v1+s4+$0x0], $0xffff;
	_ =	sdelay $0x3  }
0x1bd: {  	s8 =	sadd.s32 s5, s25  }
0x1be: {  	s9 =	sshll.u32 s8, $0xC;
	[tilespmem:s10+$0x1D7E0] =	vst v1  }
0x1bf: {  	s25 =	sshll.u32 s8, $0xF;
	s9 =	sand.u32 $0xFFFE0000, s9;
	v1 =	vld.idx.msk [tilespmem:v2+s4+$0x0], $0xffff  }
0x1c0: {  	s8 =	sshll.u32 s8, $0x5;
	s25 =	sand.u32 $0x18000, s25;
	s9 =	sadd.s32 s12, s9  }
0x1c1: {  	s8 =	sand.u32 $0x380, s8;
	s9 =	sor.u32 s25, s9  }
0x1c2: {  	s8 =	sor.u32 s8, s9  }
0x1c3: {  	s8 =	sshrl.u32 s8, $0x3  }
0x1c4: {  	s8 =	sadd.s32 s3, s8;
	[tilespmem:s10+$0x1D7F0] =	vst v1  }
0x1c5: {  	[hbm4b:s8+s20] =	stream.strided.scatter [tilespmem:s1], [sflag:$0x6], $0x1000, s21, s20, $0x38;
	[tilespmem:$0x1E700] =	vst v63  }
0x1c6: {  	s8 =	sadd.s32 $0x5, s24  }
0x1c7: {  	p0 =	sge.u32 s8, s6  }
0x1c8: {  	s8 =	sadd.s32 @!p0 s5, s8  }
0x1c9: {  	s9 =	sshll.u32 @!p0 s8, $0xC;
	s10 =	sshll.u32 @!p0 s8, $0xF  }
0x1ca: {  	s8 =	sshll.u32 @!p0 s8, $0x5;
	s9 =	sand.u32 @!p0 $0xFFFE0000, s9;
	s10 =	sand.u32 @!p0 $0x18000, s10  }
.Ltmp10:
0x1cb: {  	s8 =	sand.u32 @!p0 $0x380, s8;
	s9 =	sor.u32 @!p0 s10, s9;
	(pc) =	sbr.rel .LBB2_14-.Ltmp10, $4  }
0x1cc: {  	s8 =	sor.u32 @!p0 s8, s9  }
0x1cd: {  	s24 =	simm.s32 @!p0 $0x1A700;
	s8 =	sshrl.u32 @!p0 s8, $0x3  }
0x1ce: {  	s10 =	simm.s32 @!p0 $0x400;
	s9 =	simm.s32 @!p0 $0x80;
	s8 =	sadd.s32 @!p0 s2, s8  }
0x1cf: {  	[tilespmem:s24], [sflag:$0x3] =	stream.strided.gather @!p0 [hbm4b:s8+s9], $0x1000, s10, s9, $0x38;
	[tilespmem:$0x1E700] =	vst v63  }
.LBB2_15:
0x1d0: {  	_ =	swait.ge [sflag:s0], $0x1000  }
0x1d1: {  	[sflag:s0] =	ssyncset.done $0x0  }
0x1d2: {  	[sflag:s0] =	ssyncadd.s32 $0xFFFFF000  }
0x1d3: {  	p0 =	slt.u32 s5, $0x2E;
	_ =	swait.ge [sflag:s13], $0x1000  }
.Ltmp11:
0x1d4: {  	[sflag:s13] =	ssyncset.done $0x0;
	(pc) =	sbr.rel @p0 .LBB2_31-.Ltmp11, $4  }
0x1d5: {  	[sflag:s13] =	ssyncadd.s32 $0xFFFFF000  }
0x1d6: {  	_ =	swait.ge [sflag:s14], $0x1000  }
0x1d7: {  	[sflag:s14] =	ssyncset.done $0x0  }
0x1d8: {  	[sflag:s14] =	ssyncadd.s32 $0xFFFFF000  }
0x1d9: {  	s23 =	simm.s32 $0x0;
	s8 =	rddreg [dreg:$0x7]  }
0x1da: {  	[tilespmem:s23], [sflag:$0x7] =	stream.strided.gather [hbm4b:s8+s20], $0x18700, s21, s20, $0x38;
	[tilespmem:$0x1E700] =	vst v63  }
0x1db: {  	_ =	swait.ge [sflag:s22], $0x18700  }
0x1dc: {  	[sflag:s22] =	ssyncset.done $0x0  }
0x1dd: {  	[sflag:s22] =	ssyncadd.s32 $0xFFFE7900  }
0x1de: {  	v1 =	vld [tilespmem:$0x0];
	_ =	sdelay $0x3  }
0x1df: {  	vm0 =	veq.s32 v0, $0x4  }
0x1e0: {  	v1 =	vsel vm0, $0x0, v1  }
0x1e1: {  	s9 =	simm.s32 $0x18700;
	[tilespmem:$0x0] =	vst v1  }
0x1e2: {  	[tilespmem:s9], [sflag:$0x1] =	stream.strided.gather [hbm4b:s2+s20], $0x1000, s21, s20, $0x38;
	[tilespmem:$0x1E700] =	vst v63  }
.Ltmp12:
0x1e3: {  	_ = 	snop;
	(pc) =	sbr.rel .LBB2_17-.Ltmp12, $4  }
0x1e4: {  	s10 =	rddreg [dreg:$0x8];
	s9 =	simm.s32 $0x19700  }
0x1e5: {  	[tilespmem:s9], [sflag:$0x2] =	stream.strided.gather [hbm4b:s10+s20], $0x1000, s21, s20, $0x38;
	[tilespmem:$0x1E700] =	vst v63  }
0x1e6: {  	s25 =	simm.s32 $0x1A700;
	s24 =	rddreg [dreg:$0x9]  }
0x1e7: {  	[tilespmem:s25], [sflag:$0x3] =	stream.strided.gather [hbm4b:s24+s20], $0x1000, s21, s20, $0x38;
	[tilespmem:$0x1E700] =	vst v63  }
.LBB2_29:
0x1e8: {  	s23 =	sadd.s32 $0x1, s23  }
0x1e9: {  	p0 =	sne.s32 s23, s18  }
.Ltmp13:
0x1ea: {  	_ = 	snop;
	(pc) =	sbr.rel @!p0 .LBB2_30-.Ltmp13, $1  }
0x1eb: {  	_ =	sdelay $0x3  }
.LBB2_17:
0x1ec: {  	s24 =	smul.u32 $0x3, s23;
	_ =	sdelay $0x1  }
0x1ed: {  	p1 =	sge.u32 s24, s7  }
.Ltmp14:
0x1ee: {  	_ = 	snop;
	(pc) =	sbr.rel @p1 .LBB2_21-.Ltmp14, $2  }
0x1ef: {  	_ =	sdelay $0x2  }
0x1f0: {  	p0 =	seq.s32 s23, $0x0  }
0x1f1: {  	_ =	swait.ge [sflag:s26], $0x1000  }
0x1f2: {  	[sflag:s26] =	ssyncset.done $0x0  }
0x1f3: {  	s8 =	simm.s32 @!p0 $0x4;
	[sflag:s26] =	ssyncadd.s32 $0xFFFFF000  }
0x1f4: {  	_ =	swait.ge @!p0 [sflag:s8], $0x1000  }
0x1f5: {  	[sflag:s8] =	ssyncset.done @!p0 $0x0  }
0x1f6: {  	[sflag:s8] =	ssyncadd.s32 @!p0 $0xFFFFF000;
	s8 =	simm.s32 $0x0  }
0x1f7: {  	v1 =	vld [tilespmem:s8+$0x18700];
	_ =	sdelay $0x5  }
0x1f8: {  	v2 =	vld [tilespmem:s8+$0x18710];
	_ =	sdelay $0x1  }
0x1f9: {  	v1 =	vld.idx.msk [tilespmem:v1+s4+$0x0], $0xffff;
	_ =	sdelay $0x4  }
0x1fa: {  	[tilespmem:s8+$0x1B700] =	vst v1;
	v1 =	vld [tilespmem:s8+$0x18720]  }
0x1fb: {  	v2 =	vld.idx.msk [tilespmem:v2+s4+$0x0], $0xffff;
	_ =	sdelay $0x4  }
0x1fc: {  	[tilespmem:s8+$0x1B710] =	vst v2;
	v2 =	vld [tilespmem:s8+$0x18730];
	_ =	sdelay $0x1  }
0x1fd: {  	v1 =	vld.idx.msk [tilespmem:v1+s4+$0x0], $0xffff;
	_ =	sdelay $0x4  }
0x1fe: {  	[tilespmem:s8+$0x1B720] =	vst v1;
	v1 =	vld [tilespmem:s8+$0x18740]  }
0x1ff: {  	v2 =	vld.idx.msk [tilespmem:v2+s4+$0x0], $0xffff;
	_ =	sdelay $0x4  }
0x200: {  	[tilespmem:s8+$0x1B730] =	vst v2;
	v2 =	vld [tilespmem:s8+$0x18750];
	_ =	sdelay $0x1  }
0x201: {  	v1 =	vld.idx.msk [tilespmem:v1+s4+$0x0], $0xffff;
	_ =	sdelay $0x4  }
0x202: {  	[tilespmem:s8+$0x1B740] =	vst v1;
	v1 =	vld [tilespmem:s8+$0x18760]  }
0x203: {  	v2 =	vld.idx.msk [tilespmem:v2+s4+$0x0], $0xffff;
	_ =	sdelay $0x4  }
0x204: {  	[tilespmem:s8+$0x1B750] =	vst v2;
	v2 =	vld [tilespmem:s8+$0x18770];
	_ =	sdelay $0x1  }
0x205: {  	v1 =	vld.idx.msk [tilespmem:v1+s4+$0x0], $0xffff;
	_ =	sdelay $0x4  }
0x206: {  	[tilespmem:s8+$0x1B760] =	vst v1;
	v1 =	vld [tilespmem:s8+$0x18780]  }
0x207: {  	v2 =	vld.idx.msk [tilespmem:v2+s4+$0x0], $0xffff;
	_ =	sdelay $0x4  }
0x208: {  	[tilespmem:s8+$0x1B770] =	vst v2;
	v2 =	vld [tilespmem:s8+$0x18790];
	_ =	sdelay $0x1  }
0x209: {  	v1 =	vld.idx.msk [tilespmem:v1+s4+$0x0], $0xffff;
	_ =	sdelay $0x4  }
0x20a: {  	[tilespmem:s8+$0x1B780] =	vst v1;
	v1 =	vld [tilespmem:s8+$0x187A0]  }
0x20b: {  	v2 =	vld.idx.msk [tilespmem:v2+s4+$0x0], $0xffff;
	_ =	sdelay $0x4  }
0x20c: {  	[tilespmem:s8+$0x1B790] =	vst v2;
	v2 =	vld [tilespmem:s8+$0x187B0];
	_ =	sdelay $0x1  }
0x20d: {  	v1 =	vld.idx.msk [tilespmem:v1+s4+$0x0], $0xffff;
	_ =	sdelay $0x4  }
0x20e: {  	[tilespmem:s8+$0x1B7A0] =	vst v1;
	v1 =	vld [tilespmem:s8+$0x187C0]  }
0x20f: {  	v2 =	vld.idx.msk [tilespmem:v2+s4+$0x0], $0xffff;
	_ =	sdelay $0x4  }
0x210: {  	[tilespmem:s8+$0x1B7B0] =	vst v2;
	v2 =	vld [tilespmem:s8+$0x187D0];
	_ =	sdelay $0x1  }
0x211: {  	v1 =	vld.idx.msk [tilespmem:v1+s4+$0x0], $0xffff;
	_ =	sdelay $0x4  }
0x212: {  	v3 =	vld [tilespmem:s8+$0x187E0];
	[tilespmem:s8+$0x1B7C0] =	vst v1  }
0x213: {  	v1 =	vld.idx.msk [tilespmem:v2+s4+$0x0], $0xffff;
	_ =	sdelay $0x4  }
0x214: {  	[tilespmem:s8+$0x1B7D0] =	vst v1;
	v1 =	vld [tilespmem:s8+$0x187F0];
	_ =	sdelay $0x1  }
0x215: {  	v2 =	vld.idx.msk [tilespmem:v3+s4+$0x0], $0xffff;
	_ =	sdelay $0x3  }
0x216: {  	s10 =	simm.s32 $0x100;
	s9 =	simm.s32 $0x800  }
.LBB2_19:
0x217: {  	p1 =	sne.s32 s9, $0x3C00;
	v3 =	vld [tilespmem:s10+$0x18700];
	[tilespmem:s8+$0x1B7E0] =	vst v2  }
0x218: {  	v1 =	vld.idx.msk [tilespmem:v1+s4+$0x0], $0xffff;
	_ =	sdelay $0x5  }
0x219: {  	v2 =	vld [tilespmem:s10+$0x18710];
	[tilespmem:s8+$0x1B7F0] =	vst v1;
	s8 =	smov.u32 s10  }
0x21a: {  	v1 =	vld.idx.msk [tilespmem:v3+s4+$0x0], $0xffff;
	_ =	sdelay $0x5  }
0x21b: {  	[tilespmem:s8+$0x1B700] =	vst v1;
	v1 =	vld [tilespmem:s8+$0x18720]  }
0x21c: {  	v2 =	vld.idx.msk [tilespmem:v2+s4+$0x0], $0xffff;
	_ =	sdelay $0x5  }
0x21d: {  	[tilespmem:s8+$0x1B710] =	vst v2;
	v2 =	vld [tilespmem:s8+$0x18730]  }
0x21e: {  	v1 =	vld.idx.msk [tilespmem:v1+s4+$0x0], $0xffff;
	_ =	sdelay $0x5  }
0x21f: {  	[tilespmem:s8+$0x1B720] =	vst v1;
	v1 =	vld [tilespmem:s8+$0x18740]  }
0x220: {  	v2 =	vld.idx.msk [tilespmem:v2+s4+$0x0], $0xffff;
	_ =	sdelay $0x5  }
0x221: {  	[tilespmem:s8+$0x1B730] =	vst v2;
	v2 =	vld [tilespmem:s8+$0x18750]  }
0x222: {  	v1 =	vld.idx.msk [tilespmem:v1+s4+$0x0], $0xffff;
	_ =	sdelay $0x5  }
0x223: {  	[tilespmem:s8+$0x1B740] =	vst v1;
	v1 =	vld [tilespmem:s8+$0x18760]  }
0x224: {  	v2 =	vld.idx.msk [tilespmem:v2+s4+$0x0], $0xffff;
	_ =	sdelay $0x5  }
0x225: {  	[tilespmem:s8+$0x1B750] =	vst v2;
	v2 =	vld [tilespmem:s8+$0x18770]  }
0x226: {  	v1 =	vld.idx.msk [tilespmem:v1+s4+$0x0], $0xffff;
	_ =	sdelay $0x5  }
0x227: {  	[tilespmem:s8+$0x1B760] =	vst v1;
	v1 =	vld [tilespmem:s8+$0x18780]  }
0x228: {  	v2 =	vld.idx.msk [tilespmem:v2+s4+$0x0], $0xffff;
	_ =	sdelay $0x5  }
0x229: {  	[tilespmem:s8+$0x1B770] =	vst v2;
	v2 =	vld [tilespmem:s8+$0x18790]  }
0x22a: {  	v1 =	vld.idx.msk [tilespmem:v1+s4+$0x0], $0xffff;
	_ =	sdelay $0x5  }
0x22b: {  	[tilespmem:s8+$0x1B780] =	vst v1;
	v1 =	vld [tilespmem:s8+$0x187A0]  }
0x22c: {  	v2 =	vld.idx.msk [tilespmem:v2+s4+$0x0], $0xffff;
	_ =	sdelay $0x5  }
0x22d: {  	[tilespmem:s8+$0x1B790] =	vst v2;
	v2 =	vld [tilespmem:s8+$0x187B0]  }
0x22e: {  	v1 =	vld.idx.msk [tilespmem:v1+s4+$0x0], $0xffff;
	_ =	sdelay $0x5  }
0x22f: {  	[tilespmem:s8+$0x1B7A0] =	vst v1;
	v1 =	vld [tilespmem:s8+$0x187C0]  }
0x230: {  	v2 =	vld.idx.msk [tilespmem:v2+s4+$0x0], $0xffff;
	_ =	sdelay $0x5  }
0x231: {  	[tilespmem:s8+$0x1B7B0] =	vst v2;
	v2 =	vld [tilespmem:s8+$0x187D0]  }
0x232: {  	v1 =	vld.idx.msk [tilespmem:v1+s4+$0x0], $0xffff;
	_ =	sdelay $0x5  }
0x233: {  	[tilespmem:s8+$0x1B7C0] =	vst v1;
	v3 =	vld [tilespmem:s8+$0x187E0]  }
0x234: {  	v1 =	vld.idx.msk [tilespmem:v2+s4+$0x0], $0xffff;
	_ =	sdelay $0x5  }
0x235: {  	[tilespmem:s8+$0x1B7D0] =	vst v1;
	v1 =	vld [tilespmem:s8+$0x187F0]  }
0x236: {  	v2 =	vld.idx.msk [tilespmem:v3+s4+$0x0], $0xffff  }
.Ltmp15:
0x237: {  	(pc) =	sbr.rel @p1 .LBB2_19-.Ltmp15, $2  }
0x238: {  	_ =	sdelay $0x2  }
0x239: {  	s10 =	sshra.s32 s9, $0x2;
	s9 =	sadd.s32 $0x400, s9  }
0x23a: {  	_ =	sdelay $0x1  }
0x23b: {  	v3 =	vld [tilespmem:s10+$0x18700]  }
0x23c: {  	[tilespmem:s8+$0x1B7E0] =	vst v2  }
0x23d: {  	v1 =	vld.idx.msk [tilespmem:v1+s4+$0x0], $0xffff;
	_ =	sdelay $0x3  }
0x23e: {  	v2 =	vld [tilespmem:s10+$0x18710]  }
0x23f: {  	[tilespmem:s8+$0x1B7F0] =	vst v1  }
0x240: {  	v1 =	vld.idx.msk [tilespmem:v3+s4+$0x0], $0xffff;
	_ =	sdelay $0x4  }
0x241: {  	[tilespmem:s10+$0x1B700] =	vst v1;
	v1 =	vld [tilespmem:s10+$0x18720]  }
0x242: {  	v2 =	vld.idx.msk [tilespmem:v2+s4+$0x0], $0xffff;
	_ =	sdelay $0x4  }
0x243: {  	[tilespmem:s10+$0x1B710] =	vst v2;
	v2 =	vld [tilespmem:s10+$0x18730];
	_ =	sdelay $0x1  }
0x244: {  	v1 =	vld.idx.msk [tilespmem:v1+s4+$0x0], $0xffff;
	_ =	sdelay $0x4  }
0x245: {  	[tilespmem:s10+$0x1B720] =	vst v1;
	v1 =	vld [tilespmem:s10+$0x18740]  }
0x246: {  	v2 =	vld.idx.msk [tilespmem:v2+s4+$0x0], $0xffff;
	_ =	sdelay $0x4  }
0x247: {  	[tilespmem:s10+$0x1B730] =	vst v2;
	v2 =	vld [tilespmem:s10+$0x18750];
	_ =	sdelay $0x1  }
0x248: {  	v1 =	vld.idx.msk [tilespmem:v1+s4+$0x0], $0xffff;
	_ =	sdelay $0x4  }
0x249: {  	[tilespmem:s10+$0x1B740] =	vst v1;
	v1 =	vld [tilespmem:s10+$0x18760]  }
0x24a: {  	v2 =	vld.idx.msk [tilespmem:v2+s4+$0x0], $0xffff;
	_ =	sdelay $0x4  }
0x24b: {  	[tilespmem:s10+$0x1B750] =	vst v2;
	v2 =	vld [tilespmem:s10+$0x18770];
	_ =	sdelay $0x1  }
0x24c: {  	v1 =	vld.idx.msk [tilespmem:v1+s4+$0x0], $0xffff;
	_ =	sdelay $0x4  }
0x24d: {  	[tilespmem:s10+$0x1B760] =	vst v1;
	v1 =	vld [tilespmem:s10+$0x18780]  }
0x24e: {  	v2 =	vld.idx.msk [tilespmem:v2+s4+$0x0], $0xffff;
	_ =	sdelay $0x4  }
0x24f: {  	[tilespmem:s10+$0x1B770] =	vst v2;
	v2 =	vld [tilespmem:s10+$0x18790];
	_ =	sdelay $0x1  }
0x250: {  	v1 =	vld.idx.msk [tilespmem:v1+s4+$0x0], $0xffff;
	_ =	sdelay $0x4  }
0x251: {  	[tilespmem:s10+$0x1B780] =	vst v1;
	v1 =	vld [tilespmem:s10+$0x187A0]  }
0x252: {  	v2 =	vld.idx.msk [tilespmem:v2+s4+$0x0], $0xffff;
	_ =	sdelay $0x4  }
0x253: {  	[tilespmem:s10+$0x1B790] =	vst v2;
	v2 =	vld [tilespmem:s10+$0x187B0];
	_ =	sdelay $0x1  }
0x254: {  	v1 =	vld.idx.msk [tilespmem:v1+s4+$0x0], $0xffff;
	_ =	sdelay $0x4  }
0x255: {  	[tilespmem:s10+$0x1B7A0] =	vst v1;
	v1 =	vld [tilespmem:s10+$0x187C0]  }
0x256: {  	v2 =	vld.idx.msk [tilespmem:v2+s4+$0x0], $0xffff;
	_ =	sdelay $0x4  }
0x257: {  	[tilespmem:s10+$0x1B7B0] =	vst v2;
	v2 =	vld [tilespmem:s10+$0x187D0];
	_ =	sdelay $0x1  }
0x258: {  	v1 =	vld.idx.msk [tilespmem:v1+s4+$0x0], $0xffff;
	_ =	sdelay $0x4  }
0x259: {  	[tilespmem:s10+$0x1B7C0] =	vst v1;
	v1 =	vld [tilespmem:s10+$0x187E0]  }
0x25a: {  	v2 =	vld.idx.msk [tilespmem:v2+s4+$0x0], $0xffff;
	_ =	sdelay $0x4  }
0x25b: {  	[tilespmem:s10+$0x1B7D0] =	vst v2;
	v2 =	vld [tilespmem:s10+$0x187F0];
	_ =	sdelay $0x1  }
0x25c: {  	v1 =	vld.idx.msk [tilespmem:v1+s4+$0x0], $0xffff;
	_ =	sdelay $0x4  }
0x25d: {  	s25 =	sshll.u32 s24, $0xC;
	s9 =	smul.u32 $0x18000, s23;
	[tilespmem:s10+$0x1B7E0] =	vst v1  }
0x25e: {  	s8 =	sand.u32 $0x7FFE0000, s25;
	v1 =	vld.idx.msk [tilespmem:v2+s4+$0x0], $0xffff  }
0x25f: {  	s9 =	sand.u32 $0x18000, s9;
	s25 =	sshll.u32 s24, $0x5;
	s8 =	sadd.s32 s16, s8  }
0x260: {  	s25 =	sand.u32 $0x380, s25;
	s8 =	sor.u32 s9, s8  }
0x261: {  	s8 =	sor.u32 s25, s8  }
0x262: {  	s8 =	sshrl.u32 s8, $0x3  }
0x263: {  	s8 =	sadd.s32 s3, s8;
	[tilespmem:s10+$0x1B7F0] =	vst v1  }
0x264: {  	[hbm4b:s8+s20] =	stream.strided.scatter [tilespmem:s28], [sflag:$0x4], $0x1000, s21, s20, $0x38;
	[tilespmem:$0x1E700] =	vst v63  }
0x265: {  	s8 =	sadd.s32 $0x3, s24  }
0x266: {  	p1 =	sge.u32 s8, s7  }
0x267: {  	s9 =	sshll.u32 @!p1 s8, $0xC;
	s10 =	sshll.u32 @!p1 s8, $0xF  }
0x268: {  	s8 =	sshll.u32 @!p1 s8, $0x5;
	s9 =	sand.u32 @!p1 $0x7FFE0000, s9;
	s10 =	sand.u32 @!p1 $0x18000, s10  }
0x269: {  	s8 =	sand.u32 @!p1 $0x380, s8;
	s9 =	sor.u32 @!p1 s10, s9  }
0x26a: {  	s8 =	sor.u32 @!p1 s8, s9  }
0x26b: {  	s25 =	simm.s32 @!p1 $0x18700;
	s8 =	sshrl.u32 @!p1 s8, $0x3  }
0x26c: {  	s10 =	simm.s32 @!p1 $0x400;
	s9 =	simm.s32 @!p1 $0x80;
	s8 =	sadd.s32 @!p1 s2, s8  }
0x26d: {  	[tilespmem:s25], [sflag:$0x1] =	stream.strided.gather @!p1 [hbm4b:s8+s9], $0x1000, s10, s9, $0x38;
	[tilespmem:$0x1E700] =	vst v63  }
.LBB2_21:
0x26e: {  	s25 =	sadd.s32 $0x1, s24  }
0x26f: {  	p1 =	sge.u32 s25, s7  }
.Ltmp16:
0x270: {  	_ = 	snop;
	(pc) =	sbr.rel @p1 .LBB2_25-.Ltmp16, $1  }
0x271: {  	_ =	sdelay $0x3  }
0x272: {  	_ =	swait.ge [sflag:s29], $0x1000  }
0x273: {  	[sflag:s29] =	ssyncset.done $0x0  }
0x274: {  	s8 =	simm.s32 @!p0 $0x5;
	[sflag:s29] =	ssyncadd.s32 $0xFFFFF000  }
0x275: {  	_ =	swait.ge @!p0 [sflag:s8], $0x1000  }
0x276: {  	[sflag:s8] =	ssyncset.done @!p0 $0x0  }
0x277: {  	[sflag:s8] =	ssyncadd.s32 @!p0 $0xFFFFF000;
	s8 =	simm.s32 $0x0  }
0x278: {  	v1 =	vld [tilespmem:s8+$0x19700];
	_ =	sdelay $0x5  }
0x279: {  	v2 =	vld [tilespmem:s8+$0x19710];
	_ =	sdelay $0x1  }
0x27a: {  	v1 =	vld.idx.msk [tilespmem:v1+s4+$0x0], $0xffff;
	_ =	sdelay $0x4  }
0x27b: {  	[tilespmem:s8+$0x1C700] =	vst v1;
	v1 =	vld [tilespmem:s8+$0x19720]  }
0x27c: {  	v2 =	vld.idx.msk [tilespmem:v2+s4+$0x0], $0xffff;
	_ =	sdelay $0x4  }
0x27d: {  	[tilespmem:s8+$0x1C710] =	vst v2;
	v2 =	vld [tilespmem:s8+$0x19730];
	_ =	sdelay $0x1  }
0x27e: {  	v1 =	vld.idx.msk [tilespmem:v1+s4+$0x0], $0xffff;
	_ =	sdelay $0x4  }
0x27f: {  	[tilespmem:s8+$0x1C720] =	vst v1;
	v1 =	vld [tilespmem:s8+$0x19740]  }
0x280: {  	v2 =	vld.idx.msk [tilespmem:v2+s4+$0x0], $0xffff;
	_ =	sdelay $0x4  }
0x281: {  	[tilespmem:s8+$0x1C730] =	vst v2;
	v2 =	vld [tilespmem:s8+$0x19750];
	_ =	sdelay $0x1  }
0x282: {  	v1 =	vld.idx.msk [tilespmem:v1+s4+$0x0], $0xffff;
	_ =	sdelay $0x4  }
0x283: {  	[tilespmem:s8+$0x1C740] =	vst v1;
	v1 =	vld [tilespmem:s8+$0x19760]  }
0x284: {  	v2 =	vld.idx.msk [tilespmem:v2+s4+$0x0], $0xffff;
	_ =	sdelay $0x4  }
0x285: {  	[tilespmem:s8+$0x1C750] =	vst v2;
	v2 =	vld [tilespmem:s8+$0x19770];
	_ =	sdelay $0x1  }
0x286: {  	v1 =	vld.idx.msk [tilespmem:v1+s4+$0x0], $0xffff;
	_ =	sdelay $0x4  }
0x287: {  	[tilespmem:s8+$0x1C760] =	vst v1;
	v1 =	vld [tilespmem:s8+$0x19780]  }
0x288: {  	v2 =	vld.idx.msk [tilespmem:v2+s4+$0x0], $0xffff;
	_ =	sdelay $0x4  }
0x289: {  	[tilespmem:s8+$0x1C770] =	vst v2;
	v2 =	vld [tilespmem:s8+$0x19790];
	_ =	sdelay $0x1  }
0x28a: {  	v1 =	vld.idx.msk [tilespmem:v1+s4+$0x0], $0xffff;
	_ =	sdelay $0x4  }
0x28b: {  	[tilespmem:s8+$0x1C780] =	vst v1;
	v1 =	vld [tilespmem:s8+$0x197A0]  }
0x28c: {  	v2 =	vld.idx.msk [tilespmem:v2+s4+$0x0], $0xffff;
	_ =	sdelay $0x4  }
0x28d: {  	[tilespmem:s8+$0x1C790] =	vst v2;
	v2 =	vld [tilespmem:s8+$0x197B0];
	_ =	sdelay $0x1  }
0x28e: {  	v1 =	vld.idx.msk [tilespmem:v1+s4+$0x0], $0xffff;
	_ =	sdelay $0x4  }
0x28f: {  	[tilespmem:s8+$0x1C7A0] =	vst v1;
	v1 =	vld [tilespmem:s8+$0x197C0]  }
0x290: {  	v2 =	vld.idx.msk [tilespmem:v2+s4+$0x0], $0xffff;
	_ =	sdelay $0x4  }
0x291: {  	[tilespmem:s8+$0x1C7B0] =	vst v2;
	v2 =	vld [tilespmem:s8+$0x197D0];
	_ =	sdelay $0x1  }
0x292: {  	v1 =	vld.idx.msk [tilespmem:v1+s4+$0x0], $0xffff;
	_ =	sdelay $0x4  }
0x293: {  	v3 =	vld [tilespmem:s8+$0x197E0];
	[tilespmem:s8+$0x1C7C0] =	vst v1  }
0x294: {  	v1 =	vld.idx.msk [tilespmem:v2+s4+$0x0], $0xffff;
	_ =	sdelay $0x4  }
0x295: {  	[tilespmem:s8+$0x1C7D0] =	vst v1;
	v1 =	vld [tilespmem:s8+$0x197F0];
	_ =	sdelay $0x1  }
0x296: {  	v2 =	vld.idx.msk [tilespmem:v3+s4+$0x0], $0xffff;
	_ =	sdelay $0x3  }
0x297: {  	s10 =	simm.s32 $0x100;
	s9 =	simm.s32 $0x800  }
.LBB2_23:
0x298: {  	p1 =	sne.s32 s9, $0x3C00;
	v3 =	vld [tilespmem:s10+$0x19700];
	[tilespmem:s8+$0x1C7E0] =	vst v2  }
0x299: {  	v1 =	vld.idx.msk [tilespmem:v1+s4+$0x0], $0xffff;
	_ =	sdelay $0x5  }
0x29a: {  	v2 =	vld [tilespmem:s10+$0x19710];
	[tilespmem:s8+$0x1C7F0] =	vst v1;
	s8 =	smov.u32 s10  }
0x29b: {  	v1 =	vld.idx.msk [tilespmem:v3+s4+$0x0], $0xffff;
	_ =	sdelay $0x5  }
0x29c: {  	[tilespmem:s8+$0x1C700] =	vst v1;
	v1 =	vld [tilespmem:s8+$0x19720]  }
0x29d: {  	v2 =	vld.idx.msk [tilespmem:v2+s4+$0x0], $0xffff;
	_ =	sdelay $0x5  }
0x29e: {  	[tilespmem:s8+$0x1C710] =	vst v2;
	v2 =	vld [tilespmem:s8+$0x19730]  }
0x29f: {  	v1 =	vld.idx.msk [tilespmem:v1+s4+$0x0], $0xffff;
	_ =	sdelay $0x5  }
0x2a0: {  	[tilespmem:s8+$0x1C720] =	vst v1;
	v1 =	vld [tilespmem:s8+$0x19740]  }
0x2a1: {  	v2 =	vld.idx.msk [tilespmem:v2+s4+$0x0], $0xffff;
	_ =	sdelay $0x5  }
0x2a2: {  	[tilespmem:s8+$0x1C730] =	vst v2;
	v2 =	vld [tilespmem:s8+$0x19750]  }
0x2a3: {  	v1 =	vld.idx.msk [tilespmem:v1+s4+$0x0], $0xffff;
	_ =	sdelay $0x5  }
0x2a4: {  	[tilespmem:s8+$0x1C740] =	vst v1;
	v1 =	vld [tilespmem:s8+$0x19760]  }
0x2a5: {  	v2 =	vld.idx.msk [tilespmem:v2+s4+$0x0], $0xffff;
	_ =	sdelay $0x5  }
0x2a6: {  	[tilespmem:s8+$0x1C750] =	vst v2;
	v2 =	vld [tilespmem:s8+$0x19770]  }
0x2a7: {  	v1 =	vld.idx.msk [tilespmem:v1+s4+$0x0], $0xffff;
	_ =	sdelay $0x5  }
0x2a8: {  	[tilespmem:s8+$0x1C760] =	vst v1;
	v1 =	vld [tilespmem:s8+$0x19780]  }
0x2a9: {  	v2 =	vld.idx.msk [tilespmem:v2+s4+$0x0], $0xffff;
	_ =	sdelay $0x5  }
0x2aa: {  	[tilespmem:s8+$0x1C770] =	vst v2;
	v2 =	vld [tilespmem:s8+$0x19790]  }
0x2ab: {  	v1 =	vld.idx.msk [tilespmem:v1+s4+$0x0], $0xffff;
	_ =	sdelay $0x5  }
0x2ac: {  	[tilespmem:s8+$0x1C780] =	vst v1;
	v1 =	vld [tilespmem:s8+$0x197A0]  }
0x2ad: {  	v2 =	vld.idx.msk [tilespmem:v2+s4+$0x0], $0xffff;
	_ =	sdelay $0x5  }
0x2ae: {  	[tilespmem:s8+$0x1C790] =	vst v2;
	v2 =	vld [tilespmem:s8+$0x197B0]  }
0x2af: {  	v1 =	vld.idx.msk [tilespmem:v1+s4+$0x0], $0xffff;
	_ =	sdelay $0x5  }
0x2b0: {  	[tilespmem:s8+$0x1C7A0] =	vst v1;
	v1 =	vld [tilespmem:s8+$0x197C0]  }
0x2b1: {  	v2 =	vld.idx.msk [tilespmem:v2+s4+$0x0], $0xffff;
	_ =	sdelay $0x5  }
0x2b2: {  	[tilespmem:s8+$0x1C7B0] =	vst v2;
	v2 =	vld [tilespmem:s8+$0x197D0]  }
0x2b3: {  	v1 =	vld.idx.msk [tilespmem:v1+s4+$0x0], $0xffff;
	_ =	sdelay $0x5  }
0x2b4: {  	[tilespmem:s8+$0x1C7C0] =	vst v1;
	v3 =	vld [tilespmem:s8+$0x197E0]  }
0x2b5: {  	v1 =	vld.idx.msk [tilespmem:v2+s4+$0x0], $0xffff;
	_ =	sdelay $0x5  }
0x2b6: {  	[tilespmem:s8+$0x1C7D0] =	vst v1;
	v1 =	vld [tilespmem:s8+$0x197F0]  }
0x2b7: {  	v2 =	vld.idx.msk [tilespmem:v3+s4+$0x0], $0xffff  }
.Ltmp17:
0x2b8: {  	(pc) =	sbr.rel @p1 .LBB2_23-.Ltmp17, $2  }
0x2b9: {  	_ =	sdelay $0x2  }
0x2ba: {  	s10 =	sshra.s32 s9, $0x2;
	s9 =	sadd.s32 $0x400, s9  }
0x2bb: {  	_ =	sdelay $0x1  }
0x2bc: {  	v3 =	vld [tilespmem:s10+$0x19700]  }
0x2bd: {  	[tilespmem:s8+$0x1C7E0] =	vst v2  }
0x2be: {  	v1 =	vld.idx.msk [tilespmem:v1+s4+$0x0], $0xffff;
	_ =	sdelay $0x3  }
0x2bf: {  	v2 =	vld [tilespmem:s10+$0x19710]  }
0x2c0: {  	[tilespmem:s8+$0x1C7F0] =	vst v1  }
0x2c1: {  	v1 =	vld.idx.msk [tilespmem:v3+s4+$0x0], $0xffff;
	_ =	sdelay $0x4  }
0x2c2: {  	[tilespmem:s10+$0x1C700] =	vst v1;
	v1 =	vld [tilespmem:s10+$0x19720]  }
0x2c3: {  	v2 =	vld.idx.msk [tilespmem:v2+s4+$0x0], $0xffff;
	_ =	sdelay $0x4  }
0x2c4: {  	[tilespmem:s10+$0x1C710] =	vst v2;
	v2 =	vld [tilespmem:s10+$0x19730];
	_ =	sdelay $0x1  }
0x2c5: {  	v1 =	vld.idx.msk [tilespmem:v1+s4+$0x0], $0xffff;
	_ =	sdelay $0x4  }
0x2c6: {  	[tilespmem:s10+$0x1C720] =	vst v1;
	v1 =	vld [tilespmem:s10+$0x19740]  }
0x2c7: {  	v2 =	vld.idx.msk [tilespmem:v2+s4+$0x0], $0xffff;
	_ =	sdelay $0x4  }
0x2c8: {  	[tilespmem:s10+$0x1C730] =	vst v2;
	v2 =	vld [tilespmem:s10+$0x19750];
	_ =	sdelay $0x1  }
0x2c9: {  	v1 =	vld.idx.msk [tilespmem:v1+s4+$0x0], $0xffff;
	_ =	sdelay $0x4  }
0x2ca: {  	[tilespmem:s10+$0x1C740] =	vst v1;
	v1 =	vld [tilespmem:s10+$0x19760]  }
0x2cb: {  	v2 =	vld.idx.msk [tilespmem:v2+s4+$0x0], $0xffff;
	_ =	sdelay $0x4  }
0x2cc: {  	[tilespmem:s10+$0x1C750] =	vst v2;
	v2 =	vld [tilespmem:s10+$0x19770];
	_ =	sdelay $0x1  }
0x2cd: {  	v1 =	vld.idx.msk [tilespmem:v1+s4+$0x0], $0xffff;
	_ =	sdelay $0x4  }
0x2ce: {  	[tilespmem:s10+$0x1C760] =	vst v1;
	v1 =	vld [tilespmem:s10+$0x19780]  }
0x2cf: {  	v2 =	vld.idx.msk [tilespmem:v2+s4+$0x0], $0xffff;
	_ =	sdelay $0x4  }
0x2d0: {  	[tilespmem:s10+$0x1C770] =	vst v2;
	v2 =	vld [tilespmem:s10+$0x19790];
	_ =	sdelay $0x1  }
0x2d1: {  	v1 =	vld.idx.msk [tilespmem:v1+s4+$0x0], $0xffff;
	_ =	sdelay $0x4  }
0x2d2: {  	[tilespmem:s10+$0x1C780] =	vst v1;
	v1 =	vld [tilespmem:s10+$0x197A0]  }
0x2d3: {  	v2 =	vld.idx.msk [tilespmem:v2+s4+$0x0], $0xffff;
	_ =	sdelay $0x4  }
0x2d4: {  	[tilespmem:s10+$0x1C790] =	vst v2;
	v2 =	vld [tilespmem:s10+$0x197B0];
	_ =	sdelay $0x1  }
0x2d5: {  	v1 =	vld.idx.msk [tilespmem:v1+s4+$0x0], $0xffff;
	_ =	sdelay $0x4  }
0x2d6: {  	[tilespmem:s10+$0x1C7A0] =	vst v1;
	v1 =	vld [tilespmem:s10+$0x197C0]  }
0x2d7: {  	v2 =	vld.idx.msk [tilespmem:v2+s4+$0x0], $0xffff;
	_ =	sdelay $0x4  }
0x2d8: {  	[tilespmem:s10+$0x1C7B0] =	vst v2;
	v2 =	vld [tilespmem:s10+$0x197D0];
	_ =	sdelay $0x1  }
0x2d9: {  	v1 =	vld.idx.msk [tilespmem:v1+s4+$0x0], $0xffff;
	_ =	sdelay $0x4  }
0x2da: {  	[tilespmem:s10+$0x1C7C0] =	vst v1;
	v1 =	vld [tilespmem:s10+$0x197E0]  }
0x2db: {  	v2 =	vld.idx.msk [tilespmem:v2+s4+$0x0], $0xffff;
	_ =	sdelay $0x4  }
0x2dc: {  	[tilespmem:s10+$0x1C7D0] =	vst v2;
	v2 =	vld [tilespmem:s10+$0x197F0];
	_ =	sdelay $0x1  }
0x2dd: {  	v1 =	vld.idx.msk [tilespmem:v1+s4+$0x0], $0xffff;
	_ =	sdelay $0x4  }
0x2de: {  	s9 =	sshll.u32 s25, $0xC;
	[tilespmem:s10+$0x1C7E0] =	vst v1  }
0x2df: {  	s8 =	sand.u32 $0x7FFE0000, s9;
	s9 =	sshll.u32 s25, $0xF;
	v1 =	vld.idx.msk [tilespmem:v2+s4+$0x0], $0xffff  }
0x2e0: {  	s25 =	sshll.u32 s25, $0x5;
	s8 =	sadd.s32 s16, s8;
	s9 =	sand.u32 $0x18000, s9  }
0x2e1: {  	s25 =	sand.u32 $0x380, s25;
	s8 =	sor.u32 s9, s8  }
0x2e2: {  	s8 =	sor.u32 s25, s8  }
0x2e3: {  	s8 =	sshrl.u32 s8, $0x3  }
0x2e4: {  	s8 =	sadd.s32 s3, s8;
	[tilespmem:s10+$0x1C7F0] =	vst v1  }
0x2e5: {  	[hbm4b:s8+s20] =	stream.strided.scatter [tilespmem:s30], [sflag:$0x5], $0x1000, s21, s20, $0x38;
	[tilespmem:$0x1E700] =	vst v63  }
0x2e6: {  	s8 =	sadd.s32 $0x4, s24  }
0x2e7: {  	p1 =	sge.u32 s8, s7  }
0x2e8: {  	s9 =	smul.u32 @!p1 $0x18000, s23  }
0x2e9: {  	s10 =	sshll.u32 @!p1 s8, $0xC  }
0x2ea: {  	s8 =	sshll.u32 @!p1 s8, $0x5;
	s10 =	sand.u32 @!p1 $0x7FFE0000, s10;
	s9 =	sand.u32 @!p1 $0x18000, s9  }
0x2eb: {  	s8 =	sand.u32 @!p1 $0x380, s8;
	s9 =	sor.u32 @!p1 s9, s10  }
0x2ec: {  	s8 =	sor.u32 @!p1 s8, s9  }
0x2ed: {  	s25 =	simm.s32 @!p1 $0x19700;
	s8 =	sshrl.u32 @!p1 s8, $0x3  }
0x2ee: {  	s10 =	simm.s32 @!p1 $0x400;
	s9 =	simm.s32 @!p1 $0x80;
	s8 =	sadd.s32 @!p1 s2, s8  }
0x2ef: {  	[tilespmem:s25], [sflag:$0x2] =	stream.strided.gather @!p1 [hbm4b:s8+s9], $0x1000, s10, s9, $0x38;
	[tilespmem:$0x1E700] =	vst v63  }
.LBB2_25:
0x2f0: {  	s25 =	sadd.s32 $0x2, s24  }
0x2f1: {  	p1 =	sge.u32 s25, s7  }
.Ltmp18:
0x2f2: {  	_ = 	snop;
	(pc) =	sbr.rel @p1 .LBB2_29-.Ltmp18, $1  }
0x2f3: {  	_ =	sdelay $0x3  }
0x2f4: {  	_ =	swait.ge [sflag:s31], $0x1000  }
0x2f5: {  	[sflag:s31] =	ssyncset.done $0x0  }
0x2f6: {  	s8 =	simm.s32 @!p0 $0x6;
	[sflag:s31] =	ssyncadd.s32 $0xFFFFF000  }
0x2f7: {  	_ =	swait.ge @!p0 [sflag:s8], $0x1000  }
0x2f8: {  	[sflag:s8] =	ssyncset.done @!p0 $0x0  }
0x2f9: {  	[sflag:s8] =	ssyncadd.s32 @!p0 $0xFFFFF000;
	s8 =	simm.s32 $0x0  }
0x2fa: {  	v1 =	vld [tilespmem:s8+$0x1A700];
	_ =	sdelay $0x5  }
0x2fb: {  	v2 =	vld [tilespmem:s8+$0x1A710];
	_ =	sdelay $0x1  }
0x2fc: {  	v1 =	vld.idx.msk [tilespmem:v1+s4+$0x0], $0xffff;
	_ =	sdelay $0x4  }
0x2fd: {  	[tilespmem:s8+$0x1D700] =	vst v1;
	v1 =	vld [tilespmem:s8+$0x1A720]  }
0x2fe: {  	v2 =	vld.idx.msk [tilespmem:v2+s4+$0x0], $0xffff;
	_ =	sdelay $0x4  }
0x2ff: {  	[tilespmem:s8+$0x1D710] =	vst v2;
	v2 =	vld [tilespmem:s8+$0x1A730];
	_ =	sdelay $0x1  }
0x300: {  	v1 =	vld.idx.msk [tilespmem:v1+s4+$0x0], $0xffff;
	_ =	sdelay $0x4  }
0x301: {  	[tilespmem:s8+$0x1D720] =	vst v1;
	v1 =	vld [tilespmem:s8+$0x1A740]  }
0x302: {  	v2 =	vld.idx.msk [tilespmem:v2+s4+$0x0], $0xffff;
	_ =	sdelay $0x4  }
0x303: {  	[tilespmem:s8+$0x1D730] =	vst v2;
	v2 =	vld [tilespmem:s8+$0x1A750];
	_ =	sdelay $0x1  }
0x304: {  	v1 =	vld.idx.msk [tilespmem:v1+s4+$0x0], $0xffff;
	_ =	sdelay $0x4  }
0x305: {  	[tilespmem:s8+$0x1D740] =	vst v1;
	v1 =	vld [tilespmem:s8+$0x1A760]  }
0x306: {  	v2 =	vld.idx.msk [tilespmem:v2+s4+$0x0], $0xffff;
	_ =	sdelay $0x4  }
0x307: {  	[tilespmem:s8+$0x1D750] =	vst v2;
	v2 =	vld [tilespmem:s8+$0x1A770];
	_ =	sdelay $0x1  }
0x308: {  	v1 =	vld.idx.msk [tilespmem:v1+s4+$0x0], $0xffff;
	_ =	sdelay $0x4  }
0x309: {  	[tilespmem:s8+$0x1D760] =	vst v1;
	v1 =	vld [tilespmem:s8+$0x1A780]  }
0x30a: {  	v2 =	vld.idx.msk [tilespmem:v2+s4+$0x0], $0xffff;
	_ =	sdelay $0x4  }
0x30b: {  	[tilespmem:s8+$0x1D770] =	vst v2;
	v2 =	vld [tilespmem:s8+$0x1A790];
	_ =	sdelay $0x1  }
0x30c: {  	v1 =	vld.idx.msk [tilespmem:v1+s4+$0x0], $0xffff;
	_ =	sdelay $0x4  }
0x30d: {  	[tilespmem:s8+$0x1D780] =	vst v1;
	v1 =	vld [tilespmem:s8+$0x1A7A0]  }
0x30e: {  	v2 =	vld.idx.msk [tilespmem:v2+s4+$0x0], $0xffff;
	_ =	sdelay $0x4  }
0x30f: {  	[tilespmem:s8+$0x1D790] =	vst v2;
	v2 =	vld [tilespmem:s8+$0x1A7B0];
	_ =	sdelay $0x1  }
0x310: {  	v1 =	vld.idx.msk [tilespmem:v1+s4+$0x0], $0xffff;
	_ =	sdelay $0x4  }
0x311: {  	[tilespmem:s8+$0x1D7A0] =	vst v1;
	v1 =	vld [tilespmem:s8+$0x1A7C0]  }
0x312: {  	v2 =	vld.idx.msk [tilespmem:v2+s4+$0x0], $0xffff;
	_ =	sdelay $0x4  }
0x313: {  	[tilespmem:s8+$0x1D7B0] =	vst v2;
	v2 =	vld [tilespmem:s8+$0x1A7D0];
	_ =	sdelay $0x1  }
0x314: {  	v1 =	vld.idx.msk [tilespmem:v1+s4+$0x0], $0xffff;
	_ =	sdelay $0x4  }
0x315: {  	v3 =	vld [tilespmem:s8+$0x1A7E0];
	[tilespmem:s8+$0x1D7C0] =	vst v1  }
0x316: {  	v1 =	vld.idx.msk [tilespmem:v2+s4+$0x0], $0xffff;
	_ =	sdelay $0x4  }
0x317: {  	[tilespmem:s8+$0x1D7D0] =	vst v1;
	v1 =	vld [tilespmem:s8+$0x1A7F0];
	_ =	sdelay $0x1  }
0x318: {  	v2 =	vld.idx.msk [tilespmem:v3+s4+$0x0], $0xffff;
	_ =	sdelay $0x3  }
0x319: {  	s10 =	simm.s32 $0x100;
	s9 =	simm.s32 $0x800  }
.LBB2_27:
0x31a: {  	p0 =	sne.s32 s9, $0x3C00;
	v3 =	vld [tilespmem:s10+$0x1A700];
	[tilespmem:s8+$0x1D7E0] =	vst v2  }
0x31b: {  	v1 =	vld.idx.msk [tilespmem:v1+s4+$0x0], $0xffff;
	_ =	sdelay $0x5  }
0x31c: {  	v2 =	vld [tilespmem:s10+$0x1A710];
	[tilespmem:s8+$0x1D7F0] =	vst v1;
	s8 =	smov.u32 s10  }
0x31d: {  	v1 =	vld.idx.msk [tilespmem:v3+s4+$0x0], $0xffff;
	_ =	sdelay $0x5  }
0x31e: {  	[tilespmem:s8+$0x1D700] =	vst v1;
	v1 =	vld [tilespmem:s8+$0x1A720]  }
0x31f: {  	v2 =	vld.idx.msk [tilespmem:v2+s4+$0x0], $0xffff;
	_ =	sdelay $0x5  }
0x320: {  	[tilespmem:s8+$0x1D710] =	vst v2;
	v2 =	vld [tilespmem:s8+$0x1A730]  }
0x321: {  	v1 =	vld.idx.msk [tilespmem:v1+s4+$0x0], $0xffff;
	_ =	sdelay $0x5  }
0x322: {  	[tilespmem:s8+$0x1D720] =	vst v1;
	v1 =	vld [tilespmem:s8+$0x1A740]  }
0x323: {  	v2 =	vld.idx.msk [tilespmem:v2+s4+$0x0], $0xffff;
	_ =	sdelay $0x5  }
0x324: {  	[tilespmem:s8+$0x1D730] =	vst v2;
	v2 =	vld [tilespmem:s8+$0x1A750]  }
0x325: {  	v1 =	vld.idx.msk [tilespmem:v1+s4+$0x0], $0xffff;
	_ =	sdelay $0x5  }
0x326: {  	[tilespmem:s8+$0x1D740] =	vst v1;
	v1 =	vld [tilespmem:s8+$0x1A760]  }
0x327: {  	v2 =	vld.idx.msk [tilespmem:v2+s4+$0x0], $0xffff;
	_ =	sdelay $0x5  }
0x328: {  	[tilespmem:s8+$0x1D750] =	vst v2;
	v2 =	vld [tilespmem:s8+$0x1A770]  }
0x329: {  	v1 =	vld.idx.msk [tilespmem:v1+s4+$0x0], $0xffff;
	_ =	sdelay $0x5  }
0x32a: {  	[tilespmem:s8+$0x1D760] =	vst v1;
	v1 =	vld [tilespmem:s8+$0x1A780]  }
0x32b: {  	v2 =	vld.idx.msk [tilespmem:v2+s4+$0x0], $0xffff;
	_ =	sdelay $0x5  }
0x32c: {  	[tilespmem:s8+$0x1D770] =	vst v2;
	v2 =	vld [tilespmem:s8+$0x1A790]  }
0x32d: {  	v1 =	vld.idx.msk [tilespmem:v1+s4+$0x0], $0xffff;
	_ =	sdelay $0x5  }
0x32e: {  	[tilespmem:s8+$0x1D780] =	vst v1;
	v1 =	vld [tilespmem:s8+$0x1A7A0]  }
0x32f: {  	v2 =	vld.idx.msk [tilespmem:v2+s4+$0x0], $0xffff;
	_ =	sdelay $0x5  }
0x330: {  	[tilespmem:s8+$0x1D790] =	vst v2;
	v2 =	vld [tilespmem:s8+$0x1A7B0]  }
0x331: {  	v1 =	vld.idx.msk [tilespmem:v1+s4+$0x0], $0xffff;
	_ =	sdelay $0x5  }
0x332: {  	[tilespmem:s8+$0x1D7A0] =	vst v1;
	v1 =	vld [tilespmem:s8+$0x1A7C0]  }
0x333: {  	v2 =	vld.idx.msk [tilespmem:v2+s4+$0x0], $0xffff;
	_ =	sdelay $0x5  }
0x334: {  	[tilespmem:s8+$0x1D7B0] =	vst v2;
	v2 =	vld [tilespmem:s8+$0x1A7D0]  }
0x335: {  	v1 =	vld.idx.msk [tilespmem:v1+s4+$0x0], $0xffff;
	_ =	sdelay $0x5  }
0x336: {  	[tilespmem:s8+$0x1D7C0] =	vst v1;
	v3 =	vld [tilespmem:s8+$0x1A7E0]  }
0x337: {  	v1 =	vld.idx.msk [tilespmem:v2+s4+$0x0], $0xffff;
	_ =	sdelay $0x5  }
0x338: {  	[tilespmem:s8+$0x1D7D0] =	vst v1;
	v1 =	vld [tilespmem:s8+$0x1A7F0]  }
0x339: {  	v2 =	vld.idx.msk [tilespmem:v3+s4+$0x0], $0xffff  }
.Ltmp19:
0x33a: {  	(pc) =	sbr.rel @p0 .LBB2_27-.Ltmp19, $2  }
0x33b: {  	_ =	sdelay $0x2  }
0x33c: {  	s10 =	sshra.s32 s9, $0x2;
	s9 =	sadd.s32 $0x400, s9  }
0x33d: {  	_ =	sdelay $0x1  }
0x33e: {  	v3 =	vld [tilespmem:s10+$0x1A700]  }
0x33f: {  	[tilespmem:s8+$0x1D7E0] =	vst v2  }
0x340: {  	v1 =	vld.idx.msk [tilespmem:v1+s4+$0x0], $0xffff;
	_ =	sdelay $0x3  }
0x341: {  	v2 =	vld [tilespmem:s10+$0x1A710]  }
0x342: {  	[tilespmem:s8+$0x1D7F0] =	vst v1  }
0x343: {  	v1 =	vld.idx.msk [tilespmem:v3+s4+$0x0], $0xffff;
	_ =	sdelay $0x4  }
0x344: {  	[tilespmem:s10+$0x1D700] =	vst v1;
	v1 =	vld [tilespmem:s10+$0x1A720]  }
0x345: {  	v2 =	vld.idx.msk [tilespmem:v2+s4+$0x0], $0xffff;
	_ =	sdelay $0x4  }
0x346: {  	[tilespmem:s10+$0x1D710] =	vst v2;
	v2 =	vld [tilespmem:s10+$0x1A730];
	_ =	sdelay $0x1  }
0x347: {  	v1 =	vld.idx.msk [tilespmem:v1+s4+$0x0], $0xffff;
	_ =	sdelay $0x4  }
0x348: {  	[tilespmem:s10+$0x1D720] =	vst v1;
	v1 =	vld [tilespmem:s10+$0x1A740]  }
0x349: {  	v2 =	vld.idx.msk [tilespmem:v2+s4+$0x0], $0xffff;
	_ =	sdelay $0x4  }
0x34a: {  	[tilespmem:s10+$0x1D730] =	vst v2;
	v2 =	vld [tilespmem:s10+$0x1A750];
	_ =	sdelay $0x1  }
0x34b: {  	v1 =	vld.idx.msk [tilespmem:v1+s4+$0x0], $0xffff;
	_ =	sdelay $0x4  }
0x34c: {  	[tilespmem:s10+$0x1D740] =	vst v1;
	v1 =	vld [tilespmem:s10+$0x1A760]  }
0x34d: {  	v2 =	vld.idx.msk [tilespmem:v2+s4+$0x0], $0xffff;
	_ =	sdelay $0x4  }
0x34e: {  	[tilespmem:s10+$0x1D750] =	vst v2;
	v2 =	vld [tilespmem:s10+$0x1A770];
	_ =	sdelay $0x1  }
0x34f: {  	v1 =	vld.idx.msk [tilespmem:v1+s4+$0x0], $0xffff;
	_ =	sdelay $0x4  }
0x350: {  	[tilespmem:s10+$0x1D760] =	vst v1;
	v1 =	vld [tilespmem:s10+$0x1A780]  }
0x351: {  	v2 =	vld.idx.msk [tilespmem:v2+s4+$0x0], $0xffff;
	_ =	sdelay $0x4  }
0x352: {  	[tilespmem:s10+$0x1D770] =	vst v2;
	v2 =	vld [tilespmem:s10+$0x1A790];
	_ =	sdelay $0x1  }
0x353: {  	v1 =	vld.idx.msk [tilespmem:v1+s4+$0x0], $0xffff;
	_ =	sdelay $0x4  }
0x354: {  	[tilespmem:s10+$0x1D780] =	vst v1;
	v1 =	vld [tilespmem:s10+$0x1A7A0]  }
0x355: {  	v2 =	vld.idx.msk [tilespmem:v2+s4+$0x0], $0xffff;
	_ =	sdelay $0x4  }
0x356: {  	[tilespmem:s10+$0x1D790] =	vst v2;
	v2 =	vld [tilespmem:s10+$0x1A7B0];
	_ =	sdelay $0x1  }
0x357: {  	v1 =	vld.idx.msk [tilespmem:v1+s4+$0x0], $0xffff;
	_ =	sdelay $0x4  }
0x358: {  	[tilespmem:s10+$0x1D7A0] =	vst v1;
	v1 =	vld [tilespmem:s10+$0x1A7C0]  }
0x359: {  	v2 =	vld.idx.msk [tilespmem:v2+s4+$0x0], $0xffff;
	_ =	sdelay $0x4  }
0x35a: {  	[tilespmem:s10+$0x1D7B0] =	vst v2;
	v2 =	vld [tilespmem:s10+$0x1A7D0];
	_ =	sdelay $0x1  }
0x35b: {  	v1 =	vld.idx.msk [tilespmem:v1+s4+$0x0], $0xffff;
	_ =	sdelay $0x4  }
0x35c: {  	[tilespmem:s10+$0x1D7C0] =	vst v1;
	v1 =	vld [tilespmem:s10+$0x1A7E0]  }
0x35d: {  	v2 =	vld.idx.msk [tilespmem:v2+s4+$0x0], $0xffff;
	_ =	sdelay $0x4  }
0x35e: {  	[tilespmem:s10+$0x1D7D0] =	vst v2;
	v2 =	vld [tilespmem:s10+$0x1A7F0];
	_ =	sdelay $0x1  }
0x35f: {  	v1 =	vld.idx.msk [tilespmem:v1+s4+$0x0], $0xffff;
	_ =	sdelay $0x4  }
0x360: {  	s9 =	sshll.u32 s25, $0xC;
	[tilespmem:s10+$0x1D7E0] =	vst v1  }
0x361: {  	s8 =	sand.u32 $0x7FFE0000, s9;
	s9 =	sshll.u32 s25, $0xF;
	v1 =	vld.idx.msk [tilespmem:v2+s4+$0x0], $0xffff  }
0x362: {  	s25 =	sshll.u32 s25, $0x5;
	s8 =	sadd.s32 s16, s8;
	s9 =	sand.u32 $0x18000, s9  }
0x363: {  	s25 =	sand.u32 $0x380, s25;
	s8 =	sor.u32 s9, s8  }
0x364: {  	s8 =	sor.u32 s25, s8  }
0x365: {  	s8 =	sshrl.u32 s8, $0x3  }
0x366: {  	s8 =	sadd.s32 s3, s8;
	[tilespmem:s10+$0x1D7F0] =	vst v1  }
0x367: {  	[hbm4b:s8+s20] =	stream.strided.scatter [tilespmem:s1], [sflag:$0x6], $0x1000, s21, s20, $0x38;
	[tilespmem:$0x1E700] =	vst v63  }
0x368: {  	s8 =	sadd.s32 $0x5, s24  }
0x369: {  	p0 =	sge.u32 s8, s7  }
0x36a: {  	s9 =	sshll.u32 @!p0 s8, $0xC;
	s10 =	sshll.u32 @!p0 s8, $0xF  }
0x36b: {  	s8 =	sshll.u32 @!p0 s8, $0x5;
	s9 =	sand.u32 @!p0 $0x7FFE0000, s9;
	s10 =	sand.u32 @!p0 $0x18000, s10  }
.Ltmp20:
0x36c: {  	s8 =	sand.u32 @!p0 $0x380, s8;
	s9 =	sor.u32 @!p0 s10, s9;
	(pc) =	sbr.rel .LBB2_29-.Ltmp20, $4  }
0x36d: {  	s8 =	sor.u32 @!p0 s8, s9  }
0x36e: {  	s24 =	simm.s32 @!p0 $0x1A700;
	s8 =	sshrl.u32 @!p0 s8, $0x3  }
0x36f: {  	s10 =	simm.s32 @!p0 $0x400;
	s9 =	simm.s32 @!p0 $0x80;
	s8 =	sadd.s32 @!p0 s2, s8  }
0x370: {  	[tilespmem:s24], [sflag:$0x3] =	stream.strided.gather @!p0 [hbm4b:s8+s9], $0x1000, s10, s9, $0x38;
	[tilespmem:$0x1E700] =	vst v63  }
.LBB2_32:
0x371: {  	_ =	sfence.sel $0x180000  }
0x372: {  	[bflag:$0x0] =	sbarrier.arrive $0xFFFF  }
0x373: {  	_ =	strace $0x90000047  }
0x374: {  	s0 =	stileid.u32;
	[bflag:$0x2] =	sbarrier.arrive $0xFFFF  }
0x375: {  	p0 =	sne.s32 s0, $0x0;
	s0 =	rddreg [dreg:$0x3]  }
0x376: {  	s0 =	sadd.s32 @!p0 $0x100000, s0  }
0x377: {  	[sflag:s0] =	ssyncadd.tile.s32 @!p0 $0x1;
	_ =	shalt  }
.Lfunc_end2:
_tile_overlayer_lowered:
.L_overlay_start_2:
0x378: {  	(tag) =	ssettag $0x2  }
0x379: {  	s0 =	rddreg [dreg:$0x0];
	s2 =	stileid.u32  }
0x37a: {  	s1 =	rddreg [dreg:$0x1];
	p0 =	sne.s32 s2, $0x0  }
0x37b: {  	s3 =	rddreg [dreg:$0x2];
	[bflag:$0x3] =	sbarrier.arrive $0xFFFF;
	s2 =	simm.s32 @!p0 $0x1C07  }
0x37c: {  	[timem:s3], [sflag:s2] =	dma.local @!p0 [hbm:s0], s1  }
0x37d: {  	s0 =	simm.s32 @!p0 $0x7  }
0x37e: {  	_ =	swait.ge @!p0 [sflag:s0], s1  }
0x37f: {  	s1 =	ssub.s32 @!p0 $0x0, s1;
	[sflag:s0] =	ssyncset.done @!p0 $0x0  }
0x380: {  	[sflag:s0] =	ssyncadd.s32 @!p0 s1  }
0x381: {  	[bflag:$0x3] =	sbarrier.arrive $0xFFFF  }
0x382: {  	_ =	shalt  }

</sc_bundles>
